<compile_context>
chip_gen: v7x
topology: tpu7x:2x2x1
jax: 0.10.2.dev20260603
libtpu: 0.0.44.dev20260713+nightly
codegen_flags: <defaults>
</compile_context>

<pallas_src>
import functools

import jax
import jax.numpy as jnp
from jax import lax
from jax.experimental import pallas as pl
from jax.experimental.pallas import tpu as pltpu
from jax.experimental.pallas import tpu_sc as plsc

_NC = 2
_NS = 16
_NW = _NC * _NS
_CH = 32


def _make_sc_gather(V, H, N, S, O):
    per_w = N // _NW
    n_chunks = per_w // _CH
    assert n_chunks % 2 == 0
    mesh = plsc.VectorSubcoreMesh(core_axis_name="c", subcore_axis_name="s")

    @functools.partial(
        pl.kernel,
        out_type=jax.ShapeDtypeStruct((N, H), jnp.float32),
        mesh=mesh,
        scratch_types=[
            pltpu.VMEM((per_w,), jnp.int32),
            pltpu.VMEM((_CH,), jnp.int32),
            pltpu.VMEM((_CH,), jnp.int32),
            pltpu.VMEM((_CH,), jnp.int32),
            pltpu.VMEM((_CH,), jnp.int32),
            pltpu.VMEM((_CH,), jnp.int32),
            pltpu.VMEM((_CH,), jnp.int32),
            pltpu.VMEM((_CH,), jnp.int32),
            pltpu.VMEM((_CH,), jnp.int32),
            pltpu.VMEM((_CH, H), jnp.float32),
            pltpu.VMEM((_CH, H), jnp.float32),
            pltpu.SemaphoreType.DMA,
            pltpu.SemaphoreType.DMA,
        ],
    )
    def sc_gather(cv_hbm, ocr_hbm, idx_hbm, out_hbm,
                  idx_v, cvi0, cvi1, bi0, bi1, oi0, oi1, t0, t1,
                  cvb0, cvb1, gsem0, gsem1):
        wid = lax.axis_index("s") * _NC + lax.axis_index("c")
        base = wid * per_w
        pltpu.sync_copy(idx_hbm.at[pl.ds(base, per_w)], idx_v)
        iota16 = lax.iota(jnp.int32, 16)
        s_vec = jnp.full((16,), S, jnp.int32)
        slots = ((cvi0, bi0, oi0, t0, cvb0, gsem0),
                 (cvi1, bi1, oi1, t1, cvb1, gsem1))

        def prep(k, slot):
            cvi, bi, oi, tt, cvb, gsem = slot
            row0 = k * _CH
            for j in range(_CH // 16):
                off = row0 + 16 * j
                i = idx_v[pl.ds(off, 16)]
                m = i >= V
                r = base + off + iota16
                b = lax.div(r, s_vec)
                cvi[pl.ds(16 * j, 16)] = jnp.where(m, 0, i)
                bi[pl.ds(16 * j, 16)] = b
                oi[pl.ds(16 * j, 16)] = jnp.where(m, i - V, 0)
                tt[pl.ds(16 * j, 16)] = jnp.where(m, 1, 0)
            pltpu.make_async_copy(cv_hbm.at[cvi], cvb, gsem).start()

        def fin(k, slot):
            cvi, bi, oi, tt, cvb, gsem = slot
            row0 = k * _CH
            m_acc = jnp.zeros((16,), jnp.int32)
            for j in range(_CH // 16):
                m_acc = m_acc | tt[pl.ds(16 * j, 16)]
            any_s = m_acc[0]
            for l in range(1, 16):
                any_s = any_s | m_acc[l]
            pltpu.make_async_copy(cv_hbm.at[cvi], cvb, gsem).wait()

            @pl.when(any_s > 0)
            def _ocr_merge():
                def rbody(gg, rcarry):
                    tv = tt[pl.ds(gg * 16, 16)]
                    bv = bi[pl.ds(gg * 16, 16)]
                    ov = oi[pl.ds(gg * 16, 16)]
                    for j in range(16):
                        rr = gg * 16 + j

                        @pl.when(tv[j] != 0)
                        def _fetch_row(rr=rr, j=j):
                            pltpu.sync_copy(ocr_hbm.at[bv[j], ov[j]],
                                            cvb.at[rr])

                    return rcarry

                lax.fori_loop(0, _CH // 16, rbody, 0)

            pltpu.sync_copy(cvb, out_hbm.at[pl.ds(base + row0, _CH)])

        prep(0, slots[0])

        def cbody(t, carry):
            k0 = 2 * t
            prep(k0 + 1, slots[1])
            fin(k0, slots[0])

            @pl.when(t < n_chunks // 2 - 1)
            def _more():
                prep(k0 + 2, slots[0])

            fin(k0 + 1, slots[1])
            return carry

        lax.fori_loop(0, n_chunks // 2, cbody, 0)

    return sc_gather


def _tc_ln(raw_p, prev_inds, pos50, type0, g_cv, b_cv, g_ocr, b_ocr, g_e, b_e, V):
    B, S, _ = prev_inds.shape
    H = raw_p.shape[-1]
    BB = 8

    def kfn(x_ref, ind_ref, pos_ref, ty_ref, gcv_ref, bcv_ref,
            gocr_ref, bocr_ref, ge_ref, be_ref, o_ref):
        x = x_ref[...].reshape(BB, S, H)
        mu = jnp.mean(x, -1, keepdims=True)
        var = jnp.mean(jnp.square(x - mu), -1, keepdims=True)
        xn = (x - mu) * lax.rsqrt(var + 1e-5)
        m = ind_ref[...] >= V
        g = jnp.where(m, gocr_ref[...][None], gcv_ref[...][None])
        bta = jnp.where(m, bocr_ref[...][None], bcv_ref[...][None])
        y = xn * g + bta

        pt = pos_ref[...] + ty_ref[...]
        pmu = jnp.mean(pt, -1, keepdims=True)
        pvar = jnp.mean(jnp.square(pt - pmu), -1, keepdims=True)
        ptn = (pt - pmu) * lax.rsqrt(pvar + 1e-5) * ge_ref[...] + be_ref[...]
        o_ref[...] = y + ptn[None]

    return pl.pallas_call(
        kfn,
        grid=(B // BB,),
        in_specs=[
            pl.BlockSpec((BB * S, H), lambda i: (i, 0)),
            pl.BlockSpec((BB, S, 1), lambda i: (i, 0, 0)),
            pl.BlockSpec((S, H), lambda i: (0, 0)),
            pl.BlockSpec((1, H), lambda i: (0, 0)),
            pl.BlockSpec((1, H), lambda i: (0, 0)),
            pl.BlockSpec((1, H), lambda i: (0, 0)),
            pl.BlockSpec((1, H), lambda i: (0, 0)),
            pl.BlockSpec((1, H), lambda i: (0, 0)),
            pl.BlockSpec((1, H), lambda i: (0, 0)),
            pl.BlockSpec((1, H), lambda i: (0, 0)),
        ],
        out_specs=pl.BlockSpec((BB, S, H), lambda i: (i, 0, 0)),
        out_shape=jax.ShapeDtypeStruct((B, S, H), jnp.float32),
    )(raw_p, prev_inds, pos50, type0, g_cv, b_cv, g_ocr, b_ocr, g_e, b_e)


def kernel(common_voc_embedding, ocr_embedding, prev_inds, pos_emb, type_emb,
           ln_cv_g, ln_cv_b, ln_ocr_g, ln_ocr_b, ln_emb_g, ln_emb_b):
    V, H = common_voc_embedding.shape
    B, S = prev_inds.shape
    O = ocr_embedding.shape[1]
    N = B * S

    idx = prev_inds.reshape(N).astype(jnp.int32)


    raw_p = _make_sc_gather(V, H, N, S, O)(common_voc_embedding, ocr_embedding, idx)

    r2 = lambda v: v.reshape(1, H)
    return _tc_ln(raw_p, prev_inds.reshape(B, S, 1).astype(jnp.int32),
                  pos_emb[:S], type_emb[0:1], r2(ln_cv_g), r2(ln_cv_b),
                  r2(ln_ocr_g), r2(ln_ocr_b), r2(ln_emb_g), r2(ln_emb_b), V)

# --- scband reference (transcript-rebuilt; emitter-appended) ---
"""Pipeline reference for scband-prev-embedding-66090956751294 (READ-ONLY COPY).

The authoritative reference and input builder live on the scoring server;
editing this copy changes nothing except your own understanding.
"""

import jax, jax.numpy as jnp
import numpy as np

HIDDEN = 512
VOCAB = 100000
OCR_LEN = 50
BATCH = 1024
SEQ = 50
DEC_LENGTH = 64


def layer_norm(x, g, b, eps=1e-5):
    mu = jnp.mean(x, axis=-1, keepdims=True)
    var = jnp.mean((x - mu) ** 2, axis=-1, keepdims=True)
    return (x - mu) / jnp.sqrt(var + eps) * g + b


def setup_inputs(seed: int = 0) -> dict:
    key = jax.random.key(seed)
    ks = jax.random.split(key, 6)
    common_voc_embedding = jax.random.normal(ks[0], (VOCAB, HIDDEN), dtype=jnp.float32)
    ocr_embedding = jax.random.normal(ks[1], (BATCH, OCR_LEN, HIDDEN), dtype=jnp.float32)
    prev_inds = jax.random.randint(ks[2], (BATCH, SEQ), 0, VOCAB + OCR_LEN, dtype=jnp.int64 if jax.config.jax_enable_x64 else jnp.int32).astype(jnp.int32)
    # positional embedding table, sinusoidal init as in init_pe_weights
    position = np.arange(0, DEC_LENGTH, dtype=np.float32)[:, None]
    div_term = np.exp(np.arange(0, HIDDEN, 2).astype(np.float32) * (-np.log(10000.0) / HIDDEN))
    pe = np.zeros((DEC_LENGTH, HIDDEN), dtype=np.float32)
    pe[:, 0::2] = np.sin(position * div_term)
    pe[:, 1::2] = np.cos(position * div_term)
    pos_emb = jnp.asarray(pe)
    type_emb = jax.random.normal(ks[3], (2, HIDDEN), dtype=jnp.float32) * 0.02
    ln_cv_g = jnp.ones((HIDDEN,), dtype=jnp.float32)
    ln_cv_b = jnp.zeros((HIDDEN,), dtype=jnp.float32)
    ln_ocr_g = jnp.ones((HIDDEN,), dtype=jnp.float32)
    ln_ocr_b = jnp.zeros((HIDDEN,), dtype=jnp.float32)
    ln_emb_g = jnp.ones((HIDDEN,), dtype=jnp.float32)
    ln_emb_b = jnp.zeros((HIDDEN,), dtype=jnp.float32)
    return {
        "common_voc_embedding": common_voc_embedding,
        "ocr_embedding": ocr_embedding,
        "prev_inds": prev_inds,
        "pos_emb": pos_emb,
        "type_emb": type_emb,
        "ln_cv_g": ln_cv_g, "ln_cv_b": ln_cv_b,
        "ln_ocr_g": ln_ocr_g, "ln_ocr_b": ln_ocr_b,
        "ln_emb_g": ln_emb_g, "ln_emb_b": ln_emb_b,
    }


def reference(common_voc_embedding, ocr_embedding, prev_inds, pos_emb, type_emb,
              ln_cv_g, ln_cv_b, ln_ocr_g, ln_ocr_b, ln_emb_g, ln_emb_b):
    batch_size, seq_len = prev_inds.shape
    vocab_size = common_voc_embedding.shape[0]
    ocr_size = ocr_embedding.shape[1]
    cv = layer_norm(common_voc_embedding, ln_cv_g, ln_cv_b)
    ocr = layer_norm(ocr_embedding, ln_ocr_g, ln_ocr_b)
    # _batch_gather over the (virtual) concat [common_voc; ocr] along dim=1.
    # Equivalent to materializing look_up_table_embedding [B, V+OCR, H] and gathering.
    is_ocr = prev_inds >= vocab_size
    common_gathered = jnp.take(cv, jnp.clip(prev_inds, 0, vocab_size - 1), axis=0)
    ocr_idx = jnp.clip(prev_inds - vocab_size, 0, ocr_size - 1)
    ocr_gathered = jnp.take_along_axis(ocr, ocr_idx[..., None], axis=1)
    last_word_embeddings = jnp.where(is_ocr[..., None], ocr_gathered, common_gathered)
    position_ids = jnp.arange(seq_len, dtype=jnp.int32)
    position_embeddings = jnp.take(pos_emb, position_ids, axis=0)  # [L, H]
    type_ids = (position_ids >= vocab_size).astype(jnp.int32)
    token_type_embeddings = jnp.take(type_emb, type_ids, axis=0)  # [L, H]
    pos_type = position_embeddings + token_type_embeddings
    pos_type = layer_norm(pos_type, ln_emb_g, ln_emb_b)
    # dropout in eval mode -> identity
    prev_emb = last_word_embeddings + pos_type[None, :, :]
    return prev_emb

if __name__ == "__main__":
    import jax
    _d = setup_inputs()
    print(jax.jit(kernel)(*tuple(_d.values())))

</pallas_src>

<mosaic_0001>
#map = affine_map<(d0, d1) -> (0, 0)>
#map1 = affine_map<(d0, d1) -> (0, 0, 0)>
#map2 = affine_map<(d0, d1) -> (0)>
module attributes {stable_mosaic.version = 14 : i64} {
  func.func @sc_gather(%arg0: i32, %arg1: i32, %arg2: memref<100000x512xf32, #tpu.memory_space<hbm>>, %arg3: memref<1024x50x512xf32, #tpu.memory_space<hbm>>, %arg4: memref<51200xi32, #tpu.memory_space<hbm>>, %arg5: memref<51200x512xf32, #tpu.memory_space<hbm>>, %arg6: memref<1600xi32, #tpu.memory_space<vmem>>, %arg7: memref<32xi32, #tpu.memory_space<vmem>>, %arg8: memref<32xi32, #tpu.memory_space<vmem>>, %arg9: memref<32xi32, #tpu.memory_space<vmem>>, %arg10: memref<32xi32, #tpu.memory_space<vmem>>, %arg11: memref<32xi32, #tpu.memory_space<vmem>>, %arg12: memref<32xi32, #tpu.memory_space<vmem>>, %arg13: memref<32xi32, #tpu.memory_space<vmem>>, %arg14: memref<32xi32, #tpu.memory_space<vmem>>, %arg15: memref<32x512xf32, #tpu.memory_space<vmem>>, %arg16: memref<32x512xf32, #tpu.memory_space<vmem>>, %arg17: memref<!tpu.dma_semaphore, #tpu.memory_space<semaphore_mem>>, %arg18: memref<!tpu.dma_semaphore, #tpu.memory_space<semaphore_mem>>) attributes {dimension_semantics = [#tpu.dimension_semantics<core_parallel>, #tpu.dimension_semantics<subcore_parallel>], iteration_bounds = array<i64: 2, 16>, scalar_prefetch = 0 : i64, scratch_operands = 13 : i64, tpu.core_type = #tpu.core_type<sc_vector_subcore>, window_params = [{transform_indices = #map}, {transform_indices = #map1}, {transform_indices = #map2}, {transform_indices = #map}]} {
    %mul3A = arith.constant 2 : i32
    %mul3A_0 = arith.muli %arg1, %mul3A : i32
    %add3A = arith.addi %mul3A_0, %arg0 : i32
    %mul3A_1 = arith.constant 1600 : i32
    %mul3A_2 = arith.muli %add3A, %mul3A_1 : i32
    "tpu.region"() ({
      %run_scoped3A = tpu.sem_alloc : memref<!tpu.dma_semaphore, #tpu.memory_space<semaphore_mem>>
      %dma_start3A_86 = tpu.memref_slice %arg4[%mul3A_2] : memref<51200xi32, #tpu.memory_space<hbm>> -> memref<1600xi32, #tpu.memory_space<hbm>>
      %dma_start3A_87 = tpu.memref_slice %arg4[%mul3A_2] : memref<51200xi32, #tpu.memory_space<hbm>> -> memref<1600xi32, #tpu.memory_space<hbm>>
      tpu.enqueue_dma source(%dma_start3A_87 : memref<1600xi32, #tpu.memory_space<hbm>>) target(%arg6 : memref<1600xi32, #tpu.memory_space<vmem>>) target_semaphore(%run_scoped3A : memref<!tpu.dma_semaphore, #tpu.memory_space<semaphore_mem>>)
      %dma_wait3A = tpu.memref_slice %arg4[%mul3A_2] : memref<51200xi32, #tpu.memory_space<hbm>> -> memref<1600xi32, #tpu.memory_space<hbm>>
      %dma_wait3A_88 = tpu.memref_slice %arg4[%mul3A_2] : memref<51200xi32, #tpu.memory_space<hbm>> -> memref<1600xi32, #tpu.memory_space<hbm>>
      tpu.wait_dma2 semaphore(%run_scoped3A : memref<!tpu.dma_semaphore, #tpu.memory_space<semaphore_mem>>) src(%dma_wait3A_88 : memref<1600xi32, #tpu.memory_space<hbm>>) dst(%arg6 : memref<1600xi32, #tpu.memory_space<vmem>>)
      tpu.yield
    }) : () -> ()
    %iota3A = tpu.iota {dimensions = array<i32: 0>} : vector<16xi32>
    %broadcast_in_dim3A = arith.constant 50 : i32
    %broadcast_in_dim3A_3 = vector.broadcast %broadcast_in_dim3A : i32 to vector<16xi32>
    %get3A = arith.constant 0 : index
    %get3A_4 = tpu.vector_load %arg6[%get3A] {strides = array<i32>} : memref<1600xi32, #tpu.memory_space<vmem>>, vector<16xi32>,
    %get3A_5 = vector.shape_cast %get3A_4 : vector<16xi32> to vector<16xi32>
    %ge3A = arith.constant 100000 : i32
    %ge3A_6 = vector.broadcast %ge3A : i32 to vector<16xi32>
    %ge3A_7 = arith.cmpi sge, %get3A_5, %ge3A_6 : vector<16xi32>
    %add3A_8 = arith.constant 0 : i32
    %add3A_9 = arith.addi %mul3A_2, %add3A_8 : i32
    %add3A_10 = vector.broadcast %add3A_9 : i32 to vector<16xi32>
    %add3A_11 = arith.addi %add3A_10, %iota3A : vector<16xi32>
    %div3A = arith.divsi %add3A_11, %broadcast_in_dim3A_3 : vector<16xi32>
    %jit3A = arith.constant 0 : i32
    %broadcast_in_dim3A_12 = vector.broadcast %jit3A : i32 to vector<16xi32>
    %select_n3A = arith.select %ge3A_7, %broadcast_in_dim3A_12, %get3A_5 : vector<16xi1>, vector<16xi32>
    %swap3A = arith.constant 0 : index
    %swap3A_13 = tpu.vector_load %arg7[%swap3A] {strides = array<i32>} : memref<32xi32, #tpu.memory_space<vmem>>, vector<16xi32>,
    %swap3A_14 = vector.shape_cast %swap3A_13 : vector<16xi32> to vector<16xi32>
    %swap3A_15 = vector.shape_cast %select_n3A : vector<16xi32> to vector<16xi32>
    tpu.vector_store %arg7[%swap3A], %swap3A_15 {strides = array<i32>} : memref<32xi32, #tpu.memory_space<vmem>>, vector<16xi32>,
    %swap3A_16 = arith.constant 0 : index
    %swap3A_17 = tpu.vector_load %arg9[%swap3A_16] {strides = array<i32>} : memref<32xi32, #tpu.memory_space<vmem>>, vector<16xi32>,
    %swap3A_18 = vector.shape_cast %swap3A_17 : vector<16xi32> to vector<16xi32>
    %swap3A_19 = vector.shape_cast %div3A : vector<16xi32> to vector<16xi32>
    tpu.vector_store %arg9[%swap3A_16], %swap3A_19 {strides = array<i32>} : memref<32xi32, #tpu.memory_space<vmem>>, vector<16xi32>,
    %sub3A = arith.constant 100000 : i32
    %sub3A_20 = vector.broadcast %sub3A : i32 to vector<16xi32>
    %sub3A_21 = arith.subi %get3A_5, %sub3A_20 : vector<16xi32>
    %jit3A_22 = arith.constant 0 : i32
    %broadcast_in_dim3A_23 = vector.broadcast %jit3A_22 : i32 to vector<16xi32>
    %select_n3A_24 = arith.select %ge3A_7, %sub3A_21, %broadcast_in_dim3A_23 : vector<16xi1>, vector<16xi32>
    %swap3A_25 = arith.constant 0 : index
    %swap3A_26 = tpu.vector_load %arg11[%swap3A_25] {strides = array<i32>} : memref<32xi32, #tpu.memory_space<vmem>>, vector<16xi32>,
    %swap3A_27 = vector.shape_cast %swap3A_26 : vector<16xi32> to vector<16xi32>
    %swap3A_28 = vector.shape_cast %select_n3A_24 : vector<16xi32> to vector<16xi32>
    tpu.vector_store %arg11[%swap3A_25], %swap3A_28 {strides = array<i32>} : memref<32xi32, #tpu.memory_space<vmem>>, vector<16xi32>,
    %jit3A_29 = arith.constant 1 : i32
    %jit3A_30 = arith.constant 0 : i32
    %broadcast_in_dim3A_31 = vector.broadcast %jit3A_29 : i32 to vector<16xi32>
    %broadcast_in_dim3A_32 = vector.broadcast %jit3A_30 : i32 to vector<16xi32>
    %select_n3A_33 = arith.select %ge3A_7, %broadcast_in_dim3A_31, %broadcast_in_dim3A_32 : vector<16xi1>, vector<16xi32>
    %swap3A_34 = arith.constant 0 : index
    %swap3A_35 = tpu.vector_load %arg13[%swap3A_34] {strides = array<i32>} : memref<32xi32, #tpu.memory_space<vmem>>, vector<16xi32>,
    %swap3A_36 = vector.shape_cast %swap3A_35 : vector<16xi32> to vector<16xi32>
    %swap3A_37 = vector.shape_cast %select_n3A_33 : vector<16xi32> to vector<16xi32>
    tpu.vector_store %arg13[%swap3A_34], %swap3A_37 {strides = array<i32>} : memref<32xi32, #tpu.memory_space<vmem>>, vector<16xi32>,
    %get3A_38 = arith.constant 16 : index
    %get3A_39 = tpu.vector_load %arg6[%get3A_38] {strides = array<i32>} : memref<1600xi32, #tpu.memory_space<vmem>>, vector<16xi32>,
    %get3A_40 = vector.shape_cast %get3A_39 : vector<16xi32> to vector<16xi32>
    %ge3A_41 = arith.constant 100000 : i32
    %ge3A_42 = vector.broadcast %ge3A_41 : i32 to vector<16xi32>
    %ge3A_43 = arith.cmpi sge, %get3A_40, %ge3A_42 : vector<16xi32>
    %add3A_44 = arith.constant 16 : i32
    %add3A_45 = arith.addi %mul3A_2, %add3A_44 : i32
    %add3A_46 = vector.broadcast %add3A_45 : i32 to vector<16xi32>
    %add3A_47 = arith.addi %add3A_46, %iota3A : vector<16xi32>
    %div3A_48 = arith.divsi %add3A_47, %broadcast_in_dim3A_3 : vector<16xi32>
    %jit3A_49 = arith.constant 0 : i32
    %broadcast_in_dim3A_50 = vector.broadcast %jit3A_49 : i32 to vector<16xi32>
    %select_n3A_51 = arith.select %ge3A_43, %broadcast_in_dim3A_50, %get3A_40 : vector<16xi1>, vector<16xi32>
    %swap3A_52 = arith.constant 16 : index
    %swap3A_53 = tpu.vector_load %arg7[%swap3A_52] {strides = array<i32>} : memref<32xi32, #tpu.memory_space<vmem>>, vector<16xi32>,
    %swap3A_54 = vector.shape_cast %swap3A_53 : vector<16xi32> to vector<16xi32>
    %swap3A_55 = vector.shape_cast %select_n3A_51 : vector<16xi32> to vector<16xi32>
    tpu.vector_store %arg7[%swap3A_52], %swap3A_55 {strides = array<i32>} : memref<32xi32, #tpu.memory_space<vmem>>, vector<16xi32>,
    %swap3A_56 = arith.constant 16 : index
    %swap3A_57 = tpu.vector_load %arg9[%swap3A_56] {strides = array<i32>} : memref<32xi32, #tpu.memory_space<vmem>>, vector<16xi32>,
    %swap3A_58 = vector.shape_cast %swap3A_57 : vector<16xi32> to vector<16xi32>
    %swap3A_59 = vector.shape_cast %div3A_48 : vector<16xi32> to vector<16xi32>
    tpu.vector_store %arg9[%swap3A_56], %swap3A_59 {strides = array<i32>} : memref<32xi32, #tpu.memory_space<vmem>>, vector<16xi32>,
    %sub3A_60 = arith.constant 100000 : i32
    %sub3A_61 = vector.broadcast %sub3A_60 : i32 to vector<16xi32>
    %sub3A_62 = arith.subi %get3A_40, %sub3A_61 : vector<16xi32>
    %jit3A_63 = arith.constant 0 : i32
    %broadcast_in_dim3A_64 = vector.broadcast %jit3A_63 : i32 to vector<16xi32>
    %select_n3A_65 = arith.select %ge3A_43, %sub3A_62, %broadcast_in_dim3A_64 : vector<16xi1>, vector<16xi32>
    %swap3A_66 = arith.constant 16 : index
    %swap3A_67 = tpu.vector_load %arg11[%swap3A_66] {strides = array<i32>} : memref<32xi32, #tpu.memory_space<vmem>>, vector<16xi32>,
    %swap3A_68 = vector.shape_cast %swap3A_67 : vector<16xi32> to vector<16xi32>
    %swap3A_69 = vector.shape_cast %select_n3A_65 : vector<16xi32> to vector<16xi32>
    tpu.vector_store %arg11[%swap3A_66], %swap3A_69 {strides = array<i32>} : memref<32xi32, #tpu.memory_space<vmem>>, vector<16xi32>,
    %jit3A_70 = arith.constant 1 : i32
    %jit3A_71 = arith.constant 0 : i32
    %broadcast_in_dim3A_72 = vector.broadcast %jit3A_70 : i32 to vector<16xi32>
    %broadcast_in_dim3A_73 = vector.broadcast %jit3A_71 : i32 to vector<16xi32>
    %select_n3A_74 = arith.select %ge3A_43, %broadcast_in_dim3A_72, %broadcast_in_dim3A_73 : vector<16xi1>, vector<16xi32>
    %swap3A_75 = arith.constant 16 : index
    %swap3A_76 = tpu.vector_load %arg13[%swap3A_75] {strides = array<i32>} : memref<32xi32, #tpu.memory_space<vmem>>, vector<16xi32>,
    %swap3A_77 = vector.shape_cast %swap3A_76 : vector<16xi32> to vector<16xi32>
    %swap3A_78 = vector.shape_cast %select_n3A_74 : vector<16xi32> to vector<16xi32>
    tpu.vector_store %arg13[%swap3A_75], %swap3A_78 {strides = array<i32>} : memref<32xi32, #tpu.memory_space<vmem>>, vector<16xi32>,
    %dma_start3A = arith.constant 0 : i32
    %dma_start3A_79 = arith.constant 0 : i32
    %dma_start3A_80 = tpu.memref_slice %arg2[%dma_start3A, %dma_start3A_79] : memref<100000x512xf32, #tpu.memory_space<hbm>> -> memref<100000x512xf32, #tpu.memory_space<hbm>>
    tpu.enqueue_indirect_dma source(%dma_start3A_80 : memref<100000x512xf32, #tpu.memory_space<hbm>>) target(%arg15 : memref<32x512xf32, #tpu.memory_space<vmem>>) offsets(%arg7 : memref<32xi32, #tpu.memory_space<vmem>>) semaphore(%arg17 : memref<!tpu.dma_semaphore, #tpu.memory_space<semaphore_mem>>)
    %scan3A = arith.constant 0 : i32
    %scan3A_81 = arith.constant 0 : i32
    %scan3A_82 = arith.constant 25 : i32
    %scan3A_83 = arith.addi %scan3A_81, %scan3A_82 : i32
    %scan3A_84 = arith.constant 1 : i32
    scf.for %scan3A_86 = %scan3A_81 to %scan3A_83 step %scan3A_84  : i32 {
      %mul3A_87 = arith.constant 2 : i32
      %mul3A_88 = arith.muli %mul3A_87, %scan3A_86 : i32
      %add3A_89 = arith.constant 1 : i32
      %add3A_90 = arith.addi %mul3A_88, %add3A_89 : i32
      %mul3A_91 = arith.constant 32 : i32
      %mul3A_92 = arith.muli %add3A_90, %mul3A_91 : i32
      %add3A_93 = arith.constant 0 : i32
      %add3A_94 = arith.addi %mul3A_92, %add3A_93 : i32
      %get3A_95 = arith.index_cast %add3A_94 : i32 to index
      %get3A_96 = tpu.vector_load %arg6[%get3A_95] {strides = array<i32>} : memref<1600xi32, #tpu.memory_space<vmem>>, vector<16xi32>,
      %get3A_97 = vector.shape_cast %get3A_96 : vector<16xi32> to vector<16xi32>
      %ge3A_98 = arith.constant 100000 : i32
      %ge3A_99 = vector.broadcast %ge3A_98 : i32 to vector<16xi32>
      %ge3A_100 = arith.cmpi sge, %get3A_97, %ge3A_99 : vector<16xi32>
      %add3A_101 = arith.addi %mul3A_2, %add3A_94 : i32
      %add3A_102 = vector.broadcast %add3A_101 : i32 to vector<16xi32>
      %add3A_103 = arith.addi %add3A_102, %iota3A : vector<16xi32>
      %div3A_104 = arith.divsi %add3A_103, %broadcast_in_dim3A_3 : vector<16xi32>
      %jit3A_105 = arith.constant 0 : i32
      %broadcast_in_dim3A_106 = vector.broadcast %jit3A_105 : i32 to vector<16xi32>
      %select_n3A_107 = arith.select %ge3A_100, %broadcast_in_dim3A_106, %get3A_97 : vector<16xi1>, vector<16xi32>
      %swap3A_108 = arith.constant 0 : index
      %swap3A_109 = tpu.vector_load %arg8[%swap3A_108] {strides = array<i32>} : memref<32xi32, #tpu.memory_space<vmem>>, vector<16xi32>,
      %swap3A_110 = vector.shape_cast %swap3A_109 : vector<16xi32> to vector<16xi32>
      %swap3A_111 = vector.shape_cast %select_n3A_107 : vector<16xi32> to vector<16xi32>
      tpu.vector_store %arg8[%swap3A_108], %swap3A_111 {strides = array<i32>} : memref<32xi32, #tpu.memory_space<vmem>>, vector<16xi32>,
      %swap3A_112 = arith.constant 0 : index
      %swap3A_113 = tpu.vector_load %arg10[%swap3A_112] {strides = array<i32>} : memref<32xi32, #tpu.memory_space<vmem>>, vector<16xi32>,
      %swap3A_114 = vector.shape_cast %swap3A_113 : vector<16xi32> to vector<16xi32>
      %swap3A_115 = vector.shape_cast %div3A_104 : vector<16xi32> to vector<16xi32>
      tpu.vector_store %arg10[%swap3A_112], %swap3A_115 {strides = array<i32>} : memref<32xi32, #tpu.memory_space<vmem>>, vector<16xi32>,
      %sub3A_116 = arith.constant 100000 : i32
      %sub3A_117 = vector.broadcast %sub3A_116 : i32 to vector<16xi32>
      %sub3A_118 = arith.subi %get3A_97, %sub3A_117 : vector<16xi32>
      %jit3A_119 = arith.constant 0 : i32
      %broadcast_in_dim3A_120 = vector.broadcast %jit3A_119 : i32 to vector<16xi32>
      %select_n3A_121 = arith.select %ge3A_100, %sub3A_118, %broadcast_in_dim3A_120 : vector<16xi1>, vector<16xi32>
      %swap3A_122 = arith.constant 0 : index
      %swap3A_123 = tpu.vector_load %arg12[%swap3A_122] {strides = array<i32>} : memref<32xi32, #tpu.memory_space<vmem>>, vector<16xi32>,
      %swap3A_124 = vector.shape_cast %swap3A_123 : vector<16xi32> to vector<16xi32>
      %swap3A_125 = vector.shape_cast %select_n3A_121 : vector<16xi32> to vector<16xi32>
      tpu.vector_store %arg12[%swap3A_122], %swap3A_125 {strides = array<i32>} : memref<32xi32, #tpu.memory_space<vmem>>, vector<16xi32>,
      %jit3A_126 = arith.constant 1 : i32
      %jit3A_127 = arith.constant 0 : i32
      %broadcast_in_dim3A_128 = vector.broadcast %jit3A_126 : i32 to vector<16xi32>
      %broadcast_in_dim3A_129 = vector.broadcast %jit3A_127 : i32 to vector<16xi32>
      %select_n3A_130 = arith.select %ge3A_100, %broadcast_in_dim3A_128, %broadcast_in_dim3A_129 : vector<16xi1>, vector<16xi32>
      %swap3A_131 = arith.constant 0 : index
      %swap3A_132 = tpu.vector_load %arg14[%swap3A_131] {strides = array<i32>} : memref<32xi32, #tpu.memory_space<vmem>>, vector<16xi32>,
      %swap3A_133 = vector.shape_cast %swap3A_132 : vector<16xi32> to vector<16xi32>
      %swap3A_134 = vector.shape_cast %select_n3A_130 : vector<16xi32> to vector<16xi32>
      tpu.vector_store %arg14[%swap3A_131], %swap3A_134 {strides = array<i32>} : memref<32xi32, #tpu.memory_space<vmem>>, vector<16xi32>,
      %add3A_135 = arith.constant 16 : i32
      %add3A_136 = arith.addi %mul3A_92, %add3A_135 : i32
      %get3A_137 = arith.index_cast %add3A_136 : i32 to index
      %get3A_138 = tpu.vector_load %arg6[%get3A_137] {strides = array<i32>} : memref<1600xi32, #tpu.memory_space<vmem>>, vector<16xi32>,
      %get3A_139 = vector.shape_cast %get3A_138 : vector<16xi32> to vector<16xi32>
      %ge3A_140 = arith.constant 100000 : i32
      %ge3A_141 = vector.broadcast %ge3A_140 : i32 to vector<16xi32>
      %ge3A_142 = arith.cmpi sge, %get3A_139, %ge3A_141 : vector<16xi32>
      %add3A_143 = arith.addi %mul3A_2, %add3A_136 : i32
      %add3A_144 = vector.broadcast %add3A_143 : i32 to vector<16xi32>
      %add3A_145 = arith.addi %add3A_144, %iota3A : vector<16xi32>
      %div3A_146 = arith.divsi %add3A_145, %broadcast_in_dim3A_3 : vector<16xi32>
      %jit3A_147 = arith.constant 0 : i32
      %broadcast_in_dim3A_148 = vector.broadcast %jit3A_147 : i32 to vector<16xi32>
      %select_n3A_149 = arith.select %ge3A_142, %broadcast_in_dim3A_148, %get3A_139 : vector<16xi1>, vector<16xi32>
      %swap3A_150 = arith.constant 16 : index
      %swap3A_151 = tpu.vector_load %arg8[%swap3A_150] {strides = array<i32>} : memref<32xi32, #tpu.memory_space<vmem>>, vector<16xi32>,
      %swap3A_152 = vector.shape_cast %swap3A_151 : vector<16xi32> to vector<16xi32>
      %swap3A_153 = vector.shape_cast %select_n3A_149 : vector<16xi32> to vector<16xi32>
      tpu.vector_store %arg8[%swap3A_150], %swap3A_153 {strides = array<i32>} : memref<32xi32, #tpu.memory_space<vmem>>, vector<16xi32>,
      %swap3A_154 = arith.constant 16 : index
      %swap3A_155 = tpu.vector_load %arg10[%swap3A_154] {strides = array<i32>} : memref<32xi32, #tpu.memory_space<vmem>>, vector<16xi32>,
      %swap3A_156 = vector.shape_cast %swap3A_155 : vector<16xi32> to vector<16xi32>
      %swap3A_157 = vector.shape_cast %div3A_146 : vector<16xi32> to vector<16xi32>
      tpu.vector_store %arg10[%swap3A_154], %swap3A_157 {strides = array<i32>} : memref<32xi32, #tpu.memory_space<vmem>>, vector<16xi32>,
      %sub3A_158 = arith.constant 100000 : i32
      %sub3A_159 = vector.broadcast %sub3A_158 : i32 to vector<16xi32>
      %sub3A_160 = arith.subi %get3A_139, %sub3A_159 : vector<16xi32>
      %jit3A_161 = arith.constant 0 : i32
      %broadcast_in_dim3A_162 = vector.broadcast %jit3A_161 : i32 to vector<16xi32>
      %select_n3A_163 = arith.select %ge3A_142, %sub3A_160, %broadcast_in_dim3A_162 : vector<16xi1>, vector<16xi32>
      %swap3A_164 = arith.constant 16 : index
      %swap3A_165 = tpu.vector_load %arg12[%swap3A_164] {strides = array<i32>} : memref<32xi32, #tpu.memory_space<vmem>>, vector<16xi32>,
      %swap3A_166 = vector.shape_cast %swap3A_165 : vector<16xi32> to vector<16xi32>
      %swap3A_167 = vector.shape_cast %select_n3A_163 : vector<16xi32> to vector<16xi32>
      tpu.vector_store %arg12[%swap3A_164], %swap3A_167 {strides = array<i32>} : memref<32xi32, #tpu.memory_space<vmem>>, vector<16xi32>,
      %jit3A_168 = arith.constant 1 : i32
      %jit3A_169 = arith.constant 0 : i32
      %broadcast_in_dim3A_170 = vector.broadcast %jit3A_168 : i32 to vector<16xi32>
      %broadcast_in_dim3A_171 = vector.broadcast %jit3A_169 : i32 to vector<16xi32>
      %select_n3A_172 = arith.select %ge3A_142, %broadcast_in_dim3A_170, %broadcast_in_dim3A_171 : vector<16xi1>, vector<16xi32>
      %swap3A_173 = arith.constant 16 : index
      %swap3A_174 = tpu.vector_load %arg14[%swap3A_173] {strides = array<i32>} : memref<32xi32, #tpu.memory_space<vmem>>, vector<16xi32>,
      %swap3A_175 = vector.shape_cast %swap3A_174 : vector<16xi32> to vector<16xi32>
      %swap3A_176 = vector.shape_cast %select_n3A_172 : vector<16xi32> to vector<16xi32>
      tpu.vector_store %arg14[%swap3A_173], %swap3A_176 {strides = array<i32>} : memref<32xi32, #tpu.memory_space<vmem>>, vector<16xi32>,
      %dma_start3A_177 = arith.constant 0 : i32
      %dma_start3A_178 = arith.constant 0 : i32
      %dma_start3A_179 = tpu.memref_slice %arg2[%dma_start3A_177, %dma_start3A_178] : memref<100000x512xf32, #tpu.memory_space<hbm>> -> memref<100000x512xf32, #tpu.memory_space<hbm>>
      tpu.enqueue_indirect_dma source(%dma_start3A_179 : memref<100000x512xf32, #tpu.memory_space<hbm>>) target(%arg16 : memref<32x512xf32, #tpu.memory_space<vmem>>) offsets(%arg8 : memref<32xi32, #tpu.memory_space<vmem>>) semaphore(%arg18 : memref<!tpu.dma_semaphore, #tpu.memory_space<semaphore_mem>>)
      %mul3A_180 = arith.constant 32 : i32
      %mul3A_181 = arith.muli %mul3A_88, %mul3A_180 : i32
      %broadcast_in_dim3A_182 = arith.constant 0 : i32
      %broadcast_in_dim3A_183 = vector.broadcast %broadcast_in_dim3A_182 : i32 to vector<16xi32>
      %get3A_184 = arith.constant 0 : index
      %get3A_185 = tpu.vector_load %arg13[%get3A_184] {strides = array<i32>} : memref<32xi32, #tpu.memory_space<vmem>>, vector<16xi32>,
      %get3A_186 = vector.shape_cast %get3A_185 : vector<16xi32> to vector<16xi32>
      %or3A = arith.ori %broadcast_in_dim3A_183, %get3A_186 : vector<16xi32>
      %get3A_187 = arith.constant 16 : index
      %get3A_188 = tpu.vector_load %arg13[%get3A_187] {strides = array<i32>} : memref<32xi32, #tpu.memory_space<vmem>>, vector<16xi32>,
      %get3A_189 = vector.shape_cast %get3A_188 : vector<16xi32> to vector<16xi32>
      %or3A_190 = arith.ori %or3A, %get3A_189 : vector<16xi32>
      %slice3A = vector.extract_strided_slice %or3A_190 {offsets = [0], sizes = [1], strides = [1]} : vector<16xi32> to vector<1xi32>
      %squeeze3A = vector.extract %slice3A[0] : i32 from vector<1xi32>
      %slice3A_191 = vector.extract_strided_slice %or3A_190 {offsets = [1], sizes = [1], strides = [1]} : vector<16xi32> to vector<1xi32>
      %squeeze3A_192 = vector.extract %slice3A_191[0] : i32 from vector<1xi32>
      %or3A_193 = arith.ori %squeeze3A, %squeeze3A_192 : i32
      %slice3A_194 = vector.extract_strided_slice %or3A_190 {offsets = [2], sizes = [1], strides = [1]} : vector<16xi32> to vector<1xi32>
      %squeeze3A_195 = vector.extract %slice3A_194[0] : i32 from vector<1xi32>
      %or3A_196 = arith.ori %or3A_193, %squeeze3A_195 : i32
      %slice3A_197 = vector.extract_strided_slice %or3A_190 {offsets = [3], sizes = [1], strides = [1]} : vector<16xi32> to vector<1xi32>
      %squeeze3A_198 = vector.extract %slice3A_197[0] : i32 from vector<1xi32>
      %or3A_199 = arith.ori %or3A_196, %squeeze3A_198 : i32
      %slice3A_200 = vector.extract_strided_slice %or3A_190 {offsets = [4], sizes = [1], strides = [1]} : vector<16xi32> to vector<1xi32>
      %squeeze3A_201 = vector.extract %slice3A_200[0] : i32 from vector<1xi32>
      %or3A_202 = arith.ori %or3A_199, %squeeze3A_201 : i32
      %slice3A_203 = vector.extract_strided_slice %or3A_190 {offsets = [5], sizes = [1], strides = [1]} : vector<16xi32> to vector<1xi32>
      %squeeze3A_204 = vector.extract %slice3A_203[0] : i32 from vector<1xi32>
      %or3A_205 = arith.ori %or3A_202, %squeeze3A_204 : i32
      %slice3A_206 = vector.extract_strided_slice %or3A_190 {offsets = [6], sizes = [1], strides = [1]} : vector<16xi32> to vector<1xi32>
      %squeeze3A_207 = vector.extract %slice3A_206[0] : i32 from vector<1xi32>
      %or3A_208 = arith.ori %or3A_205, %squeeze3A_207 : i32
      %slice3A_209 = vector.extract_strided_slice %or3A_190 {offsets = [7], sizes = [1], strides = [1]} : vector<16xi32> to vector<1xi32>
      %squeeze3A_210 = vector.extract %slice3A_209[0] : i32 from vector<1xi32>
      %or3A_211 = arith.ori %or3A_208, %squeeze3A_210 : i32
      %slice3A_212 = vector.extract_strided_slice %or3A_190 {offsets = [8], sizes = [1], strides = [1]} : vector<16xi32> to vector<1xi32>
      %squeeze3A_213 = vector.extract %slice3A_212[0] : i32 from vector<1xi32>
      %or3A_214 = arith.ori %or3A_211, %squeeze3A_213 : i32
      %slice3A_215 = vector.extract_strided_slice %or3A_190 {offsets = [9], sizes = [1], strides = [1]} : vector<16xi32> to vector<1xi32>
      %squeeze3A_216 = vector.extract %slice3A_215[0] : i32 from vector<1xi32>
      %or3A_217 = arith.ori %or3A_214, %squeeze3A_216 : i32
      %slice3A_218 = vector.extract_strided_slice %or3A_190 {offsets = [10], sizes = [1], strides = [1]} : vector<16xi32> to vector<1xi32>
      %squeeze3A_219 = vector.extract %slice3A_218[0] : i32 from vector<1xi32>
      %or3A_220 = arith.ori %or3A_217, %squeeze3A_219 : i32
      %slice3A_221 = vector.extract_strided_slice %or3A_190 {offsets = [11], sizes = [1], strides = [1]} : vector<16xi32> to vector<1xi32>
      %squeeze3A_222 = vector.extract %slice3A_221[0] : i32 from vector<1xi32>
      %or3A_223 = arith.ori %or3A_220, %squeeze3A_222 : i32
      %slice3A_224 = vector.extract_strided_slice %or3A_190 {offsets = [12], sizes = [1], strides = [1]} : vector<16xi32> to vector<1xi32>
      %squeeze3A_225 = vector.extract %slice3A_224[0] : i32 from vector<1xi32>
      %or3A_226 = arith.ori %or3A_223, %squeeze3A_225 : i32
      %slice3A_227 = vector.extract_strided_slice %or3A_190 {offsets = [13], sizes = [1], strides = [1]} : vector<16xi32> to vector<1xi32>
      %squeeze3A_228 = vector.extract %slice3A_227[0] : i32 from vector<1xi32>
      %or3A_229 = arith.ori %or3A_226, %squeeze3A_228 : i32
      %slice3A_230 = vector.extract_strided_slice %or3A_190 {offsets = [14], sizes = [1], strides = [1]} : vector<16xi32> to vector<1xi32>
      %squeeze3A_231 = vector.extract %slice3A_230[0] : i32 from vector<1xi32>
      %or3A_232 = arith.ori %or3A_229, %squeeze3A_231 : i32
      %slice3A_233 = vector.extract_strided_slice %or3A_190 {offsets = [15], sizes = [1], strides = [1]} : vector<16xi32> to vector<1xi32>
      %squeeze3A_234 = vector.extract %slice3A_233[0] : i32 from vector<1xi32>
      %or3A_235 = arith.ori %or3A_232, %squeeze3A_234 : i32
      %dma_wait3A = arith.constant 0 : i32
      %dma_wait3A_236 = arith.constant 0 : i32
      %dma_wait3A_237 = tpu.memref_slice %arg2[%dma_wait3A, %dma_wait3A_236] : memref<100000x512xf32, #tpu.memory_space<hbm>> -> memref<100000x512xf32, #tpu.memory_space<hbm>>
      tpu.wait_indirect_dma semaphore(%arg17 : memref<!tpu.dma_semaphore, #tpu.memory_space<semaphore_mem>>) src(%dma_wait3A_237 : memref<100000x512xf32, #tpu.memory_space<hbm>>) dst(%arg15 : memref<32x512xf32, #tpu.memory_space<vmem>>)
      %gt3A = arith.constant 0 : i32
      %gt3A_238 = arith.cmpi sgt, %or3A_235, %gt3A : i32
      %convert_element_type3A = arith.extui %gt3A_238 : i1 to i32
      %cond3A = arith.constant 0 : i32
      %cond3A_239 = arith.cmpi ne, %convert_element_type3A, %cond3A : i32
      scf.if %cond3A_239 {
        %scan3A_315 = arith.constant 0 : i32
        %scan3A_316 = arith.constant 0 : i32
        %scan3A_317 = arith.constant 2 : i32
        %scan3A_318 = arith.addi %scan3A_316, %scan3A_317 : i32
        %scan3A_319 = arith.constant 1 : i32
        scf.for %scan3A_321 = %scan3A_316 to %scan3A_318 step %scan3A_319  : i32 {
          %mul3A_322 = arith.constant 16 : i32
          %mul3A_323 = arith.muli %scan3A_321, %mul3A_322 : i32
          %get3A_324 = arith.index_cast %mul3A_323 : i32 to index
          %get3A_325 = tpu.vector_load %arg13[%get3A_324] {strides = array<i32>} : memref<32xi32, #tpu.memory_space<vmem>>, vector<16xi32>,
          %get3A_326 = vector.shape_cast %get3A_325 : vector<16xi32> to vector<16xi32>
          %mul3A_327 = arith.constant 16 : i32
          %mul3A_328 = arith.muli %scan3A_321, %mul3A_327 : i32
          %get3A_329 = arith.index_cast %mul3A_328 : i32 to index
          %get3A_330 = tpu.vector_load %arg9[%get3A_329] {strides = array<i32>} : memref<32xi32, #tpu.memory_space<vmem>>, vector<16xi32>,
          %get3A_331 = vector.shape_cast %get3A_330 : vector<16xi32> to vector<16xi32>
          %mul3A_332 = arith.constant 16 : i32
          %mul3A_333 = arith.muli %scan3A_321, %mul3A_332 : i32
          %get3A_334 = arith.index_cast %mul3A_333 : i32 to index
          %get3A_335 = tpu.vector_load %arg11[%get3A_334] {strides = array<i32>} : memref<32xi32, #tpu.memory_space<vmem>>, vector<16xi32>,
          %get3A_336 = vector.shape_cast %get3A_335 : vector<16xi32> to vector<16xi32>
          %mul3A_337 = arith.constant 16 : i32
          %mul3A_338 = arith.muli %scan3A_321, %mul3A_337 : i32
          %add3A_339 = arith.constant 0 : i32
          %add3A_340 = arith.addi %mul3A_338, %add3A_339 : i32
          %slice3A_341 = vector.extract_strided_slice %get3A_326 {offsets = [0], sizes = [1], strides = [1]} : vector<16xi32> to vector<1xi32>
          %squeeze3A_342 = vector.extract %slice3A_341[0] : i32 from vector<1xi32>
          %ne3A = arith.constant 0 : i32
          %ne3A_343 = arith.cmpi ne, %squeeze3A_342, %ne3A : i32
          %convert_element_type3A_344 = arith.extui %ne3A_343 : i1 to i32
          %cond3A_345 = arith.constant 0 : i32
          %cond3A_346 = arith.cmpi ne, %convert_element_type3A_344, %cond3A_345 : i32
          scf.if %cond3A_346 {
            %slice3A_512 = vector.extract_strided_slice %get3A_331 {offsets = [0], sizes = [1], strides = [1]} : vector<16xi32> to vector<1xi32>
            %squeeze3A_513 = vector.extract %slice3A_512[0] : i32 from vector<1xi32>
            %slice3A_514 = vector.extract_strided_slice %get3A_336 {offsets = [0], sizes = [1], strides = [1]} : vector<16xi32> to vector<1xi32>
            %squeeze3A_515 = vector.extract %slice3A_514[0] : i32 from vector<1xi32>
            "tpu.region"() ({
              %run_scoped3A = tpu.sem_alloc : memref<!tpu.dma_semaphore, #tpu.memory_space<semaphore_mem>>
              %dma_start3A_516 = arith.constant 0 : i32
              %dma_start3A_517 = tpu.memref_slice %arg15[%add3A_340, %dma_start3A_516] : memref<32x512xf32, #tpu.memory_space<vmem>> -> memref<1x512xf32, #tpu.memory_space<vmem>>
              %dma_start3A_518 = tpu.memref_squeeze %dma_start3A_517 : memref<1x512xf32, #tpu.memory_space<vmem>> -> memref<512xf32, #tpu.memory_space<vmem>>
              %dma_start3A_519 = arith.constant 0 : i32
              %dma_start3A_520 = tpu.memref_slice %arg3[%squeeze3A_513, %squeeze3A_515, %dma_start3A_519] : memref<1024x50x512xf32, #tpu.memory_space<hbm>> -> memref<1x1x512xf32, #tpu.memory_space<hbm>>
              %dma_start3A_521 = tpu.memref_squeeze %dma_start3A_520 : memref<1x1x512xf32, #tpu.memory_space<hbm>> -> memref<512xf32, #tpu.memory_space<hbm>>
              %dma_start3A_522 = arith.constant 0 : i32
              %dma_start3A_523 = tpu.memref_slice %arg15[%add3A_340, %dma_start3A_522] : memref<32x512xf32, #tpu.memory_space<vmem>> -> memref<1x512xf32, #tpu.memory_space<vmem>>
              %dma_start3A_524 = tpu.memref_squeeze %dma_start3A_523 : memref<1x512xf32, #tpu.memory_space<vmem>> -> memref<512xf32, #tpu.memory_space<vmem>>
              %dma_start3A_525 = arith.constant 0 : i32
              %dma_start3A_526 = tpu.memref_slice %arg3[%squeeze3A_513, %squeeze3A_515, %dma_start3A_525] : memref<1024x50x512xf32, #tpu.memory_space<hbm>> -> memref<1x1x512xf32, #tpu.memory_space<hbm>>
              %dma_start3A_527 = tpu.memref_squeeze %dma_start3A_526 : memref<1x1x512xf32, #tpu.memory_space<hbm>> -> memref<512xf32, #tpu.memory_space<hbm>>
              tpu.enqueue_dma source(%dma_start3A_527 : memref<512xf32, #tpu.memory_space<hbm>>) target(%dma_start3A_524 : memref<512xf32, #tpu.memory_space<vmem>>) target_semaphore(%run_scoped3A : memref<!tpu.dma_semaphore, #tpu.memory_space<semaphore_mem>>)
              %dma_wait3A_528 = arith.constant 0 : i32
              %dma_wait3A_529 = tpu.memref_slice %arg15[%add3A_340, %dma_wait3A_528] : memref<32x512xf32, #tpu.memory_space<vmem>> -> memref<1x512xf32, #tpu.memory_space<vmem>>
              %dma_wait3A_530 = tpu.memref_squeeze %dma_wait3A_529 : memref<1x512xf32, #tpu.memory_space<vmem>> -> memref<512xf32, #tpu.memory_space<vmem>>
              %dma_wait3A_531 = arith.constant 0 : i32
              %dma_wait3A_532 = tpu.memref_slice %arg3[%squeeze3A_513, %squeeze3A_515, %dma_wait3A_531] : memref<1024x50x512xf32, #tpu.memory_space<hbm>> -> memref<1x1x512xf32, #tpu.memory_space<hbm>>
              %dma_wait3A_533 = tpu.memref_squeeze %dma_wait3A_532 : memref<1x1x512xf32, #tpu.memory_space<hbm>> -> memref<512xf32, #tpu.memory_space<hbm>>
              %dma_wait3A_534 = arith.constant 0 : i32
              %dma_wait3A_535 = tpu.memref_slice %arg15[%add3A_340, %dma_wait3A_534] : memref<32x512xf32, #tpu.memory_space<vmem>> -> memref<1x512xf32, #tpu.memory_space<vmem>>
              %dma_wait3A_536 = tpu.memref_squeeze %dma_wait3A_535 : memref<1x512xf32, #tpu.memory_space<vmem>> -> memref<512xf32, #tpu.memory_space<vmem>>
              %dma_wait3A_537 = arith.constant 0 : i32
              %dma_wait3A_538 = tpu.memref_slice %arg3[%squeeze3A_513, %squeeze3A_515, %dma_wait3A_537] : memref<1024x50x512xf32, #tpu.memory_space<hbm>> -> memref<1x1x512xf32, #tpu.memory_space<hbm>>
              %dma_wait3A_539 = tpu.memref_squeeze %dma_wait3A_538 : memref<1x1x512xf32, #tpu.memory_space<hbm>> -> memref<512xf32, #tpu.memory_space<hbm>>
              tpu.wait_dma2 semaphore(%run_scoped3A : memref<!tpu.dma_semaphore, #tpu.memory_space<semaphore_mem>>) src(%dma_wait3A_539 : memref<512xf32, #tpu.memory_space<hbm>>) dst(%dma_wait3A_536 : memref<512xf32, #tpu.memory_space<vmem>>)
              tpu.yield
            }) : () -> ()
          } else {
          }
          %mul3A_347 = arith.constant 16 : i32
          %mul3A_348 = arith.muli %scan3A_321, %mul3A_347 : i32
          %add3A_349 = arith.constant 1 : i32
          %add3A_350 = arith.addi %mul3A_348, %add3A_349 : i32
          %slice3A_351 = vector.extract_strided_slice %get3A_326 {offsets = [1], sizes = [1], strides = [1]} : vector<16xi32> to vector<1xi32>
          %squeeze3A_352 = vector.extract %slice3A_351[0] : i32 from vector<1xi32>
          %ne3A_353 = arith.constant 0 : i32
          %ne3A_354 = arith.cmpi ne, %squeeze3A_352, %ne3A_353 : i32
          %convert_element_type3A_355 = arith.extui %ne3A_354 : i1 to i32
          %cond3A_356 = arith.constant 0 : i32
          %cond3A_357 = arith.cmpi ne, %convert_element_type3A_355, %cond3A_356 : i32
          scf.if %cond3A_357 {
            %slice3A_512 = vector.extract_strided_slice %get3A_331 {offsets = [1], sizes = [1], strides = [1]} : vector<16xi32> to vector<1xi32>
            %squeeze3A_513 = vector.extract %slice3A_512[0] : i32 from vector<1xi32>
            %slice3A_514 = vector.extract_strided_slice %get3A_336 {offsets = [1], sizes = [1], strides = [1]} : vector<16xi32> to vector<1xi32>
            %squeeze3A_515 = vector.extract %slice3A_514[0] : i32 from vector<1xi32>
            "tpu.region"() ({
              %run_scoped3A = tpu.sem_alloc : memref<!tpu.dma_semaphore, #tpu.memory_space<semaphore_mem>>
              %dma_start3A_516 = arith.constant 0 : i32
              %dma_start3A_517 = tpu.memref_slice %arg15[%add3A_350, %dma_start3A_516] : memref<32x512xf32, #tpu.memory_space<vmem>> -> memref<1x512xf32, #tpu.memory_space<vmem>>
              %dma_start3A_518 = tpu.memref_squeeze %dma_start3A_517 : memref<1x512xf32, #tpu.memory_space<vmem>> -> memref<512xf32, #tpu.memory_space<vmem>>
              %dma_start3A_519 = arith.constant 0 : i32
              %dma_start3A_520 = tpu.memref_slice %arg3[%squeeze3A_513, %squeeze3A_515, %dma_start3A_519] : memref<1024x50x512xf32, #tpu.memory_space<hbm>> -> memref<1x1x512xf32, #tpu.memory_space<hbm>>
              %dma_start3A_521 = tpu.memref_squeeze %dma_start3A_520 : memref<1x1x512xf32, #tpu.memory_space<hbm>> -> memref<512xf32, #tpu.memory_space<hbm>>
              %dma_start3A_522 = arith.constant 0 : i32
              %dma_start3A_523 = tpu.memref_slice %arg15[%add3A_350, %dma_start3A_522] : memref<32x512xf32, #tpu.memory_space<vmem>> -> memref<1x512xf32, #tpu.memory_space<vmem>>
              %dma_start3A_524 = tpu.memref_squeeze %dma_start3A_523 : memref<1x512xf32, #tpu.memory_space<vmem>> -> memref<512xf32, #tpu.memory_space<vmem>>
              %dma_start3A_525 = arith.constant 0 : i32
              %dma_start3A_526 = tpu.memref_slice %arg3[%squeeze3A_513, %squeeze3A_515, %dma_start3A_525] : memref<1024x50x512xf32, #tpu.memory_space<hbm>> -> memref<1x1x512xf32, #tpu.memory_space<hbm>>
              %dma_start3A_527 = tpu.memref_squeeze %dma_start3A_526 : memref<1x1x512xf32, #tpu.memory_space<hbm>> -> memref<512xf32, #tpu.memory_space<hbm>>
              tpu.enqueue_dma source(%dma_start3A_527 : memref<512xf32, #tpu.memory_space<hbm>>) target(%dma_start3A_524 : memref<512xf32, #tpu.memory_space<vmem>>) target_semaphore(%run_scoped3A : memref<!tpu.dma_semaphore, #tpu.memory_space<semaphore_mem>>)
              %dma_wait3A_528 = arith.constant 0 : i32
              %dma_wait3A_529 = tpu.memref_slice %arg15[%add3A_350, %dma_wait3A_528] : memref<32x512xf32, #tpu.memory_space<vmem>> -> memref<1x512xf32, #tpu.memory_space<vmem>>
              %dma_wait3A_530 = tpu.memref_squeeze %dma_wait3A_529 : memref<1x512xf32, #tpu.memory_space<vmem>> -> memref<512xf32, #tpu.memory_space<vmem>>
              %dma_wait3A_531 = arith.constant 0 : i32
              %dma_wait3A_532 = tpu.memref_slice %arg3[%squeeze3A_513, %squeeze3A_515, %dma_wait3A_531] : memref<1024x50x512xf32, #tpu.memory_space<hbm>> -> memref<1x1x512xf32, #tpu.memory_space<hbm>>
              %dma_wait3A_533 = tpu.memref_squeeze %dma_wait3A_532 : memref<1x1x512xf32, #tpu.memory_space<hbm>> -> memref<512xf32, #tpu.memory_space<hbm>>
              %dma_wait3A_534 = arith.constant 0 : i32
              %dma_wait3A_535 = tpu.memref_slice %arg15[%add3A_350, %dma_wait3A_534] : memref<32x512xf32, #tpu.memory_space<vmem>> -> memref<1x512xf32, #tpu.memory_space<vmem>>
              %dma_wait3A_536 = tpu.memref_squeeze %dma_wait3A_535 : memref<1x512xf32, #tpu.memory_space<vmem>> -> memref<512xf32, #tpu.memory_space<vmem>>
              %dma_wait3A_537 = arith.constant 0 : i32
              %dma_wait3A_538 = tpu.memref_slice %arg3[%squeeze3A_513, %squeeze3A_515, %dma_wait3A_537] : memref<1024x50x512xf32, #tpu.memory_space<hbm>> -> memref<1x1x512xf32, #tpu.memory_space<hbm>>
              %dma_wait3A_539 = tpu.memref_squeeze %dma_wait3A_538 : memref<1x1x512xf32, #tpu.memory_space<hbm>> -> memref<512xf32, #tpu.memory_space<hbm>>
              tpu.wait_dma2 semaphore(%run_scoped3A : memref<!tpu.dma_semaphore, #tpu.memory_space<semaphore_mem>>) src(%dma_wait3A_539 : memref<512xf32, #tpu.memory_space<hbm>>) dst(%dma_wait3A_536 : memref<512xf32, #tpu.memory_space<vmem>>)
              tpu.yield
            }) : () -> ()
          } else {
          }
          %mul3A_358 = arith.constant 16 : i32
          %mul3A_359 = arith.muli %scan3A_321, %mul3A_358 : i32
          %add3A_360 = arith.constant 2 : i32
          %add3A_361 = arith.addi %mul3A_359, %add3A_360 : i32
          %slice3A_362 = vector.extract_strided_slice %get3A_326 {offsets = [2], sizes = [1], strides = [1]} : vector<16xi32> to vector<1xi32>
          %squeeze3A_363 = vector.extract %slice3A_362[0] : i32 from vector<1xi32>
          %ne3A_364 = arith.constant 0 : i32
          %ne3A_365 = arith.cmpi ne, %squeeze3A_363, %ne3A_364 : i32
          %convert_element_type3A_366 = arith.extui %ne3A_365 : i1 to i32
          %cond3A_367 = arith.constant 0 : i32
          %cond3A_368 = arith.cmpi ne, %convert_element_type3A_366, %cond3A_367 : i32
          scf.if %cond3A_368 {
            %slice3A_512 = vector.extract_strided_slice %get3A_331 {offsets = [2], sizes = [1], strides = [1]} : vector<16xi32> to vector<1xi32>
            %squeeze3A_513 = vector.extract %slice3A_512[0] : i32 from vector<1xi32>
            %slice3A_514 = vector.extract_strided_slice %get3A_336 {offsets = [2], sizes = [1], strides = [1]} : vector<16xi32> to vector<1xi32>
            %squeeze3A_515 = vector.extract %slice3A_514[0] : i32 from vector<1xi32>
            "tpu.region"() ({
              %run_scoped3A = tpu.sem_alloc : memref<!tpu.dma_semaphore, #tpu.memory_space<semaphore_mem>>
              %dma_start3A_516 = arith.constant 0 : i32
              %dma_start3A_517 = tpu.memref_slice %arg15[%add3A_361, %dma_start3A_516] : memref<32x512xf32, #tpu.memory_space<vmem>> -> memref<1x512xf32, #tpu.memory_space<vmem>>
              %dma_start3A_518 = tpu.memref_squeeze %dma_start3A_517 : memref<1x512xf32, #tpu.memory_space<vmem>> -> memref<512xf32, #tpu.memory_space<vmem>>
              %dma_start3A_519 = arith.constant 0 : i32
              %dma_start3A_520 = tpu.memref_slice %arg3[%squeeze3A_513, %squeeze3A_515, %dma_start3A_519] : memref<1024x50x512xf32, #tpu.memory_space<hbm>> -> memref<1x1x512xf32, #tpu.memory_space<hbm>>
              %dma_start3A_521 = tpu.memref_squeeze %dma_start3A_520 : memref<1x1x512xf32, #tpu.memory_space<hbm>> -> memref<512xf32, #tpu.memory_space<hbm>>
              %dma_start3A_522 = arith.constant 0 : i32
              %dma_start3A_523 = tpu.memref_slice %arg15[%add3A_361, %dma_start3A_522] : memref<32x512xf32, #tpu.memory_space<vmem>> -> memref<1x512xf32, #tpu.memory_space<vmem>>
              %dma_start3A_524 = tpu.memref_squeeze %dma_start3A_523 : memref<1x512xf32, #tpu.memory_space<vmem>> -> memref<512xf32, #tpu.memory_space<vmem>>
              %dma_start3A_525 = arith.constant 0 : i32
              %dma_start3A_526 = tpu.memref_slice %arg3[%squeeze3A_513, %squeeze3A_515, %dma_start3A_525] : memref<1024x50x512xf32, #tpu.memory_space<hbm>> -> memref<1x1x512xf32, #tpu.memory_space<hbm>>
              %dma_start3A_527 = tpu.memref_squeeze %dma_start3A_526 : memref<1x1x512xf32, #tpu.memory_space<hbm>> -> memref<512xf32, #tpu.memory_space<hbm>>
              tpu.enqueue_dma source(%dma_start3A_527 : memref<512xf32, #tpu.memory_space<hbm>>) target(%dma_start3A_524 : memref<512xf32, #tpu.memory_space<vmem>>) target_semaphore(%run_scoped3A : memref<!tpu.dma_semaphore, #tpu.memory_space<semaphore_mem>>)
              %dma_wait3A_528 = arith.constant 0 : i32
              %dma_wait3A_529 = tpu.memref_slice %arg15[%add3A_361, %dma_wait3A_528] : memref<32x512xf32, #tpu.memory_space<vmem>> -> memref<1x512xf32, #tpu.memory_space<vmem>>
              %dma_wait3A_530 = tpu.memref_squeeze %dma_wait3A_529 : memref<1x512xf32, #tpu.memory_space<vmem>> -> memref<512xf32, #tpu.memory_space<vmem>>
              %dma_wait3A_531 = arith.constant 0 : i32
              %dma_wait3A_532 = tpu.memref_slice %arg3[%squeeze3A_513, %squeeze3A_515, %dma_wait3A_531] : memref<1024x50x512xf32, #tpu.memory_space<hbm>> -> memref<1x1x512xf32, #tpu.memory_space<hbm>>
              %dma_wait3A_533 = tpu.memref_squeeze %dma_wait3A_532 : memref<1x1x512xf32, #tpu.memory_space<hbm>> -> memref<512xf32, #tpu.memory_space<hbm>>
              %dma_wait3A_534 = arith.constant 0 : i32
              %dma_wait3A_535 = tpu.memref_slice %arg15[%add3A_361, %dma_wait3A_534] : memref<32x512xf32, #tpu.memory_space<vmem>> -> memref<1x512xf32, #tpu.memory_space<vmem>>
              %dma_wait3A_536 = tpu.memref_squeeze %dma_wait3A_535 : memref<1x512xf32, #tpu.memory_space<vmem>> -> memref<512xf32, #tpu.memory_space<vmem>>
              %dma_wait3A_537 = arith.constant 0 : i32
              %dma_wait3A_538 = tpu.memref_slice %arg3[%squeeze3A_513, %squeeze3A_515, %dma_wait3A_537] : memref<1024x50x512xf32, #tpu.memory_space<hbm>> -> memref<1x1x512xf32, #tpu.memory_space<hbm>>
              %dma_wait3A_539 = tpu.memref_squeeze %dma_wait3A_538 : memref<1x1x512xf32, #tpu.memory_space<hbm>> -> memref<512xf32, #tpu.memory_space<hbm>>
              tpu.wait_dma2 semaphore(%run_scoped3A : memref<!tpu.dma_semaphore, #tpu.memory_space<semaphore_mem>>) src(%dma_wait3A_539 : memref<512xf32, #tpu.memory_space<hbm>>) dst(%dma_wait3A_536 : memref<512xf32, #tpu.memory_space<vmem>>)
              tpu.yield
            }) : () -> ()
          } else {
          }
          %mul3A_369 = arith.constant 16 : i32
          %mul3A_370 = arith.muli %scan3A_321, %mul3A_369 : i32
          %add3A_371 = arith.constant 3 : i32
          %add3A_372 = arith.addi %mul3A_370, %add3A_371 : i32
          %slice3A_373 = vector.extract_strided_slice %get3A_326 {offsets = [3], sizes = [1], strides = [1]} : vector<16xi32> to vector<1xi32>
          %squeeze3A_374 = vector.extract %slice3A_373[0] : i32 from vector<1xi32>
          %ne3A_375 = arith.constant 0 : i32
          %ne3A_376 = arith.cmpi ne, %squeeze3A_374, %ne3A_375 : i32
          %convert_element_type3A_377 = arith.extui %ne3A_376 : i1 to i32
          %cond3A_378 = arith.constant 0 : i32
          %cond3A_379 = arith.cmpi ne, %convert_element_type3A_377, %cond3A_378 : i32
          scf.if %cond3A_379 {
            %slice3A_512 = vector.extract_strided_slice %get3A_331 {offsets = [3], sizes = [1], strides = [1]} : vector<16xi32> to vector<1xi32>
            %squeeze3A_513 = vector.extract %slice3A_512[0] : i32 from vector<1xi32>
            %slice3A_514 = vector.extract_strided_slice %get3A_336 {offsets = [3], sizes = [1], strides = [1]} : vector<16xi32> to vector<1xi32>
            %squeeze3A_515 = vector.extract %slice3A_514[0] : i32 from vector<1xi32>
            "tpu.region"() ({
              %run_scoped3A = tpu.sem_alloc : memref<!tpu.dma_semaphore, #tpu.memory_space<semaphore_mem>>
              %dma_start3A_516 = arith.constant 0 : i32
              %dma_start3A_517 = tpu.memref_slice %arg15[%add3A_372, %dma_start3A_516] : memref<32x512xf32, #tpu.memory_space<vmem>> -> memref<1x512xf32, #tpu.memory_space<vmem>>
              %dma_start3A_518 = tpu.memref_squeeze %dma_start3A_517 : memref<1x512xf32, #tpu.memory_space<vmem>> -> memref<512xf32, #tpu.memory_space<vmem>>
              %dma_start3A_519 = arith.constant 0 : i32
              %dma_start3A_520 = tpu.memref_slice %arg3[%squeeze3A_513, %squeeze3A_515, %dma_start3A_519] : memref<1024x50x512xf32, #tpu.memory_space<hbm>> -> memref<1x1x512xf32, #tpu.memory_space<hbm>>
              %dma_start3A_521 = tpu.memref_squeeze %dma_start3A_520 : memref<1x1x512xf32, #tpu.memory_space<hbm>> -> memref<512xf32, #tpu.memory_space<hbm>>
              %dma_start3A_522 = arith.constant 0 : i32
              %dma_start3A_523 = tpu.memref_slice %arg15[%add3A_372, %dma_start3A_522] : memref<32x512xf32, #tpu.memory_space<vmem>> -> memref<1x512xf32, #tpu.memory_space<vmem>>
              %dma_start3A_524 = tpu.memref_squeeze %dma_start3A_523 : memref<1x512xf32, #tpu.memory_space<vmem>> -> memref<512xf32, #tpu.memory_space<vmem>>
              %dma_start3A_525 = arith.constant 0 : i32
              %dma_start3A_526 = tpu.memref_slice %arg3[%squeeze3A_513, %squeeze3A_515, %dma_start3A_525] : memref<1024x50x512xf32, #tpu.memory_space<hbm>> -> memref<1x1x512xf32, #tpu.memory_space<hbm>>
              %dma_start3A_527 = tpu.memref_squeeze %dma_start3A_526 : memref<1x1x512xf32, #tpu.memory_space<hbm>> -> memref<512xf32, #tpu.memory_space<hbm>>
              tpu.enqueue_dma source(%dma_start3A_527 : memref<512xf32, #tpu.memory_space<hbm>>) target(%dma_start3A_524 : memref<512xf32, #tpu.memory_space<vmem>>) target_semaphore(%run_scoped3A : memref<!tpu.dma_semaphore, #tpu.memory_space<semaphore_mem>>)
              %dma_wait3A_528 = arith.constant 0 : i32
              %dma_wait3A_529 = tpu.memref_slice %arg15[%add3A_372, %dma_wait3A_528] : memref<32x512xf32, #tpu.memory_space<vmem>> -> memref<1x512xf32, #tpu.memory_space<vmem>>
              %dma_wait3A_530 = tpu.memref_squeeze %dma_wait3A_529 : memref<1x512xf32, #tpu.memory_space<vmem>> -> memref<512xf32, #tpu.memory_space<vmem>>
              %dma_wait3A_531 = arith.constant 0 : i32
              %dma_wait3A_532 = tpu.memref_slice %arg3[%squeeze3A_513, %squeeze3A_515, %dma_wait3A_531] : memref<1024x50x512xf32, #tpu.memory_space<hbm>> -> memref<1x1x512xf32, #tpu.memory_space<hbm>>
              %dma_wait3A_533 = tpu.memref_squeeze %dma_wait3A_532 : memref<1x1x512xf32, #tpu.memory_space<hbm>> -> memref<512xf32, #tpu.memory_space<hbm>>
              %dma_wait3A_534 = arith.constant 0 : i32
              %dma_wait3A_535 = tpu.memref_slice %arg15[%add3A_372, %dma_wait3A_534] : memref<32x512xf32, #tpu.memory_space<vmem>> -> memref<1x512xf32, #tpu.memory_space<vmem>>
              %dma_wait3A_536 = tpu.memref_squeeze %dma_wait3A_535 : memref<1x512xf32, #tpu.memory_space<vmem>> -> memref<512xf32, #tpu.memory_space<vmem>>
              %dma_wait3A_537 = arith.constant 0 : i32
              %dma_wait3A_538 = tpu.memref_slice %arg3[%squeeze3A_513, %squeeze3A_515, %dma_wait3A_537] : memref<1024x50x512xf32, #tpu.memory_space<hbm>> -> memref<1x1x512xf32, #tpu.memory_space<hbm>>
              %dma_wait3A_539 = tpu.memref_squeeze %dma_wait3A_538 : memref<1x1x512xf32, #tpu.memory_space<hbm>> -> memref<512xf32, #tpu.memory_space<hbm>>
              tpu.wait_dma2 semaphore(%run_scoped3A : memref<!tpu.dma_semaphore, #tpu.memory_space<semaphore_mem>>) src(%dma_wait3A_539 : memref<512xf32, #tpu.memory_space<hbm>>) dst(%dma_wait3A_536 : memref<512xf32, #tpu.memory_space<vmem>>)
              tpu.yield
            }) : () -> ()
          } else {
          }
          %mul3A_380 = arith.constant 16 : i32
          %mul3A_381 = arith.muli %scan3A_321, %mul3A_380 : i32
          %add3A_382 = arith.constant 4 : i32
          %add3A_383 = arith.addi %mul3A_381, %add3A_382 : i32
          %slice3A_384 = vector.extract_strided_slice %get3A_326 {offsets = [4], sizes = [1], strides = [1]} : vector<16xi32> to vector<1xi32>
          %squeeze3A_385 = vector.extract %slice3A_384[0] : i32 from vector<1xi32>
          %ne3A_386 = arith.constant 0 : i32
          %ne3A_387 = arith.cmpi ne, %squeeze3A_385, %ne3A_386 : i32
          %convert_element_type3A_388 = arith.extui %ne3A_387 : i1 to i32
          %cond3A_389 = arith.constant 0 : i32
          %cond3A_390 = arith.cmpi ne, %convert_element_type3A_388, %cond3A_389 : i32
          scf.if %cond3A_390 {
            %slice3A_512 = vector.extract_strided_slice %get3A_331 {offsets = [4], sizes = [1], strides = [1]} : vector<16xi32> to vector<1xi32>
            %squeeze3A_513 = vector.extract %slice3A_512[0] : i32 from vector<1xi32>
            %slice3A_514 = vector.extract_strided_slice %get3A_336 {offsets = [4], sizes = [1], strides = [1]} : vector<16xi32> to vector<1xi32>
            %squeeze3A_515 = vector.extract %slice3A_514[0] : i32 from vector<1xi32>
            "tpu.region"() ({
              %run_scoped3A = tpu.sem_alloc : memref<!tpu.dma_semaphore, #tpu.memory_space<semaphore_mem>>
              %dma_start3A_516 = arith.constant 0 : i32
              %dma_start3A_517 = tpu.memref_slice %arg15[%add3A_383, %dma_start3A_516] : memref<32x512xf32, #tpu.memory_space<vmem>> -> memref<1x512xf32, #tpu.memory_space<vmem>>
              %dma_start3A_518 = tpu.memref_squeeze %dma_start3A_517 : memref<1x512xf32, #tpu.memory_space<vmem>> -> memref<512xf32, #tpu.memory_space<vmem>>
              %dma_start3A_519 = arith.constant 0 : i32
              %dma_start3A_520 = tpu.memref_slice %arg3[%squeeze3A_513, %squeeze3A_515, %dma_start3A_519] : memref<1024x50x512xf32, #tpu.memory_space<hbm>> -> memref<1x1x512xf32, #tpu.memory_space<hbm>>
              %dma_start3A_521 = tpu.memref_squeeze %dma_start3A_520 : memref<1x1x512xf32, #tpu.memory_space<hbm>> -> memref<512xf32, #tpu.memory_space<hbm>>
              %dma_start3A_522 = arith.constant 0 : i32
              %dma_start3A_523 = tpu.memref_slice %arg15[%add3A_383, %dma_start3A_522] : memref<32x512xf32, #tpu.memory_space<vmem>> -> memref<1x512xf32, #tpu.memory_space<vmem>>
              %dma_start3A_524 = tpu.memref_squeeze %dma_start3A_523 : memref<1x512xf32, #tpu.memory_space<vmem>> -> memref<512xf32, #tpu.memory_space<vmem>>
              %dma_start3A_525 = arith.constant 0 : i32
              %dma_start3A_526 = tpu.memref_slice %arg3[%squeeze3A_513, %squeeze3A_515, %dma_start3A_525] : memref<1024x50x512xf32, #tpu.memory_space<hbm>> -> memref<1x1x512xf32, #tpu.memory_space<hbm>>
              %dma_start3A_527 = tpu.memref_squeeze %dma_start3A_526 : memref<1x1x512xf32, #tpu.memory_space<hbm>> -> memref<512xf32, #tpu.memory_space<hbm>>
              tpu.enqueue_dma source(%dma_start3A_527 : memref<512xf32, #tpu.memory_space<hbm>>) target(%dma_start3A_524 : memref<512xf32, #tpu.memory_space<vmem>>) target_semaphore(%run_scoped3A : memref<!tpu.dma_semaphore, #tpu.memory_space<semaphore_mem>>)
              %dma_wait3A_528 = arith.constant 0 : i32
              %dma_wait3A_529 = tpu.memref_slice %arg15[%add3A_383, %dma_wait3A_528] : memref<32x512xf32, #tpu.memory_space<vmem>> -> memref<1x512xf32, #tpu.memory_space<vmem>>
              %dma_wait3A_530 = tpu.memref_squeeze %dma_wait3A_529 : memref<1x512xf32, #tpu.memory_space<vmem>> -> memref<512xf32, #tpu.memory_space<vmem>>
              %dma_wait3A_531 = arith.constant 0 : i32
              %dma_wait3A_532 = tpu.memref_slice %arg3[%squeeze3A_513, %squeeze3A_515, %dma_wait3A_531] : memref<1024x50x512xf32, #tpu.memory_space<hbm>> -> memref<1x1x512xf32, #tpu.memory_space<hbm>>
              %dma_wait3A_533 = tpu.memref_squeeze %dma_wait3A_532 : memref<1x1x512xf32, #tpu.memory_space<hbm>> -> memref<512xf32, #tpu.memory_space<hbm>>
              %dma_wait3A_534 = arith.constant 0 : i32
              %dma_wait3A_535 = tpu.memref_slice %arg15[%add3A_383, %dma_wait3A_534] : memref<32x512xf32, #tpu.memory_space<vmem>> -> memref<1x512xf32, #tpu.memory_space<vmem>>
              %dma_wait3A_536 = tpu.memref_squeeze %dma_wait3A_535 : memref<1x512xf32, #tpu.memory_space<vmem>> -> memref<512xf32, #tpu.memory_space<vmem>>
              %dma_wait3A_537 = arith.constant 0 : i32
              %dma_wait3A_538 = tpu.memref_slice %arg3[%squeeze3A_513, %squeeze3A_515, %dma_wait3A_537] : memref<1024x50x512xf32, #tpu.memory_space<hbm>> -> memref<1x1x512xf32, #tpu.memory_space<hbm>>
              %dma_wait3A_539 = tpu.memref_squeeze %dma_wait3A_538 : memref<1x1x512xf32, #tpu.memory_space<hbm>> -> memref<512xf32, #tpu.memory_space<hbm>>
              tpu.wait_dma2 semaphore(%run_scoped3A : memref<!tpu.dma_semaphore, #tpu.memory_space<semaphore_mem>>) src(%dma_wait3A_539 : memref<512xf32, #tpu.memory_space<hbm>>) dst(%dma_wait3A_536 : memref<512xf32, #tpu.memory_space<vmem>>)
              tpu.yield
            }) : () -> ()
          } else {
          }
          %mul3A_391 = arith.constant 16 : i32
          %mul3A_392 = arith.muli %scan3A_321, %mul3A_391 : i32
          %add3A_393 = arith.constant 5 : i32
          %add3A_394 = arith.addi %mul3A_392, %add3A_393 : i32
          %slice3A_395 = vector.extract_strided_slice %get3A_326 {offsets = [5], sizes = [1], strides = [1]} : vector<16xi32> to vector<1xi32>
          %squeeze3A_396 = vector.extract %slice3A_395[0] : i32 from vector<1xi32>
          %ne3A_397 = arith.constant 0 : i32
          %ne3A_398 = arith.cmpi ne, %squeeze3A_396, %ne3A_397 : i32
          %convert_element_type3A_399 = arith.extui %ne3A_398 : i1 to i32
          %cond3A_400 = arith.constant 0 : i32
          %cond3A_401 = arith.cmpi ne, %convert_element_type3A_399, %cond3A_400 : i32
          scf.if %cond3A_401 {
            %slice3A_512 = vector.extract_strided_slice %get3A_331 {offsets = [5], sizes = [1], strides = [1]} : vector<16xi32> to vector<1xi32>
            %squeeze3A_513 = vector.extract %slice3A_512[0] : i32 from vector<1xi32>
            %slice3A_514 = vector.extract_strided_slice %get3A_336 {offsets = [5], sizes = [1], strides = [1]} : vector<16xi32> to vector<1xi32>
            %squeeze3A_515 = vector.extract %slice3A_514[0] : i32 from vector<1xi32>
            "tpu.region"() ({
              %run_scoped3A = tpu.sem_alloc : memref<!tpu.dma_semaphore, #tpu.memory_space<semaphore_mem>>
              %dma_start3A_516 = arith.constant 0 : i32
              %dma_start3A_517 = tpu.memref_slice %arg15[%add3A_394, %dma_start3A_516] : memref<32x512xf32, #tpu.memory_space<vmem>> -> memref<1x512xf32, #tpu.memory_space<vmem>>
              %dma_start3A_518 = tpu.memref_squeeze %dma_start3A_517 : memref<1x512xf32, #tpu.memory_space<vmem>> -> memref<512xf32, #tpu.memory_space<vmem>>
              %dma_start3A_519 = arith.constant 0 : i32
              %dma_start3A_520 = tpu.memref_slice %arg3[%squeeze3A_513, %squeeze3A_515, %dma_start3A_519] : memref<1024x50x512xf32, #tpu.memory_space<hbm>> -> memref<1x1x512xf32, #tpu.memory_space<hbm>>
              %dma_start3A_521 = tpu.memref_squeeze %dma_start3A_520 : memref<1x1x512xf32, #tpu.memory_space<hbm>> -> memref<512xf32, #tpu.memory_space<hbm>>
              %dma_start3A_522 = arith.constant 0 : i32
              %dma_start3A_523 = tpu.memref_slice %arg15[%add3A_394, %dma_start3A_522] : memref<32x512xf32, #tpu.memory_space<vmem>> -> memref<1x512xf32, #tpu.memory_space<vmem>>
              %dma_start3A_524 = tpu.memref_squeeze %dma_start3A_523 : memref<1x512xf32, #tpu.memory_space<vmem>> -> memref<512xf32, #tpu.memory_space<vmem>>
              %dma_start3A_525 = arith.constant 0 : i32
              %dma_start3A_526 = tpu.memref_slice %arg3[%squeeze3A_513, %squeeze3A_515, %dma_start3A_525] : memref<1024x50x512xf32, #tpu.memory_space<hbm>> -> memref<1x1x512xf32, #tpu.memory_space<hbm>>
              %dma_start3A_527 = tpu.memref_squeeze %dma_start3A_526 : memref<1x1x512xf32, #tpu.memory_space<hbm>> -> memref<512xf32, #tpu.memory_space<hbm>>
              tpu.enqueue_dma source(%dma_start3A_527 : memref<512xf32, #tpu.memory_space<hbm>>) target(%dma_start3A_524 : memref<512xf32, #tpu.memory_space<vmem>>) target_semaphore(%run_scoped3A : memref<!tpu.dma_semaphore, #tpu.memory_space<semaphore_mem>>)
              %dma_wait3A_528 = arith.constant 0 : i32
              %dma_wait3A_529 = tpu.memref_slice %arg15[%add3A_394, %dma_wait3A_528] : memref<32x512xf32, #tpu.memory_space<vmem>> -> memref<1x512xf32, #tpu.memory_space<vmem>>
              %dma_wait3A_530 = tpu.memref_squeeze %dma_wait3A_529 : memref<1x512xf32, #tpu.memory_space<vmem>> -> memref<512xf32, #tpu.memory_space<vmem>>
              %dma_wait3A_531 = arith.constant 0 : i32
              %dma_wait3A_532 = tpu.memref_slice %arg3[%squeeze3A_513, %squeeze3A_515, %dma_wait3A_531] : memref<1024x50x512xf32, #tpu.memory_space<hbm>> -> memref<1x1x512xf32, #tpu.memory_space<hbm>>
              %dma_wait3A_533 = tpu.memref_squeeze %dma_wait3A_532 : memref<1x1x512xf32, #tpu.memory_space<hbm>> -> memref<512xf32, #tpu.memory_space<hbm>>
              %dma_wait3A_534 = arith.constant 0 : i32
              %dma_wait3A_535 = tpu.memref_slice %arg15[%add3A_394, %dma_wait3A_534] : memref<32x512xf32, #tpu.memory_space<vmem>> -> memref<1x512xf32, #tpu.memory_space<vmem>>
              %dma_wait3A_536 = tpu.memref_squeeze %dma_wait3A_535 : memref<1x512xf32, #tpu.memory_space<vmem>> -> memref<512xf32, #tpu.memory_space<vmem>>
              %dma_wait3A_537 = arith.constant 0 : i32
              %dma_wait3A_538 = tpu.memref_slice %arg3[%squeeze3A_513, %squeeze3A_515, %dma_wait3A_537] : memref<1024x50x512xf32, #tpu.memory_space<hbm>> -> memref<1x1x512xf32, #tpu.memory_space<hbm>>
              %dma_wait3A_539 = tpu.memref_squeeze %dma_wait3A_538 : memref<1x1x512xf32, #tpu.memory_space<hbm>> -> memref<512xf32, #tpu.memory_space<hbm>>
              tpu.wait_dma2 semaphore(%run_scoped3A : memref<!tpu.dma_semaphore, #tpu.memory_space<semaphore_mem>>) src(%dma_wait3A_539 : memref<512xf32, #tpu.memory_space<hbm>>) dst(%dma_wait3A_536 : memref<512xf32, #tpu.memory_space<vmem>>)
              tpu.yield
            }) : () -> ()
          } else {
          }
          %mul3A_402 = arith.constant 16 : i32
          %mul3A_403 = arith.muli %scan3A_321, %mul3A_402 : i32
          %add3A_404 = arith.constant 6 : i32
          %add3A_405 = arith.addi %mul3A_403, %add3A_404 : i32
          %slice3A_406 = vector.extract_strided_slice %get3A_326 {offsets = [6], sizes = [1], strides = [1]} : vector<16xi32> to vector<1xi32>
          %squeeze3A_407 = vector.extract %slice3A_406[0] : i32 from vector<1xi32>
          %ne3A_408 = arith.constant 0 : i32
          %ne3A_409 = arith.cmpi ne, %squeeze3A_407, %ne3A_408 : i32
          %convert_element_type3A_410 = arith.extui %ne3A_409 : i1 to i32
          %cond3A_411 = arith.constant 0 : i32
          %cond3A_412 = arith.cmpi ne, %convert_element_type3A_410, %cond3A_411 : i32
          scf.if %cond3A_412 {
            %slice3A_512 = vector.extract_strided_slice %get3A_331 {offsets = [6], sizes = [1], strides = [1]} : vector<16xi32> to vector<1xi32>
            %squeeze3A_513 = vector.extract %slice3A_512[0] : i32 from vector<1xi32>
            %slice3A_514 = vector.extract_strided_slice %get3A_336 {offsets = [6], sizes = [1], strides = [1]} : vector<16xi32> to vector<1xi32>
            %squeeze3A_515 = vector.extract %slice3A_514[0] : i32 from vector<1xi32>
            "tpu.region"() ({
              %run_scoped3A = tpu.sem_alloc : memref<!tpu.dma_semaphore, #tpu.memory_space<semaphore_mem>>
              %dma_start3A_516 = arith.constant 0 : i32
              %dma_start3A_517 = tpu.memref_slice %arg15[%add3A_405, %dma_start3A_516] : memref<32x512xf32, #tpu.memory_space<vmem>> -> memref<1x512xf32, #tpu.memory_space<vmem>>
              %dma_start3A_518 = tpu.memref_squeeze %dma_start3A_517 : memref<1x512xf32, #tpu.memory_space<vmem>> -> memref<512xf32, #tpu.memory_space<vmem>>
              %dma_start3A_519 = arith.constant 0 : i32
              %dma_start3A_520 = tpu.memref_slice %arg3[%squeeze3A_513, %squeeze3A_515, %dma_start3A_519] : memref<1024x50x512xf32, #tpu.memory_space<hbm>> -> memref<1x1x512xf32, #tpu.memory_space<hbm>>
              %dma_start3A_521 = tpu.memref_squeeze %dma_start3A_520 : memref<1x1x512xf32, #tpu.memory_space<hbm>> -> memref<512xf32, #tpu.memory_space<hbm>>
              %dma_start3A_522 = arith.constant 0 : i32
              %dma_start3A_523 = tpu.memref_slice %arg15[%add3A_405, %dma_start3A_522] : memref<32x512xf32, #tpu.memory_space<vmem>> -> memref<1x512xf32, #tpu.memory_space<vmem>>
              %dma_start3A_524 = tpu.memref_squeeze %dma_start3A_523 : memref<1x512xf32, #tpu.memory_space<vmem>> -> memref<512xf32, #tpu.memory_space<vmem>>
              %dma_start3A_525 = arith.constant 0 : i32
              %dma_start3A_526 = tpu.memref_slice %arg3[%squeeze3A_513, %squeeze3A_515, %dma_start3A_525] : memref<1024x50x512xf32, #tpu.memory_space<hbm>> -> memref<1x1x512xf32, #tpu.memory_space<hbm>>
              %dma_start3A_527 = tpu.memref_squeeze %dma_start3A_526 : memref<1x1x512xf32, #tpu.memory_space<hbm>> -> memref<512xf32, #tpu.memory_space<hbm>>
              tpu.enqueue_dma source(%dma_start3A_527 : memref<512xf32, #tpu.memory_space<hbm>>) target(%dma_start3A_524 : memref<512xf32, #tpu.memory_space<vmem>>) target_semaphore(%run_scoped3A : memref<!tpu.dma_semaphore, #tpu.memory_space<semaphore_mem>>)
              %dma_wait3A_528 = arith.constant 0 : i32
              %dma_wait3A_529 = tpu.memref_slice %arg15[%add3A_405, %dma_wait3A_528] : memref<32x512xf32, #tpu.memory_space<vmem>> -> memref<1x512xf32, #tpu.memory_space<vmem>>
              %dma_wait3A_530 = tpu.memref_squeeze %dma_wait3A_529 : memref<1x512xf32, #tpu.memory_space<vmem>> -> memref<512xf32, #tpu.memory_space<vmem>>
              %dma_wait3A_531 = arith.constant 0 : i32
              %dma_wait3A_532 = tpu.memref_slice %arg3[%squeeze3A_513, %squeeze3A_515, %dma_wait3A_531] : memref<1024x50x512xf32, #tpu.memory_space<hbm>> -> memref<1x1x512xf32, #tpu.memory_space<hbm>>
              %dma_wait3A_533 = tpu.memref_squeeze %dma_wait3A_532 : memref<1x1x512xf32, #tpu.memory_space<hbm>> -> memref<512xf32, #tpu.memory_space<hbm>>
              %dma_wait3A_534 = arith.constant 0 : i32
              %dma_wait3A_535 = tpu.memref_slice %arg15[%add3A_405, %dma_wait3A_534] : memref<32x512xf32, #tpu.memory_space<vmem>> -> memref<1x512xf32, #tpu.memory_space<vmem>>
              %dma_wait3A_536 = tpu.memref_squeeze %dma_wait3A_535 : memref<1x512xf32, #tpu.memory_space<vmem>> -> memref<512xf32, #tpu.memory_space<vmem>>
              %dma_wait3A_537 = arith.constant 0 : i32
              %dma_wait3A_538 = tpu.memref_slice %arg3[%squeeze3A_513, %squeeze3A_515, %dma_wait3A_537] : memref<1024x50x512xf32, #tpu.memory_space<hbm>> -> memref<1x1x512xf32, #tpu.memory_space<hbm>>
              %dma_wait3A_539 = tpu.memref_squeeze %dma_wait3A_538 : memref<1x1x512xf32, #tpu.memory_space<hbm>> -> memref<512xf32, #tpu.memory_space<hbm>>
              tpu.wait_dma2 semaphore(%run_scoped3A : memref<!tpu.dma_semaphore, #tpu.memory_space<semaphore_mem>>) src(%dma_wait3A_539 : memref<512xf32, #tpu.memory_space<hbm>>) dst(%dma_wait3A_536 : memref<512xf32, #tpu.memory_space<vmem>>)
              tpu.yield
            }) : () -> ()
          } else {
          }
          %mul3A_413 = arith.constant 16 : i32
          %mul3A_414 = arith.muli %scan3A_321, %mul3A_413 : i32
          %add3A_415 = arith.constant 7 : i32
          %add3A_416 = arith.addi %mul3A_414, %add3A_415 : i32
          %slice3A_417 = vector.extract_strided_slice %get3A_326 {offsets = [7], sizes = [1], strides = [1]} : vector<16xi32> to vector<1xi32>
          %squeeze3A_418 = vector.extract %slice3A_417[0] : i32 from vector<1xi32>
          %ne3A_419 = arith.constant 0 : i32
          %ne3A_420 = arith.cmpi ne, %squeeze3A_418, %ne3A_419 : i32
          %convert_element_type3A_421 = arith.extui %ne3A_420 : i1 to i32
          %cond3A_422 = arith.constant 0 : i32
          %cond3A_423 = arith.cmpi ne, %convert_element_type3A_421, %cond3A_422 : i32
          scf.if %cond3A_423 {
            %slice3A_512 = vector.extract_strided_slice %get3A_331 {offsets = [7], sizes = [1], strides = [1]} : vector<16xi32> to vector<1xi32>
            %squeeze3A_513 = vector.extract %slice3A_512[0] : i32 from vector<1xi32>
            %slice3A_514 = vector.extract_strided_slice %get3A_336 {offsets = [7], sizes = [1], strides = [1]} : vector<16xi32> to vector<1xi32>
            %squeeze3A_515 = vector.extract %slice3A_514[0] : i32 from vector<1xi32>
            "tpu.region"() ({
              %run_scoped3A = tpu.sem_alloc : memref<!tpu.dma_semaphore, #tpu.memory_space<semaphore_mem>>
              %dma_start3A_516 = arith.constant 0 : i32
              %dma_start3A_517 = tpu.memref_slice %arg15[%add3A_416, %dma_start3A_516] : memref<32x512xf32, #tpu.memory_space<vmem>> -> memref<1x512xf32, #tpu.memory_space<vmem>>
              %dma_start3A_518 = tpu.memref_squeeze %dma_start3A_517 : memref<1x512xf32, #tpu.memory_space<vmem>> -> memref<512xf32, #tpu.memory_space<vmem>>
              %dma_start3A_519 = arith.constant 0 : i32
              %dma_start3A_520 = tpu.memref_slice %arg3[%squeeze3A_513, %squeeze3A_515, %dma_start3A_519] : memref<1024x50x512xf32, #tpu.memory_space<hbm>> -> memref<1x1x512xf32, #tpu.memory_space<hbm>>
              %dma_start3A_521 = tpu.memref_squeeze %dma_start3A_520 : memref<1x1x512xf32, #tpu.memory_space<hbm>> -> memref<512xf32, #tpu.memory_space<hbm>>
              %dma_start3A_522 = arith.constant 0 : i32
              %dma_start3A_523 = tpu.memref_slice %arg15[%add3A_416, %dma_start3A_522] : memref<32x512xf32, #tpu.memory_space<vmem>> -> memref<1x512xf32, #tpu.memory_space<vmem>>
              %dma_start3A_524 = tpu.memref_squeeze %dma_start3A_523 : memref<1x512xf32, #tpu.memory_space<vmem>> -> memref<512xf32, #tpu.memory_space<vmem>>
              %dma_start3A_525 = arith.constant 0 : i32
              %dma_start3A_526 = tpu.memref_slice %arg3[%squeeze3A_513, %squeeze3A_515, %dma_start3A_525] : memref<1024x50x512xf32, #tpu.memory_space<hbm>> -> memref<1x1x512xf32, #tpu.memory_space<hbm>>
              %dma_start3A_527 = tpu.memref_squeeze %dma_start3A_526 : memref<1x1x512xf32, #tpu.memory_space<hbm>> -> memref<512xf32, #tpu.memory_space<hbm>>
              tpu.enqueue_dma source(%dma_start3A_527 : memref<512xf32, #tpu.memory_space<hbm>>) target(%dma_start3A_524 : memref<512xf32, #tpu.memory_space<vmem>>) target_semaphore(%run_scoped3A : memref<!tpu.dma_semaphore, #tpu.memory_space<semaphore_mem>>)
              %dma_wait3A_528 = arith.constant 0 : i32
              %dma_wait3A_529 = tpu.memref_slice %arg15[%add3A_416, %dma_wait3A_528] : memref<32x512xf32, #tpu.memory_space<vmem>> -> memref<1x512xf32, #tpu.memory_space<vmem>>
              %dma_wait3A_530 = tpu.memref_squeeze %dma_wait3A_529 : memref<1x512xf32, #tpu.memory_space<vmem>> -> memref<512xf32, #tpu.memory_space<vmem>>
              %dma_wait3A_531 = arith.constant 0 : i32
              %dma_wait3A_532 = tpu.memref_slice %arg3[%squeeze3A_513, %squeeze3A_515, %dma_wait3A_531] : memref<1024x50x512xf32, #tpu.memory_space<hbm>> -> memref<1x1x512xf32, #tpu.memory_space<hbm>>
              %dma_wait3A_533 = tpu.memref_squeeze %dma_wait3A_532 : memref<1x1x512xf32, #tpu.memory_space<hbm>> -> memref<512xf32, #tpu.memory_space<hbm>>
              %dma_wait3A_534 = arith.constant 0 : i32
              %dma_wait3A_535 = tpu.memref_slice %arg15[%add3A_416, %dma_wait3A_534] : memref<32x512xf32, #tpu.memory_space<vmem>> -> memref<1x512xf32, #tpu.memory_space<vmem>>
              %dma_wait3A_536 = tpu.memref_squeeze %dma_wait3A_535 : memref<1x512xf32, #tpu.memory_space<vmem>> -> memref<512xf32, #tpu.memory_space<vmem>>
              %dma_wait3A_537 = arith.constant 0 : i32
              %dma_wait3A_538 = tpu.memref_slice %arg3[%squeeze3A_513, %squeeze3A_515, %dma_wait3A_537] : memref<1024x50x512xf32, #tpu.memory_space<hbm>> -> memref<1x1x512xf32, #tpu.memory_space<hbm>>
              %dma_wait3A_539 = tpu.memref_squeeze %dma_wait3A_538 : memref<1x1x512xf32, #tpu.memory_space<hbm>> -> memref<512xf32, #tpu.memory_space<hbm>>
              tpu.wait_dma2 semaphore(%run_scoped3A : memref<!tpu.dma_semaphore, #tpu.memory_space<semaphore_mem>>) src(%dma_wait3A_539 : memref<512xf32, #tpu.memory_space<hbm>>) dst(%dma_wait3A_536 : memref<512xf32, #tpu.memory_space<vmem>>)
              tpu.yield
            }) : () -> ()
          } else {
          }
          %mul3A_424 = arith.constant 16 : i32
          %mul3A_425 = arith.muli %scan3A_321, %mul3A_424 : i32
          %add3A_426 = arith.constant 8 : i32
          %add3A_427 = arith.addi %mul3A_425, %add3A_426 : i32
          %slice3A_428 = vector.extract_strided_slice %get3A_326 {offsets = [8], sizes = [1], strides = [1]} : vector<16xi32> to vector<1xi32>
          %squeeze3A_429 = vector.extract %slice3A_428[0] : i32 from vector<1xi32>
          %ne3A_430 = arith.constant 0 : i32
          %ne3A_431 = arith.cmpi ne, %squeeze3A_429, %ne3A_430 : i32
          %convert_element_type3A_432 = arith.extui %ne3A_431 : i1 to i32
          %cond3A_433 = arith.constant 0 : i32
          %cond3A_434 = arith.cmpi ne, %convert_element_type3A_432, %cond3A_433 : i32
          scf.if %cond3A_434 {
            %slice3A_512 = vector.extract_strided_slice %get3A_331 {offsets = [8], sizes = [1], strides = [1]} : vector<16xi32> to vector<1xi32>
            %squeeze3A_513 = vector.extract %slice3A_512[0] : i32 from vector<1xi32>
            %slice3A_514 = vector.extract_strided_slice %get3A_336 {offsets = [8], sizes = [1], strides = [1]} : vector<16xi32> to vector<1xi32>
            %squeeze3A_515 = vector.extract %slice3A_514[0] : i32 from vector<1xi32>
            "tpu.region"() ({
              %run_scoped3A = tpu.sem_alloc : memref<!tpu.dma_semaphore, #tpu.memory_space<semaphore_mem>>
              %dma_start3A_516 = arith.constant 0 : i32
              %dma_start3A_517 = tpu.memref_slice %arg15[%add3A_427, %dma_start3A_516] : memref<32x512xf32, #tpu.memory_space<vmem>> -> memref<1x512xf32, #tpu.memory_space<vmem>>
              %dma_start3A_518 = tpu.memref_squeeze %dma_start3A_517 : memref<1x512xf32, #tpu.memory_space<vmem>> -> memref<512xf32, #tpu.memory_space<vmem>>
              %dma_start3A_519 = arith.constant 0 : i32
              %dma_start3A_520 = tpu.memref_slice %arg3[%squeeze3A_513, %squeeze3A_515, %dma_start3A_519] : memref<1024x50x512xf32, #tpu.memory_space<hbm>> -> memref<1x1x512xf32, #tpu.memory_space<hbm>>
              %dma_start3A_521 = tpu.memref_squeeze %dma_start3A_520 : memref<1x1x512xf32, #tpu.memory_space<hbm>> -> memref<512xf32, #tpu.memory_space<hbm>>
              %dma_start3A_522 = arith.constant 0 : i32
              %dma_start3A_523 = tpu.memref_slice %arg15[%add3A_427, %dma_start3A_522] : memref<32x512xf32, #tpu.memory_space<vmem>> -> memref<1x512xf32, #tpu.memory_space<vmem>>
              %dma_start3A_524 = tpu.memref_squeeze %dma_start3A_523 : memref<1x512xf32, #tpu.memory_space<vmem>> -> memref<512xf32, #tpu.memory_space<vmem>>
              %dma_start3A_525 = arith.constant 0 : i32
              %dma_start3A_526 = tpu.memref_slice %arg3[%squeeze3A_513, %squeeze3A_515, %dma_start3A_525] : memref<1024x50x512xf32, #tpu.memory_space<hbm>> -> memref<1x1x512xf32, #tpu.memory_space<hbm>>
              %dma_start3A_527 = tpu.memref_squeeze %dma_start3A_526 : memref<1x1x512xf32, #tpu.memory_space<hbm>> -> memref<512xf32, #tpu.memory_space<hbm>>
              tpu.enqueue_dma source(%dma_start3A_527 : memref<512xf32, #tpu.memory_space<hbm>>) target(%dma_start3A_524 : memref<512xf32, #tpu.memory_space<vmem>>) target_semaphore(%run_scoped3A : memref<!tpu.dma_semaphore, #tpu.memory_space<semaphore_mem>>)
              %dma_wait3A_528 = arith.constant 0 : i32
              %dma_wait3A_529 = tpu.memref_slice %arg15[%add3A_427, %dma_wait3A_528] : memref<32x512xf32, #tpu.memory_space<vmem>> -> memref<1x512xf32, #tpu.memory_space<vmem>>
              %dma_wait3A_530 = tpu.memref_squeeze %dma_wait3A_529 : memref<1x512xf32, #tpu.memory_space<vmem>> -> memref<512xf32, #tpu.memory_space<vmem>>
              %dma_wait3A_531 = arith.constant 0 : i32
              %dma_wait3A_532 = tpu.memref_slice %arg3[%squeeze3A_513, %squeeze3A_515, %dma_wait3A_531] : memref<1024x50x512xf32, #tpu.memory_space<hbm>> -> memref<1x1x512xf32, #tpu.memory_space<hbm>>
              %dma_wait3A_533 = tpu.memref_squeeze %dma_wait3A_532 : memref<1x1x512xf32, #tpu.memory_space<hbm>> -> memref<512xf32, #tpu.memory_space<hbm>>
              %dma_wait3A_534 = arith.constant 0 : i32
              %dma_wait3A_535 = tpu.memref_slice %arg15[%add3A_427, %dma_wait3A_534] : memref<32x512xf32, #tpu.memory_space<vmem>> -> memref<1x512xf32, #tpu.memory_space<vmem>>
              %dma_wait3A_536 = tpu.memref_squeeze %dma_wait3A_535 : memref<1x512xf32, #tpu.memory_space<vmem>> -> memref<512xf32, #tpu.memory_space<vmem>>
              %dma_wait3A_537 = arith.constant 0 : i32
              %dma_wait3A_538 = tpu.memref_slice %arg3[%squeeze3A_513, %squeeze3A_515, %dma_wait3A_537] : memref<1024x50x512xf32, #tpu.memory_space<hbm>> -> memref<1x1x512xf32, #tpu.memory_space<hbm>>
              %dma_wait3A_539 = tpu.memref_squeeze %dma_wait3A_538 : memref<1x1x512xf32, #tpu.memory_space<hbm>> -> memref<512xf32, #tpu.memory_space<hbm>>
              tpu.wait_dma2 semaphore(%run_scoped3A : memref<!tpu.dma_semaphore, #tpu.memory_space<semaphore_mem>>) src(%dma_wait3A_539 : memref<512xf32, #tpu.memory_space<hbm>>) dst(%dma_wait3A_536 : memref<512xf32, #tpu.memory_space<vmem>>)
              tpu.yield
            }) : () -> ()
          } else {
          }
          %mul3A_435 = arith.constant 16 : i32
          %mul3A_436 = arith.muli %scan3A_321, %mul3A_435 : i32
          %add3A_437 = arith.constant 9 : i32
          %add3A_438 = arith.addi %mul3A_436, %add3A_437 : i32
          %slice3A_439 = vector.extract_strided_slice %get3A_326 {offsets = [9], sizes = [1], strides = [1]} : vector<16xi32> to vector<1xi32>
          %squeeze3A_440 = vector.extract %slice3A_439[0] : i32 from vector<1xi32>
          %ne3A_441 = arith.constant 0 : i32
          %ne3A_442 = arith.cmpi ne, %squeeze3A_440, %ne3A_441 : i32
          %convert_element_type3A_443 = arith.extui %ne3A_442 : i1 to i32
          %cond3A_444 = arith.constant 0 : i32
          %cond3A_445 = arith.cmpi ne, %convert_element_type3A_443, %cond3A_444 : i32
          scf.if %cond3A_445 {
            %slice3A_512 = vector.extract_strided_slice %get3A_331 {offsets = [9], sizes = [1], strides = [1]} : vector<16xi32> to vector<1xi32>
            %squeeze3A_513 = vector.extract %slice3A_512[0] : i32 from vector<1xi32>
            %slice3A_514 = vector.extract_strided_slice %get3A_336 {offsets = [9], sizes = [1], strides = [1]} : vector<16xi32> to vector<1xi32>
            %squeeze3A_515 = vector.extract %slice3A_514[0] : i32 from vector<1xi32>
            "tpu.region"() ({
              %run_scoped3A = tpu.sem_alloc : memref<!tpu.dma_semaphore, #tpu.memory_space<semaphore_mem>>
              %dma_start3A_516 = arith.constant 0 : i32
              %dma_start3A_517 = tpu.memref_slice %arg15[%add3A_438, %dma_start3A_516] : memref<32x512xf32, #tpu.memory_space<vmem>> -> memref<1x512xf32, #tpu.memory_space<vmem>>
              %dma_start3A_518 = tpu.memref_squeeze %dma_start3A_517 : memref<1x512xf32, #tpu.memory_space<vmem>> -> memref<512xf32, #tpu.memory_space<vmem>>
              %dma_start3A_519 = arith.constant 0 : i32
              %dma_start3A_520 = tpu.memref_slice %arg3[%squeeze3A_513, %squeeze3A_515, %dma_start3A_519] : memref<1024x50x512xf32, #tpu.memory_space<hbm>> -> memref<1x1x512xf32, #tpu.memory_space<hbm>>
              %dma_start3A_521 = tpu.memref_squeeze %dma_start3A_520 : memref<1x1x512xf32, #tpu.memory_space<hbm>> -> memref<512xf32, #tpu.memory_space<hbm>>
              %dma_start3A_522 = arith.constant 0 : i32
              %dma_start3A_523 = tpu.memref_slice %arg15[%add3A_438, %dma_start3A_522] : memref<32x512xf32, #tpu.memory_space<vmem>> -> memref<1x512xf32, #tpu.memory_space<vmem>>
              %dma_start3A_524 = tpu.memref_squeeze %dma_start3A_523 : memref<1x512xf32, #tpu.memory_space<vmem>> -> memref<512xf32, #tpu.memory_space<vmem>>
              %dma_start3A_525 = arith.constant 0 : i32
              %dma_start3A_526 = tpu.memref_slice %arg3[%squeeze3A_513, %squeeze3A_515, %dma_start3A_525] : memref<1024x50x512xf32, #tpu.memory_space<hbm>> -> memref<1x1x512xf32, #tpu.memory_space<hbm>>
              %dma_start3A_527 = tpu.memref_squeeze %dma_start3A_526 : memref<1x1x512xf32, #tpu.memory_space<hbm>> -> memref<512xf32, #tpu.memory_space<hbm>>
              tpu.enqueue_dma source(%dma_start3A_527 : memref<512xf32, #tpu.memory_space<hbm>>) target(%dma_start3A_524 : memref<512xf32, #tpu.memory_space<vmem>>) target_semaphore(%run_scoped3A : memref<!tpu.dma_semaphore, #tpu.memory_space<semaphore_mem>>)
              %dma_wait3A_528 = arith.constant 0 : i32
              %dma_wait3A_529 = tpu.memref_slice %arg15[%add3A_438, %dma_wait3A_528] : memref<32x512xf32, #tpu.memory_space<vmem>> -> memref<1x512xf32, #tpu.memory_space<vmem>>
              %dma_wait3A_530 = tpu.memref_squeeze %dma_wait3A_529 : memref<1x512xf32, #tpu.memory_space<vmem>> -> memref<512xf32, #tpu.memory_space<vmem>>
              %dma_wait3A_531 = arith.constant 0 : i32
              %dma_wait3A_532 = tpu.memref_slice %arg3[%squeeze3A_513, %squeeze3A_515, %dma_wait3A_531] : memref<1024x50x512xf32, #tpu.memory_space<hbm>> -> memref<1x1x512xf32, #tpu.memory_space<hbm>>
              %dma_wait3A_533 = tpu.memref_squeeze %dma_wait3A_532 : memref<1x1x512xf32, #tpu.memory_space<hbm>> -> memref<512xf32, #tpu.memory_space<hbm>>
              %dma_wait3A_534 = arith.constant 0 : i32
              %dma_wait3A_535 = tpu.memref_slice %arg15[%add3A_438, %dma_wait3A_534] : memref<32x512xf32, #tpu.memory_space<vmem>> -> memref<1x512xf32, #tpu.memory_space<vmem>>
              %dma_wait3A_536 = tpu.memref_squeeze %dma_wait3A_535 : memref<1x512xf32, #tpu.memory_space<vmem>> -> memref<512xf32, #tpu.memory_space<vmem>>
              %dma_wait3A_537 = arith.constant 0 : i32
              %dma_wait3A_538 = tpu.memref_slice %arg3[%squeeze3A_513, %squeeze3A_515, %dma_wait3A_537] : memref<1024x50x512xf32, #tpu.memory_space<hbm>> -> memref<1x1x512xf32, #tpu.memory_space<hbm>>
              %dma_wait3A_539 = tpu.memref_squeeze %dma_wait3A_538 : memref<1x1x512xf32, #tpu.memory_space<hbm>> -> memref<512xf32, #tpu.memory_space<hbm>>
              tpu.wait_dma2 semaphore(%run_scoped3A : memref<!tpu.dma_semaphore, #tpu.memory_space<semaphore_mem>>) src(%dma_wait3A_539 : memref<512xf32, #tpu.memory_space<hbm>>) dst(%dma_wait3A_536 : memref<512xf32, #tpu.memory_space<vmem>>)
              tpu.yield
            }) : () -> ()
          } else {
          }
          %mul3A_446 = arith.constant 16 : i32
          %mul3A_447 = arith.muli %scan3A_321, %mul3A_446 : i32
          %add3A_448 = arith.constant 10 : i32
          %add3A_449 = arith.addi %mul3A_447, %add3A_448 : i32
          %slice3A_450 = vector.extract_strided_slice %get3A_326 {offsets = [10], sizes = [1], strides = [1]} : vector<16xi32> to vector<1xi32>
          %squeeze3A_451 = vector.extract %slice3A_450[0] : i32 from vector<1xi32>
          %ne3A_452 = arith.constant 0 : i32
          %ne3A_453 = arith.cmpi ne, %squeeze3A_451, %ne3A_452 : i32
          %convert_element_type3A_454 = arith.extui %ne3A_453 : i1 to i32
          %cond3A_455 = arith.constant 0 : i32
          %cond3A_456 = arith.cmpi ne, %convert_element_type3A_454, %cond3A_455 : i32
          scf.if %cond3A_456 {
            %slice3A_512 = vector.extract_strided_slice %get3A_331 {offsets = [10], sizes = [1], strides = [1]} : vector<16xi32> to vector<1xi32>
            %squeeze3A_513 = vector.extract %slice3A_512[0] : i32 from vector<1xi32>
            %slice3A_514 = vector.extract_strided_slice %get3A_336 {offsets = [10], sizes = [1], strides = [1]} : vector<16xi32> to vector<1xi32>
            %squeeze3A_515 = vector.extract %slice3A_514[0] : i32 from vector<1xi32>
            "tpu.region"() ({
              %run_scoped3A = tpu.sem_alloc : memref<!tpu.dma_semaphore, #tpu.memory_space<semaphore_mem>>
              %dma_start3A_516 = arith.constant 0 : i32
              %dma_start3A_517 = tpu.memref_slice %arg15[%add3A_449, %dma_start3A_516] : memref<32x512xf32, #tpu.memory_space<vmem>> -> memref<1x512xf32, #tpu.memory_space<vmem>>
              %dma_start3A_518 = tpu.memref_squeeze %dma_start3A_517 : memref<1x512xf32, #tpu.memory_space<vmem>> -> memref<512xf32, #tpu.memory_space<vmem>>
              %dma_start3A_519 = arith.constant 0 : i32
              %dma_start3A_520 = tpu.memref_slice %arg3[%squeeze3A_513, %squeeze3A_515, %dma_start3A_519] : memref<1024x50x512xf32, #tpu.memory_space<hbm>> -> memref<1x1x512xf32, #tpu.memory_space<hbm>>
              %dma_start3A_521 = tpu.memref_squeeze %dma_start3A_520 : memref<1x1x512xf32, #tpu.memory_space<hbm>> -> memref<512xf32, #tpu.memory_space<hbm>>
              %dma_start3A_522 = arith.constant 0 : i32
              %dma_start3A_523 = tpu.memref_slice %arg15[%add3A_449, %dma_start3A_522] : memref<32x512xf32, #tpu.memory_space<vmem>> -> memref<1x512xf32, #tpu.memory_space<vmem>>
              %dma_start3A_524 = tpu.memref_squeeze %dma_start3A_523 : memref<1x512xf32, #tpu.memory_space<vmem>> -> memref<512xf32, #tpu.memory_space<vmem>>
              %dma_start3A_525 = arith.constant 0 : i32
              %dma_start3A_526 = tpu.memref_slice %arg3[%squeeze3A_513, %squeeze3A_515, %dma_start3A_525] : memref<1024x50x512xf32, #tpu.memory_space<hbm>> -> memref<1x1x512xf32, #tpu.memory_space<hbm>>
              %dma_start3A_527 = tpu.memref_squeeze %dma_start3A_526 : memref<1x1x512xf32, #tpu.memory_space<hbm>> -> memref<512xf32, #tpu.memory_space<hbm>>
              tpu.enqueue_dma source(%dma_start3A_527 : memref<512xf32, #tpu.memory_space<hbm>>) target(%dma_start3A_524 : memref<512xf32, #tpu.memory_space<vmem>>) target_semaphore(%run_scoped3A : memref<!tpu.dma_semaphore, #tpu.memory_space<semaphore_mem>>)
              %dma_wait3A_528 = arith.constant 0 : i32
              %dma_wait3A_529 = tpu.memref_slice %arg15[%add3A_449, %dma_wait3A_528] : memref<32x512xf32, #tpu.memory_space<vmem>> -> memref<1x512xf32, #tpu.memory_space<vmem>>
              %dma_wait3A_530 = tpu.memref_squeeze %dma_wait3A_529 : memref<1x512xf32, #tpu.memory_space<vmem>> -> memref<512xf32, #tpu.memory_space<vmem>>
              %dma_wait3A_531 = arith.constant 0 : i32
              %dma_wait3A_532 = tpu.memref_slice %arg3[%squeeze3A_513, %squeeze3A_515, %dma_wait3A_531] : memref<1024x50x512xf32, #tpu.memory_space<hbm>> -> memref<1x1x512xf32, #tpu.memory_space<hbm>>
              %dma_wait3A_533 = tpu.memref_squeeze %dma_wait3A_532 : memref<1x1x512xf32, #tpu.memory_space<hbm>> -> memref<512xf32, #tpu.memory_space<hbm>>
              %dma_wait3A_534 = arith.constant 0 : i32
              %dma_wait3A_535 = tpu.memref_slice %arg15[%add3A_449, %dma_wait3A_534] : memref<32x512xf32, #tpu.memory_space<vmem>> -> memref<1x512xf32, #tpu.memory_space<vmem>>
              %dma_wait3A_536 = tpu.memref_squeeze %dma_wait3A_535 : memref<1x512xf32, #tpu.memory_space<vmem>> -> memref<512xf32, #tpu.memory_space<vmem>>
              %dma_wait3A_537 = arith.constant 0 : i32
              %dma_wait3A_538 = tpu.memref_slice %arg3[%squeeze3A_513, %squeeze3A_515, %dma_wait3A_537] : memref<1024x50x512xf32, #tpu.memory_space<hbm>> -> memref<1x1x512xf32, #tpu.memory_space<hbm>>
              %dma_wait3A_539 = tpu.memref_squeeze %dma_wait3A_538 : memref<1x1x512xf32, #tpu.memory_space<hbm>> -> memref<512xf32, #tpu.memory_space<hbm>>
              tpu.wait_dma2 semaphore(%run_scoped3A : memref<!tpu.dma_semaphore, #tpu.memory_space<semaphore_mem>>) src(%dma_wait3A_539 : memref<512xf32, #tpu.memory_space<hbm>>) dst(%dma_wait3A_536 : memref<512xf32, #tpu.memory_space<vmem>>)
              tpu.yield
            }) : () -> ()
          } else {
          }
          %mul3A_457 = arith.constant 16 : i32
          %mul3A_458 = arith.muli %scan3A_321, %mul3A_457 : i32
          %add3A_459 = arith.constant 11 : i32
          %add3A_460 = arith.addi %mul3A_458, %add3A_459 : i32
          %slice3A_461 = vector.extract_strided_slice %get3A_326 {offsets = [11], sizes = [1], strides = [1]} : vector<16xi32> to vector<1xi32>
          %squeeze3A_462 = vector.extract %slice3A_461[0] : i32 from vector<1xi32>
          %ne3A_463 = arith.constant 0 : i32
          %ne3A_464 = arith.cmpi ne, %squeeze3A_462, %ne3A_463 : i32
          %convert_element_type3A_465 = arith.extui %ne3A_464 : i1 to i32
          %cond3A_466 = arith.constant 0 : i32
          %cond3A_467 = arith.cmpi ne, %convert_element_type3A_465, %cond3A_466 : i32
          scf.if %cond3A_467 {
            %slice3A_512 = vector.extract_strided_slice %get3A_331 {offsets = [11], sizes = [1], strides = [1]} : vector<16xi32> to vector<1xi32>
            %squeeze3A_513 = vector.extract %slice3A_512[0] : i32 from vector<1xi32>
            %slice3A_514 = vector.extract_strided_slice %get3A_336 {offsets = [11], sizes = [1], strides = [1]} : vector<16xi32> to vector<1xi32>
            %squeeze3A_515 = vector.extract %slice3A_514[0] : i32 from vector<1xi32>
            "tpu.region"() ({
              %run_scoped3A = tpu.sem_alloc : memref<!tpu.dma_semaphore, #tpu.memory_space<semaphore_mem>>
              %dma_start3A_516 = arith.constant 0 : i32
              %dma_start3A_517 = tpu.memref_slice %arg15[%add3A_460, %dma_start3A_516] : memref<32x512xf32, #tpu.memory_space<vmem>> -> memref<1x512xf32, #tpu.memory_space<vmem>>
              %dma_start3A_518 = tpu.memref_squeeze %dma_start3A_517 : memref<1x512xf32, #tpu.memory_space<vmem>> -> memref<512xf32, #tpu.memory_space<vmem>>
              %dma_start3A_519 = arith.constant 0 : i32
              %dma_start3A_520 = tpu.memref_slice %arg3[%squeeze3A_513, %squeeze3A_515, %dma_start3A_519] : memref<1024x50x512xf32, #tpu.memory_space<hbm>> -> memref<1x1x512xf32, #tpu.memory_space<hbm>>
              %dma_start3A_521 = tpu.memref_squeeze %dma_start3A_520 : memref<1x1x512xf32, #tpu.memory_space<hbm>> -> memref<512xf32, #tpu.memory_space<hbm>>
              %dma_start3A_522 = arith.constant 0 : i32
              %dma_start3A_523 = tpu.memref_slice %arg15[%add3A_460, %dma_start3A_522] : memref<32x512xf32, #tpu.memory_space<vmem>> -> memref<1x512xf32, #tpu.memory_space<vmem>>
              %dma_start3A_524 = tpu.memref_squeeze %dma_start3A_523 : memref<1x512xf32, #tpu.memory_space<vmem>> -> memref<512xf32, #tpu.memory_space<vmem>>
              %dma_start3A_525 = arith.constant 0 : i32
              %dma_start3A_526 = tpu.memref_slice %arg3[%squeeze3A_513, %squeeze3A_515, %dma_start3A_525] : memref<1024x50x512xf32, #tpu.memory_space<hbm>> -> memref<1x1x512xf32, #tpu.memory_space<hbm>>
              %dma_start3A_527 = tpu.memref_squeeze %dma_start3A_526 : memref<1x1x512xf32, #tpu.memory_space<hbm>> -> memref<512xf32, #tpu.memory_space<hbm>>
              tpu.enqueue_dma source(%dma_start3A_527 : memref<512xf32, #tpu.memory_space<hbm>>) target(%dma_start3A_524 : memref<512xf32, #tpu.memory_space<vmem>>) target_semaphore(%run_scoped3A : memref<!tpu.dma_semaphore, #tpu.memory_space<semaphore_mem>>)
              %dma_wait3A_528 = arith.constant 0 : i32
              %dma_wait3A_529 = tpu.memref_slice %arg15[%add3A_460, %dma_wait3A_528] : memref<32x512xf32, #tpu.memory_space<vmem>> -> memref<1x512xf32, #tpu.memory_space<vmem>>
              %dma_wait3A_530 = tpu.memref_squeeze %dma_wait3A_529 : memref<1x512xf32, #tpu.memory_space<vmem>> -> memref<512xf32, #tpu.memory_space<vmem>>
              %dma_wait3A_531 = arith.constant 0 : i32
              %dma_wait3A_532 = tpu.memref_slice %arg3[%squeeze3A_513, %squeeze3A_515, %dma_wait3A_531] : memref<1024x50x512xf32, #tpu.memory_space<hbm>> -> memref<1x1x512xf32, #tpu.memory_space<hbm>>
              %dma_wait3A_533 = tpu.memref_squeeze %dma_wait3A_532 : memref<1x1x512xf32, #tpu.memory_space<hbm>> -> memref<512xf32, #tpu.memory_space<hbm>>
              %dma_wait3A_534 = arith.constant 0 : i32
              %dma_wait3A_535 = tpu.memref_slice %arg15[%add3A_460, %dma_wait3A_534] : memref<32x512xf32, #tpu.memory_space<vmem>> -> memref<1x512xf32, #tpu.memory_space<vmem>>
              %dma_wait3A_536 = tpu.memref_squeeze %dma_wait3A_535 : memref<1x512xf32, #tpu.memory_space<vmem>> -> memref<512xf32, #tpu.memory_space<vmem>>
              %dma_wait3A_537 = arith.constant 0 : i32
              %dma_wait3A_538 = tpu.memref_slice %arg3[%squeeze3A_513, %squeeze3A_515, %dma_wait3A_537] : memref<1024x50x512xf32, #tpu.memory_space<hbm>> -> memref<1x1x512xf32, #tpu.memory_space<hbm>>
              %dma_wait3A_539 = tpu.memref_squeeze %dma_wait3A_538 : memref<1x1x512xf32, #tpu.memory_space<hbm>> -> memref<512xf32, #tpu.memory_space<hbm>>
              tpu.wait_dma2 semaphore(%run_scoped3A : memref<!tpu.dma_semaphore, #tpu.memory_space<semaphore_mem>>) src(%dma_wait3A_539 : memref<512xf32, #tpu.memory_space<hbm>>) dst(%dma_wait3A_536 : memref<512xf32, #tpu.memory_space<vmem>>)
              tpu.yield
            }) : () -> ()
          } else {
          }
          %mul3A_468 = arith.constant 16 : i32
          %mul3A_469 = arith.muli %scan3A_321, %mul3A_468 : i32
          %add3A_470 = arith.constant 12 : i32
          %add3A_471 = arith.addi %mul3A_469, %add3A_470 : i32
          %slice3A_472 = vector.extract_strided_slice %get3A_326 {offsets = [12], sizes = [1], strides = [1]} : vector<16xi32> to vector<1xi32>
          %squeeze3A_473 = vector.extract %slice3A_472[0] : i32 from vector<1xi32>
          %ne3A_474 = arith.constant 0 : i32
          %ne3A_475 = arith.cmpi ne, %squeeze3A_473, %ne3A_474 : i32
          %convert_element_type3A_476 = arith.extui %ne3A_475 : i1 to i32
          %cond3A_477 = arith.constant 0 : i32
          %cond3A_478 = arith.cmpi ne, %convert_element_type3A_476, %cond3A_477 : i32
          scf.if %cond3A_478 {
            %slice3A_512 = vector.extract_strided_slice %get3A_331 {offsets = [12], sizes = [1], strides = [1]} : vector<16xi32> to vector<1xi32>
            %squeeze3A_513 = vector.extract %slice3A_512[0] : i32 from vector<1xi32>
            %slice3A_514 = vector.extract_strided_slice %get3A_336 {offsets = [12], sizes = [1], strides = [1]} : vector<16xi32> to vector<1xi32>
            %squeeze3A_515 = vector.extract %slice3A_514[0] : i32 from vector<1xi32>
            "tpu.region"() ({
              %run_scoped3A = tpu.sem_alloc : memref<!tpu.dma_semaphore, #tpu.memory_space<semaphore_mem>>
              %dma_start3A_516 = arith.constant 0 : i32
              %dma_start3A_517 = tpu.memref_slice %arg15[%add3A_471, %dma_start3A_516] : memref<32x512xf32, #tpu.memory_space<vmem>> -> memref<1x512xf32, #tpu.memory_space<vmem>>
              %dma_start3A_518 = tpu.memref_squeeze %dma_start3A_517 : memref<1x512xf32, #tpu.memory_space<vmem>> -> memref<512xf32, #tpu.memory_space<vmem>>
              %dma_start3A_519 = arith.constant 0 : i32
              %dma_start3A_520 = tpu.memref_slice %arg3[%squeeze3A_513, %squeeze3A_515, %dma_start3A_519] : memref<1024x50x512xf32, #tpu.memory_space<hbm>> -> memref<1x1x512xf32, #tpu.memory_space<hbm>>
              %dma_start3A_521 = tpu.memref_squeeze %dma_start3A_520 : memref<1x1x512xf32, #tpu.memory_space<hbm>> -> memref<512xf32, #tpu.memory_space<hbm>>
              %dma_start3A_522 = arith.constant 0 : i32
              %dma_start3A_523 = tpu.memref_slice %arg15[%add3A_471, %dma_start3A_522] : memref<32x512xf32, #tpu.memory_space<vmem>> -> memref<1x512xf32, #tpu.memory_space<vmem>>
              %dma_start3A_524 = tpu.memref_squeeze %dma_start3A_523 : memref<1x512xf32, #tpu.memory_space<vmem>> -> memref<512xf32, #tpu.memory_space<vmem>>
              %dma_start3A_525 = arith.constant 0 : i32
              %dma_start3A_526 = tpu.memref_slice %arg3[%squeeze3A_513, %squeeze3A_515, %dma_start3A_525] : memref<1024x50x512xf32, #tpu.memory_space<hbm>> -> memref<1x1x512xf32, #tpu.memory_space<hbm>>
              %dma_start3A_527 = tpu.memref_squeeze %dma_start3A_526 : memref<1x1x512xf32, #tpu.memory_space<hbm>> -> memref<512xf32, #tpu.memory_space<hbm>>
              tpu.enqueue_dma source(%dma_start3A_527 : memref<512xf32, #tpu.memory_space<hbm>>) target(%dma_start3A_524 : memref<512xf32, #tpu.memory_space<vmem>>) target_semaphore(%run_scoped3A : memref<!tpu.dma_semaphore, #tpu.memory_space<semaphore_mem>>)
              %dma_wait3A_528 = arith.constant 0 : i32
              %dma_wait3A_529 = tpu.memref_slice %arg15[%add3A_471, %dma_wait3A_528] : memref<32x512xf32, #tpu.memory_space<vmem>> -> memref<1x512xf32, #tpu.memory_space<vmem>>
              %dma_wait3A_530 = tpu.memref_squeeze %dma_wait3A_529 : memref<1x512xf32, #tpu.memory_space<vmem>> -> memref<512xf32, #tpu.memory_space<vmem>>
              %dma_wait3A_531 = arith.constant 0 : i32
              %dma_wait3A_532 = tpu.memref_slice %arg3[%squeeze3A_513, %squeeze3A_515, %dma_wait3A_531] : memref<1024x50x512xf32, #tpu.memory_space<hbm>> -> memref<1x1x512xf32, #tpu.memory_space<hbm>>
              %dma_wait3A_533 = tpu.memref_squeeze %dma_wait3A_532 : memref<1x1x512xf32, #tpu.memory_space<hbm>> -> memref<512xf32, #tpu.memory_space<hbm>>
              %dma_wait3A_534 = arith.constant 0 : i32
              %dma_wait3A_535 = tpu.memref_slice %arg15[%add3A_471, %dma_wait3A_534] : memref<32x512xf32, #tpu.memory_space<vmem>> -> memref<1x512xf32, #tpu.memory_space<vmem>>
              %dma_wait3A_536 = tpu.memref_squeeze %dma_wait3A_535 : memref<1x512xf32, #tpu.memory_space<vmem>> -> memref<512xf32, #tpu.memory_space<vmem>>
              %dma_wait3A_537 = arith.constant 0 : i32
              %dma_wait3A_538 = tpu.memref_slice %arg3[%squeeze3A_513, %squeeze3A_515, %dma_wait3A_537] : memref<1024x50x512xf32, #tpu.memory_space<hbm>> -> memref<1x1x512xf32, #tpu.memory_space<hbm>>
              %dma_wait3A_539 = tpu.memref_squeeze %dma_wait3A_538 : memref<1x1x512xf32, #tpu.memory_space<hbm>> -> memref<512xf32, #tpu.memory_space<hbm>>
              tpu.wait_dma2 semaphore(%run_scoped3A : memref<!tpu.dma_semaphore, #tpu.memory_space<semaphore_mem>>) src(%dma_wait3A_539 : memref<512xf32, #tpu.memory_space<hbm>>) dst(%dma_wait3A_536 : memref<512xf32, #tpu.memory_space<vmem>>)
              tpu.yield
            }) : () -> ()
          } else {
          }
          %mul3A_479 = arith.constant 16 : i32
          %mul3A_480 = arith.muli %scan3A_321, %mul3A_479 : i32
          %add3A_481 = arith.constant 13 : i32
          %add3A_482 = arith.addi %mul3A_480, %add3A_481 : i32
          %slice3A_483 = vector.extract_strided_slice %get3A_326 {offsets = [13], sizes = [1], strides = [1]} : vector<16xi32> to vector<1xi32>
          %squeeze3A_484 = vector.extract %slice3A_483[0] : i32 from vector<1xi32>
          %ne3A_485 = arith.constant 0 : i32
          %ne3A_486 = arith.cmpi ne, %squeeze3A_484, %ne3A_485 : i32
          %convert_element_type3A_487 = arith.extui %ne3A_486 : i1 to i32
          %cond3A_488 = arith.constant 0 : i32
          %cond3A_489 = arith.cmpi ne, %convert_element_type3A_487, %cond3A_488 : i32
          scf.if %cond3A_489 {
            %slice3A_512 = vector.extract_strided_slice %get3A_331 {offsets = [13], sizes = [1], strides = [1]} : vector<16xi32> to vector<1xi32>
            %squeeze3A_513 = vector.extract %slice3A_512[0] : i32 from vector<1xi32>
            %slice3A_514 = vector.extract_strided_slice %get3A_336 {offsets = [13], sizes = [1], strides = [1]} : vector<16xi32> to vector<1xi32>
            %squeeze3A_515 = vector.extract %slice3A_514[0] : i32 from vector<1xi32>
            "tpu.region"() ({
              %run_scoped3A = tpu.sem_alloc : memref<!tpu.dma_semaphore, #tpu.memory_space<semaphore_mem>>
              %dma_start3A_516 = arith.constant 0 : i32
              %dma_start3A_517 = tpu.memref_slice %arg15[%add3A_482, %dma_start3A_516] : memref<32x512xf32, #tpu.memory_space<vmem>> -> memref<1x512xf32, #tpu.memory_space<vmem>>
              %dma_start3A_518 = tpu.memref_squeeze %dma_start3A_517 : memref<1x512xf32, #tpu.memory_space<vmem>> -> memref<512xf32, #tpu.memory_space<vmem>>
              %dma_start3A_519 = arith.constant 0 : i32
              %dma_start3A_520 = tpu.memref_slice %arg3[%squeeze3A_513, %squeeze3A_515, %dma_start3A_519] : memref<1024x50x512xf32, #tpu.memory_space<hbm>> -> memref<1x1x512xf32, #tpu.memory_space<hbm>>
              %dma_start3A_521 = tpu.memref_squeeze %dma_start3A_520 : memref<1x1x512xf32, #tpu.memory_space<hbm>> -> memref<512xf32, #tpu.memory_space<hbm>>
              %dma_start3A_522 = arith.constant 0 : i32
              %dma_start3A_523 = tpu.memref_slice %arg15[%add3A_482, %dma_start3A_522] : memref<32x512xf32, #tpu.memory_space<vmem>> -> memref<1x512xf32, #tpu.memory_space<vmem>>
              %dma_start3A_524 = tpu.memref_squeeze %dma_start3A_523 : memref<1x512xf32, #tpu.memory_space<vmem>> -> memref<512xf32, #tpu.memory_space<vmem>>
              %dma_start3A_525 = arith.constant 0 : i32
              %dma_start3A_526 = tpu.memref_slice %arg3[%squeeze3A_513, %squeeze3A_515, %dma_start3A_525] : memref<1024x50x512xf32, #tpu.memory_space<hbm>> -> memref<1x1x512xf32, #tpu.memory_space<hbm>>
              %dma_start3A_527 = tpu.memref_squeeze %dma_start3A_526 : memref<1x1x512xf32, #tpu.memory_space<hbm>> -> memref<512xf32, #tpu.memory_space<hbm>>
              tpu.enqueue_dma source(%dma_start3A_527 : memref<512xf32, #tpu.memory_space<hbm>>) target(%dma_start3A_524 : memref<512xf32, #tpu.memory_space<vmem>>) target_semaphore(%run_scoped3A : memref<!tpu.dma_semaphore, #tpu.memory_space<semaphore_mem>>)
              %dma_wait3A_528 = arith.constant 0 : i32
              %dma_wait3A_529 = tpu.memref_slice %arg15[%add3A_482, %dma_wait3A_528] : memref<32x512xf32, #tpu.memory_space<vmem>> -> memref<1x512xf32, #tpu.memory_space<vmem>>
              %dma_wait3A_530 = tpu.memref_squeeze %dma_wait3A_529 : memref<1x512xf32, #tpu.memory_space<vmem>> -> memref<512xf32, #tpu.memory_space<vmem>>
              %dma_wait3A_531 = arith.constant 0 : i32
              %dma_wait3A_532 = tpu.memref_slice %arg3[%squeeze3A_513, %squeeze3A_515, %dma_wait3A_531] : memref<1024x50x512xf32, #tpu.memory_space<hbm>> -> memref<1x1x512xf32, #tpu.memory_space<hbm>>
              %dma_wait3A_533 = tpu.memref_squeeze %dma_wait3A_532 : memref<1x1x512xf32, #tpu.memory_space<hbm>> -> memref<512xf32, #tpu.memory_space<hbm>>
              %dma_wait3A_534 = arith.constant 0 : i32
              %dma_wait3A_535 = tpu.memref_slice %arg15[%add3A_482, %dma_wait3A_534] : memref<32x512xf32, #tpu.memory_space<vmem>> -> memref<1x512xf32, #tpu.memory_space<vmem>>
              %dma_wait3A_536 = tpu.memref_squeeze %dma_wait3A_535 : memref<1x512xf32, #tpu.memory_space<vmem>> -> memref<512xf32, #tpu.memory_space<vmem>>
              %dma_wait3A_537 = arith.constant 0 : i32
              %dma_wait3A_538 = tpu.memref_slice %arg3[%squeeze3A_513, %squeeze3A_515, %dma_wait3A_537] : memref<1024x50x512xf32, #tpu.memory_space<hbm>> -> memref<1x1x512xf32, #tpu.memory_space<hbm>>
              %dma_wait3A_539 = tpu.memref_squeeze %dma_wait3A_538 : memref<1x1x512xf32, #tpu.memory_space<hbm>> -> memref<512xf32, #tpu.memory_space<hbm>>
              tpu.wait_dma2 semaphore(%run_scoped3A : memref<!tpu.dma_semaphore, #tpu.memory_space<semaphore_mem>>) src(%dma_wait3A_539 : memref<512xf32, #tpu.memory_space<hbm>>) dst(%dma_wait3A_536 : memref<512xf32, #tpu.memory_space<vmem>>)
              tpu.yield
            }) : () -> ()
          } else {
          }
          %mul3A_490 = arith.constant 16 : i32
          %mul3A_491 = arith.muli %scan3A_321, %mul3A_490 : i32
          %add3A_492 = arith.constant 14 : i32
          %add3A_493 = arith.addi %mul3A_491, %add3A_492 : i32
          %slice3A_494 = vector.extract_strided_slice %get3A_326 {offsets = [14], sizes = [1], strides = [1]} : vector<16xi32> to vector<1xi32>
          %squeeze3A_495 = vector.extract %slice3A_494[0] : i32 from vector<1xi32>
          %ne3A_496 = arith.constant 0 : i32
          %ne3A_497 = arith.cmpi ne, %squeeze3A_495, %ne3A_496 : i32
          %convert_element_type3A_498 = arith.extui %ne3A_497 : i1 to i32
          %cond3A_499 = arith.constant 0 : i32
          %cond3A_500 = arith.cmpi ne, %convert_element_type3A_498, %cond3A_499 : i32
          scf.if %cond3A_500 {
            %slice3A_512 = vector.extract_strided_slice %get3A_331 {offsets = [14], sizes = [1], strides = [1]} : vector<16xi32> to vector<1xi32>
            %squeeze3A_513 = vector.extract %slice3A_512[0] : i32 from vector<1xi32>
            %slice3A_514 = vector.extract_strided_slice %get3A_336 {offsets = [14], sizes = [1], strides = [1]} : vector<16xi32> to vector<1xi32>
            %squeeze3A_515 = vector.extract %slice3A_514[0] : i32 from vector<1xi32>
            "tpu.region"() ({
              %run_scoped3A = tpu.sem_alloc : memref<!tpu.dma_semaphore, #tpu.memory_space<semaphore_mem>>
              %dma_start3A_516 = arith.constant 0 : i32
              %dma_start3A_517 = tpu.memref_slice %arg15[%add3A_493, %dma_start3A_516] : memref<32x512xf32, #tpu.memory_space<vmem>> -> memref<1x512xf32, #tpu.memory_space<vmem>>
              %dma_start3A_518 = tpu.memref_squeeze %dma_start3A_517 : memref<1x512xf32, #tpu.memory_space<vmem>> -> memref<512xf32, #tpu.memory_space<vmem>>
              %dma_start3A_519 = arith.constant 0 : i32
              %dma_start3A_520 = tpu.memref_slice %arg3[%squeeze3A_513, %squeeze3A_515, %dma_start3A_519] : memref<1024x50x512xf32, #tpu.memory_space<hbm>> -> memref<1x1x512xf32, #tpu.memory_space<hbm>>
              %dma_start3A_521 = tpu.memref_squeeze %dma_start3A_520 : memref<1x1x512xf32, #tpu.memory_space<hbm>> -> memref<512xf32, #tpu.memory_space<hbm>>
              %dma_start3A_522 = arith.constant 0 : i32
              %dma_start3A_523 = tpu.memref_slice %arg15[%add3A_493, %dma_start3A_522] : memref<32x512xf32, #tpu.memory_space<vmem>> -> memref<1x512xf32, #tpu.memory_space<vmem>>
              %dma_start3A_524 = tpu.memref_squeeze %dma_start3A_523 : memref<1x512xf32, #tpu.memory_space<vmem>> -> memref<512xf32, #tpu.memory_space<vmem>>
              %dma_start3A_525 = arith.constant 0 : i32
              %dma_start3A_526 = tpu.memref_slice %arg3[%squeeze3A_513, %squeeze3A_515, %dma_start3A_525] : memref<1024x50x512xf32, #tpu.memory_space<hbm>> -> memref<1x1x512xf32, #tpu.memory_space<hbm>>
              %dma_start3A_527 = tpu.memref_squeeze %dma_start3A_526 : memref<1x1x512xf32, #tpu.memory_space<hbm>> -> memref<512xf32, #tpu.memory_space<hbm>>
              tpu.enqueue_dma source(%dma_start3A_527 : memref<512xf32, #tpu.memory_space<hbm>>) target(%dma_start3A_524 : memref<512xf32, #tpu.memory_space<vmem>>) target_semaphore(%run_scoped3A : memref<!tpu.dma_semaphore, #tpu.memory_space<semaphore_mem>>)
              %dma_wait3A_528 = arith.constant 0 : i32
              %dma_wait3A_529 = tpu.memref_slice %arg15[%add3A_493, %dma_wait3A_528] : memref<32x512xf32, #tpu.memory_space<vmem>> -> memref<1x512xf32, #tpu.memory_space<vmem>>
              %dma_wait3A_530 = tpu.memref_squeeze %dma_wait3A_529 : memref<1x512xf32, #tpu.memory_space<vmem>> -> memref<512xf32, #tpu.memory_space<vmem>>
              %dma_wait3A_531 = arith.constant 0 : i32
              %dma_wait3A_532 = tpu.memref_slice %arg3[%squeeze3A_513, %squeeze3A_515, %dma_wait3A_531] : memref<1024x50x512xf32, #tpu.memory_space<hbm>> -> memref<1x1x512xf32, #tpu.memory_space<hbm>>
              %dma_wait3A_533 = tpu.memref_squeeze %dma_wait3A_532 : memref<1x1x512xf32, #tpu.memory_space<hbm>> -> memref<512xf32, #tpu.memory_space<hbm>>
              %dma_wait3A_534 = arith.constant 0 : i32
              %dma_wait3A_535 = tpu.memref_slice %arg15[%add3A_493, %dma_wait3A_534] : memref<32x512xf32, #tpu.memory_space<vmem>> -> memref<1x512xf32, #tpu.memory_space<vmem>>
              %dma_wait3A_536 = tpu.memref_squeeze %dma_wait3A_535 : memref<1x512xf32, #tpu.memory_space<vmem>> -> memref<512xf32, #tpu.memory_space<vmem>>
              %dma_wait3A_537 = arith.constant 0 : i32
              %dma_wait3A_538 = tpu.memref_slice %arg3[%squeeze3A_513, %squeeze3A_515, %dma_wait3A_537] : memref<1024x50x512xf32, #tpu.memory_space<hbm>> -> memref<1x1x512xf32, #tpu.memory_space<hbm>>
              %dma_wait3A_539 = tpu.memref_squeeze %dma_wait3A_538 : memref<1x1x512xf32, #tpu.memory_space<hbm>> -> memref<512xf32, #tpu.memory_space<hbm>>
              tpu.wait_dma2 semaphore(%run_scoped3A : memref<!tpu.dma_semaphore, #tpu.memory_space<semaphore_mem>>) src(%dma_wait3A_539 : memref<512xf32, #tpu.memory_space<hbm>>) dst(%dma_wait3A_536 : memref<512xf32, #tpu.memory_space<vmem>>)
              tpu.yield
            }) : () -> ()
          } else {
          }
          %mul3A_501 = arith.constant 16 : i32
          %mul3A_502 = arith.muli %scan3A_321, %mul3A_501 : i32
          %add3A_503 = arith.constant 15 : i32
          %add3A_504 = arith.addi %mul3A_502, %add3A_503 : i32
          %slice3A_505 = vector.extract_strided_slice %get3A_326 {offsets = [15], sizes = [1], strides = [1]} : vector<16xi32> to vector<1xi32>
          %squeeze3A_506 = vector.extract %slice3A_505[0] : i32 from vector<1xi32>
          %ne3A_507 = arith.constant 0 : i32
          %ne3A_508 = arith.cmpi ne, %squeeze3A_506, %ne3A_507 : i32
          %convert_element_type3A_509 = arith.extui %ne3A_508 : i1 to i32
          %cond3A_510 = arith.constant 0 : i32
          %cond3A_511 = arith.cmpi ne, %convert_element_type3A_509, %cond3A_510 : i32
          scf.if %cond3A_511 {
            %slice3A_512 = vector.extract_strided_slice %get3A_331 {offsets = [15], sizes = [1], strides = [1]} : vector<16xi32> to vector<1xi32>
            %squeeze3A_513 = vector.extract %slice3A_512[0] : i32 from vector<1xi32>
            %slice3A_514 = vector.extract_strided_slice %get3A_336 {offsets = [15], sizes = [1], strides = [1]} : vector<16xi32> to vector<1xi32>
            %squeeze3A_515 = vector.extract %slice3A_514[0] : i32 from vector<1xi32>
            "tpu.region"() ({
              %run_scoped3A = tpu.sem_alloc : memref<!tpu.dma_semaphore, #tpu.memory_space<semaphore_mem>>
              %dma_start3A_516 = arith.constant 0 : i32
              %dma_start3A_517 = tpu.memref_slice %arg15[%add3A_504, %dma_start3A_516] : memref<32x512xf32, #tpu.memory_space<vmem>> -> memref<1x512xf32, #tpu.memory_space<vmem>>
              %dma_start3A_518 = tpu.memref_squeeze %dma_start3A_517 : memref<1x512xf32, #tpu.memory_space<vmem>> -> memref<512xf32, #tpu.memory_space<vmem>>
              %dma_start3A_519 = arith.constant 0 : i32
              %dma_start3A_520 = tpu.memref_slice %arg3[%squeeze3A_513, %squeeze3A_515, %dma_start3A_519] : memref<1024x50x512xf32, #tpu.memory_space<hbm>> -> memref<1x1x512xf32, #tpu.memory_space<hbm>>
              %dma_start3A_521 = tpu.memref_squeeze %dma_start3A_520 : memref<1x1x512xf32, #tpu.memory_space<hbm>> -> memref<512xf32, #tpu.memory_space<hbm>>
              %dma_start3A_522 = arith.constant 0 : i32
              %dma_start3A_523 = tpu.memref_slice %arg15[%add3A_504, %dma_start3A_522] : memref<32x512xf32, #tpu.memory_space<vmem>> -> memref<1x512xf32, #tpu.memory_space<vmem>>
              %dma_start3A_524 = tpu.memref_squeeze %dma_start3A_523 : memref<1x512xf32, #tpu.memory_space<vmem>> -> memref<512xf32, #tpu.memory_space<vmem>>
              %dma_start3A_525 = arith.constant 0 : i32
              %dma_start3A_526 = tpu.memref_slice %arg3[%squeeze3A_513, %squeeze3A_515, %dma_start3A_525] : memref<1024x50x512xf32, #tpu.memory_space<hbm>> -> memref<1x1x512xf32, #tpu.memory_space<hbm>>
              %dma_start3A_527 = tpu.memref_squeeze %dma_start3A_526 : memref<1x1x512xf32, #tpu.memory_space<hbm>> -> memref<512xf32, #tpu.memory_space<hbm>>
              tpu.enqueue_dma source(%dma_start3A_527 : memref<512xf32, #tpu.memory_space<hbm>>) target(%dma_start3A_524 : memref<512xf32, #tpu.memory_space<vmem>>) target_semaphore(%run_scoped3A : memref<!tpu.dma_semaphore, #tpu.memory_space<semaphore_mem>>)
              %dma_wait3A_528 = arith.constant 0 : i32
              %dma_wait3A_529 = tpu.memref_slice %arg15[%add3A_504, %dma_wait3A_528] : memref<32x512xf32, #tpu.memory_space<vmem>> -> memref<1x512xf32, #tpu.memory_space<vmem>>
              %dma_wait3A_530 = tpu.memref_squeeze %dma_wait3A_529 : memref<1x512xf32, #tpu.memory_space<vmem>> -> memref<512xf32, #tpu.memory_space<vmem>>
              %dma_wait3A_531 = arith.constant 0 : i32
              %dma_wait3A_532 = tpu.memref_slice %arg3[%squeeze3A_513, %squeeze3A_515, %dma_wait3A_531] : memref<1024x50x512xf32, #tpu.memory_space<hbm>> -> memref<1x1x512xf32, #tpu.memory_space<hbm>>
              %dma_wait3A_533 = tpu.memref_squeeze %dma_wait3A_532 : memref<1x1x512xf32, #tpu.memory_space<hbm>> -> memref<512xf32, #tpu.memory_space<hbm>>
              %dma_wait3A_534 = arith.constant 0 : i32
              %dma_wait3A_535 = tpu.memref_slice %arg15[%add3A_504, %dma_wait3A_534] : memref<32x512xf32, #tpu.memory_space<vmem>> -> memref<1x512xf32, #tpu.memory_space<vmem>>
              %dma_wait3A_536 = tpu.memref_squeeze %dma_wait3A_535 : memref<1x512xf32, #tpu.memory_space<vmem>> -> memref<512xf32, #tpu.memory_space<vmem>>
              %dma_wait3A_537 = arith.constant 0 : i32
              %dma_wait3A_538 = tpu.memref_slice %arg3[%squeeze3A_513, %squeeze3A_515, %dma_wait3A_537] : memref<1024x50x512xf32, #tpu.memory_space<hbm>> -> memref<1x1x512xf32, #tpu.memory_space<hbm>>
              %dma_wait3A_539 = tpu.memref_squeeze %dma_wait3A_538 : memref<1x1x512xf32, #tpu.memory_space<hbm>> -> memref<512xf32, #tpu.memory_space<hbm>>
              tpu.wait_dma2 semaphore(%run_scoped3A : memref<!tpu.dma_semaphore, #tpu.memory_space<semaphore_mem>>) src(%dma_wait3A_539 : memref<512xf32, #tpu.memory_space<hbm>>) dst(%dma_wait3A_536 : memref<512xf32, #tpu.memory_space<vmem>>)
              tpu.yield
            }) : () -> ()
          } else {
          }
        }
        %scan3A_320 = arith.constant 2 : i32
      } else {
      }
      %add3A_240 = arith.addi %mul3A_2, %mul3A_181 : i32
      "tpu.region"() ({
        %run_scoped3A = tpu.sem_alloc : memref<!tpu.dma_semaphore, #tpu.memory_space<semaphore_mem>>
        %dma_start3A_315 = arith.constant 0 : i32
        %dma_start3A_316 = tpu.memref_slice %arg5[%add3A_240, %dma_start3A_315] : memref<51200x512xf32, #tpu.memory_space<hbm>> -> memref<32x512xf32, #tpu.memory_space<hbm>>
        %dma_start3A_317 = arith.constant 0 : i32
        %dma_start3A_318 = tpu.memref_slice %arg5[%add3A_240, %dma_start3A_317] : memref<51200x512xf32, #tpu.memory_space<hbm>> -> memref<32x512xf32, #tpu.memory_space<hbm>>
        tpu.enqueue_dma source(%arg15 : memref<32x512xf32, #tpu.memory_space<vmem>>) target(%dma_start3A_318 : memref<32x512xf32, #tpu.memory_space<hbm>>) target_semaphore(%run_scoped3A : memref<!tpu.dma_semaphore, #tpu.memory_space<semaphore_mem>>)
        %dma_wait3A_319 = arith.constant 0 : i32
        %dma_wait3A_320 = tpu.memref_slice %arg5[%add3A_240, %dma_wait3A_319] : memref<51200x512xf32, #tpu.memory_space<hbm>> -> memref<32x512xf32, #tpu.memory_space<hbm>>
        %dma_wait3A_321 = arith.constant 0 : i32
        %dma_wait3A_322 = tpu.memref_slice %arg5[%add3A_240, %dma_wait3A_321] : memref<51200x512xf32, #tpu.memory_space<hbm>> -> memref<32x512xf32, #tpu.memory_space<hbm>>
        tpu.wait_dma2 semaphore(%run_scoped3A : memref<!tpu.dma_semaphore, #tpu.memory_space<semaphore_mem>>) src(%arg15 : memref<32x512xf32, #tpu.memory_space<vmem>>) dst(%dma_wait3A_322 : memref<32x512xf32, #tpu.memory_space<hbm>>)
        tpu.yield
      }) : () -> ()
      %lt3A = arith.constant 24 : i32
      %lt3A_241 = arith.cmpi slt, %scan3A_86, %lt3A : i32
      %convert_element_type3A_242 = arith.extui %lt3A_241 : i1 to i32
      %cond3A_243 = arith.constant 0 : i32
      %cond3A_244 = arith.cmpi ne, %convert_element_type3A_242, %cond3A_243 : i32
      scf.if %cond3A_244 {
        %add3A_315 = arith.constant 2 : i32
        %add3A_316 = arith.addi %mul3A_88, %add3A_315 : i32
        %mul3A_317 = arith.constant 32 : i32
        %mul3A_318 = arith.muli %add3A_316, %mul3A_317 : i32
        %add3A_319 = arith.constant 0 : i32
        %add3A_320 = arith.addi %mul3A_318, %add3A_319 : i32
        %get3A_321 = arith.index_cast %add3A_320 : i32 to index
        %get3A_322 = tpu.vector_load %arg6[%get3A_321] {strides = array<i32>} : memref<1600xi32, #tpu.memory_space<vmem>>, vector<16xi32>,
        %get3A_323 = vector.shape_cast %get3A_322 : vector<16xi32> to vector<16xi32>
        %ge3A_324 = arith.constant 100000 : i32
        %ge3A_325 = vector.broadcast %ge3A_324 : i32 to vector<16xi32>
        %ge3A_326 = arith.cmpi sge, %get3A_323, %ge3A_325 : vector<16xi32>
        %add3A_327 = arith.addi %mul3A_2, %add3A_320 : i32
        %add3A_328 = vector.broadcast %add3A_327 : i32 to vector<16xi32>
        %add3A_329 = arith.addi %add3A_328, %iota3A : vector<16xi32>
        %div3A_330 = arith.divsi %add3A_329, %broadcast_in_dim3A_3 : vector<16xi32>
        %jit3A_331 = arith.constant 0 : i32
        %broadcast_in_dim3A_332 = vector.broadcast %jit3A_331 : i32 to vector<16xi32>
        %select_n3A_333 = arith.select %ge3A_326, %broadcast_in_dim3A_332, %get3A_323 : vector<16xi1>, vector<16xi32>
        %swap3A_334 = arith.constant 0 : index
        %swap3A_335 = tpu.vector_load %arg7[%swap3A_334] {strides = array<i32>} : memref<32xi32, #tpu.memory_space<vmem>>, vector<16xi32>,
        %swap3A_336 = vector.shape_cast %swap3A_335 : vector<16xi32> to vector<16xi32>
        %swap3A_337 = vector.shape_cast %select_n3A_333 : vector<16xi32> to vector<16xi32>
        tpu.vector_store %arg7[%swap3A_334], %swap3A_337 {strides = array<i32>} : memref<32xi32, #tpu.memory_space<vmem>>, vector<16xi32>,
        %swap3A_338 = arith.constant 0 : index
        %swap3A_339 = tpu.vector_load %arg9[%swap3A_338] {strides = array<i32>} : memref<32xi32, #tpu.memory_space<vmem>>, vector<16xi32>,
        %swap3A_340 = vector.shape_cast %swap3A_339 : vector<16xi32> to vector<16xi32>
        %swap3A_341 = vector.shape_cast %div3A_330 : vector<16xi32> to vector<16xi32>
        tpu.vector_store %arg9[%swap3A_338], %swap3A_341 {strides = array<i32>} : memref<32xi32, #tpu.memory_space<vmem>>, vector<16xi32>,
        %sub3A_342 = arith.constant 100000 : i32
        %sub3A_343 = vector.broadcast %sub3A_342 : i32 to vector<16xi32>
        %sub3A_344 = arith.subi %get3A_323, %sub3A_343 : vector<16xi32>
        %jit3A_345 = arith.constant 0 : i32
        %broadcast_in_dim3A_346 = vector.broadcast %jit3A_345 : i32 to vector<16xi32>
        %select_n3A_347 = arith.select %ge3A_326, %sub3A_344, %broadcast_in_dim3A_346 : vector<16xi1>, vector<16xi32>
        %swap3A_348 = arith.constant 0 : index
        %swap3A_349 = tpu.vector_load %arg11[%swap3A_348] {strides = array<i32>} : memref<32xi32, #tpu.memory_space<vmem>>, vector<16xi32>,
        %swap3A_350 = vector.shape_cast %swap3A_349 : vector<16xi32> to vector<16xi32>
        %swap3A_351 = vector.shape_cast %select_n3A_347 : vector<16xi32> to vector<16xi32>
        tpu.vector_store %arg11[%swap3A_348], %swap3A_351 {strides = array<i32>} : memref<32xi32, #tpu.memory_space<vmem>>, vector<16xi32>,
        %jit3A_352 = arith.constant 1 : i32
        %jit3A_353 = arith.constant 0 : i32
        %broadcast_in_dim3A_354 = vector.broadcast %jit3A_352 : i32 to vector<16xi32>
        %broadcast_in_dim3A_355 = vector.broadcast %jit3A_353 : i32 to vector<16xi32>
        %select_n3A_356 = arith.select %ge3A_326, %broadcast_in_dim3A_354, %broadcast_in_dim3A_355 : vector<16xi1>, vector<16xi32>
        %swap3A_357 = arith.constant 0 : index
        %swap3A_358 = tpu.vector_load %arg13[%swap3A_357] {strides = array<i32>} : memref<32xi32, #tpu.memory_space<vmem>>, vector<16xi32>,
        %swap3A_359 = vector.shape_cast %swap3A_358 : vector<16xi32> to vector<16xi32>
        %swap3A_360 = vector.shape_cast %select_n3A_356 : vector<16xi32> to vector<16xi32>
        tpu.vector_store %arg13[%swap3A_357], %swap3A_360 {strides = array<i32>} : memref<32xi32, #tpu.memory_space<vmem>>, vector<16xi32>,
        %add3A_361 = arith.constant 16 : i32
        %add3A_362 = arith.addi %mul3A_318, %add3A_361 : i32
        %get3A_363 = arith.index_cast %add3A_362 : i32 to index
        %get3A_364 = tpu.vector_load %arg6[%get3A_363] {strides = array<i32>} : memref<1600xi32, #tpu.memory_space<vmem>>, vector<16xi32>,
        %get3A_365 = vector.shape_cast %get3A_364 : vector<16xi32> to vector<16xi32>
        %ge3A_366 = arith.constant 100000 : i32
        %ge3A_367 = vector.broadcast %ge3A_366 : i32 to vector<16xi32>
        %ge3A_368 = arith.cmpi sge, %get3A_365, %ge3A_367 : vector<16xi32>
        %add3A_369 = arith.addi %mul3A_2, %add3A_362 : i32
        %add3A_370 = vector.broadcast %add3A_369 : i32 to vector<16xi32>
        %add3A_371 = arith.addi %add3A_370, %iota3A : vector<16xi32>
        %div3A_372 = arith.divsi %add3A_371, %broadcast_in_dim3A_3 : vector<16xi32>
        %jit3A_373 = arith.constant 0 : i32
        %broadcast_in_dim3A_374 = vector.broadcast %jit3A_373 : i32 to vector<16xi32>
        %select_n3A_375 = arith.select %ge3A_368, %broadcast_in_dim3A_374, %get3A_365 : vector<16xi1>, vector<16xi32>
        %swap3A_376 = arith.constant 16 : index
        %swap3A_377 = tpu.vector_load %arg7[%swap3A_376] {strides = array<i32>} : memref<32xi32, #tpu.memory_space<vmem>>, vector<16xi32>,
        %swap3A_378 = vector.shape_cast %swap3A_377 : vector<16xi32> to vector<16xi32>
        %swap3A_379 = vector.shape_cast %select_n3A_375 : vector<16xi32> to vector<16xi32>
        tpu.vector_store %arg7[%swap3A_376], %swap3A_379 {strides = array<i32>} : memref<32xi32, #tpu.memory_space<vmem>>, vector<16xi32>,
        %swap3A_380 = arith.constant 16 : index
        %swap3A_381 = tpu.vector_load %arg9[%swap3A_380] {strides = array<i32>} : memref<32xi32, #tpu.memory_space<vmem>>, vector<16xi32>,
        %swap3A_382 = vector.shape_cast %swap3A_381 : vector<16xi32> to vector<16xi32>
        %swap3A_383 = vector.shape_cast %div3A_372 : vector<16xi32> to vector<16xi32>
        tpu.vector_store %arg9[%swap3A_380], %swap3A_383 {strides = array<i32>} : memref<32xi32, #tpu.memory_space<vmem>>, vector<16xi32>,
        %sub3A_384 = arith.constant 100000 : i32
        %sub3A_385 = vector.broadcast %sub3A_384 : i32 to vector<16xi32>
        %sub3A_386 = arith.subi %get3A_365, %sub3A_385 : vector<16xi32>
        %jit3A_387 = arith.constant 0 : i32
        %broadcast_in_dim3A_388 = vector.broadcast %jit3A_387 : i32 to vector<16xi32>
        %select_n3A_389 = arith.select %ge3A_368, %sub3A_386, %broadcast_in_dim3A_388 : vector<16xi1>, vector<16xi32>
        %swap3A_390 = arith.constant 16 : index
        %swap3A_391 = tpu.vector_load %arg11[%swap3A_390] {strides = array<i32>} : memref<32xi32, #tpu.memory_space<vmem>>, vector<16xi32>,
        %swap3A_392 = vector.shape_cast %swap3A_391 : vector<16xi32> to vector<16xi32>
        %swap3A_393 = vector.shape_cast %select_n3A_389 : vector<16xi32> to vector<16xi32>
        tpu.vector_store %arg11[%swap3A_390], %swap3A_393 {strides = array<i32>} : memref<32xi32, #tpu.memory_space<vmem>>, vector<16xi32>,
        %jit3A_394 = arith.constant 1 : i32
        %jit3A_395 = arith.constant 0 : i32
        %broadcast_in_dim3A_396 = vector.broadcast %jit3A_394 : i32 to vector<16xi32>
        %broadcast_in_dim3A_397 = vector.broadcast %jit3A_395 : i32 to vector<16xi32>
        %select_n3A_398 = arith.select %ge3A_368, %broadcast_in_dim3A_396, %broadcast_in_dim3A_397 : vector<16xi1>, vector<16xi32>
        %swap3A_399 = arith.constant 16 : index
        %swap3A_400 = tpu.vector_load %arg13[%swap3A_399] {strides = array<i32>} : memref<32xi32, #tpu.memory_space<vmem>>, vector<16xi32>,
        %swap3A_401 = vector.shape_cast %swap3A_400 : vector<16xi32> to vector<16xi32>
        %swap3A_402 = vector.shape_cast %select_n3A_398 : vector<16xi32> to vector<16xi32>
        tpu.vector_store %arg13[%swap3A_399], %swap3A_402 {strides = array<i32>} : memref<32xi32, #tpu.memory_space<vmem>>, vector<16xi32>,
        %dma_start3A_403 = arith.constant 0 : i32
        %dma_start3A_404 = arith.constant 0 : i32
        %dma_start3A_405 = tpu.memref_slice %arg2[%dma_start3A_403, %dma_start3A_404] : memref<100000x512xf32, #tpu.memory_space<hbm>> -> memref<100000x512xf32, #tpu.memory_space<hbm>>
        tpu.enqueue_indirect_dma source(%dma_start3A_405 : memref<100000x512xf32, #tpu.memory_space<hbm>>) target(%arg15 : memref<32x512xf32, #tpu.memory_space<vmem>>) offsets(%arg7 : memref<32xi32, #tpu.memory_space<vmem>>) semaphore(%arg17 : memref<!tpu.dma_semaphore, #tpu.memory_space<semaphore_mem>>)
      } else {
      }
      %add3A_245 = arith.constant 1 : i32
      %add3A_246 = arith.addi %mul3A_88, %add3A_245 : i32
      %mul3A_247 = arith.constant 32 : i32
      %mul3A_248 = arith.muli %add3A_246, %mul3A_247 : i32
      %broadcast_in_dim3A_249 = arith.constant 0 : i32
      %broadcast_in_dim3A_250 = vector.broadcast %broadcast_in_dim3A_249 : i32 to vector<16xi32>
      %get3A_251 = arith.constant 0 : index
      %get3A_252 = tpu.vector_load %arg14[%get3A_251] {strides = array<i32>} : memref<32xi32, #tpu.memory_space<vmem>>, vector<16xi32>,
      %get3A_253 = vector.shape_cast %get3A_252 : vector<16xi32> to vector<16xi32>
      %or3A_254 = arith.ori %broadcast_in_dim3A_250, %get3A_253 : vector<16xi32>
      %get3A_255 = arith.constant 16 : index
      %get3A_256 = tpu.vector_load %arg14[%get3A_255] {strides = array<i32>} : memref<32xi32, #tpu.memory_space<vmem>>, vector<16xi32>,
      %get3A_257 = vector.shape_cast %get3A_256 : vector<16xi32> to vector<16xi32>
      %or3A_258 = arith.ori %or3A_254, %get3A_257 : vector<16xi32>
      %slice3A_259 = vector.extract_strided_slice %or3A_258 {offsets = [0], sizes = [1], strides = [1]} : vector<16xi32> to vector<1xi32>
      %squeeze3A_260 = vector.extract %slice3A_259[0] : i32 from vector<1xi32>
      %slice3A_261 = vector.extract_strided_slice %or3A_258 {offsets = [1], sizes = [1], strides = [1]} : vector<16xi32> to vector<1xi32>
      %squeeze3A_262 = vector.extract %slice3A_261[0] : i32 from vector<1xi32>
      %or3A_263 = arith.ori %squeeze3A_260, %squeeze3A_262 : i32
      %slice3A_264 = vector.extract_strided_slice %or3A_258 {offsets = [2], sizes = [1], strides = [1]} : vector<16xi32> to vector<1xi32>
      %squeeze3A_265 = vector.extract %slice3A_264[0] : i32 from vector<1xi32>
      %or3A_266 = arith.ori %or3A_263, %squeeze3A_265 : i32
      %slice3A_267 = vector.extract_strided_slice %or3A_258 {offsets = [3], sizes = [1], strides = [1]} : vector<16xi32> to vector<1xi32>
      %squeeze3A_268 = vector.extract %slice3A_267[0] : i32 from vector<1xi32>
      %or3A_269 = arith.ori %or3A_266, %squeeze3A_268 : i32
      %slice3A_270 = vector.extract_strided_slice %or3A_258 {offsets = [4], sizes = [1], strides = [1]} : vector<16xi32> to vector<1xi32>
      %squeeze3A_271 = vector.extract %slice3A_270[0] : i32 from vector<1xi32>
      %or3A_272 = arith.ori %or3A_269, %squeeze3A_271 : i32
      %slice3A_273 = vector.extract_strided_slice %or3A_258 {offsets = [5], sizes = [1], strides = [1]} : vector<16xi32> to vector<1xi32>
      %squeeze3A_274 = vector.extract %slice3A_273[0] : i32 from vector<1xi32>
      %or3A_275 = arith.ori %or3A_272, %squeeze3A_274 : i32
      %slice3A_276 = vector.extract_strided_slice %or3A_258 {offsets = [6], sizes = [1], strides = [1]} : vector<16xi32> to vector<1xi32>
      %squeeze3A_277 = vector.extract %slice3A_276[0] : i32 from vector<1xi32>
      %or3A_278 = arith.ori %or3A_275, %squeeze3A_277 : i32
      %slice3A_279 = vector.extract_strided_slice %or3A_258 {offsets = [7], sizes = [1], strides = [1]} : vector<16xi32> to vector<1xi32>
      %squeeze3A_280 = vector.extract %slice3A_279[0] : i32 from vector<1xi32>
      %or3A_281 = arith.ori %or3A_278, %squeeze3A_280 : i32
      %slice3A_282 = vector.extract_strided_slice %or3A_258 {offsets = [8], sizes = [1], strides = [1]} : vector<16xi32> to vector<1xi32>
      %squeeze3A_283 = vector.extract %slice3A_282[0] : i32 from vector<1xi32>
      %or3A_284 = arith.ori %or3A_281, %squeeze3A_283 : i32
      %slice3A_285 = vector.extract_strided_slice %or3A_258 {offsets = [9], sizes = [1], strides = [1]} : vector<16xi32> to vector<1xi32>
      %squeeze3A_286 = vector.extract %slice3A_285[0] : i32 from vector<1xi32>
      %or3A_287 = arith.ori %or3A_284, %squeeze3A_286 : i32
      %slice3A_288 = vector.extract_strided_slice %or3A_258 {offsets = [10], sizes = [1], strides = [1]} : vector<16xi32> to vector<1xi32>
      %squeeze3A_289 = vector.extract %slice3A_288[0] : i32 from vector<1xi32>
      %or3A_290 = arith.ori %or3A_287, %squeeze3A_289 : i32
      %slice3A_291 = vector.extract_strided_slice %or3A_258 {offsets = [11], sizes = [1], strides = [1]} : vector<16xi32> to vector<1xi32>
      %squeeze3A_292 = vector.extract %slice3A_291[0] : i32 from vector<1xi32>
      %or3A_293 = arith.ori %or3A_290, %squeeze3A_292 : i32
      %slice3A_294 = vector.extract_strided_slice %or3A_258 {offsets = [12], sizes = [1], strides = [1]} : vector<16xi32> to vector<1xi32>
      %squeeze3A_295 = vector.extract %slice3A_294[0] : i32 from vector<1xi32>
      %or3A_296 = arith.ori %or3A_293, %squeeze3A_295 : i32
      %slice3A_297 = vector.extract_strided_slice %or3A_258 {offsets = [13], sizes = [1], strides = [1]} : vector<16xi32> to vector<1xi32>
      %squeeze3A_298 = vector.extract %slice3A_297[0] : i32 from vector<1xi32>
      %or3A_299 = arith.ori %or3A_296, %squeeze3A_298 : i32
      %slice3A_300 = vector.extract_strided_slice %or3A_258 {offsets = [14], sizes = [1], strides = [1]} : vector<16xi32> to vector<1xi32>
      %squeeze3A_301 = vector.extract %slice3A_300[0] : i32 from vector<1xi32>
      %or3A_302 = arith.ori %or3A_299, %squeeze3A_301 : i32
      %slice3A_303 = vector.extract_strided_slice %or3A_258 {offsets = [15], sizes = [1], strides = [1]} : vector<16xi32> to vector<1xi32>
      %squeeze3A_304 = vector.extract %slice3A_303[0] : i32 from vector<1xi32>
      %or3A_305 = arith.ori %or3A_302, %squeeze3A_304 : i32
      %dma_wait3A_306 = arith.constant 0 : i32
      %dma_wait3A_307 = arith.constant 0 : i32
      %dma_wait3A_308 = tpu.memref_slice %arg2[%dma_wait3A_306, %dma_wait3A_307] : memref<100000x512xf32, #tpu.memory_space<hbm>> -> memref<100000x512xf32, #tpu.memory_space<hbm>>
      tpu.wait_indirect_dma semaphore(%arg18 : memref<!tpu.dma_semaphore, #tpu.memory_space<semaphore_mem>>) src(%dma_wait3A_308 : memref<100000x512xf32, #tpu.memory_space<hbm>>) dst(%arg16 : memref<32x512xf32, #tpu.memory_space<vmem>>)
      %gt3A_309 = arith.constant 0 : i32
      %gt3A_310 = arith.cmpi sgt, %or3A_305, %gt3A_309 : i32
      %convert_element_type3A_311 = arith.extui %gt3A_310 : i1 to i32
      %cond3A_312 = arith.constant 0 : i32
      %cond3A_313 = arith.cmpi ne, %convert_element_type3A_311, %cond3A_312 : i32
      scf.if %cond3A_313 {
        %scan3A_315 = arith.constant 0 : i32
        %scan3A_316 = arith.constant 0 : i32
        %scan3A_317 = arith.constant 2 : i32
        %scan3A_318 = arith.addi %scan3A_316, %scan3A_317 : i32
        %scan3A_319 = arith.constant 1 : i32
        scf.for %scan3A_321 = %scan3A_316 to %scan3A_318 step %scan3A_319  : i32 {
          %mul3A_322 = arith.constant 16 : i32
          %mul3A_323 = arith.muli %scan3A_321, %mul3A_322 : i32
          %get3A_324 = arith.index_cast %mul3A_323 : i32 to index
          %get3A_325 = tpu.vector_load %arg14[%get3A_324] {strides = array<i32>} : memref<32xi32, #tpu.memory_space<vmem>>, vector<16xi32>,
          %get3A_326 = vector.shape_cast %get3A_325 : vector<16xi32> to vector<16xi32>
          %mul3A_327 = arith.constant 16 : i32
          %mul3A_328 = arith.muli %scan3A_321, %mul3A_327 : i32
          %get3A_329 = arith.index_cast %mul3A_328 : i32 to index
          %get3A_330 = tpu.vector_load %arg10[%get3A_329] {strides = array<i32>} : memref<32xi32, #tpu.memory_space<vmem>>, vector<16xi32>,
          %get3A_331 = vector.shape_cast %get3A_330 : vector<16xi32> to vector<16xi32>
          %mul3A_332 = arith.constant 16 : i32
          %mul3A_333 = arith.muli %scan3A_321, %mul3A_332 : i32
          %get3A_334 = arith.index_cast %mul3A_333 : i32 to index
          %get3A_335 = tpu.vector_load %arg12[%get3A_334] {strides = array<i32>} : memref<32xi32, #tpu.memory_space<vmem>>, vector<16xi32>,
          %get3A_336 = vector.shape_cast %get3A_335 : vector<16xi32> to vector<16xi32>
          %mul3A_337 = arith.constant 16 : i32
          %mul3A_338 = arith.muli %scan3A_321, %mul3A_337 : i32
          %add3A_339 = arith.constant 0 : i32
          %add3A_340 = arith.addi %mul3A_338, %add3A_339 : i32
          %slice3A_341 = vector.extract_strided_slice %get3A_326 {offsets = [0], sizes = [1], strides = [1]} : vector<16xi32> to vector<1xi32>
          %squeeze3A_342 = vector.extract %slice3A_341[0] : i32 from vector<1xi32>
          %ne3A = arith.constant 0 : i32
          %ne3A_343 = arith.cmpi ne, %squeeze3A_342, %ne3A : i32
          %convert_element_type3A_344 = arith.extui %ne3A_343 : i1 to i32
          %cond3A_345 = arith.constant 0 : i32
          %cond3A_346 = arith.cmpi ne, %convert_element_type3A_344, %cond3A_345 : i32
          scf.if %cond3A_346 {
            %slice3A_512 = vector.extract_strided_slice %get3A_331 {offsets = [0], sizes = [1], strides = [1]} : vector<16xi32> to vector<1xi32>
            %squeeze3A_513 = vector.extract %slice3A_512[0] : i32 from vector<1xi32>
            %slice3A_514 = vector.extract_strided_slice %get3A_336 {offsets = [0], sizes = [1], strides = [1]} : vector<16xi32> to vector<1xi32>
            %squeeze3A_515 = vector.extract %slice3A_514[0] : i32 from vector<1xi32>
            "tpu.region"() ({
              %run_scoped3A = tpu.sem_alloc : memref<!tpu.dma_semaphore, #tpu.memory_space<semaphore_mem>>
              %dma_start3A_516 = arith.constant 0 : i32
              %dma_start3A_517 = tpu.memref_slice %arg16[%add3A_340, %dma_start3A_516] : memref<32x512xf32, #tpu.memory_space<vmem>> -> memref<1x512xf32, #tpu.memory_space<vmem>>
              %dma_start3A_518 = tpu.memref_squeeze %dma_start3A_517 : memref<1x512xf32, #tpu.memory_space<vmem>> -> memref<512xf32, #tpu.memory_space<vmem>>
              %dma_start3A_519 = arith.constant 0 : i32
              %dma_start3A_520 = tpu.memref_slice %arg3[%squeeze3A_513, %squeeze3A_515, %dma_start3A_519] : memref<1024x50x512xf32, #tpu.memory_space<hbm>> -> memref<1x1x512xf32, #tpu.memory_space<hbm>>
              %dma_start3A_521 = tpu.memref_squeeze %dma_start3A_520 : memref<1x1x512xf32, #tpu.memory_space<hbm>> -> memref<512xf32, #tpu.memory_space<hbm>>
              %dma_start3A_522 = arith.constant 0 : i32
              %dma_start3A_523 = tpu.memref_slice %arg16[%add3A_340, %dma_start3A_522] : memref<32x512xf32, #tpu.memory_space<vmem>> -> memref<1x512xf32, #tpu.memory_space<vmem>>
              %dma_start3A_524 = tpu.memref_squeeze %dma_start3A_523 : memref<1x512xf32, #tpu.memory_space<vmem>> -> memref<512xf32, #tpu.memory_space<vmem>>
              %dma_start3A_525 = arith.constant 0 : i32
              %dma_start3A_526 = tpu.memref_slice %arg3[%squeeze3A_513, %squeeze3A_515, %dma_start3A_525] : memref<1024x50x512xf32, #tpu.memory_space<hbm>> -> memref<1x1x512xf32, #tpu.memory_space<hbm>>
              %dma_start3A_527 = tpu.memref_squeeze %dma_start3A_526 : memref<1x1x512xf32, #tpu.memory_space<hbm>> -> memref<512xf32, #tpu.memory_space<hbm>>
              tpu.enqueue_dma source(%dma_start3A_527 : memref<512xf32, #tpu.memory_space<hbm>>) target(%dma_start3A_524 : memref<512xf32, #tpu.memory_space<vmem>>) target_semaphore(%run_scoped3A : memref<!tpu.dma_semaphore, #tpu.memory_space<semaphore_mem>>)
              %dma_wait3A_528 = arith.constant 0 : i32
              %dma_wait3A_529 = tpu.memref_slice %arg16[%add3A_340, %dma_wait3A_528] : memref<32x512xf32, #tpu.memory_space<vmem>> -> memref<1x512xf32, #tpu.memory_space<vmem>>
              %dma_wait3A_530 = tpu.memref_squeeze %dma_wait3A_529 : memref<1x512xf32, #tpu.memory_space<vmem>> -> memref<512xf32, #tpu.memory_space<vmem>>
              %dma_wait3A_531 = arith.constant 0 : i32
              %dma_wait3A_532 = tpu.memref_slice %arg3[%squeeze3A_513, %squeeze3A_515, %dma_wait3A_531] : memref<1024x50x512xf32, #tpu.memory_space<hbm>> -> memref<1x1x512xf32, #tpu.memory_space<hbm>>
              %dma_wait3A_533 = tpu.memref_squeeze %dma_wait3A_532 : memref<1x1x512xf32, #tpu.memory_space<hbm>> -> memref<512xf32, #tpu.memory_space<hbm>>
              %dma_wait3A_534 = arith.constant 0 : i32
              %dma_wait3A_535 = tpu.memref_slice %arg16[%add3A_340, %dma_wait3A_534] : memref<32x512xf32, #tpu.memory_space<vmem>> -> memref<1x512xf32, #tpu.memory_space<vmem>>
              %dma_wait3A_536 = tpu.memref_squeeze %dma_wait3A_535 : memref<1x512xf32, #tpu.memory_space<vmem>> -> memref<512xf32, #tpu.memory_space<vmem>>
              %dma_wait3A_537 = arith.constant 0 : i32
              %dma_wait3A_538 = tpu.memref_slice %arg3[%squeeze3A_513, %squeeze3A_515, %dma_wait3A_537] : memref<1024x50x512xf32, #tpu.memory_space<hbm>> -> memref<1x1x512xf32, #tpu.memory_space<hbm>>
              %dma_wait3A_539 = tpu.memref_squeeze %dma_wait3A_538 : memref<1x1x512xf32, #tpu.memory_space<hbm>> -> memref<512xf32, #tpu.memory_space<hbm>>
              tpu.wait_dma2 semaphore(%run_scoped3A : memref<!tpu.dma_semaphore, #tpu.memory_space<semaphore_mem>>) src(%dma_wait3A_539 : memref<512xf32, #tpu.memory_space<hbm>>) dst(%dma_wait3A_536 : memref<512xf32, #tpu.memory_space<vmem>>)
              tpu.yield
            }) : () -> ()
          } else {
          }
          %mul3A_347 = arith.constant 16 : i32
          %mul3A_348 = arith.muli %scan3A_321, %mul3A_347 : i32
          %add3A_349 = arith.constant 1 : i32
          %add3A_350 = arith.addi %mul3A_348, %add3A_349 : i32
          %slice3A_351 = vector.extract_strided_slice %get3A_326 {offsets = [1], sizes = [1], strides = [1]} : vector<16xi32> to vector<1xi32>
          %squeeze3A_352 = vector.extract %slice3A_351[0] : i32 from vector<1xi32>
          %ne3A_353 = arith.constant 0 : i32
          %ne3A_354 = arith.cmpi ne, %squeeze3A_352, %ne3A_353 : i32
          %convert_element_type3A_355 = arith.extui %ne3A_354 : i1 to i32
          %cond3A_356 = arith.constant 0 : i32
          %cond3A_357 = arith.cmpi ne, %convert_element_type3A_355, %cond3A_356 : i32
          scf.if %cond3A_357 {
            %slice3A_512 = vector.extract_strided_slice %get3A_331 {offsets = [1], sizes = [1], strides = [1]} : vector<16xi32> to vector<1xi32>
            %squeeze3A_513 = vector.extract %slice3A_512[0] : i32 from vector<1xi32>
            %slice3A_514 = vector.extract_strided_slice %get3A_336 {offsets = [1], sizes = [1], strides = [1]} : vector<16xi32> to vector<1xi32>
            %squeeze3A_515 = vector.extract %slice3A_514[0] : i32 from vector<1xi32>
            "tpu.region"() ({
              %run_scoped3A = tpu.sem_alloc : memref<!tpu.dma_semaphore, #tpu.memory_space<semaphore_mem>>
              %dma_start3A_516 = arith.constant 0 : i32
              %dma_start3A_517 = tpu.memref_slice %arg16[%add3A_350, %dma_start3A_516] : memref<32x512xf32, #tpu.memory_space<vmem>> -> memref<1x512xf32, #tpu.memory_space<vmem>>
              %dma_start3A_518 = tpu.memref_squeeze %dma_start3A_517 : memref<1x512xf32, #tpu.memory_space<vmem>> -> memref<512xf32, #tpu.memory_space<vmem>>
              %dma_start3A_519 = arith.constant 0 : i32
              %dma_start3A_520 = tpu.memref_slice %arg3[%squeeze3A_513, %squeeze3A_515, %dma_start3A_519] : memref<1024x50x512xf32, #tpu.memory_space<hbm>> -> memref<1x1x512xf32, #tpu.memory_space<hbm>>
              %dma_start3A_521 = tpu.memref_squeeze %dma_start3A_520 : memref<1x1x512xf32, #tpu.memory_space<hbm>> -> memref<512xf32, #tpu.memory_space<hbm>>
              %dma_start3A_522 = arith.constant 0 : i32
              %dma_start3A_523 = tpu.memref_slice %arg16[%add3A_350, %dma_start3A_522] : memref<32x512xf32, #tpu.memory_space<vmem>> -> memref<1x512xf32, #tpu.memory_space<vmem>>
              %dma_start3A_524 = tpu.memref_squeeze %dma_start3A_523 : memref<1x512xf32, #tpu.memory_space<vmem>> -> memref<512xf32, #tpu.memory_space<vmem>>
              %dma_start3A_525 = arith.constant 0 : i32
              %dma_start3A_526 = tpu.memref_slice %arg3[%squeeze3A_513, %squeeze3A_515, %dma_start3A_525] : memref<1024x50x512xf32, #tpu.memory_space<hbm>> -> memref<1x1x512xf32, #tpu.memory_space<hbm>>
              %dma_start3A_527 = tpu.memref_squeeze %dma_start3A_526 : memref<1x1x512xf32, #tpu.memory_space<hbm>> -> memref<512xf32, #tpu.memory_space<hbm>>
              tpu.enqueue_dma source(%dma_start3A_527 : memref<512xf32, #tpu.memory_space<hbm>>) target(%dma_start3A_524 : memref<512xf32, #tpu.memory_space<vmem>>) target_semaphore(%run_scoped3A : memref<!tpu.dma_semaphore, #tpu.memory_space<semaphore_mem>>)
              %dma_wait3A_528 = arith.constant 0 : i32
              %dma_wait3A_529 = tpu.memref_slice %arg16[%add3A_350, %dma_wait3A_528] : memref<32x512xf32, #tpu.memory_space<vmem>> -> memref<1x512xf32, #tpu.memory_space<vmem>>
              %dma_wait3A_530 = tpu.memref_squeeze %dma_wait3A_529 : memref<1x512xf32, #tpu.memory_space<vmem>> -> memref<512xf32, #tpu.memory_space<vmem>>
              %dma_wait3A_531 = arith.constant 0 : i32
              %dma_wait3A_532 = tpu.memref_slice %arg3[%squeeze3A_513, %squeeze3A_515, %dma_wait3A_531] : memref<1024x50x512xf32, #tpu.memory_space<hbm>> -> memref<1x1x512xf32, #tpu.memory_space<hbm>>
              %dma_wait3A_533 = tpu.memref_squeeze %dma_wait3A_532 : memref<1x1x512xf32, #tpu.memory_space<hbm>> -> memref<512xf32, #tpu.memory_space<hbm>>
              %dma_wait3A_534 = arith.constant 0 : i32
              %dma_wait3A_535 = tpu.memref_slice %arg16[%add3A_350, %dma_wait3A_534] : memref<32x512xf32, #tpu.memory_space<vmem>> -> memref<1x512xf32, #tpu.memory_space<vmem>>
              %dma_wait3A_536 = tpu.memref_squeeze %dma_wait3A_535 : memref<1x512xf32, #tpu.memory_space<vmem>> -> memref<512xf32, #tpu.memory_space<vmem>>
              %dma_wait3A_537 = arith.constant 0 : i32
              %dma_wait3A_538 = tpu.memref_slice %arg3[%squeeze3A_513, %squeeze3A_515, %dma_wait3A_537] : memref<1024x50x512xf32, #tpu.memory_space<hbm>> -> memref<1x1x512xf32, #tpu.memory_space<hbm>>
              %dma_wait3A_539 = tpu.memref_squeeze %dma_wait3A_538 : memref<1x1x512xf32, #tpu.memory_space<hbm>> -> memref<512xf32, #tpu.memory_space<hbm>>
              tpu.wait_dma2 semaphore(%run_scoped3A : memref<!tpu.dma_semaphore, #tpu.memory_space<semaphore_mem>>) src(%dma_wait3A_539 : memref<512xf32, #tpu.memory_space<hbm>>) dst(%dma_wait3A_536 : memref<512xf32, #tpu.memory_space<vmem>>)
              tpu.yield
            }) : () -> ()
          } else {
          }
          %mul3A_358 = arith.constant 16 : i32
          %mul3A_359 = arith.muli %scan3A_321, %mul3A_358 : i32
          %add3A_360 = arith.constant 2 : i32
          %add3A_361 = arith.addi %mul3A_359, %add3A_360 : i32
          %slice3A_362 = vector.extract_strided_slice %get3A_326 {offsets = [2], sizes = [1], strides = [1]} : vector<16xi32> to vector<1xi32>
          %squeeze3A_363 = vector.extract %slice3A_362[0] : i32 from vector<1xi32>
          %ne3A_364 = arith.constant 0 : i32
          %ne3A_365 = arith.cmpi ne, %squeeze3A_363, %ne3A_364 : i32
          %convert_element_type3A_366 = arith.extui %ne3A_365 : i1 to i32
          %cond3A_367 = arith.constant 0 : i32
          %cond3A_368 = arith.cmpi ne, %convert_element_type3A_366, %cond3A_367 : i32
          scf.if %cond3A_368 {
            %slice3A_512 = vector.extract_strided_slice %get3A_331 {offsets = [2], sizes = [1], strides = [1]} : vector<16xi32> to vector<1xi32>
            %squeeze3A_513 = vector.extract %slice3A_512[0] : i32 from vector<1xi32>
            %slice3A_514 = vector.extract_strided_slice %get3A_336 {offsets = [2], sizes = [1], strides = [1]} : vector<16xi32> to vector<1xi32>
            %squeeze3A_515 = vector.extract %slice3A_514[0] : i32 from vector<1xi32>
            "tpu.region"() ({
              %run_scoped3A = tpu.sem_alloc : memref<!tpu.dma_semaphore, #tpu.memory_space<semaphore_mem>>
              %dma_start3A_516 = arith.constant 0 : i32
              %dma_start3A_517 = tpu.memref_slice %arg16[%add3A_361, %dma_start3A_516] : memref<32x512xf32, #tpu.memory_space<vmem>> -> memref<1x512xf32, #tpu.memory_space<vmem>>
              %dma_start3A_518 = tpu.memref_squeeze %dma_start3A_517 : memref<1x512xf32, #tpu.memory_space<vmem>> -> memref<512xf32, #tpu.memory_space<vmem>>
              %dma_start3A_519 = arith.constant 0 : i32
              %dma_start3A_520 = tpu.memref_slice %arg3[%squeeze3A_513, %squeeze3A_515, %dma_start3A_519] : memref<1024x50x512xf32, #tpu.memory_space<hbm>> -> memref<1x1x512xf32, #tpu.memory_space<hbm>>
              %dma_start3A_521 = tpu.memref_squeeze %dma_start3A_520 : memref<1x1x512xf32, #tpu.memory_space<hbm>> -> memref<512xf32, #tpu.memory_space<hbm>>
              %dma_start3A_522 = arith.constant 0 : i32
              %dma_start3A_523 = tpu.memref_slice %arg16[%add3A_361, %dma_start3A_522] : memref<32x512xf32, #tpu.memory_space<vmem>> -> memref<1x512xf32, #tpu.memory_space<vmem>>
              %dma_start3A_524 = tpu.memref_squeeze %dma_start3A_523 : memref<1x512xf32, #tpu.memory_space<vmem>> -> memref<512xf32, #tpu.memory_space<vmem>>
              %dma_start3A_525 = arith.constant 0 : i32
              %dma_start3A_526 = tpu.memref_slice %arg3[%squeeze3A_513, %squeeze3A_515, %dma_start3A_525] : memref<1024x50x512xf32, #tpu.memory_space<hbm>> -> memref<1x1x512xf32, #tpu.memory_space<hbm>>
              %dma_start3A_527 = tpu.memref_squeeze %dma_start3A_526 : memref<1x1x512xf32, #tpu.memory_space<hbm>> -> memref<512xf32, #tpu.memory_space<hbm>>
              tpu.enqueue_dma source(%dma_start3A_527 : memref<512xf32, #tpu.memory_space<hbm>>) target(%dma_start3A_524 : memref<512xf32, #tpu.memory_space<vmem>>) target_semaphore(%run_scoped3A : memref<!tpu.dma_semaphore, #tpu.memory_space<semaphore_mem>>)
              %dma_wait3A_528 = arith.constant 0 : i32
              %dma_wait3A_529 = tpu.memref_slice %arg16[%add3A_361, %dma_wait3A_528] : memref<32x512xf32, #tpu.memory_space<vmem>> -> memref<1x512xf32, #tpu.memory_space<vmem>>
              %dma_wait3A_530 = tpu.memref_squeeze %dma_wait3A_529 : memref<1x512xf32, #tpu.memory_space<vmem>> -> memref<512xf32, #tpu.memory_space<vmem>>
              %dma_wait3A_531 = arith.constant 0 : i32
              %dma_wait3A_532 = tpu.memref_slice %arg3[%squeeze3A_513, %squeeze3A_515, %dma_wait3A_531] : memref<1024x50x512xf32, #tpu.memory_space<hbm>> -> memref<1x1x512xf32, #tpu.memory_space<hbm>>
              %dma_wait3A_533 = tpu.memref_squeeze %dma_wait3A_532 : memref<1x1x512xf32, #tpu.memory_space<hbm>> -> memref<512xf32, #tpu.memory_space<hbm>>
              %dma_wait3A_534 = arith.constant 0 : i32
              %dma_wait3A_535 = tpu.memref_slice %arg16[%add3A_361, %dma_wait3A_534] : memref<32x512xf32, #tpu.memory_space<vmem>> -> memref<1x512xf32, #tpu.memory_space<vmem>>
              %dma_wait3A_536 = tpu.memref_squeeze %dma_wait3A_535 : memref<1x512xf32, #tpu.memory_space<vmem>> -> memref<512xf32, #tpu.memory_space<vmem>>
              %dma_wait3A_537 = arith.constant 0 : i32
              %dma_wait3A_538 = tpu.memref_slice %arg3[%squeeze3A_513, %squeeze3A_515, %dma_wait3A_537] : memref<1024x50x512xf32, #tpu.memory_space<hbm>> -> memref<1x1x512xf32, #tpu.memory_space<hbm>>
              %dma_wait3A_539 = tpu.memref_squeeze %dma_wait3A_538 : memref<1x1x512xf32, #tpu.memory_space<hbm>> -> memref<512xf32, #tpu.memory_space<hbm>>
              tpu.wait_dma2 semaphore(%run_scoped3A : memref<!tpu.dma_semaphore, #tpu.memory_space<semaphore_mem>>) src(%dma_wait3A_539 : memref<512xf32, #tpu.memory_space<hbm>>) dst(%dma_wait3A_536 : memref<512xf32, #tpu.memory_space<vmem>>)
              tpu.yield
            }) : () -> ()
          } else {
          }
          %mul3A_369 = arith.constant 16 : i32
          %mul3A_370 = arith.muli %scan3A_321, %mul3A_369 : i32
          %add3A_371 = arith.constant 3 : i32
          %add3A_372 = arith.addi %mul3A_370, %add3A_371 : i32
          %slice3A_373 = vector.extract_strided_slice %get3A_326 {offsets = [3], sizes = [1], strides = [1]} : vector<16xi32> to vector<1xi32>
          %squeeze3A_374 = vector.extract %slice3A_373[0] : i32 from vector<1xi32>
          %ne3A_375 = arith.constant 0 : i32
          %ne3A_376 = arith.cmpi ne, %squeeze3A_374, %ne3A_375 : i32
          %convert_element_type3A_377 = arith.extui %ne3A_376 : i1 to i32
          %cond3A_378 = arith.constant 0 : i32
          %cond3A_379 = arith.cmpi ne, %convert_element_type3A_377, %cond3A_378 : i32
          scf.if %cond3A_379 {
            %slice3A_512 = vector.extract_strided_slice %get3A_331 {offsets = [3], sizes = [1], strides = [1]} : vector<16xi32> to vector<1xi32>
            %squeeze3A_513 = vector.extract %slice3A_512[0] : i32 from vector<1xi32>
            %slice3A_514 = vector.extract_strided_slice %get3A_336 {offsets = [3], sizes = [1], strides = [1]} : vector<16xi32> to vector<1xi32>
            %squeeze3A_515 = vector.extract %slice3A_514[0] : i32 from vector<1xi32>
            "tpu.region"() ({
              %run_scoped3A = tpu.sem_alloc : memref<!tpu.dma_semaphore, #tpu.memory_space<semaphore_mem>>
              %dma_start3A_516 = arith.constant 0 : i32
              %dma_start3A_517 = tpu.memref_slice %arg16[%add3A_372, %dma_start3A_516] : memref<32x512xf32, #tpu.memory_space<vmem>> -> memref<1x512xf32, #tpu.memory_space<vmem>>
              %dma_start3A_518 = tpu.memref_squeeze %dma_start3A_517 : memref<1x512xf32, #tpu.memory_space<vmem>> -> memref<512xf32, #tpu.memory_space<vmem>>
              %dma_start3A_519 = arith.constant 0 : i32
              %dma_start3A_520 = tpu.memref_slice %arg3[%squeeze3A_513, %squeeze3A_515, %dma_start3A_519] : memref<1024x50x512xf32, #tpu.memory_space<hbm>> -> memref<1x1x512xf32, #tpu.memory_space<hbm>>
              %dma_start3A_521 = tpu.memref_squeeze %dma_start3A_520 : memref<1x1x512xf32, #tpu.memory_space<hbm>> -> memref<512xf32, #tpu.memory_space<hbm>>
              %dma_start3A_522 = arith.constant 0 : i32
              %dma_start3A_523 = tpu.memref_slice %arg16[%add3A_372, %dma_start3A_522] : memref<32x512xf32, #tpu.memory_space<vmem>> -> memref<1x512xf32, #tpu.memory_space<vmem>>
              %dma_start3A_524 = tpu.memref_squeeze %dma_start3A_523 : memref<1x512xf32, #tpu.memory_space<vmem>> -> memref<512xf32, #tpu.memory_space<vmem>>
              %dma_start3A_525 = arith.constant 0 : i32
              %dma_start3A_526 = tpu.memref_slice %arg3[%squeeze3A_513, %squeeze3A_515, %dma_start3A_525] : memref<1024x50x512xf32, #tpu.memory_space<hbm>> -> memref<1x1x512xf32, #tpu.memory_space<hbm>>
              %dma_start3A_527 = tpu.memref_squeeze %dma_start3A_526 : memref<1x1x512xf32, #tpu.memory_space<hbm>> -> memref<512xf32, #tpu.memory_space<hbm>>
              tpu.enqueue_dma source(%dma_start3A_527 : memref<512xf32, #tpu.memory_space<hbm>>) target(%dma_start3A_524 : memref<512xf32, #tpu.memory_space<vmem>>) target_semaphore(%run_scoped3A : memref<!tpu.dma_semaphore, #tpu.memory_space<semaphore_mem>>)
              %dma_wait3A_528 = arith.constant 0 : i32
              %dma_wait3A_529 = tpu.memref_slice %arg16[%add3A_372, %dma_wait3A_528] : memref<32x512xf32, #tpu.memory_space<vmem>> -> memref<1x512xf32, #tpu.memory_space<vmem>>
              %dma_wait3A_530 = tpu.memref_squeeze %dma_wait3A_529 : memref<1x512xf32, #tpu.memory_space<vmem>> -> memref<512xf32, #tpu.memory_space<vmem>>
              %dma_wait3A_531 = arith.constant 0 : i32
              %dma_wait3A_532 = tpu.memref_slice %arg3[%squeeze3A_513, %squeeze3A_515, %dma_wait3A_531] : memref<1024x50x512xf32, #tpu.memory_space<hbm>> -> memref<1x1x512xf32, #tpu.memory_space<hbm>>
              %dma_wait3A_533 = tpu.memref_squeeze %dma_wait3A_532 : memref<1x1x512xf32, #tpu.memory_space<hbm>> -> memref<512xf32, #tpu.memory_space<hbm>>
              %dma_wait3A_534 = arith.constant 0 : i32
              %dma_wait3A_535 = tpu.memref_slice %arg16[%add3A_372, %dma_wait3A_534] : memref<32x512xf32, #tpu.memory_space<vmem>> -> memref<1x512xf32, #tpu.memory_space<vmem>>
              %dma_wait3A_536 = tpu.memref_squeeze %dma_wait3A_535 : memref<1x512xf32, #tpu.memory_space<vmem>> -> memref<512xf32, #tpu.memory_space<vmem>>
              %dma_wait3A_537 = arith.constant 0 : i32
              %dma_wait3A_538 = tpu.memref_slice %arg3[%squeeze3A_513, %squeeze3A_515, %dma_wait3A_537] : memref<1024x50x512xf32, #tpu.memory_space<hbm>> -> memref<1x1x512xf32, #tpu.memory_space<hbm>>
              %dma_wait3A_539 = tpu.memref_squeeze %dma_wait3A_538 : memref<1x1x512xf32, #tpu.memory_space<hbm>> -> memref<512xf32, #tpu.memory_space<hbm>>
              tpu.wait_dma2 semaphore(%run_scoped3A : memref<!tpu.dma_semaphore, #tpu.memory_space<semaphore_mem>>) src(%dma_wait3A_539 : memref<512xf32, #tpu.memory_space<hbm>>) dst(%dma_wait3A_536 : memref<512xf32, #tpu.memory_space<vmem>>)
              tpu.yield
            }) : () -> ()
          } else {
          }
          %mul3A_380 = arith.constant 16 : i32
          %mul3A_381 = arith.muli %scan3A_321, %mul3A_380 : i32
          %add3A_382 = arith.constant 4 : i32
          %add3A_383 = arith.addi %mul3A_381, %add3A_382 : i32
          %slice3A_384 = vector.extract_strided_slice %get3A_326 {offsets = [4], sizes = [1], strides = [1]} : vector<16xi32> to vector<1xi32>
          %squeeze3A_385 = vector.extract %slice3A_384[0] : i32 from vector<1xi32>
          %ne3A_386 = arith.constant 0 : i32
          %ne3A_387 = arith.cmpi ne, %squeeze3A_385, %ne3A_386 : i32
          %convert_element_type3A_388 = arith.extui %ne3A_387 : i1 to i32
          %cond3A_389 = arith.constant 0 : i32
          %cond3A_390 = arith.cmpi ne, %convert_element_type3A_388, %cond3A_389 : i32
          scf.if %cond3A_390 {
            %slice3A_512 = vector.extract_strided_slice %get3A_331 {offsets = [4], sizes = [1], strides = [1]} : vector<16xi32> to vector<1xi32>
            %squeeze3A_513 = vector.extract %slice3A_512[0] : i32 from vector<1xi32>
            %slice3A_514 = vector.extract_strided_slice %get3A_336 {offsets = [4], sizes = [1], strides = [1]} : vector<16xi32> to vector<1xi32>
            %squeeze3A_515 = vector.extract %slice3A_514[0] : i32 from vector<1xi32>
            "tpu.region"() ({
              %run_scoped3A = tpu.sem_alloc : memref<!tpu.dma_semaphore, #tpu.memory_space<semaphore_mem>>
              %dma_start3A_516 = arith.constant 0 : i32
              %dma_start3A_517 = tpu.memref_slice %arg16[%add3A_383, %dma_start3A_516] : memref<32x512xf32, #tpu.memory_space<vmem>> -> memref<1x512xf32, #tpu.memory_space<vmem>>
              %dma_start3A_518 = tpu.memref_squeeze %dma_start3A_517 : memref<1x512xf32, #tpu.memory_space<vmem>> -> memref<512xf32, #tpu.memory_space<vmem>>
              %dma_start3A_519 = arith.constant 0 : i32
              %dma_start3A_520 = tpu.memref_slice %arg3[%squeeze3A_513, %squeeze3A_515, %dma_start3A_519] : memref<1024x50x512xf32, #tpu.memory_space<hbm>> -> memref<1x1x512xf32, #tpu.memory_space<hbm>>
              %dma_start3A_521 = tpu.memref_squeeze %dma_start3A_520 : memref<1x1x512xf32, #tpu.memory_space<hbm>> -> memref<512xf32, #tpu.memory_space<hbm>>
              %dma_start3A_522 = arith.constant 0 : i32
              %dma_start3A_523 = tpu.memref_slice %arg16[%add3A_383, %dma_start3A_522] : memref<32x512xf32, #tpu.memory_space<vmem>> -> memref<1x512xf32, #tpu.memory_space<vmem>>
              %dma_start3A_524 = tpu.memref_squeeze %dma_start3A_523 : memref<1x512xf32, #tpu.memory_space<vmem>> -> memref<512xf32, #tpu.memory_space<vmem>>
              %dma_start3A_525 = arith.constant 0 : i32
              %dma_start3A_526 = tpu.memref_slice %arg3[%squeeze3A_513, %squeeze3A_515, %dma_start3A_525] : memref<1024x50x512xf32, #tpu.memory_space<hbm>> -> memref<1x1x512xf32, #tpu.memory_space<hbm>>
              %dma_start3A_527 = tpu.memref_squeeze %dma_start3A_526 : memref<1x1x512xf32, #tpu.memory_space<hbm>> -> memref<512xf32, #tpu.memory_space<hbm>>
              tpu.enqueue_dma source(%dma_start3A_527 : memref<512xf32, #tpu.memory_space<hbm>>) target(%dma_start3A_524 : memref<512xf32, #tpu.memory_space<vmem>>) target_semaphore(%run_scoped3A : memref<!tpu.dma_semaphore, #tpu.memory_space<semaphore_mem>>)
              %dma_wait3A_528 = arith.constant 0 : i32
              %dma_wait3A_529 = tpu.memref_slice %arg16[%add3A_383, %dma_wait3A_528] : memref<32x512xf32, #tpu.memory_space<vmem>> -> memref<1x512xf32, #tpu.memory_space<vmem>>
              %dma_wait3A_530 = tpu.memref_squeeze %dma_wait3A_529 : memref<1x512xf32, #tpu.memory_space<vmem>> -> memref<512xf32, #tpu.memory_space<vmem>>
              %dma_wait3A_531 = arith.constant 0 : i32
              %dma_wait3A_532 = tpu.memref_slice %arg3[%squeeze3A_513, %squeeze3A_515, %dma_wait3A_531] : memref<1024x50x512xf32, #tpu.memory_space<hbm>> -> memref<1x1x512xf32, #tpu.memory_space<hbm>>
              %dma_wait3A_533 = tpu.memref_squeeze %dma_wait3A_532 : memref<1x1x512xf32, #tpu.memory_space<hbm>> -> memref<512xf32, #tpu.memory_space<hbm>>
              %dma_wait3A_534 = arith.constant 0 : i32
              %dma_wait3A_535 = tpu.memref_slice %arg16[%add3A_383, %dma_wait3A_534] : memref<32x512xf32, #tpu.memory_space<vmem>> -> memref<1x512xf32, #tpu.memory_space<vmem>>
              %dma_wait3A_536 = tpu.memref_squeeze %dma_wait3A_535 : memref<1x512xf32, #tpu.memory_space<vmem>> -> memref<512xf32, #tpu.memory_space<vmem>>
              %dma_wait3A_537 = arith.constant 0 : i32
              %dma_wait3A_538 = tpu.memref_slice %arg3[%squeeze3A_513, %squeeze3A_515, %dma_wait3A_537] : memref<1024x50x512xf32, #tpu.memory_space<hbm>> -> memref<1x1x512xf32, #tpu.memory_space<hbm>>
              %dma_wait3A_539 = tpu.memref_squeeze %dma_wait3A_538 : memref<1x1x512xf32, #tpu.memory_space<hbm>> -> memref<512xf32, #tpu.memory_space<hbm>>
              tpu.wait_dma2 semaphore(%run_scoped3A : memref<!tpu.dma_semaphore, #tpu.memory_space<semaphore_mem>>) src(%dma_wait3A_539 : memref<512xf32, #tpu.memory_space<hbm>>) dst(%dma_wait3A_536 : memref<512xf32, #tpu.memory_space<vmem>>)
              tpu.yield
            }) : () -> ()
          } else {
          }
          %mul3A_391 = arith.constant 16 : i32
          %mul3A_392 = arith.muli %scan3A_321, %mul3A_391 : i32
          %add3A_393 = arith.constant 5 : i32
          %add3A_394 = arith.addi %mul3A_392, %add3A_393 : i32
          %slice3A_395 = vector.extract_strided_slice %get3A_326 {offsets = [5], sizes = [1], strides = [1]} : vector<16xi32> to vector<1xi32>
          %squeeze3A_396 = vector.extract %slice3A_395[0] : i32 from vector<1xi32>
          %ne3A_397 = arith.constant 0 : i32
          %ne3A_398 = arith.cmpi ne, %squeeze3A_396, %ne3A_397 : i32
          %convert_element_type3A_399 = arith.extui %ne3A_398 : i1 to i32
          %cond3A_400 = arith.constant 0 : i32
          %cond3A_401 = arith.cmpi ne, %convert_element_type3A_399, %cond3A_400 : i32
          scf.if %cond3A_401 {
            %slice3A_512 = vector.extract_strided_slice %get3A_331 {offsets = [5], sizes = [1], strides = [1]} : vector<16xi32> to vector<1xi32>
            %squeeze3A_513 = vector.extract %slice3A_512[0] : i32 from vector<1xi32>
            %slice3A_514 = vector.extract_strided_slice %get3A_336 {offsets = [5], sizes = [1], strides = [1]} : vector<16xi32> to vector<1xi32>
            %squeeze3A_515 = vector.extract %slice3A_514[0] : i32 from vector<1xi32>
            "tpu.region"() ({
              %run_scoped3A = tpu.sem_alloc : memref<!tpu.dma_semaphore, #tpu.memory_space<semaphore_mem>>
              %dma_start3A_516 = arith.constant 0 : i32
              %dma_start3A_517 = tpu.memref_slice %arg16[%add3A_394, %dma_start3A_516] : memref<32x512xf32, #tpu.memory_space<vmem>> -> memref<1x512xf32, #tpu.memory_space<vmem>>
              %dma_start3A_518 = tpu.memref_squeeze %dma_start3A_517 : memref<1x512xf32, #tpu.memory_space<vmem>> -> memref<512xf32, #tpu.memory_space<vmem>>
              %dma_start3A_519 = arith.constant 0 : i32
              %dma_start3A_520 = tpu.memref_slice %arg3[%squeeze3A_513, %squeeze3A_515, %dma_start3A_519] : memref<1024x50x512xf32, #tpu.memory_space<hbm>> -> memref<1x1x512xf32, #tpu.memory_space<hbm>>
              %dma_start3A_521 = tpu.memref_squeeze %dma_start3A_520 : memref<1x1x512xf32, #tpu.memory_space<hbm>> -> memref<512xf32, #tpu.memory_space<hbm>>
              %dma_start3A_522 = arith.constant 0 : i32
              %dma_start3A_523 = tpu.memref_slice %arg16[%add3A_394, %dma_start3A_522] : memref<32x512xf32, #tpu.memory_space<vmem>> -> memref<1x512xf32, #tpu.memory_space<vmem>>
              %dma_start3A_524 = tpu.memref_squeeze %dma_start3A_523 : memref<1x512xf32, #tpu.memory_space<vmem>> -> memref<512xf32, #tpu.memory_space<vmem>>
              %dma_start3A_525 = arith.constant 0 : i32
              %dma_start3A_526 = tpu.memref_slice %arg3[%squeeze3A_513, %squeeze3A_515, %dma_start3A_525] : memref<1024x50x512xf32, #tpu.memory_space<hbm>> -> memref<1x1x512xf32, #tpu.memory_space<hbm>>
              %dma_start3A_527 = tpu.memref_squeeze %dma_start3A_526 : memref<1x1x512xf32, #tpu.memory_space<hbm>> -> memref<512xf32, #tpu.memory_space<hbm>>
              tpu.enqueue_dma source(%dma_start3A_527 : memref<512xf32, #tpu.memory_space<hbm>>) target(%dma_start3A_524 : memref<512xf32, #tpu.memory_space<vmem>>) target_semaphore(%run_scoped3A : memref<!tpu.dma_semaphore, #tpu.memory_space<semaphore_mem>>)
              %dma_wait3A_528 = arith.constant 0 : i32
              %dma_wait3A_529 = tpu.memref_slice %arg16[%add3A_394, %dma_wait3A_528] : memref<32x512xf32, #tpu.memory_space<vmem>> -> memref<1x512xf32, #tpu.memory_space<vmem>>
              %dma_wait3A_530 = tpu.memref_squeeze %dma_wait3A_529 : memref<1x512xf32, #tpu.memory_space<vmem>> -> memref<512xf32, #tpu.memory_space<vmem>>
              %dma_wait3A_531 = arith.constant 0 : i32
              %dma_wait3A_532 = tpu.memref_slice %arg3[%squeeze3A_513, %squeeze3A_515, %dma_wait3A_531] : memref<1024x50x512xf32, #tpu.memory_space<hbm>> -> memref<1x1x512xf32, #tpu.memory_space<hbm>>
              %dma_wait3A_533 = tpu.memref_squeeze %dma_wait3A_532 : memref<1x1x512xf32, #tpu.memory_space<hbm>> -> memref<512xf32, #tpu.memory_space<hbm>>
              %dma_wait3A_534 = arith.constant 0 : i32
              %dma_wait3A_535 = tpu.memref_slice %arg16[%add3A_394, %dma_wait3A_534] : memref<32x512xf32, #tpu.memory_space<vmem>> -> memref<1x512xf32, #tpu.memory_space<vmem>>
              %dma_wait3A_536 = tpu.memref_squeeze %dma_wait3A_535 : memref<1x512xf32, #tpu.memory_space<vmem>> -> memref<512xf32, #tpu.memory_space<vmem>>
              %dma_wait3A_537 = arith.constant 0 : i32
              %dma_wait3A_538 = tpu.memref_slice %arg3[%squeeze3A_513, %squeeze3A_515, %dma_wait3A_537] : memref<1024x50x512xf32, #tpu.memory_space<hbm>> -> memref<1x1x512xf32, #tpu.memory_space<hbm>>
              %dma_wait3A_539 = tpu.memref_squeeze %dma_wait3A_538 : memref<1x1x512xf32, #tpu.memory_space<hbm>> -> memref<512xf32, #tpu.memory_space<hbm>>
              tpu.wait_dma2 semaphore(%run_scoped3A : memref<!tpu.dma_semaphore, #tpu.memory_space<semaphore_mem>>) src(%dma_wait3A_539 : memref<512xf32, #tpu.memory_space<hbm>>) dst(%dma_wait3A_536 : memref<512xf32, #tpu.memory_space<vmem>>)
              tpu.yield
            }) : () -> ()
          } else {
          }
          %mul3A_402 = arith.constant 16 : i32
          %mul3A_403 = arith.muli %scan3A_321, %mul3A_402 : i32
          %add3A_404 = arith.constant 6 : i32
          %add3A_405 = arith.addi %mul3A_403, %add3A_404 : i32
          %slice3A_406 = vector.extract_strided_slice %get3A_326 {offsets = [6], sizes = [1], strides = [1]} : vector<16xi32> to vector<1xi32>
          %squeeze3A_407 = vector.extract %slice3A_406[0] : i32 from vector<1xi32>
          %ne3A_408 = arith.constant 0 : i32
          %ne3A_409 = arith.cmpi ne, %squeeze3A_407, %ne3A_408 : i32
          %convert_element_type3A_410 = arith.extui %ne3A_409 : i1 to i32
          %cond3A_411 = arith.constant 0 : i32
          %cond3A_412 = arith.cmpi ne, %convert_element_type3A_410, %cond3A_411 : i32
          scf.if %cond3A_412 {
            %slice3A_512 = vector.extract_strided_slice %get3A_331 {offsets = [6], sizes = [1], strides = [1]} : vector<16xi32> to vector<1xi32>
            %squeeze3A_513 = vector.extract %slice3A_512[0] : i32 from vector<1xi32>
            %slice3A_514 = vector.extract_strided_slice %get3A_336 {offsets = [6], sizes = [1], strides = [1]} : vector<16xi32> to vector<1xi32>
            %squeeze3A_515 = vector.extract %slice3A_514[0] : i32 from vector<1xi32>
            "tpu.region"() ({
              %run_scoped3A = tpu.sem_alloc : memref<!tpu.dma_semaphore, #tpu.memory_space<semaphore_mem>>
              %dma_start3A_516 = arith.constant 0 : i32
              %dma_start3A_517 = tpu.memref_slice %arg16[%add3A_405, %dma_start3A_516] : memref<32x512xf32, #tpu.memory_space<vmem>> -> memref<1x512xf32, #tpu.memory_space<vmem>>
              %dma_start3A_518 = tpu.memref_squeeze %dma_start3A_517 : memref<1x512xf32, #tpu.memory_space<vmem>> -> memref<512xf32, #tpu.memory_space<vmem>>
              %dma_start3A_519 = arith.constant 0 : i32
              %dma_start3A_520 = tpu.memref_slice %arg3[%squeeze3A_513, %squeeze3A_515, %dma_start3A_519] : memref<1024x50x512xf32, #tpu.memory_space<hbm>> -> memref<1x1x512xf32, #tpu.memory_space<hbm>>
              %dma_start3A_521 = tpu.memref_squeeze %dma_start3A_520 : memref<1x1x512xf32, #tpu.memory_space<hbm>> -> memref<512xf32, #tpu.memory_space<hbm>>
              %dma_start3A_522 = arith.constant 0 : i32
              %dma_start3A_523 = tpu.memref_slice %arg16[%add3A_405, %dma_start3A_522] : memref<32x512xf32, #tpu.memory_space<vmem>> -> memref<1x512xf32, #tpu.memory_space<vmem>>
              %dma_start3A_524 = tpu.memref_squeeze %dma_start3A_523 : memref<1x512xf32, #tpu.memory_space<vmem>> -> memref<512xf32, #tpu.memory_space<vmem>>
              %dma_start3A_525 = arith.constant 0 : i32
              %dma_start3A_526 = tpu.memref_slice %arg3[%squeeze3A_513, %squeeze3A_515, %dma_start3A_525] : memref<1024x50x512xf32, #tpu.memory_space<hbm>> -> memref<1x1x512xf32, #tpu.memory_space<hbm>>
              %dma_start3A_527 = tpu.memref_squeeze %dma_start3A_526 : memref<1x1x512xf32, #tpu.memory_space<hbm>> -> memref<512xf32, #tpu.memory_space<hbm>>
              tpu.enqueue_dma source(%dma_start3A_527 : memref<512xf32, #tpu.memory_space<hbm>>) target(%dma_start3A_524 : memref<512xf32, #tpu.memory_space<vmem>>) target_semaphore(%run_scoped3A : memref<!tpu.dma_semaphore, #tpu.memory_space<semaphore_mem>>)
              %dma_wait3A_528 = arith.constant 0 : i32
              %dma_wait3A_529 = tpu.memref_slice %arg16[%add3A_405, %dma_wait3A_528] : memref<32x512xf32, #tpu.memory_space<vmem>> -> memref<1x512xf32, #tpu.memory_space<vmem>>
              %dma_wait3A_530 = tpu.memref_squeeze %dma_wait3A_529 : memref<1x512xf32, #tpu.memory_space<vmem>> -> memref<512xf32, #tpu.memory_space<vmem>>
              %dma_wait3A_531 = arith.constant 0 : i32
              %dma_wait3A_532 = tpu.memref_slice %arg3[%squeeze3A_513, %squeeze3A_515, %dma_wait3A_531] : memref<1024x50x512xf32, #tpu.memory_space<hbm>> -> memref<1x1x512xf32, #tpu.memory_space<hbm>>
              %dma_wait3A_533 = tpu.memref_squeeze %dma_wait3A_532 : memref<1x1x512xf32, #tpu.memory_space<hbm>> -> memref<512xf32, #tpu.memory_space<hbm>>
              %dma_wait3A_534 = arith.constant 0 : i32
              %dma_wait3A_535 = tpu.memref_slice %arg16[%add3A_405, %dma_wait3A_534] : memref<32x512xf32, #tpu.memory_space<vmem>> -> memref<1x512xf32, #tpu.memory_space<vmem>>
              %dma_wait3A_536 = tpu.memref_squeeze %dma_wait3A_535 : memref<1x512xf32, #tpu.memory_space<vmem>> -> memref<512xf32, #tpu.memory_space<vmem>>
              %dma_wait3A_537 = arith.constant 0 : i32
              %dma_wait3A_538 = tpu.memref_slice %arg3[%squeeze3A_513, %squeeze3A_515, %dma_wait3A_537] : memref<1024x50x512xf32, #tpu.memory_space<hbm>> -> memref<1x1x512xf32, #tpu.memory_space<hbm>>
              %dma_wait3A_539 = tpu.memref_squeeze %dma_wait3A_538 : memref<1x1x512xf32, #tpu.memory_space<hbm>> -> memref<512xf32, #tpu.memory_space<hbm>>
              tpu.wait_dma2 semaphore(%run_scoped3A : memref<!tpu.dma_semaphore, #tpu.memory_space<semaphore_mem>>) src(%dma_wait3A_539 : memref<512xf32, #tpu.memory_space<hbm>>) dst(%dma_wait3A_536 : memref<512xf32, #tpu.memory_space<vmem>>)
              tpu.yield
            }) : () -> ()
          } else {
          }
          %mul3A_413 = arith.constant 16 : i32
          %mul3A_414 = arith.muli %scan3A_321, %mul3A_413 : i32
          %add3A_415 = arith.constant 7 : i32
          %add3A_416 = arith.addi %mul3A_414, %add3A_415 : i32
          %slice3A_417 = vector.extract_strided_slice %get3A_326 {offsets = [7], sizes = [1], strides = [1]} : vector<16xi32> to vector<1xi32>
          %squeeze3A_418 = vector.extract %slice3A_417[0] : i32 from vector<1xi32>
          %ne3A_419 = arith.constant 0 : i32
          %ne3A_420 = arith.cmpi ne, %squeeze3A_418, %ne3A_419 : i32
          %convert_element_type3A_421 = arith.extui %ne3A_420 : i1 to i32
          %cond3A_422 = arith.constant 0 : i32
          %cond3A_423 = arith.cmpi ne, %convert_element_type3A_421, %cond3A_422 : i32
          scf.if %cond3A_423 {
            %slice3A_512 = vector.extract_strided_slice %get3A_331 {offsets = [7], sizes = [1], strides = [1]} : vector<16xi32> to vector<1xi32>
            %squeeze3A_513 = vector.extract %slice3A_512[0] : i32 from vector<1xi32>
            %slice3A_514 = vector.extract_strided_slice %get3A_336 {offsets = [7], sizes = [1], strides = [1]} : vector<16xi32> to vector<1xi32>
            %squeeze3A_515 = vector.extract %slice3A_514[0] : i32 from vector<1xi32>
            "tpu.region"() ({
              %run_scoped3A = tpu.sem_alloc : memref<!tpu.dma_semaphore, #tpu.memory_space<semaphore_mem>>
              %dma_start3A_516 = arith.constant 0 : i32
              %dma_start3A_517 = tpu.memref_slice %arg16[%add3A_416, %dma_start3A_516] : memref<32x512xf32, #tpu.memory_space<vmem>> -> memref<1x512xf32, #tpu.memory_space<vmem>>
              %dma_start3A_518 = tpu.memref_squeeze %dma_start3A_517 : memref<1x512xf32, #tpu.memory_space<vmem>> -> memref<512xf32, #tpu.memory_space<vmem>>
              %dma_start3A_519 = arith.constant 0 : i32
              %dma_start3A_520 = tpu.memref_slice %arg3[%squeeze3A_513, %squeeze3A_515, %dma_start3A_519] : memref<1024x50x512xf32, #tpu.memory_space<hbm>> -> memref<1x1x512xf32, #tpu.memory_space<hbm>>
              %dma_start3A_521 = tpu.memref_squeeze %dma_start3A_520 : memref<1x1x512xf32, #tpu.memory_space<hbm>> -> memref<512xf32, #tpu.memory_space<hbm>>
              %dma_start3A_522 = arith.constant 0 : i32
              %dma_start3A_523 = tpu.memref_slice %arg16[%add3A_416, %dma_start3A_522] : memref<32x512xf32, #tpu.memory_space<vmem>> -> memref<1x512xf32, #tpu.memory_space<vmem>>
              %dma_start3A_524 = tpu.memref_squeeze %dma_start3A_523 : memref<1x512xf32, #tpu.memory_space<vmem>> -> memref<512xf32, #tpu.memory_space<vmem>>
              %dma_start3A_525 = arith.constant 0 : i32
              %dma_start3A_526 = tpu.memref_slice %arg3[%squeeze3A_513, %squeeze3A_515, %dma_start3A_525] : memref<1024x50x512xf32, #tpu.memory_space<hbm>> -> memref<1x1x512xf32, #tpu.memory_space<hbm>>
              %dma_start3A_527 = tpu.memref_squeeze %dma_start3A_526 : memref<1x1x512xf32, #tpu.memory_space<hbm>> -> memref<512xf32, #tpu.memory_space<hbm>>
              tpu.enqueue_dma source(%dma_start3A_527 : memref<512xf32, #tpu.memory_space<hbm>>) target(%dma_start3A_524 : memref<512xf32, #tpu.memory_space<vmem>>) target_semaphore(%run_scoped3A : memref<!tpu.dma_semaphore, #tpu.memory_space<semaphore_mem>>)
              %dma_wait3A_528 = arith.constant 0 : i32
              %dma_wait3A_529 = tpu.memref_slice %arg16[%add3A_416, %dma_wait3A_528] : memref<32x512xf32, #tpu.memory_space<vmem>> -> memref<1x512xf32, #tpu.memory_space<vmem>>
              %dma_wait3A_530 = tpu.memref_squeeze %dma_wait3A_529 : memref<1x512xf32, #tpu.memory_space<vmem>> -> memref<512xf32, #tpu.memory_space<vmem>>
              %dma_wait3A_531 = arith.constant 0 : i32
              %dma_wait3A_532 = tpu.memref_slice %arg3[%squeeze3A_513, %squeeze3A_515, %dma_wait3A_531] : memref<1024x50x512xf32, #tpu.memory_space<hbm>> -> memref<1x1x512xf32, #tpu.memory_space<hbm>>
              %dma_wait3A_533 = tpu.memref_squeeze %dma_wait3A_532 : memref<1x1x512xf32, #tpu.memory_space<hbm>> -> memref<512xf32, #tpu.memory_space<hbm>>
              %dma_wait3A_534 = arith.constant 0 : i32
              %dma_wait3A_535 = tpu.memref_slice %arg16[%add3A_416, %dma_wait3A_534] : memref<32x512xf32, #tpu.memory_space<vmem>> -> memref<1x512xf32, #tpu.memory_space<vmem>>
              %dma_wait3A_536 = tpu.memref_squeeze %dma_wait3A_535 : memref<1x512xf32, #tpu.memory_space<vmem>> -> memref<512xf32, #tpu.memory_space<vmem>>
              %dma_wait3A_537 = arith.constant 0 : i32
              %dma_wait3A_538 = tpu.memref_slice %arg3[%squeeze3A_513, %squeeze3A_515, %dma_wait3A_537] : memref<1024x50x512xf32, #tpu.memory_space<hbm>> -> memref<1x1x512xf32, #tpu.memory_space<hbm>>
              %dma_wait3A_539 = tpu.memref_squeeze %dma_wait3A_538 : memref<1x1x512xf32, #tpu.memory_space<hbm>> -> memref<512xf32, #tpu.memory_space<hbm>>
              tpu.wait_dma2 semaphore(%run_scoped3A : memref<!tpu.dma_semaphore, #tpu.memory_space<semaphore_mem>>) src(%dma_wait3A_539 : memref<512xf32, #tpu.memory_space<hbm>>) dst(%dma_wait3A_536 : memref<512xf32, #tpu.memory_space<vmem>>)
              tpu.yield
            }) : () -> ()
          } else {
          }
          %mul3A_424 = arith.constant 16 : i32
          %mul3A_425 = arith.muli %scan3A_321, %mul3A_424 : i32
          %add3A_426 = arith.constant 8 : i32
          %add3A_427 = arith.addi %mul3A_425, %add3A_426 : i32
          %slice3A_428 = vector.extract_strided_slice %get3A_326 {offsets = [8], sizes = [1], strides = [1]} : vector<16xi32> to vector<1xi32>
          %squeeze3A_429 = vector.extract %slice3A_428[0] : i32 from vector<1xi32>
          %ne3A_430 = arith.constant 0 : i32
          %ne3A_431 = arith.cmpi ne, %squeeze3A_429, %ne3A_430 : i32
          %convert_element_type3A_432 = arith.extui %ne3A_431 : i1 to i32
          %cond3A_433 = arith.constant 0 : i32
          %cond3A_434 = arith.cmpi ne, %convert_element_type3A_432, %cond3A_433 : i32
          scf.if %cond3A_434 {
            %slice3A_512 = vector.extract_strided_slice %get3A_331 {offsets = [8], sizes = [1], strides = [1]} : vector<16xi32> to vector<1xi32>
            %squeeze3A_513 = vector.extract %slice3A_512[0] : i32 from vector<1xi32>
            %slice3A_514 = vector.extract_strided_slice %get3A_336 {offsets = [8], sizes = [1], strides = [1]} : vector<16xi32> to vector<1xi32>
            %squeeze3A_515 = vector.extract %slice3A_514[0] : i32 from vector<1xi32>
            "tpu.region"() ({
              %run_scoped3A = tpu.sem_alloc : memref<!tpu.dma_semaphore, #tpu.memory_space<semaphore_mem>>
              %dma_start3A_516 = arith.constant 0 : i32
              %dma_start3A_517 = tpu.memref_slice %arg16[%add3A_427, %dma_start3A_516] : memref<32x512xf32, #tpu.memory_space<vmem>> -> memref<1x512xf32, #tpu.memory_space<vmem>>
              %dma_start3A_518 = tpu.memref_squeeze %dma_start3A_517 : memref<1x512xf32, #tpu.memory_space<vmem>> -> memref<512xf32, #tpu.memory_space<vmem>>
              %dma_start3A_519 = arith.constant 0 : i32
              %dma_start3A_520 = tpu.memref_slice %arg3[%squeeze3A_513, %squeeze3A_515, %dma_start3A_519] : memref<1024x50x512xf32, #tpu.memory_space<hbm>> -> memref<1x1x512xf32, #tpu.memory_space<hbm>>
              %dma_start3A_521 = tpu.memref_squeeze %dma_start3A_520 : memref<1x1x512xf32, #tpu.memory_space<hbm>> -> memref<512xf32, #tpu.memory_space<hbm>>
              %dma_start3A_522 = arith.constant 0 : i32
              %dma_start3A_523 = tpu.memref_slice %arg16[%add3A_427, %dma_start3A_522] : memref<32x512xf32, #tpu.memory_space<vmem>> -> memref<1x512xf32, #tpu.memory_space<vmem>>
              %dma_start3A_524 = tpu.memref_squeeze %dma_start3A_523 : memref<1x512xf32, #tpu.memory_space<vmem>> -> memref<512xf32, #tpu.memory_space<vmem>>
              %dma_start3A_525 = arith.constant 0 : i32
              %dma_start3A_526 = tpu.memref_slice %arg3[%squeeze3A_513, %squeeze3A_515, %dma_start3A_525] : memref<1024x50x512xf32, #tpu.memory_space<hbm>> -> memref<1x1x512xf32, #tpu.memory_space<hbm>>
              %dma_start3A_527 = tpu.memref_squeeze %dma_start3A_526 : memref<1x1x512xf32, #tpu.memory_space<hbm>> -> memref<512xf32, #tpu.memory_space<hbm>>
              tpu.enqueue_dma source(%dma_start3A_527 : memref<512xf32, #tpu.memory_space<hbm>>) target(%dma_start3A_524 : memref<512xf32, #tpu.memory_space<vmem>>) target_semaphore(%run_scoped3A : memref<!tpu.dma_semaphore, #tpu.memory_space<semaphore_mem>>)
              %dma_wait3A_528 = arith.constant 0 : i32
              %dma_wait3A_529 = tpu.memref_slice %arg16[%add3A_427, %dma_wait3A_528] : memref<32x512xf32, #tpu.memory_space<vmem>> -> memref<1x512xf32, #tpu.memory_space<vmem>>
              %dma_wait3A_530 = tpu.memref_squeeze %dma_wait3A_529 : memref<1x512xf32, #tpu.memory_space<vmem>> -> memref<512xf32, #tpu.memory_space<vmem>>
              %dma_wait3A_531 = arith.constant 0 : i32
              %dma_wait3A_532 = tpu.memref_slice %arg3[%squeeze3A_513, %squeeze3A_515, %dma_wait3A_531] : memref<1024x50x512xf32, #tpu.memory_space<hbm>> -> memref<1x1x512xf32, #tpu.memory_space<hbm>>
              %dma_wait3A_533 = tpu.memref_squeeze %dma_wait3A_532 : memref<1x1x512xf32, #tpu.memory_space<hbm>> -> memref<512xf32, #tpu.memory_space<hbm>>
              %dma_wait3A_534 = arith.constant 0 : i32
              %dma_wait3A_535 = tpu.memref_slice %arg16[%add3A_427, %dma_wait3A_534] : memref<32x512xf32, #tpu.memory_space<vmem>> -> memref<1x512xf32, #tpu.memory_space<vmem>>
              %dma_wait3A_536 = tpu.memref_squeeze %dma_wait3A_535 : memref<1x512xf32, #tpu.memory_space<vmem>> -> memref<512xf32, #tpu.memory_space<vmem>>
              %dma_wait3A_537 = arith.constant 0 : i32
              %dma_wait3A_538 = tpu.memref_slice %arg3[%squeeze3A_513, %squeeze3A_515, %dma_wait3A_537] : memref<1024x50x512xf32, #tpu.memory_space<hbm>> -> memref<1x1x512xf32, #tpu.memory_space<hbm>>
              %dma_wait3A_539 = tpu.memref_squeeze %dma_wait3A_538 : memref<1x1x512xf32, #tpu.memory_space<hbm>> -> memref<512xf32, #tpu.memory_space<hbm>>
              tpu.wait_dma2 semaphore(%run_scoped3A : memref<!tpu.dma_semaphore, #tpu.memory_space<semaphore_mem>>) src(%dma_wait3A_539 : memref<512xf32, #tpu.memory_space<hbm>>) dst(%dma_wait3A_536 : memref<512xf32, #tpu.memory_space<vmem>>)
              tpu.yield
            }) : () -> ()
          } else {
          }
          %mul3A_435 = arith.constant 16 : i32
          %mul3A_436 = arith.muli %scan3A_321, %mul3A_435 : i32
          %add3A_437 = arith.constant 9 : i32
          %add3A_438 = arith.addi %mul3A_436, %add3A_437 : i32
          %slice3A_439 = vector.extract_strided_slice %get3A_326 {offsets = [9], sizes = [1], strides = [1]} : vector<16xi32> to vector<1xi32>
          %squeeze3A_440 = vector.extract %slice3A_439[0] : i32 from vector<1xi32>
          %ne3A_441 = arith.constant 0 : i32
          %ne3A_442 = arith.cmpi ne, %squeeze3A_440, %ne3A_441 : i32
          %convert_element_type3A_443 = arith.extui %ne3A_442 : i1 to i32
          %cond3A_444 = arith.constant 0 : i32
          %cond3A_445 = arith.cmpi ne, %convert_element_type3A_443, %cond3A_444 : i32
          scf.if %cond3A_445 {
            %slice3A_512 = vector.extract_strided_slice %get3A_331 {offsets = [9], sizes = [1], strides = [1]} : vector<16xi32> to vector<1xi32>
            %squeeze3A_513 = vector.extract %slice3A_512[0] : i32 from vector<1xi32>
            %slice3A_514 = vector.extract_strided_slice %get3A_336 {offsets = [9], sizes = [1], strides = [1]} : vector<16xi32> to vector<1xi32>
            %squeeze3A_515 = vector.extract %slice3A_514[0] : i32 from vector<1xi32>
            "tpu.region"() ({
              %run_scoped3A = tpu.sem_alloc : memref<!tpu.dma_semaphore, #tpu.memory_space<semaphore_mem>>
              %dma_start3A_516 = arith.constant 0 : i32
              %dma_start3A_517 = tpu.memref_slice %arg16[%add3A_438, %dma_start3A_516] : memref<32x512xf32, #tpu.memory_space<vmem>> -> memref<1x512xf32, #tpu.memory_space<vmem>>
              %dma_start3A_518 = tpu.memref_squeeze %dma_start3A_517 : memref<1x512xf32, #tpu.memory_space<vmem>> -> memref<512xf32, #tpu.memory_space<vmem>>
              %dma_start3A_519 = arith.constant 0 : i32
              %dma_start3A_520 = tpu.memref_slice %arg3[%squeeze3A_513, %squeeze3A_515, %dma_start3A_519] : memref<1024x50x512xf32, #tpu.memory_space<hbm>> -> memref<1x1x512xf32, #tpu.memory_space<hbm>>
              %dma_start3A_521 = tpu.memref_squeeze %dma_start3A_520 : memref<1x1x512xf32, #tpu.memory_space<hbm>> -> memref<512xf32, #tpu.memory_space<hbm>>
              %dma_start3A_522 = arith.constant 0 : i32
              %dma_start3A_523 = tpu.memref_slice %arg16[%add3A_438, %dma_start3A_522] : memref<32x512xf32, #tpu.memory_space<vmem>> -> memref<1x512xf32, #tpu.memory_space<vmem>>
              %dma_start3A_524 = tpu.memref_squeeze %dma_start3A_523 : memref<1x512xf32, #tpu.memory_space<vmem>> -> memref<512xf32, #tpu.memory_space<vmem>>
              %dma_start3A_525 = arith.constant 0 : i32
              %dma_start3A_526 = tpu.memref_slice %arg3[%squeeze3A_513, %squeeze3A_515, %dma_start3A_525] : memref<1024x50x512xf32, #tpu.memory_space<hbm>> -> memref<1x1x512xf32, #tpu.memory_space<hbm>>
              %dma_start3A_527 = tpu.memref_squeeze %dma_start3A_526 : memref<1x1x512xf32, #tpu.memory_space<hbm>> -> memref<512xf32, #tpu.memory_space<hbm>>
              tpu.enqueue_dma source(%dma_start3A_527 : memref<512xf32, #tpu.memory_space<hbm>>) target(%dma_start3A_524 : memref<512xf32, #tpu.memory_space<vmem>>) target_semaphore(%run_scoped3A : memref<!tpu.dma_semaphore, #tpu.memory_space<semaphore_mem>>)
              %dma_wait3A_528 = arith.constant 0 : i32
              %dma_wait3A_529 = tpu.memref_slice %arg16[%add3A_438, %dma_wait3A_528] : memref<32x512xf32, #tpu.memory_space<vmem>> -> memref<1x512xf32, #tpu.memory_space<vmem>>
              %dma_wait3A_530 = tpu.memref_squeeze %dma_wait3A_529 : memref<1x512xf32, #tpu.memory_space<vmem>> -> memref<512xf32, #tpu.memory_space<vmem>>
              %dma_wait3A_531 = arith.constant 0 : i32
              %dma_wait3A_532 = tpu.memref_slice %arg3[%squeeze3A_513, %squeeze3A_515, %dma_wait3A_531] : memref<1024x50x512xf32, #tpu.memory_space<hbm>> -> memref<1x1x512xf32, #tpu.memory_space<hbm>>
              %dma_wait3A_533 = tpu.memref_squeeze %dma_wait3A_532 : memref<1x1x512xf32, #tpu.memory_space<hbm>> -> memref<512xf32, #tpu.memory_space<hbm>>
              %dma_wait3A_534 = arith.constant 0 : i32
              %dma_wait3A_535 = tpu.memref_slice %arg16[%add3A_438, %dma_wait3A_534] : memref<32x512xf32, #tpu.memory_space<vmem>> -> memref<1x512xf32, #tpu.memory_space<vmem>>
              %dma_wait3A_536 = tpu.memref_squeeze %dma_wait3A_535 : memref<1x512xf32, #tpu.memory_space<vmem>> -> memref<512xf32, #tpu.memory_space<vmem>>
              %dma_wait3A_537 = arith.constant 0 : i32
              %dma_wait3A_538 = tpu.memref_slice %arg3[%squeeze3A_513, %squeeze3A_515, %dma_wait3A_537] : memref<1024x50x512xf32, #tpu.memory_space<hbm>> -> memref<1x1x512xf32, #tpu.memory_space<hbm>>
              %dma_wait3A_539 = tpu.memref_squeeze %dma_wait3A_538 : memref<1x1x512xf32, #tpu.memory_space<hbm>> -> memref<512xf32, #tpu.memory_space<hbm>>
              tpu.wait_dma2 semaphore(%run_scoped3A : memref<!tpu.dma_semaphore, #tpu.memory_space<semaphore_mem>>) src(%dma_wait3A_539 : memref<512xf32, #tpu.memory_space<hbm>>) dst(%dma_wait3A_536 : memref<512xf32, #tpu.memory_space<vmem>>)
              tpu.yield
            }) : () -> ()
          } else {
          }
          %mul3A_446 = arith.constant 16 : i32
          %mul3A_447 = arith.muli %scan3A_321, %mul3A_446 : i32
          %add3A_448 = arith.constant 10 : i32
          %add3A_449 = arith.addi %mul3A_447, %add3A_448 : i32
          %slice3A_450 = vector.extract_strided_slice %get3A_326 {offsets = [10], sizes = [1], strides = [1]} : vector<16xi32> to vector<1xi32>
          %squeeze3A_451 = vector.extract %slice3A_450[0] : i32 from vector<1xi32>
          %ne3A_452 = arith.constant 0 : i32
          %ne3A_453 = arith.cmpi ne, %squeeze3A_451, %ne3A_452 : i32
          %convert_element_type3A_454 = arith.extui %ne3A_453 : i1 to i32
          %cond3A_455 = arith.constant 0 : i32
          %cond3A_456 = arith.cmpi ne, %convert_element_type3A_454, %cond3A_455 : i32
          scf.if %cond3A_456 {
            %slice3A_512 = vector.extract_strided_slice %get3A_331 {offsets = [10], sizes = [1], strides = [1]} : vector<16xi32> to vector<1xi32>
            %squeeze3A_513 = vector.extract %slice3A_512[0] : i32 from vector<1xi32>
            %slice3A_514 = vector.extract_strided_slice %get3A_336 {offsets = [10], sizes = [1], strides = [1]} : vector<16xi32> to vector<1xi32>
            %squeeze3A_515 = vector.extract %slice3A_514[0] : i32 from vector<1xi32>
            "tpu.region"() ({
              %run_scoped3A = tpu.sem_alloc : memref<!tpu.dma_semaphore, #tpu.memory_space<semaphore_mem>>
              %dma_start3A_516 = arith.constant 0 : i32
              %dma_start3A_517 = tpu.memref_slice %arg16[%add3A_449, %dma_start3A_516] : memref<32x512xf32, #tpu.memory_space<vmem>> -> memref<1x512xf32, #tpu.memory_space<vmem>>
              %dma_start3A_518 = tpu.memref_squeeze %dma_start3A_517 : memref<1x512xf32, #tpu.memory_space<vmem>> -> memref<512xf32, #tpu.memory_space<vmem>>
              %dma_start3A_519 = arith.constant 0 : i32
              %dma_start3A_520 = tpu.memref_slice %arg3[%squeeze3A_513, %squeeze3A_515, %dma_start3A_519] : memref<1024x50x512xf32, #tpu.memory_space<hbm>> -> memref<1x1x512xf32, #tpu.memory_space<hbm>>
              %dma_start3A_521 = tpu.memref_squeeze %dma_start3A_520 : memref<1x1x512xf32, #tpu.memory_space<hbm>> -> memref<512xf32, #tpu.memory_space<hbm>>
              %dma_start3A_522 = arith.constant 0 : i32
              %dma_start3A_523 = tpu.memref_slice %arg16[%add3A_449, %dma_start3A_522] : memref<32x512xf32, #tpu.memory_space<vmem>> -> memref<1x512xf32, #tpu.memory_space<vmem>>
              %dma_start3A_524 = tpu.memref_squeeze %dma_start3A_523 : memref<1x512xf32, #tpu.memory_space<vmem>> -> memref<512xf32, #tpu.memory_space<vmem>>
              %dma_start3A_525 = arith.constant 0 : i32
              %dma_start3A_526 = tpu.memref_slice %arg3[%squeeze3A_513, %squeeze3A_515, %dma_start3A_525] : memref<1024x50x512xf32, #tpu.memory_space<hbm>> -> memref<1x1x512xf32, #tpu.memory_space<hbm>>
              %dma_start3A_527 = tpu.memref_squeeze %dma_start3A_526 : memref<1x1x512xf32, #tpu.memory_space<hbm>> -> memref<512xf32, #tpu.memory_space<hbm>>
              tpu.enqueue_dma source(%dma_start3A_527 : memref<512xf32, #tpu.memory_space<hbm>>) target(%dma_start3A_524 : memref<512xf32, #tpu.memory_space<vmem>>) target_semaphore(%run_scoped3A : memref<!tpu.dma_semaphore, #tpu.memory_space<semaphore_mem>>)
              %dma_wait3A_528 = arith.constant 0 : i32
              %dma_wait3A_529 = tpu.memref_slice %arg16[%add3A_449, %dma_wait3A_528] : memref<32x512xf32, #tpu.memory_space<vmem>> -> memref<1x512xf32, #tpu.memory_space<vmem>>
              %dma_wait3A_530 = tpu.memref_squeeze %dma_wait3A_529 : memref<1x512xf32, #tpu.memory_space<vmem>> -> memref<512xf32, #tpu.memory_space<vmem>>
              %dma_wait3A_531 = arith.constant 0 : i32
              %dma_wait3A_532 = tpu.memref_slice %arg3[%squeeze3A_513, %squeeze3A_515, %dma_wait3A_531] : memref<1024x50x512xf32, #tpu.memory_space<hbm>> -> memref<1x1x512xf32, #tpu.memory_space<hbm>>
              %dma_wait3A_533 = tpu.memref_squeeze %dma_wait3A_532 : memref<1x1x512xf32, #tpu.memory_space<hbm>> -> memref<512xf32, #tpu.memory_space<hbm>>
              %dma_wait3A_534 = arith.constant 0 : i32
              %dma_wait3A_535 = tpu.memref_slice %arg16[%add3A_449, %dma_wait3A_534] : memref<32x512xf32, #tpu.memory_space<vmem>> -> memref<1x512xf32, #tpu.memory_space<vmem>>
              %dma_wait3A_536 = tpu.memref_squeeze %dma_wait3A_535 : memref<1x512xf32, #tpu.memory_space<vmem>> -> memref<512xf32, #tpu.memory_space<vmem>>
              %dma_wait3A_537 = arith.constant 0 : i32
              %dma_wait3A_538 = tpu.memref_slice %arg3[%squeeze3A_513, %squeeze3A_515, %dma_wait3A_537] : memref<1024x50x512xf32, #tpu.memory_space<hbm>> -> memref<1x1x512xf32, #tpu.memory_space<hbm>>
              %dma_wait3A_539 = tpu.memref_squeeze %dma_wait3A_538 : memref<1x1x512xf32, #tpu.memory_space<hbm>> -> memref<512xf32, #tpu.memory_space<hbm>>
              tpu.wait_dma2 semaphore(%run_scoped3A : memref<!tpu.dma_semaphore, #tpu.memory_space<semaphore_mem>>) src(%dma_wait3A_539 : memref<512xf32, #tpu.memory_space<hbm>>) dst(%dma_wait3A_536 : memref<512xf32, #tpu.memory_space<vmem>>)
              tpu.yield
            }) : () -> ()
          } else {
          }
          %mul3A_457 = arith.constant 16 : i32
          %mul3A_458 = arith.muli %scan3A_321, %mul3A_457 : i32
          %add3A_459 = arith.constant 11 : i32
          %add3A_460 = arith.addi %mul3A_458, %add3A_459 : i32
          %slice3A_461 = vector.extract_strided_slice %get3A_326 {offsets = [11], sizes = [1], strides = [1]} : vector<16xi32> to vector<1xi32>
          %squeeze3A_462 = vector.extract %slice3A_461[0] : i32 from vector<1xi32>
          %ne3A_463 = arith.constant 0 : i32
          %ne3A_464 = arith.cmpi ne, %squeeze3A_462, %ne3A_463 : i32
          %convert_element_type3A_465 = arith.extui %ne3A_464 : i1 to i32
          %cond3A_466 = arith.constant 0 : i32
          %cond3A_467 = arith.cmpi ne, %convert_element_type3A_465, %cond3A_466 : i32
          scf.if %cond3A_467 {
            %slice3A_512 = vector.extract_strided_slice %get3A_331 {offsets = [11], sizes = [1], strides = [1]} : vector<16xi32> to vector<1xi32>
            %squeeze3A_513 = vector.extract %slice3A_512[0] : i32 from vector<1xi32>
            %slice3A_514 = vector.extract_strided_slice %get3A_336 {offsets = [11], sizes = [1], strides = [1]} : vector<16xi32> to vector<1xi32>
            %squeeze3A_515 = vector.extract %slice3A_514[0] : i32 from vector<1xi32>
            "tpu.region"() ({
              %run_scoped3A = tpu.sem_alloc : memref<!tpu.dma_semaphore, #tpu.memory_space<semaphore_mem>>
              %dma_start3A_516 = arith.constant 0 : i32
              %dma_start3A_517 = tpu.memref_slice %arg16[%add3A_460, %dma_start3A_516] : memref<32x512xf32, #tpu.memory_space<vmem>> -> memref<1x512xf32, #tpu.memory_space<vmem>>
              %dma_start3A_518 = tpu.memref_squeeze %dma_start3A_517 : memref<1x512xf32, #tpu.memory_space<vmem>> -> memref<512xf32, #tpu.memory_space<vmem>>
              %dma_start3A_519 = arith.constant 0 : i32
              %dma_start3A_520 = tpu.memref_slice %arg3[%squeeze3A_513, %squeeze3A_515, %dma_start3A_519] : memref<1024x50x512xf32, #tpu.memory_space<hbm>> -> memref<1x1x512xf32, #tpu.memory_space<hbm>>
              %dma_start3A_521 = tpu.memref_squeeze %dma_start3A_520 : memref<1x1x512xf32, #tpu.memory_space<hbm>> -> memref<512xf32, #tpu.memory_space<hbm>>
              %dma_start3A_522 = arith.constant 0 : i32
              %dma_start3A_523 = tpu.memref_slice %arg16[%add3A_460, %dma_start3A_522] : memref<32x512xf32, #tpu.memory_space<vmem>> -> memref<1x512xf32, #tpu.memory_space<vmem>>
              %dma_start3A_524 = tpu.memref_squeeze %dma_start3A_523 : memref<1x512xf32, #tpu.memory_space<vmem>> -> memref<512xf32, #tpu.memory_space<vmem>>
              %dma_start3A_525 = arith.constant 0 : i32
              %dma_start3A_526 = tpu.memref_slice %arg3[%squeeze3A_513, %squeeze3A_515, %dma_start3A_525] : memref<1024x50x512xf32, #tpu.memory_space<hbm>> -> memref<1x1x512xf32, #tpu.memory_space<hbm>>
              %dma_start3A_527 = tpu.memref_squeeze %dma_start3A_526 : memref<1x1x512xf32, #tpu.memory_space<hbm>> -> memref<512xf32, #tpu.memory_space<hbm>>
              tpu.enqueue_dma source(%dma_start3A_527 : memref<512xf32, #tpu.memory_space<hbm>>) target(%dma_start3A_524 : memref<512xf32, #tpu.memory_space<vmem>>) target_semaphore(%run_scoped3A : memref<!tpu.dma_semaphore, #tpu.memory_space<semaphore_mem>>)
              %dma_wait3A_528 = arith.constant 0 : i32
              %dma_wait3A_529 = tpu.memref_slice %arg16[%add3A_460, %dma_wait3A_528] : memref<32x512xf32, #tpu.memory_space<vmem>> -> memref<1x512xf32, #tpu.memory_space<vmem>>
              %dma_wait3A_530 = tpu.memref_squeeze %dma_wait3A_529 : memref<1x512xf32, #tpu.memory_space<vmem>> -> memref<512xf32, #tpu.memory_space<vmem>>
              %dma_wait3A_531 = arith.constant 0 : i32
              %dma_wait3A_532 = tpu.memref_slice %arg3[%squeeze3A_513, %squeeze3A_515, %dma_wait3A_531] : memref<1024x50x512xf32, #tpu.memory_space<hbm>> -> memref<1x1x512xf32, #tpu.memory_space<hbm>>
              %dma_wait3A_533 = tpu.memref_squeeze %dma_wait3A_532 : memref<1x1x512xf32, #tpu.memory_space<hbm>> -> memref<512xf32, #tpu.memory_space<hbm>>
              %dma_wait3A_534 = arith.constant 0 : i32
              %dma_wait3A_535 = tpu.memref_slice %arg16[%add3A_460, %dma_wait3A_534] : memref<32x512xf32, #tpu.memory_space<vmem>> -> memref<1x512xf32, #tpu.memory_space<vmem>>
              %dma_wait3A_536 = tpu.memref_squeeze %dma_wait3A_535 : memref<1x512xf32, #tpu.memory_space<vmem>> -> memref<512xf32, #tpu.memory_space<vmem>>
              %dma_wait3A_537 = arith.constant 0 : i32
              %dma_wait3A_538 = tpu.memref_slice %arg3[%squeeze3A_513, %squeeze3A_515, %dma_wait3A_537] : memref<1024x50x512xf32, #tpu.memory_space<hbm>> -> memref<1x1x512xf32, #tpu.memory_space<hbm>>
              %dma_wait3A_539 = tpu.memref_squeeze %dma_wait3A_538 : memref<1x1x512xf32, #tpu.memory_space<hbm>> -> memref<512xf32, #tpu.memory_space<hbm>>
              tpu.wait_dma2 semaphore(%run_scoped3A : memref<!tpu.dma_semaphore, #tpu.memory_space<semaphore_mem>>) src(%dma_wait3A_539 : memref<512xf32, #tpu.memory_space<hbm>>) dst(%dma_wait3A_536 : memref<512xf32, #tpu.memory_space<vmem>>)
              tpu.yield
            }) : () -> ()
          } else {
          }
          %mul3A_468 = arith.constant 16 : i32
          %mul3A_469 = arith.muli %scan3A_321, %mul3A_468 : i32
          %add3A_470 = arith.constant 12 : i32
          %add3A_471 = arith.addi %mul3A_469, %add3A_470 : i32
          %slice3A_472 = vector.extract_strided_slice %get3A_326 {offsets = [12], sizes = [1], strides = [1]} : vector<16xi32> to vector<1xi32>
          %squeeze3A_473 = vector.extract %slice3A_472[0] : i32 from vector<1xi32>
          %ne3A_474 = arith.constant 0 : i32
          %ne3A_475 = arith.cmpi ne, %squeeze3A_473, %ne3A_474 : i32
          %convert_element_type3A_476 = arith.extui %ne3A_475 : i1 to i32
          %cond3A_477 = arith.constant 0 : i32
          %cond3A_478 = arith.cmpi ne, %convert_element_type3A_476, %cond3A_477 : i32
          scf.if %cond3A_478 {
            %slice3A_512 = vector.extract_strided_slice %get3A_331 {offsets = [12], sizes = [1], strides = [1]} : vector<16xi32> to vector<1xi32>
            %squeeze3A_513 = vector.extract %slice3A_512[0] : i32 from vector<1xi32>
            %slice3A_514 = vector.extract_strided_slice %get3A_336 {offsets = [12], sizes = [1], strides = [1]} : vector<16xi32> to vector<1xi32>
            %squeeze3A_515 = vector.extract %slice3A_514[0] : i32 from vector<1xi32>
            "tpu.region"() ({
              %run_scoped3A = tpu.sem_alloc : memref<!tpu.dma_semaphore, #tpu.memory_space<semaphore_mem>>
              %dma_start3A_516 = arith.constant 0 : i32
              %dma_start3A_517 = tpu.memref_slice %arg16[%add3A_471, %dma_start3A_516] : memref<32x512xf32, #tpu.memory_space<vmem>> -> memref<1x512xf32, #tpu.memory_space<vmem>>
              %dma_start3A_518 = tpu.memref_squeeze %dma_start3A_517 : memref<1x512xf32, #tpu.memory_space<vmem>> -> memref<512xf32, #tpu.memory_space<vmem>>
              %dma_start3A_519 = arith.constant 0 : i32
              %dma_start3A_520 = tpu.memref_slice %arg3[%squeeze3A_513, %squeeze3A_515, %dma_start3A_519] : memref<1024x50x512xf32, #tpu.memory_space<hbm>> -> memref<1x1x512xf32, #tpu.memory_space<hbm>>
              %dma_start3A_521 = tpu.memref_squeeze %dma_start3A_520 : memref<1x1x512xf32, #tpu.memory_space<hbm>> -> memref<512xf32, #tpu.memory_space<hbm>>
              %dma_start3A_522 = arith.constant 0 : i32
              %dma_start3A_523 = tpu.memref_slice %arg16[%add3A_471, %dma_start3A_522] : memref<32x512xf32, #tpu.memory_space<vmem>> -> memref<1x512xf32, #tpu.memory_space<vmem>>
              %dma_start3A_524 = tpu.memref_squeeze %dma_start3A_523 : memref<1x512xf32, #tpu.memory_space<vmem>> -> memref<512xf32, #tpu.memory_space<vmem>>
              %dma_start3A_525 = arith.constant 0 : i32
              %dma_start3A_526 = tpu.memref_slice %arg3[%squeeze3A_513, %squeeze3A_515, %dma_start3A_525] : memref<1024x50x512xf32, #tpu.memory_space<hbm>> -> memref<1x1x512xf32, #tpu.memory_space<hbm>>
              %dma_start3A_527 = tpu.memref_squeeze %dma_start3A_526 : memref<1x1x512xf32, #tpu.memory_space<hbm>> -> memref<512xf32, #tpu.memory_space<hbm>>
              tpu.enqueue_dma source(%dma_start3A_527 : memref<512xf32, #tpu.memory_space<hbm>>) target(%dma_start3A_524 : memref<512xf32, #tpu.memory_space<vmem>>) target_semaphore(%run_scoped3A : memref<!tpu.dma_semaphore, #tpu.memory_space<semaphore_mem>>)
              %dma_wait3A_528 = arith.constant 0 : i32
              %dma_wait3A_529 = tpu.memref_slice %arg16[%add3A_471, %dma_wait3A_528] : memref<32x512xf32, #tpu.memory_space<vmem>> -> memref<1x512xf32, #tpu.memory_space<vmem>>
              %dma_wait3A_530 = tpu.memref_squeeze %dma_wait3A_529 : memref<1x512xf32, #tpu.memory_space<vmem>> -> memref<512xf32, #tpu.memory_space<vmem>>
              %dma_wait3A_531 = arith.constant 0 : i32
              %dma_wait3A_532 = tpu.memref_slice %arg3[%squeeze3A_513, %squeeze3A_515, %dma_wait3A_531] : memref<1024x50x512xf32, #tpu.memory_space<hbm>> -> memref<1x1x512xf32, #tpu.memory_space<hbm>>
              %dma_wait3A_533 = tpu.memref_squeeze %dma_wait3A_532 : memref<1x1x512xf32, #tpu.memory_space<hbm>> -> memref<512xf32, #tpu.memory_space<hbm>>
              %dma_wait3A_534 = arith.constant 0 : i32
              %dma_wait3A_535 = tpu.memref_slice %arg16[%add3A_471, %dma_wait3A_534] : memref<32x512xf32, #tpu.memory_space<vmem>> -> memref<1x512xf32, #tpu.memory_space<vmem>>
              %dma_wait3A_536 = tpu.memref_squeeze %dma_wait3A_535 : memref<1x512xf32, #tpu.memory_space<vmem>> -> memref<512xf32, #tpu.memory_space<vmem>>
              %dma_wait3A_537 = arith.constant 0 : i32
              %dma_wait3A_538 = tpu.memref_slice %arg3[%squeeze3A_513, %squeeze3A_515, %dma_wait3A_537] : memref<1024x50x512xf32, #tpu.memory_space<hbm>> -> memref<1x1x512xf32, #tpu.memory_space<hbm>>
              %dma_wait3A_539 = tpu.memref_squeeze %dma_wait3A_538 : memref<1x1x512xf32, #tpu.memory_space<hbm>> -> memref<512xf32, #tpu.memory_space<hbm>>
              tpu.wait_dma2 semaphore(%run_scoped3A : memref<!tpu.dma_semaphore, #tpu.memory_space<semaphore_mem>>) src(%dma_wait3A_539 : memref<512xf32, #tpu.memory_space<hbm>>) dst(%dma_wait3A_536 : memref<512xf32, #tpu.memory_space<vmem>>)
              tpu.yield
            }) : () -> ()
          } else {
          }
          %mul3A_479 = arith.constant 16 : i32
          %mul3A_480 = arith.muli %scan3A_321, %mul3A_479 : i32
          %add3A_481 = arith.constant 13 : i32
          %add3A_482 = arith.addi %mul3A_480, %add3A_481 : i32
          %slice3A_483 = vector.extract_strided_slice %get3A_326 {offsets = [13], sizes = [1], strides = [1]} : vector<16xi32> to vector<1xi32>
          %squeeze3A_484 = vector.extract %slice3A_483[0] : i32 from vector<1xi32>
          %ne3A_485 = arith.constant 0 : i32
          %ne3A_486 = arith.cmpi ne, %squeeze3A_484, %ne3A_485 : i32
          %convert_element_type3A_487 = arith.extui %ne3A_486 : i1 to i32
          %cond3A_488 = arith.constant 0 : i32
          %cond3A_489 = arith.cmpi ne, %convert_element_type3A_487, %cond3A_488 : i32
          scf.if %cond3A_489 {
            %slice3A_512 = vector.extract_strided_slice %get3A_331 {offsets = [13], sizes = [1], strides = [1]} : vector<16xi32> to vector<1xi32>
            %squeeze3A_513 = vector.extract %slice3A_512[0] : i32 from vector<1xi32>
            %slice3A_514 = vector.extract_strided_slice %get3A_336 {offsets = [13], sizes = [1], strides = [1]} : vector<16xi32> to vector<1xi32>
            %squeeze3A_515 = vector.extract %slice3A_514[0] : i32 from vector<1xi32>
            "tpu.region"() ({
              %run_scoped3A = tpu.sem_alloc : memref<!tpu.dma_semaphore, #tpu.memory_space<semaphore_mem>>
              %dma_start3A_516 = arith.constant 0 : i32
              %dma_start3A_517 = tpu.memref_slice %arg16[%add3A_482, %dma_start3A_516] : memref<32x512xf32, #tpu.memory_space<vmem>> -> memref<1x512xf32, #tpu.memory_space<vmem>>
              %dma_start3A_518 = tpu.memref_squeeze %dma_start3A_517 : memref<1x512xf32, #tpu.memory_space<vmem>> -> memref<512xf32, #tpu.memory_space<vmem>>
              %dma_start3A_519 = arith.constant 0 : i32
              %dma_start3A_520 = tpu.memref_slice %arg3[%squeeze3A_513, %squeeze3A_515, %dma_start3A_519] : memref<1024x50x512xf32, #tpu.memory_space<hbm>> -> memref<1x1x512xf32, #tpu.memory_space<hbm>>
              %dma_start3A_521 = tpu.memref_squeeze %dma_start3A_520 : memref<1x1x512xf32, #tpu.memory_space<hbm>> -> memref<512xf32, #tpu.memory_space<hbm>>
              %dma_start3A_522 = arith.constant 0 : i32
              %dma_start3A_523 = tpu.memref_slice %arg16[%add3A_482, %dma_start3A_522] : memref<32x512xf32, #tpu.memory_space<vmem>> -> memref<1x512xf32, #tpu.memory_space<vmem>>
              %dma_start3A_524 = tpu.memref_squeeze %dma_start3A_523 : memref<1x512xf32, #tpu.memory_space<vmem>> -> memref<512xf32, #tpu.memory_space<vmem>>
              %dma_start3A_525 = arith.constant 0 : i32
              %dma_start3A_526 = tpu.memref_slice %arg3[%squeeze3A_513, %squeeze3A_515, %dma_start3A_525] : memref<1024x50x512xf32, #tpu.memory_space<hbm>> -> memref<1x1x512xf32, #tpu.memory_space<hbm>>
              %dma_start3A_527 = tpu.memref_squeeze %dma_start3A_526 : memref<1x1x512xf32, #tpu.memory_space<hbm>> -> memref<512xf32, #tpu.memory_space<hbm>>
              tpu.enqueue_dma source(%dma_start3A_527 : memref<512xf32, #tpu.memory_space<hbm>>) target(%dma_start3A_524 : memref<512xf32, #tpu.memory_space<vmem>>) target_semaphore(%run_scoped3A : memref<!tpu.dma_semaphore, #tpu.memory_space<semaphore_mem>>)
              %dma_wait3A_528 = arith.constant 0 : i32
              %dma_wait3A_529 = tpu.memref_slice %arg16[%add3A_482, %dma_wait3A_528] : memref<32x512xf32, #tpu.memory_space<vmem>> -> memref<1x512xf32, #tpu.memory_space<vmem>>
              %dma_wait3A_530 = tpu.memref_squeeze %dma_wait3A_529 : memref<1x512xf32, #tpu.memory_space<vmem>> -> memref<512xf32, #tpu.memory_space<vmem>>
              %dma_wait3A_531 = arith.constant 0 : i32
              %dma_wait3A_532 = tpu.memref_slice %arg3[%squeeze3A_513, %squeeze3A_515, %dma_wait3A_531] : memref<1024x50x512xf32, #tpu.memory_space<hbm>> -> memref<1x1x512xf32, #tpu.memory_space<hbm>>
              %dma_wait3A_533 = tpu.memref_squeeze %dma_wait3A_532 : memref<1x1x512xf32, #tpu.memory_space<hbm>> -> memref<512xf32, #tpu.memory_space<hbm>>
              %dma_wait3A_534 = arith.constant 0 : i32
              %dma_wait3A_535 = tpu.memref_slice %arg16[%add3A_482, %dma_wait3A_534] : memref<32x512xf32, #tpu.memory_space<vmem>> -> memref<1x512xf32, #tpu.memory_space<vmem>>
              %dma_wait3A_536 = tpu.memref_squeeze %dma_wait3A_535 : memref<1x512xf32, #tpu.memory_space<vmem>> -> memref<512xf32, #tpu.memory_space<vmem>>
              %dma_wait3A_537 = arith.constant 0 : i32
              %dma_wait3A_538 = tpu.memref_slice %arg3[%squeeze3A_513, %squeeze3A_515, %dma_wait3A_537] : memref<1024x50x512xf32, #tpu.memory_space<hbm>> -> memref<1x1x512xf32, #tpu.memory_space<hbm>>
              %dma_wait3A_539 = tpu.memref_squeeze %dma_wait3A_538 : memref<1x1x512xf32, #tpu.memory_space<hbm>> -> memref<512xf32, #tpu.memory_space<hbm>>
              tpu.wait_dma2 semaphore(%run_scoped3A : memref<!tpu.dma_semaphore, #tpu.memory_space<semaphore_mem>>) src(%dma_wait3A_539 : memref<512xf32, #tpu.memory_space<hbm>>) dst(%dma_wait3A_536 : memref<512xf32, #tpu.memory_space<vmem>>)
              tpu.yield
            }) : () -> ()
          } else {
          }
          %mul3A_490 = arith.constant 16 : i32
          %mul3A_491 = arith.muli %scan3A_321, %mul3A_490 : i32
          %add3A_492 = arith.constant 14 : i32
          %add3A_493 = arith.addi %mul3A_491, %add3A_492 : i32
          %slice3A_494 = vector.extract_strided_slice %get3A_326 {offsets = [14], sizes = [1], strides = [1]} : vector<16xi32> to vector<1xi32>
          %squeeze3A_495 = vector.extract %slice3A_494[0] : i32 from vector<1xi32>
          %ne3A_496 = arith.constant 0 : i32
          %ne3A_497 = arith.cmpi ne, %squeeze3A_495, %ne3A_496 : i32
          %convert_element_type3A_498 = arith.extui %ne3A_497 : i1 to i32
          %cond3A_499 = arith.constant 0 : i32
          %cond3A_500 = arith.cmpi ne, %convert_element_type3A_498, %cond3A_499 : i32
          scf.if %cond3A_500 {
            %slice3A_512 = vector.extract_strided_slice %get3A_331 {offsets = [14], sizes = [1], strides = [1]} : vector<16xi32> to vector<1xi32>
            %squeeze3A_513 = vector.extract %slice3A_512[0] : i32 from vector<1xi32>
            %slice3A_514 = vector.extract_strided_slice %get3A_336 {offsets = [14], sizes = [1], strides = [1]} : vector<16xi32> to vector<1xi32>
            %squeeze3A_515 = vector.extract %slice3A_514[0] : i32 from vector<1xi32>
            "tpu.region"() ({
              %run_scoped3A = tpu.sem_alloc : memref<!tpu.dma_semaphore, #tpu.memory_space<semaphore_mem>>
              %dma_start3A_516 = arith.constant 0 : i32
              %dma_start3A_517 = tpu.memref_slice %arg16[%add3A_493, %dma_start3A_516] : memref<32x512xf32, #tpu.memory_space<vmem>> -> memref<1x512xf32, #tpu.memory_space<vmem>>
              %dma_start3A_518 = tpu.memref_squeeze %dma_start3A_517 : memref<1x512xf32, #tpu.memory_space<vmem>> -> memref<512xf32, #tpu.memory_space<vmem>>
              %dma_start3A_519 = arith.constant 0 : i32
              %dma_start3A_520 = tpu.memref_slice %arg3[%squeeze3A_513, %squeeze3A_515, %dma_start3A_519] : memref<1024x50x512xf32, #tpu.memory_space<hbm>> -> memref<1x1x512xf32, #tpu.memory_space<hbm>>
              %dma_start3A_521 = tpu.memref_squeeze %dma_start3A_520 : memref<1x1x512xf32, #tpu.memory_space<hbm>> -> memref<512xf32, #tpu.memory_space<hbm>>
              %dma_start3A_522 = arith.constant 0 : i32
              %dma_start3A_523 = tpu.memref_slice %arg16[%add3A_493, %dma_start3A_522] : memref<32x512xf32, #tpu.memory_space<vmem>> -> memref<1x512xf32, #tpu.memory_space<vmem>>
              %dma_start3A_524 = tpu.memref_squeeze %dma_start3A_523 : memref<1x512xf32, #tpu.memory_space<vmem>> -> memref<512xf32, #tpu.memory_space<vmem>>
              %dma_start3A_525 = arith.constant 0 : i32
              %dma_start3A_526 = tpu.memref_slice %arg3[%squeeze3A_513, %squeeze3A_515, %dma_start3A_525] : memref<1024x50x512xf32, #tpu.memory_space<hbm>> -> memref<1x1x512xf32, #tpu.memory_space<hbm>>
              %dma_start3A_527 = tpu.memref_squeeze %dma_start3A_526 : memref<1x1x512xf32, #tpu.memory_space<hbm>> -> memref<512xf32, #tpu.memory_space<hbm>>
              tpu.enqueue_dma source(%dma_start3A_527 : memref<512xf32, #tpu.memory_space<hbm>>) target(%dma_start3A_524 : memref<512xf32, #tpu.memory_space<vmem>>) target_semaphore(%run_scoped3A : memref<!tpu.dma_semaphore, #tpu.memory_space<semaphore_mem>>)
              %dma_wait3A_528 = arith.constant 0 : i32
              %dma_wait3A_529 = tpu.memref_slice %arg16[%add3A_493, %dma_wait3A_528] : memref<32x512xf32, #tpu.memory_space<vmem>> -> memref<1x512xf32, #tpu.memory_space<vmem>>
              %dma_wait3A_530 = tpu.memref_squeeze %dma_wait3A_529 : memref<1x512xf32, #tpu.memory_space<vmem>> -> memref<512xf32, #tpu.memory_space<vmem>>
              %dma_wait3A_531 = arith.constant 0 : i32
              %dma_wait3A_532 = tpu.memref_slice %arg3[%squeeze3A_513, %squeeze3A_515, %dma_wait3A_531] : memref<1024x50x512xf32, #tpu.memory_space<hbm>> -> memref<1x1x512xf32, #tpu.memory_space<hbm>>
              %dma_wait3A_533 = tpu.memref_squeeze %dma_wait3A_532 : memref<1x1x512xf32, #tpu.memory_space<hbm>> -> memref<512xf32, #tpu.memory_space<hbm>>
              %dma_wait3A_534 = arith.constant 0 : i32
              %dma_wait3A_535 = tpu.memref_slice %arg16[%add3A_493, %dma_wait3A_534] : memref<32x512xf32, #tpu.memory_space<vmem>> -> memref<1x512xf32, #tpu.memory_space<vmem>>
              %dma_wait3A_536 = tpu.memref_squeeze %dma_wait3A_535 : memref<1x512xf32, #tpu.memory_space<vmem>> -> memref<512xf32, #tpu.memory_space<vmem>>
              %dma_wait3A_537 = arith.constant 0 : i32
              %dma_wait3A_538 = tpu.memref_slice %arg3[%squeeze3A_513, %squeeze3A_515, %dma_wait3A_537] : memref<1024x50x512xf32, #tpu.memory_space<hbm>> -> memref<1x1x512xf32, #tpu.memory_space<hbm>>
              %dma_wait3A_539 = tpu.memref_squeeze %dma_wait3A_538 : memref<1x1x512xf32, #tpu.memory_space<hbm>> -> memref<512xf32, #tpu.memory_space<hbm>>
              tpu.wait_dma2 semaphore(%run_scoped3A : memref<!tpu.dma_semaphore, #tpu.memory_space<semaphore_mem>>) src(%dma_wait3A_539 : memref<512xf32, #tpu.memory_space<hbm>>) dst(%dma_wait3A_536 : memref<512xf32, #tpu.memory_space<vmem>>)
              tpu.yield
            }) : () -> ()
          } else {
          }
          %mul3A_501 = arith.constant 16 : i32
          %mul3A_502 = arith.muli %scan3A_321, %mul3A_501 : i32
          %add3A_503 = arith.constant 15 : i32
          %add3A_504 = arith.addi %mul3A_502, %add3A_503 : i32
          %slice3A_505 = vector.extract_strided_slice %get3A_326 {offsets = [15], sizes = [1], strides = [1]} : vector<16xi32> to vector<1xi32>
          %squeeze3A_506 = vector.extract %slice3A_505[0] : i32 from vector<1xi32>
          %ne3A_507 = arith.constant 0 : i32
          %ne3A_508 = arith.cmpi ne, %squeeze3A_506, %ne3A_507 : i32
          %convert_element_type3A_509 = arith.extui %ne3A_508 : i1 to i32
          %cond3A_510 = arith.constant 0 : i32
          %cond3A_511 = arith.cmpi ne, %convert_element_type3A_509, %cond3A_510 : i32
          scf.if %cond3A_511 {
            %slice3A_512 = vector.extract_strided_slice %get3A_331 {offsets = [15], sizes = [1], strides = [1]} : vector<16xi32> to vector<1xi32>
            %squeeze3A_513 = vector.extract %slice3A_512[0] : i32 from vector<1xi32>
            %slice3A_514 = vector.extract_strided_slice %get3A_336 {offsets = [15], sizes = [1], strides = [1]} : vector<16xi32> to vector<1xi32>
            %squeeze3A_515 = vector.extract %slice3A_514[0] : i32 from vector<1xi32>
            "tpu.region"() ({
              %run_scoped3A = tpu.sem_alloc : memref<!tpu.dma_semaphore, #tpu.memory_space<semaphore_mem>>
              %dma_start3A_516 = arith.constant 0 : i32
              %dma_start3A_517 = tpu.memref_slice %arg16[%add3A_504, %dma_start3A_516] : memref<32x512xf32, #tpu.memory_space<vmem>> -> memref<1x512xf32, #tpu.memory_space<vmem>>
              %dma_start3A_518 = tpu.memref_squeeze %dma_start3A_517 : memref<1x512xf32, #tpu.memory_space<vmem>> -> memref<512xf32, #tpu.memory_space<vmem>>
              %dma_start3A_519 = arith.constant 0 : i32
              %dma_start3A_520 = tpu.memref_slice %arg3[%squeeze3A_513, %squeeze3A_515, %dma_start3A_519] : memref<1024x50x512xf32, #tpu.memory_space<hbm>> -> memref<1x1x512xf32, #tpu.memory_space<hbm>>
              %dma_start3A_521 = tpu.memref_squeeze %dma_start3A_520 : memref<1x1x512xf32, #tpu.memory_space<hbm>> -> memref<512xf32, #tpu.memory_space<hbm>>
              %dma_start3A_522 = arith.constant 0 : i32
              %dma_start3A_523 = tpu.memref_slice %arg16[%add3A_504, %dma_start3A_522] : memref<32x512xf32, #tpu.memory_space<vmem>> -> memref<1x512xf32, #tpu.memory_space<vmem>>
              %dma_start3A_524 = tpu.memref_squeeze %dma_start3A_523 : memref<1x512xf32, #tpu.memory_space<vmem>> -> memref<512xf32, #tpu.memory_space<vmem>>
              %dma_start3A_525 = arith.constant 0 : i32
              %dma_start3A_526 = tpu.memref_slice %arg3[%squeeze3A_513, %squeeze3A_515, %dma_start3A_525] : memref<1024x50x512xf32, #tpu.memory_space<hbm>> -> memref<1x1x512xf32, #tpu.memory_space<hbm>>
              %dma_start3A_527 = tpu.memref_squeeze %dma_start3A_526 : memref<1x1x512xf32, #tpu.memory_space<hbm>> -> memref<512xf32, #tpu.memory_space<hbm>>
              tpu.enqueue_dma source(%dma_start3A_527 : memref<512xf32, #tpu.memory_space<hbm>>) target(%dma_start3A_524 : memref<512xf32, #tpu.memory_space<vmem>>) target_semaphore(%run_scoped3A : memref<!tpu.dma_semaphore, #tpu.memory_space<semaphore_mem>>)
              %dma_wait3A_528 = arith.constant 0 : i32
              %dma_wait3A_529 = tpu.memref_slice %arg16[%add3A_504, %dma_wait3A_528] : memref<32x512xf32, #tpu.memory_space<vmem>> -> memref<1x512xf32, #tpu.memory_space<vmem>>
              %dma_wait3A_530 = tpu.memref_squeeze %dma_wait3A_529 : memref<1x512xf32, #tpu.memory_space<vmem>> -> memref<512xf32, #tpu.memory_space<vmem>>
              %dma_wait3A_531 = arith.constant 0 : i32
              %dma_wait3A_532 = tpu.memref_slice %arg3[%squeeze3A_513, %squeeze3A_515, %dma_wait3A_531] : memref<1024x50x512xf32, #tpu.memory_space<hbm>> -> memref<1x1x512xf32, #tpu.memory_space<hbm>>
              %dma_wait3A_533 = tpu.memref_squeeze %dma_wait3A_532 : memref<1x1x512xf32, #tpu.memory_space<hbm>> -> memref<512xf32, #tpu.memory_space<hbm>>
              %dma_wait3A_534 = arith.constant 0 : i32
              %dma_wait3A_535 = tpu.memref_slice %arg16[%add3A_504, %dma_wait3A_534] : memref<32x512xf32, #tpu.memory_space<vmem>> -> memref<1x512xf32, #tpu.memory_space<vmem>>
              %dma_wait3A_536 = tpu.memref_squeeze %dma_wait3A_535 : memref<1x512xf32, #tpu.memory_space<vmem>> -> memref<512xf32, #tpu.memory_space<vmem>>
              %dma_wait3A_537 = arith.constant 0 : i32
              %dma_wait3A_538 = tpu.memref_slice %arg3[%squeeze3A_513, %squeeze3A_515, %dma_wait3A_537] : memref<1024x50x512xf32, #tpu.memory_space<hbm>> -> memref<1x1x512xf32, #tpu.memory_space<hbm>>
              %dma_wait3A_539 = tpu.memref_squeeze %dma_wait3A_538 : memref<1x1x512xf32, #tpu.memory_space<hbm>> -> memref<512xf32, #tpu.memory_space<hbm>>
              tpu.wait_dma2 semaphore(%run_scoped3A : memref<!tpu.dma_semaphore, #tpu.memory_space<semaphore_mem>>) src(%dma_wait3A_539 : memref<512xf32, #tpu.memory_space<hbm>>) dst(%dma_wait3A_536 : memref<512xf32, #tpu.memory_space<vmem>>)
              tpu.yield
            }) : () -> ()
          } else {
          }
        }
        %scan3A_320 = arith.constant 2 : i32
      } else {
      }
      %add3A_314 = arith.addi %mul3A_2, %mul3A_248 : i32
      "tpu.region"() ({
        %run_scoped3A = tpu.sem_alloc : memref<!tpu.dma_semaphore, #tpu.memory_space<semaphore_mem>>
        %dma_start3A_315 = arith.constant 0 : i32
        %dma_start3A_316 = tpu.memref_slice %arg5[%add3A_314, %dma_start3A_315] : memref<51200x512xf32, #tpu.memory_space<hbm>> -> memref<32x512xf32, #tpu.memory_space<hbm>>
        %dma_start3A_317 = arith.constant 0 : i32
        %dma_start3A_318 = tpu.memref_slice %arg5[%add3A_314, %dma_start3A_317] : memref<51200x512xf32, #tpu.memory_space<hbm>> -> memref<32x512xf32, #tpu.memory_space<hbm>>
        tpu.enqueue_dma source(%arg16 : memref<32x512xf32, #tpu.memory_space<vmem>>) target(%dma_start3A_318 : memref<32x512xf32, #tpu.memory_space<hbm>>) target_semaphore(%run_scoped3A : memref<!tpu.dma_semaphore, #tpu.memory_space<semaphore_mem>>)
        %dma_wait3A_319 = arith.constant 0 : i32
        %dma_wait3A_320 = tpu.memref_slice %arg5[%add3A_314, %dma_wait3A_319] : memref<51200x512xf32, #tpu.memory_space<hbm>> -> memref<32x512xf32, #tpu.memory_space<hbm>>
        %dma_wait3A_321 = arith.constant 0 : i32
        %dma_wait3A_322 = tpu.memref_slice %arg5[%add3A_314, %dma_wait3A_321] : memref<51200x512xf32, #tpu.memory_space<hbm>> -> memref<32x512xf32, #tpu.memory_space<hbm>>
        tpu.wait_dma2 semaphore(%run_scoped3A : memref<!tpu.dma_semaphore, #tpu.memory_space<semaphore_mem>>) src(%arg16 : memref<32x512xf32, #tpu.memory_space<vmem>>) dst(%dma_wait3A_322 : memref<32x512xf32, #tpu.memory_space<hbm>>)
        tpu.yield
      }) : () -> ()
    }
    %scan3A_85 = arith.constant 25 : i32
    return
  }
}

module attributes {stable_mosaic.version = 14 : i64} {
  func.func @kfn(%arg0: i32, %arg1: memref<400x512xf32, #tpu.memory_space<vmem>>, %arg2: memref<8x50x1xi32, #tpu.memory_space<vmem>>, %arg3: memref<50x512xf32, #tpu.memory_space<vmem>>, %arg4: memref<1x512xf32, #tpu.memory_space<vmem>>, %arg5: memref<1x512xf32, #tpu.memory_space<vmem>>, %arg6: memref<1x512xf32, #tpu.memory_space<vmem>>, %arg7: memref<1x512xf32, #tpu.memory_space<vmem>>, %arg8: memref<1x512xf32, #tpu.memory_space<vmem>>, %arg9: memref<1x512xf32, #tpu.memory_space<vmem>>, %arg10: memref<1x512xf32, #tpu.memory_space<vmem>>, %arg11: memref<8x50x512xf32, #tpu.memory_space<vmem>>) attributes {dimension_semantics = [#tpu.dimension_semantics<arbitrary>], iteration_bounds = array<i64: 128>, scalar_prefetch = 0 : i64, scratch_operands = 0 : i64, tpu.core_type = #tpu.core_type<tc>, window_params = [{transform_indices = @transform_0, window_bounds = array<i64: 400, 512>}, {transform_indices = @transform_1, window_bounds = array<i64: 8, 50, 1>}, {pipeline_mode = #tpu.pipeline_mode<synchronous>, transform_indices = @transform_2, window_bounds = array<i64: 50, 512>}, {pipeline_mode = #tpu.pipeline_mode<synchronous>, transform_indices = @transform_3, window_bounds = array<i64: 1, 512>}, {pipeline_mode = #tpu.pipeline_mode<synchronous>, transform_indices = @transform_4, window_bounds = array<i64: 1, 512>}, {pipeline_mode = #tpu.pipeline_mode<synchronous>, transform_indices = @transform_5, window_bounds = array<i64: 1, 512>}, {pipeline_mode = #tpu.pipeline_mode<synchronous>, transform_indices = @transform_6, window_bounds = array<i64: 1, 512>}, {pipeline_mode = #tpu.pipeline_mode<synchronous>, transform_indices = @transform_7, window_bounds = array<i64: 1, 512>}, {pipeline_mode = #tpu.pipeline_mode<synchronous>, transform_indices = @transform_8, window_bounds = array<i64: 1, 512>}, {pipeline_mode = #tpu.pipeline_mode<synchronous>, transform_indices = @transform_9, window_bounds = array<i64: 1, 512>}, {transform_indices = @transform_10, window_bounds = array<i64: 8, 50, 512>}]} {
    %get3A = arith.constant 0 : index
    %get3A_0 = arith.constant 0 : index
    %get3A_1 = vector.load %arg1[%get3A, %get3A_0] : memref<400x512xf32, #tpu.memory_space<vmem>>, vector<400x512xf32>
    %reshape3A = vector.shape_cast %get3A_1 : vector<400x512xf32> to vector<8x50x512xf32>
    %reduce_sum3A = arith.constant dense<0.000000e+00> : vector<8x50xf32>
    %reduce_sum3A_2 = vector.multi_reduction <add>, %reshape3A, %reduce_sum3A [2] : vector<8x50x512xf32> to vector<8x50xf32>
    %broadcast_in_dim3A = vector.shape_cast %reduce_sum3A_2 : vector<8x50xf32> to vector<8x50x1xf32>
    %div3A = arith.constant 5.120000e+02 : f32
    %div3A_3 = vector.broadcast %div3A : f32 to vector<8x50x1xf32>
    %div3A_4 = arith.divf %broadcast_in_dim3A, %div3A_3 : vector<8x50x1xf32>
    %sub3A = vector.broadcast %div3A_4 : vector<8x50x1xf32> to vector<8x50x512xf32>
    %sub3A_5 = arith.subf %reshape3A, %sub3A : vector<8x50x512xf32>
    %square3A = arith.mulf %sub3A_5, %sub3A_5 : vector<8x50x512xf32>
    %reduce_sum3A_6 = arith.constant dense<0.000000e+00> : vector<8x50xf32>
    %reduce_sum3A_7 = vector.multi_reduction <add>, %square3A, %reduce_sum3A_6 [2] : vector<8x50x512xf32> to vector<8x50xf32>
    %broadcast_in_dim3A_8 = vector.shape_cast %reduce_sum3A_7 : vector<8x50xf32> to vector<8x50x1xf32>
    %div3A_9 = arith.constant 5.120000e+02 : f32
    %div3A_10 = vector.broadcast %div3A_9 : f32 to vector<8x50x1xf32>
    %div3A_11 = arith.divf %broadcast_in_dim3A_8, %div3A_10 : vector<8x50x1xf32>
    %sub3A_12 = vector.broadcast %div3A_4 : vector<8x50x1xf32> to vector<8x50x512xf32>
    %sub3A_13 = arith.subf %reshape3A, %sub3A_12 : vector<8x50x512xf32>
    %add3A = arith.constant 9.99999974E-6 : f32
    %add3A_14 = vector.broadcast %add3A : f32 to vector<8x50x1xf32>
    %add3A_15 = arith.addf %div3A_11, %add3A_14 : vector<8x50x1xf32>
    %rsqrt3A = math.rsqrt %add3A_15 : vector<8x50x1xf32>
    %mul3A = vector.broadcast %rsqrt3A : vector<8x50x1xf32> to vector<8x50x512xf32>
    %mul3A_16 = arith.mulf %sub3A_13, %mul3A : vector<8x50x512xf32>
    %get3A_17 = arith.constant 0 : index
    %get3A_18 = arith.constant 0 : index
    %get3A_19 = arith.constant 0 : index
    %get3A_20 = vector.load %arg2[%get3A_17, %get3A_18, %get3A_19] : memref<8x50x1xi32, #tpu.memory_space<vmem>>, vector<8x50x1xi32>
    %ge3A = arith.constant 100000 : i32
    %ge3A_21 = vector.broadcast %ge3A : i32 to vector<8x50x1xi32>
    %ge3A_22 = arith.cmpi sge, %get3A_20, %ge3A_21 : vector<8x50x1xi32>
    %get3A_23 = arith.constant 0 : index
    %get3A_24 = arith.constant 0 : index
    %get3A_25 = vector.load %arg7[%get3A_23, %get3A_24] : memref<1x512xf32, #tpu.memory_space<vmem>>, vector<1x512xf32>
    %broadcast_in_dim3A_26 = vector.shape_cast %get3A_25 : vector<1x512xf32> to vector<1x1x512xf32>
    %get3A_27 = arith.constant 0 : index
    %get3A_28 = arith.constant 0 : index
    %get3A_29 = vector.load %arg5[%get3A_27, %get3A_28] : memref<1x512xf32, #tpu.memory_space<vmem>>, vector<1x512xf32>
    %broadcast_in_dim3A_30 = vector.shape_cast %get3A_29 : vector<1x512xf32> to vector<1x1x512xf32>
    %broadcast_in_dim3A_31 = vector.shape_cast %ge3A_22 : vector<8x50x1xi1> to vector<8x50x1xi1>
    %broadcast_in_dim3A_32 = vector.broadcast %broadcast_in_dim3A_31 : vector<8x50x1xi1> to vector<8x50x512xi1>
    %broadcast_in_dim3A_33 = vector.shape_cast %broadcast_in_dim3A_26 : vector<1x1x512xf32> to vector<1x1x512xf32>
    %broadcast_in_dim3A_34 = vector.broadcast %broadcast_in_dim3A_33 : vector<1x1x512xf32> to vector<8x50x512xf32>
    %broadcast_in_dim3A_35 = vector.shape_cast %broadcast_in_dim3A_30 : vector<1x1x512xf32> to vector<1x1x512xf32>
    %broadcast_in_dim3A_36 = vector.broadcast %broadcast_in_dim3A_35 : vector<1x1x512xf32> to vector<8x50x512xf32>
    %select_n3A = arith.select %broadcast_in_dim3A_32, %broadcast_in_dim3A_34, %broadcast_in_dim3A_36 : vector<8x50x512xi1>, vector<8x50x512xf32>
    %get3A_37 = arith.constant 0 : index
    %get3A_38 = arith.constant 0 : index
    %get3A_39 = vector.load %arg8[%get3A_37, %get3A_38] : memref<1x512xf32, #tpu.memory_space<vmem>>, vector<1x512xf32>
    %broadcast_in_dim3A_40 = vector.shape_cast %get3A_39 : vector<1x512xf32> to vector<1x1x512xf32>
    %get3A_41 = arith.constant 0 : index
    %get3A_42 = arith.constant 0 : index
    %get3A_43 = vector.load %arg6[%get3A_41, %get3A_42] : memref<1x512xf32, #tpu.memory_space<vmem>>, vector<1x512xf32>
    %broadcast_in_dim3A_44 = vector.shape_cast %get3A_43 : vector<1x512xf32> to vector<1x1x512xf32>
    %broadcast_in_dim3A_45 = vector.shape_cast %ge3A_22 : vector<8x50x1xi1> to vector<8x50x1xi1>
    %broadcast_in_dim3A_46 = vector.broadcast %broadcast_in_dim3A_45 : vector<8x50x1xi1> to vector<8x50x512xi1>
    %broadcast_in_dim3A_47 = vector.shape_cast %broadcast_in_dim3A_40 : vector<1x1x512xf32> to vector<1x1x512xf32>
    %broadcast_in_dim3A_48 = vector.broadcast %broadcast_in_dim3A_47 : vector<1x1x512xf32> to vector<8x50x512xf32>
    %broadcast_in_dim3A_49 = vector.shape_cast %broadcast_in_dim3A_44 : vector<1x1x512xf32> to vector<1x1x512xf32>
    %broadcast_in_dim3A_50 = vector.broadcast %broadcast_in_dim3A_49 : vector<1x1x512xf32> to vector<8x50x512xf32>
    %select_n3A_51 = arith.select %broadcast_in_dim3A_46, %broadcast_in_dim3A_48, %broadcast_in_dim3A_50 : vector<8x50x512xi1>, vector<8x50x512xf32>
    %mul3A_52 = arith.mulf %mul3A_16, %select_n3A : vector<8x50x512xf32>
    %add3A_53 = arith.addf %mul3A_52, %select_n3A_51 : vector<8x50x512xf32>
    %get3A_54 = arith.constant 0 : index
    %get3A_55 = arith.constant 0 : index
    %get3A_56 = vector.load %arg3[%get3A_54, %get3A_55] : memref<50x512xf32, #tpu.memory_space<vmem>>, vector<50x512xf32>
    %get3A_57 = arith.constant 0 : index
    %get3A_58 = arith.constant 0 : index
    %get3A_59 = vector.load %arg4[%get3A_57, %get3A_58] : memref<1x512xf32, #tpu.memory_space<vmem>>, vector<1x512xf32>
    %add3A_60 = vector.broadcast %get3A_59 : vector<1x512xf32> to vector<50x512xf32>
    %add3A_61 = arith.addf %get3A_56, %add3A_60 : vector<50x512xf32>
    %reduce_sum3A_62 = arith.constant dense<0.000000e+00> : vector<50xf32>
    %reduce_sum3A_63 = vector.multi_reduction <add>, %add3A_61, %reduce_sum3A_62 [1] : vector<50x512xf32> to vector<50xf32>
    %broadcast_in_dim3A_64 = vector.shape_cast %reduce_sum3A_63 : vector<50xf32> to vector<50x1xf32>
    %div3A_65 = arith.constant 5.120000e+02 : f32
    %div3A_66 = vector.broadcast %div3A_65 : f32 to vector<50x1xf32>
    %div3A_67 = arith.divf %broadcast_in_dim3A_64, %div3A_66 : vector<50x1xf32>
    %sub3A_68 = vector.broadcast %div3A_67 : vector<50x1xf32> to vector<50x512xf32>
    %sub3A_69 = arith.subf %add3A_61, %sub3A_68 : vector<50x512xf32>
    %square3A_70 = arith.mulf %sub3A_69, %sub3A_69 : vector<50x512xf32>
    %reduce_sum3A_71 = arith.constant dense<0.000000e+00> : vector<50xf32>
    %reduce_sum3A_72 = vector.multi_reduction <add>, %square3A_70, %reduce_sum3A_71 [1] : vector<50x512xf32> to vector<50xf32>
    %broadcast_in_dim3A_73 = vector.shape_cast %reduce_sum3A_72 : vector<50xf32> to vector<50x1xf32>
    %div3A_74 = arith.constant 5.120000e+02 : f32
    %div3A_75 = vector.broadcast %div3A_74 : f32 to vector<50x1xf32>
    %div3A_76 = arith.divf %broadcast_in_dim3A_73, %div3A_75 : vector<50x1xf32>
    %sub3A_77 = vector.broadcast %div3A_67 : vector<50x1xf32> to vector<50x512xf32>
    %sub3A_78 = arith.subf %add3A_61, %sub3A_77 : vector<50x512xf32>
    %add3A_79 = arith.constant 9.99999974E-6 : f32
    %add3A_80 = vector.broadcast %add3A_79 : f32 to vector<50x1xf32>
    %add3A_81 = arith.addf %div3A_76, %add3A_80 : vector<50x1xf32>
    %rsqrt3A_82 = math.rsqrt %add3A_81 : vector<50x1xf32>
    %mul3A_83 = vector.broadcast %rsqrt3A_82 : vector<50x1xf32> to vector<50x512xf32>
    %mul3A_84 = arith.mulf %sub3A_78, %mul3A_83 : vector<50x512xf32>
    %get3A_85 = arith.constant 0 : index
    %get3A_86 = arith.constant 0 : index
    %get3A_87 = vector.load %arg9[%get3A_85, %get3A_86] : memref<1x512xf32, #tpu.memory_space<vmem>>, vector<1x512xf32>
    %mul3A_88 = vector.broadcast %get3A_87 : vector<1x512xf32> to vector<50x512xf32>
    %mul3A_89 = arith.mulf %mul3A_84, %mul3A_88 : vector<50x512xf32>
    %get3A_90 = arith.constant 0 : index
    %get3A_91 = arith.constant 0 : index
    %get3A_92 = vector.load %arg10[%get3A_90, %get3A_91] : memref<1x512xf32, #tpu.memory_space<vmem>>, vector<1x512xf32>
    %add3A_93 = vector.broadcast %get3A_92 : vector<1x512xf32> to vector<50x512xf32>
    %add3A_94 = arith.addf %mul3A_89, %add3A_93 : vector<50x512xf32>
    %broadcast_in_dim3A_95 = vector.shape_cast %add3A_94 : vector<50x512xf32> to vector<1x50x512xf32>
    %add3A_96 = vector.broadcast %broadcast_in_dim3A_95 : vector<1x50x512xf32> to vector<8x50x512xf32>
    %add3A_97 = arith.addf %add3A_53, %add3A_96 : vector<8x50x512xf32>
    %swap3A = arith.constant 0 : index
    %swap3A_98 = arith.constant 0 : index
    %swap3A_99 = arith.constant 0 : index
    %swap3A_100 = vector.load %arg11[%swap3A, %swap3A_98, %swap3A_99] : memref<8x50x512xf32, #tpu.memory_space<vmem>>, vector<8x50x512xf32>
    tpu.vector_store %arg11[%swap3A, %swap3A_98, %swap3A_99], %add3A_97 {strides = array<i32>} : memref<8x50x512xf32, #tpu.memory_space<vmem>>, vector<8x50x512xf32>,
    return
  }
  func.func @transform_0(%arg0: i32) -> (i32, i32) {
    %c0_i32 = arith.constant 0 : i32
    %c0_i32_0 = arith.constant 0 : i32
    return %arg0, %c0_i32 : i32, i32
  }
  func.func @transform_1(%arg0: i32) -> (i32, i32, i32) {
    %c0_i32 = arith.constant 0 : i32
    %c0_i32_0 = arith.constant 0 : i32
    %c0_i32_1 = arith.constant 0 : i32
    return %arg0, %c0_i32, %c0_i32_0 : i32, i32, i32
  }
  func.func @transform_2(%arg0: i32) -> (i32, i32) {
    %c0_i32 = arith.constant 0 : i32
    %c0_i32_0 = arith.constant 0 : i32
    %c0_i32_1 = arith.constant 0 : i32
    return %c0_i32, %c0_i32_0 : i32, i32
  }
  func.func @transform_3(%arg0: i32) -> (i32, i32) {
    %c0_i32 = arith.constant 0 : i32
    %c0_i32_0 = arith.constant 0 : i32
    %c0_i32_1 = arith.constant 0 : i32
    return %c0_i32, %c0_i32_0 : i32, i32
  }
  func.func @transform_4(%arg0: i32) -> (i32, i32) {
    %c0_i32 = arith.constant 0 : i32
    %c0_i32_0 = arith.constant 0 : i32
    %c0_i32_1 = arith.constant 0 : i32
    return %c0_i32, %c0_i32_0 : i32, i32
  }
  func.func @transform_5(%arg0: i32) -> (i32, i32) {
    %c0_i32 = arith.constant 0 : i32
    %c0_i32_0 = arith.constant 0 : i32
    %c0_i32_1 = arith.constant 0 : i32
    return %c0_i32, %c0_i32_0 : i32, i32
  }
  func.func @transform_6(%arg0: i32) -> (i32, i32) {
    %c0_i32 = arith.constant 0 : i32
    %c0_i32_0 = arith.constant 0 : i32
    %c0_i32_1 = arith.constant 0 : i32
    return %c0_i32, %c0_i32_0 : i32, i32
  }
  func.func @transform_7(%arg0: i32) -> (i32, i32) {
    %c0_i32 = arith.constant 0 : i32
    %c0_i32_0 = arith.constant 0 : i32
    %c0_i32_1 = arith.constant 0 : i32
    return %c0_i32, %c0_i32_0 : i32, i32
  }
  func.func @transform_8(%arg0: i32) -> (i32, i32) {
    %c0_i32 = arith.constant 0 : i32
    %c0_i32_0 = arith.constant 0 : i32
    %c0_i32_1 = arith.constant 0 : i32
    return %c0_i32, %c0_i32_0 : i32, i32
  }
  func.func @transform_9(%arg0: i32) -> (i32, i32) {
    %c0_i32 = arith.constant 0 : i32
    %c0_i32_0 = arith.constant 0 : i32
    %c0_i32_1 = arith.constant 0 : i32
    return %c0_i32, %c0_i32_0 : i32, i32
  }
  func.func @transform_10(%arg0: i32) -> (i32, i32, i32) {
    %c0_i32 = arith.constant 0 : i32
    %c0_i32_0 = arith.constant 0 : i32
    %c0_i32_1 = arith.constant 0 : i32
    return %arg0, %c0_i32, %c0_i32_0 : i32, i32, i32
  }
}

</mosaic_0001>

<sc_bundles>
// kernel: kernel.4.cloned.1.call-start
scs
__scs_entry_jumppad:
0x0: {  	(pc) =	sbr.rel $0x88, $3  }
0x1: {  	(tag) =	ssettag $0x0;
	lr =	simm.s32 $0x1  }
0x2: {  	[smem:$0x3F96] =	sst lr;
	_ =	strace $0xD0000000  }
0x3: {  	_ = 	snop  }
0x4: {  	_ = 	snop  }
0x5: {  	_ = 	snop  }
0x6: {  	_ = 	snop  }
0x7: {  	_ = 	snop  }
__scs_overlays_trampoline_lowered:
0x8: {  	[smem:$0x3FA5] =	sst s0  }
0x9: {  	[smem:$0x3FA6] =	sst s1  }
0xa: {  	[smem:$0x3FA7] =	sst s2  }
0xb: {  	[smem:$0x3FA8] =	sst s3  }
0xc: {  	[smem:$0x3FA9] =	sst s4  }
0xd: {  	[smem:$0x3FAA] =	sst s5  }
0xe: {  	[smem:$0x3FAB] =	sst s6  }
0xf: {  	[smem:$0x3FAC] =	sst s7  }
0x10: {  	[smem:$0x3FAD] =	sst s8  }
0x11: {  	[smem:$0x3FAE] =	sst s9;
	s0 =	simm.s32 @!p0 $0x0  }
0x12: {  	s1 =	sld [smem:$0x3F94];
	s0 =	simm.s32 @p0 $0x1  }
0x13: {  	[smem:$0x3FAF] =	sst s0;
	s0 =	simm.s32 @!p1 $0x0  }
0x14: {  	s2 =	sld [smem:$0x3F93];
	s0 =	simm.s32 @p1 $0x1  }
0x15: {  	[smem:$0x3FB0] =	sst s0;
	s0 =	simm.s32 @!p2 $0x0  }
0x16: {  	s3 =	sld [smem:$0x3FDB];
	s0 =	simm.s32 @p2 $0x1  }
0x17: {  	s4 =	simm.s32 $0x1BF5;
	[smem:$0x3FB2] =	sst s0  }
0x18: {  	s0 =	sld [smem:$0x3F95];
	_ =	swait.ge [sflag:s4], $0x0  }
0x19: {  	s7 =	sld [smem:$0x3F96]  }
0x1a: {  	s8 =	sadd.s32 $0xFFFFE003, lr  }
0x1b: {  	s9 =	sadd.s32 $0xFFFFFEF7, lr;
	s5 =	simm.s32 $0xFFFFFFFF;
	p2 =	slt.u32 s8, $0xFFFFF086  }
0x1c: {  	p1 =	slt.u32 s9, $0xF7A;
	s5 =	simm.s32 @!p2 $0x0  }
0x1d: {  	s5 =	simm.s32 @p1 $0x1;
	p0 =	seq.s32 s7, s2  }
0x1e: {  	s7 =	smul.u32 @!p0 $0xF7A, s2;
	p2 =	seq.s32 @!p0 s5, $0x0  }
0x1f: {  	s9 =	smul.u32 $0xF7A, s1;
	s8 =	simm.s32 @!p0 $0x1BF5;
	p2 =	por !p2, p0  }
0x20: {  	[sflag:s8] =	ssyncset.s32 @!p0 $0xFFFFF086;
	s6 =	sadd.s32 @!p0 s3, s7;
	s7 =	simm.s32 @!p0 $0x108  }
0x21: {  	s3 =	sadd.s32 s3, s9;
	s6 =	sadd.s32 @!p0 $0x88, s6;
	s7 =	simm.s32 @p2 $0x1082  }
0x22: {  	[simem:s7], [sflag:s8] =	dma.local @!p0 [hbm:s6], $0xF7A  }
0x23: {  	s9 =	sor.u32 $0xD0000000, s2;
	s6 =	simm.s32 $0x108;
	_ =	swait.ge @!p0 [sflag:s8], $0x0  }
0x24: {  	s3 =	sadd.s32 $0x88, s3;
	s6 =	simm.s32 @!p1 $0x1082;
	[sflag:s4] =	ssyncset.s32 $0xFFFFF086  }
0x25: {  	[simem:s6], [sflag:s4] =	dma.local [hbm:s3], $0xF7A  }
0x26: {  	[smem:$0x3F96] =	sst s1;
	(tag) =	ssettag s2;
	_ =	strace s9  }
0x27: {  	s1 =	sld [smem:$0x3FA6]  }
0x28: {  	s2 =	sld [smem:$0x3FA7]  }
0x29: {  	s4 =	sld [smem:$0x3FA9]  }
0x2a: {  	p0 =	seq.s32 s5, $0x0;
	s5 =	sld [smem:$0x3FAA]  }
0x2b: {  	s6 =	sld [smem:$0x3FAB]  }
0x2c: {  	s7 =	sld [smem:$0x3FAC]  }
0x2d: {  	s3 =	simm.s32 $0x108;
	s8 =	sld [smem:$0x3FAD]  }
0x2e: {  	s3 =	simm.s32 @!p0 $0x1082;
	s9 =	sld [smem:$0x3FAE]  }
0x2f: {  	lr =	sadd.s32 s0, s3;
	s0 =	sld [smem:$0x3FA5]  }
0x30: {  	s3 =	sld [smem:$0x3FA8]  }
0x31: {  	[smem:$0x3FB1] =	sst s10  }
0x32: {  	s10 =	sld [smem:$0x3FAF];
	_ =	sdelay $0x3  }
0x33: {  	p0 =	seq.s32 s10, $0x1;
	s10 =	sld [smem:$0x3FB1];
	_ =	sdelay $0x3  }
0x34: {  	[smem:$0x3FB1] =	sst s10  }
0x35: {  	s10 =	sld [smem:$0x3FB0];
	_ =	sdelay $0x3  }
0x36: {  	p1 =	seq.s32 s10, $0x1;
	s10 =	sld [smem:$0x3FB1];
	_ =	sdelay $0x3  }
0x37: {  	[smem:$0x3FB1] =	sst s10  }
0x38: {  	s10 =	sld [smem:$0x3FB2]  }
0x39: {  	_ = 	snop;
	(pc) =	sbr.ind lr, $3  }
0x3a: {  	_ = 	snop  }
0x3b: {  	_ = 	snop  }
0x3c: {  	p2 =	seq.s32 s10, $0x1;
	s10 =	sld [smem:$0x3FB1]  }
0x3d: {  	_ =	shalt  }
0x3e: {  	_ =	shalt  }
0x3f: {  	_ =	shalt  }
0x40: {  	_ =	shalt  }
0x41: {  	_ =	shalt  }
0x42: {  	_ =	shalt  }
0x43: {  	_ =	shalt  }
0x44: {  	_ =	shalt  }
0x45: {  	_ =	shalt  }
0x46: {  	_ =	shalt  }
0x47: {  	_ =	shalt  }
0x48: {  	_ =	shalt  }
0x49: {  	_ =	shalt  }
0x4a: {  	_ =	shalt  }
0x4b: {  	_ =	shalt  }
0x4c: {  	_ =	shalt  }
0x4d: {  	_ =	shalt  }
0x4e: {  	_ =	shalt  }
0x4f: {  	_ =	shalt  }
0x50: {  	_ =	shalt  }
0x51: {  	_ =	shalt  }
0x52: {  	_ =	shalt  }
0x53: {  	_ =	shalt  }
0x54: {  	_ =	shalt  }
0x55: {  	_ =	shalt  }
0x56: {  	_ =	shalt  }
0x57: {  	_ =	shalt  }
0x58: {  	_ =	shalt  }
0x59: {  	_ =	shalt  }
0x5a: {  	_ =	shalt  }
0x5b: {  	_ =	shalt  }
0x5c: {  	_ =	shalt  }
0x5d: {  	_ =	shalt  }
0x5e: {  	_ =	shalt  }
0x5f: {  	_ =	shalt  }
0x60: {  	_ =	shalt  }
0x61: {  	_ =	shalt  }
0x62: {  	_ =	shalt  }
0x63: {  	_ =	shalt  }
0x64: {  	_ =	shalt  }
0x65: {  	_ =	shalt  }
0x66: {  	_ =	shalt  }
0x67: {  	_ =	shalt  }
0x68: {  	_ =	shalt  }
0x69: {  	_ =	shalt  }
0x6a: {  	_ =	shalt  }
0x6b: {  	_ =	shalt  }
0x6c: {  	_ =	shalt  }
0x6d: {  	_ =	shalt  }
0x6e: {  	_ =	shalt  }
0x6f: {  	_ =	shalt  }
0x70: {  	_ =	shalt  }
0x71: {  	_ =	shalt  }
0x72: {  	_ =	shalt  }
0x73: {  	_ =	shalt  }
0x74: {  	_ =	shalt  }
0x75: {  	_ =	shalt  }
0x76: {  	_ =	shalt  }
0x77: {  	_ =	shalt  }
0x78: {  	_ =	shalt  }
0x79: {  	_ =	shalt  }
0x7a: {  	_ =	shalt  }
0x7b: {  	_ =	shalt  }
0x7c: {  	_ =	shalt  }
0x7d: {  	_ =	shalt  }
0x7e: {  	_ =	shalt  }
0x7f: {  	_ =	shalt  }
0x80: {  	_ =	shalt  }
0x81: {  	_ =	shalt  }
0x82: {  	_ =	shalt  }
0x83: {  	_ =	shalt  }
0x84: {  	_ =	shalt  }
0x85: {  	_ =	shalt  }
0x86: {  	_ =	shalt  }
0x87: {  	_ =	shalt  }
.Lfunc_end0:
.L_simem_size_0:
called_computation_lowered:
.L_overlay_start_0:
0x88: {  	s2 =	sld [smem:$0x3FD9]  }
0x89: {  	s3 =	sld [smem:$0x3FFE];
	_ =	sdelay $0x1  }
0x8a: {  	s1 =	srdreg.scid  }
0x8b: {  	s0 =	sand.u32 $0x1, s1  }
0x8c: {  	s17 =	sshll.u32 s0, $0xA;
	s2 =	sadd.s32 s3, s2  }
0x8d: {  	s2 =	sadd.s32 s2, s17  }
0x8e: {  	[smem:$0x3FBD] =	sst s2  }
0x8f: {  	_ = 	snop  }
0x90: {  	s2 =	sld [smem:$0x3FC9]  }
0x91: {  	s18 =	sld [smem:$0x3FD0];
	(tm) =	ssettm $0x1  }
0x92: {  	s4 =	sld [smem:$0x3FFB];
	_ =	sdelay $0x3  }
0x93: {  	_ =	strace s4  }
0x94: {  	s4 =	sld [smem:$0x3FFC];
	_ =	sdelay $0x3  }
0x95: {  	_ =	strace s4  }
0x96: {  	s4 =	sld [smem:$0x3FFD];
	_ =	sdelay $0x3  }
0x97: {  	_ =	strace s4  }
0x98: {  	_ =	strace $0x8FFFFFFF  }
0x99: {  	s19 =	sld [smem:$0x3FDB];
	_ =	sdelay $0x1  }
0x9a: {  	s5 =	simm.s32 $_scs_section_size  }
0x9b: {  	s6 =	simm.s32 $_size__tile_overlayer_lowered;
	s7 =	simm.s32 $_tile_overlayer_lowered  }
0x9c: {  	s22 =	simm.s32 $0x1BFF;
	s21 =	sshll.u32 s7, $0x1;
	s4 =	sadd.s32 s5, s19  }
0x9d: {  	s8 =	simm.s32 $0x0;
	s20 =	sshll.u32 s6, $0x1;
	s6 =	sadd.s32 s21, s4  }
0x9e: {  	[timem:s8], [sflag:s22] =	dma.local [hbm:s6], s20  }
0x9f: {  	_ =	swait.ge [sflag:s22], s20  }
0xa0: {  	s5 =	ssub.s32 $0x0, s20;
	[sflag:s22] =	ssyncset.done $0x0  }
0xa1: {  	[sflag:s22] =	ssyncadd.s32 s5;
	_ =	sdelay $0x1  }
0xa2: {  	s23 =	simm.s32 $0x1B8B  }
0xa3: {  	_ =	swait.ge [sflag:s23], $0x1  }
0xa4: {  	[sflag:s23] =	ssyncset.done $0x0  }
0xa5: {  	s25 =	simm.s32 $0x1B8E;
	s24 =	sld [smem:$0x3FFE];
	[sflag:s23] =	ssyncadd.s32 $0xFFFFFFFF  }
0xa6: {  	s26 =	simm.s32 $execute0_lowered;
	[smem:$0x3FD2] =	sst s25  }
0xa7: {  	s6 =	sshll.u32 s26, $0x1;
	_ =	strace $0x80000046;
	[dreg:$0x1] =	wrdreg $0xFFFFFFFF  }
0xa8: {  	s28 =	simm.s32 $_size_execute0_lowered;
	s4 =	sadd.s32 s4, s6;
	[dreg:$0x0] =	wrdreg $0x0  }
0xa9: {  	s6 =	sshll.u32 s28, $0x1;
	[dreg:$0x2] =	wrdreg s4  }
0xaa: {  	[dreg:$0x3] =	wrdreg s6  }
0xab: {  	[dreg:$0x4] =	wrdreg $0xC0  }
0xac: {  	_ =	task [dreg:s8], $0x5FFFF  }
0xad: {  	[dreg:$0x1] =	wrdreg $0xFFFFFFFF  }
0xae: {  	[dreg:$0x0] =	wrdreg $0x60  }
0xaf: {  	[dreg:$0x2] =	wrdreg s2  }
0xb0: {  	[dreg:$0x3] =	wrdreg s24  }
0xb1: {  	[dreg:$0x4] =	wrdreg s18  }
0xb2: {  	[dreg:$0x5] =	wrdreg $0x9  }
0xb3: {  	_ =	task.clear_ibuf [dreg:s8], $0x6FFFF;
	_ =	strace $0x90000046  }
0xb4: {  	s29 =	simm.s32 $0x9;
	_ =	strace $0x80000048  }
0xb5: {  	_ =	swait.ge [sflag:s29], $0x1  }
0xb6: {  	[sflag:s29] =	ssyncadd.s32 $0xFFFFFFFF  }
0xb7: {  	_ =	strace $0x90000048  }
0xb8: {  	_ =	sfence  }
0xb9: {  	s30 =	sld [smem:$0x0];
	_ =	sdelay $0x2  }
0xba: {  	s31 =	sshll.u32 s1, $0xD;
	s1 =	sshrl.u32 s1, $0x2  }
0xbb: {  	s3 =	sand.u32 $0x4000, s31;
	s1 =	sadd.s32 s1, s30  }
0xbc: {  	s0 =	sor.u32 s3, s0;
	s1 =	sshll.u32 s1, $0x11  }
0xbd: {  	s0 =	sor.u32 s1, s0  }
0xbe: {  	s0 =	sadd.s32 $0x8F2B, s0  }
0xbf: {  	[sflag:s0] =	ssyncadd.remote.s32 $0x1  }
0xc0: {  	_ =	sfence.sel $0xFFFF  }
0xc1: {  	[dreg:$0x0] =	wrdreg $0xFFFFFFFF;
	(pc) =	sbr.abs _section_cstart, $3  }
0xc2: {  	[dreg:$0x1] =	wrdreg $0xFFFFFFFF  }
0xc3: {  	_ =	task.clear_ibuf [dreg:s8], $0x2FFFF;
	_ =	strace $0x9FFFFFFF  }
0xc4: {  	(tm) =	ssettm $0x7FFFFFFF  }
0xc5: {  	_ =	shalt  }
tec
execute0_lowered:
.L_overlay_start_1:
0x0: {  	(tag) =	ssettag $0x1  }
0x1: {  	s1 =	rddreg [dreg:$0x0]  }
0x2: {  	s0 =	srdreg.scid;
	s6 =	rddreg [dreg:$0x1]  }
0x3: {  	s2 =	stileid.u32;
	s3 =	rddreg [dreg:$0x2];
	s5 =	simm.s32 $0x0  }
0x4: {  	s11 =	simm.s32 $0x3;
	s12 =	simm.s32 $0xA80;
	s17 =	simm.s32 $0x3280  }
0x5: {  	s18 =	simm.s32 $0x3A80;
	s19 =	simm.s32 $0x4280;
	s20 =	simm.s32 $0x4A80  }
0x6: {  	s21 =	simm.s32 $0x5280;
	s22 =	simm.s32 $0x5A80;
	s23 =	simm.s32 $0x6280  }
0x7: {  	s24 =	simm.s32 $0x6A80;
	s0 =	sand.u32 $0x1, s0;
	s2 =	sshll.u32 s2, $0x1  }
0x8: {  	s25 =	simm.s32 $0x7280;
	s26 =	simm.s32 $0x7A80;
	s2 =	sor.u32 s0, s2  }
0x9: {  	s28 =	simm.s32 $0x8280;
	s29 =	simm.s32 $0x1;
	s4 =	smul.u32 $0x640, s2  }
0xa: {  	v0 =	vlaneseq.u32;
	s30 =	simm.s32 $0x2;
	[smem:$0x7FF] =	sst s5;
	s0 =	ssub.s32 $0x2, s0  }
.Ltmp0:
0xb: {  	s8 =	sshrl.u32 s0, $0x1;
	s31 =	sor.u32 $0x10, s4;
	v1 =	vor.u32 s4, v0;
	(pc) =	sbr.rel .LBB2_1-.Ltmp0, $4  }
0xc: {  	_ =	strace $0x80000047;
	s0 =	ssub.s32 s0, s8;
	s7 =	sshrl.u32 s4, $0x3;
	v1 =	vmulhi.u32 $0x51EB851F, v1;
	v2 =	vor.u32 s31, v0  }
0xd: {  	v3 =	vimm.s32 $0x0;
	vm0 =	vmmov $0xffff;
	s9 =	smul.u32 $0xC8000, s2;
	s0 =	smax.u32 s0, $0x1;
	s7 =	sadd.s32 s7, s6;
	v2 =	vmulhi.u32 $0x51EB851F, v2  }
0xe: {  	v4 =	vand.u32 $0x7, v0;
	v5 =	vshrl.u32 v0, $0x3;
	v6 =	vor.u32 $0x8, v0;
	s2 =	simm.s32 $0x0;
	[dreg:$0x5] =	wrdreg s0;
	s7 =	sadd.s32 $0x381800, s7  }
0xf: {  	v5 =	vmul.u32 $0x8, v5;
	s8 =	sadd.s32 $0x100, s1;
	s6 =	sadd.s32 $0x1800, s6;
	[dreg:$0x4] =	wrdreg s7;
	v1 =	vshrl.u32 v1, $0x4;
	v2 =	vshrl.u32 v2, $0x4  }
.LBB2_10:
0x10: {  	s2 =	rddreg [dreg:$0x6]  }
0x11: {  	s0 =	rddreg [dreg:$0x5];
	s2 =	sadd.s32 $0x1, s2  }
0x12: {  	p0 =	sne.s32 s2, s0  }
.Ltmp1:
0x13: {  	_ = 	snop;
	(pc) =	sbr.rel @!p0 .LBB2_11-.Ltmp1, $1  }
0x14: {  	_ =	sdelay $0x3  }
.LBB2_1:
0x15: {  	[dreg:$0x6] =	wrdreg s2  }
0x16: {  	s0 =	rddreg [dreg:$0x4]  }
0x17: {  	[tilespmem:s5], [sflag:$0x3] =	stream.linear.gather [hbm4b:s0+s5], $0x640, $0x38;
	[tilespmem:$0x8A80] =	vst v63  }
0x18: {  	_ =	swait.ge [sflag:s11], $0x640  }
0x19: {  	[sflag:s11] =	ssyncset.done $0x0  }
0x1a: {  	[sflag:s11] =	ssyncadd.s32 $0xFFFFF9C0  }
0x1b: {  	v7 =	vld [tilespmem:$0x0];
	_ =	sdelay $0x4  }
0x1c: {  	vm1 =	vgt.s32 v7, $0x1869F  }
0x1d: {  	v8 =	vsel vm1, $0x0, v7  }
0x1e: {  	[tilespmem:$0x680] =	vst v8  }
0x1f: {  	v8 =	vld [tilespmem:$0x680];
	_ =	sdelay $0x4  }
0x20: {  	v9 =	vld [tilespmem:$0x10];
	vm2 =	vgt.s32 v7, $0x186A0;
	v10 =	vshll.u32 v8, $0x2  }
0x21: {  	v7 =	vnsel vm2, $0x186A0, v7;
	v8 =	vand.u32 $0x7, v8;
	v10 =	vand.u32 $0xFFFFFFE0, v10  }
0x22: {  	v7 =	vadd.s32 $0xFFFE7960, v7;
	v8 =	vor.u32 v8, v10  }
0x23: {  	[tilespmem:$0x880] =	vst v7;
	v7 =	vperm.xlane v8, v4  }
0x24: {  	[tilespmem:$0x780] =	vst v1;
	v60 =	vsel vm1, $0x1, v3  }
0x25: {  	[tilespmem:$0x790] =	vst v2;
	vm1 =	vgt.s32 v9, $0x1869F;
	vm2 =	vgt.s32 v9, $0x186A0;
	v7 =	vadd.s32 v5, v7  }
0x26: {  	[tilespmem:$0x980] =	vst v60;
	v61 =	vnsel vm2, $0x186A0, v9;
	v9 =	vsel vm1, $0x0, v9  }
0x27: {  	v63 =	vsel vm1, $0x1, v3;
	[tilespmem:$0x690] =	vst v9;
	v8 =	vperm.xlane v8, v6  }
0x28: {  	v62 =	vadd.s32 $0xFFFE7960, v61;
	[tilespmem:$0x990] =	vst v63  }
0x29: {  	[tilespmem:$0x890] =	vst v62;
	v8 =	vadd.s32 v5, v8  }
0x2a: {  	[tilespmem:s12], [sflag:$0x1] =	stream.indirect_vreg.gather [hbm4b:s1+s5], $0x80, v7, vm0, $0xb8;
	[tilespmem:$0x8A80] =	vst v63  }
0x2b: {  	s14 =	simm.s32 $0x1280  }
0x2c: {  	[tilespmem:s14], [sflag:$0x1] =	stream.indirect_vreg.gather [hbm4b:s8+s5], $0x80, v7, vm0, $0xb8;
	[tilespmem:$0x8A80] =	vst v63  }
0x2d: {  	s15 =	simm.s32 $0x1A80  }
0x2e: {  	[tilespmem:s15], [sflag:$0x1] =	stream.indirect_vreg.gather [hbm4b:s1+s5], $0x80, v8, vm0, $0xb8;
	[tilespmem:$0x8A80] =	vst v63  }
0x2f: {  	s16 =	simm.s32 $0x2280  }
0x30: {  	[tilespmem:s16], [sflag:$0x1] =	stream.indirect_vreg.gather [hbm4b:s8+s5], $0x80, v8, vm0, $0xb8;
	[tilespmem:$0x8A80] =	vst v63  }
0x31: {  	v7 =	vld [tilespmem:$0x690];
	_ =	sdelay $0x4  }
0x32: {  	v8 =	vshll.u32 v7, $0x2  }
0x33: {  	v7 =	vand.u32 $0x7, v7;
	v8 =	vand.u32 $0xFFFFFFE0, v8  }
0x34: {  	v7 =	vor.u32 v7, v8  }
0x35: {  	v8 =	vperm.xlane v7, v4;
	_ =	sdelay $0x1  }
0x36: {  	v8 =	vadd.s32 v5, v8;
	_ =	sdelay $0x2  }
0x37: {  	v7 =	vperm.xlane v7, v6  }
0x38: {  	s31 =	simm.s32 $0x2A80  }
0x39: {  	v7 =	vadd.s32 v5, v7;
	[tilespmem:s31], [sflag:$0x1] =	stream.indirect_vreg.gather [hbm4b:s1+s5], $0x80, v8, vm0, $0xb8;
	[tilespmem:$0x8A80] =	vst v63  }
0x3a: {  	_ = 	snop  }
0x3b: {  	[tilespmem:s17], [sflag:$0x1] =	stream.indirect_vreg.gather [hbm4b:s8+s5], $0x80, v8, vm0, $0xb8;
	[tilespmem:$0x8A80] =	vst v63  }
.Ltmp2:
0x3c: {  	_ = 	snop;
	(pc) =	sbr.rel .LBB2_2-.Ltmp2, $4  }
0x3d: {  	_ = 	snop  }
0x3e: {  	[tilespmem:s18], [sflag:$0x1] =	stream.indirect_vreg.gather [hbm4b:s1+s5], $0x80, v7, vm0, $0xb8;
	[tilespmem:$0x8A80] =	vst v63  }
0x3f: {  	s2 =	simm.s32 $0x0  }
0x40: {  	[tilespmem:s19], [sflag:$0x1] =	stream.indirect_vreg.gather [hbm4b:s8+s5], $0x80, v7, vm0, $0xb8;
	[tilespmem:$0x8A80] =	vst v63  }
.LBB2_9:
0x41: {  	s2 =	sadd.s32 $0x1, s2  }
0x42: {  	s0 =	sshll.u32 s0, $0x6;
	p0 =	sne.s32 s2, $0x19  }
.Ltmp3:
0x43: {  	s0 =	sadd.s32 s3, s0;
	(pc) =	sbr.rel @!p0 .LBB2_10-.Ltmp3, $4  }
0x44: {  	[hbm4b:s0+s5] =	stream.linear.scatter [tilespmem:s20], [sflag:$0x3], $0x4000, $0x38;
	[tilespmem:$0x8A80] =	vst v63  }
0x45: {  	_ =	swait.ge [sflag:s11], $0x4000  }
0x46: {  	[sflag:s11] =	ssyncset.done $0x0  }
0x47: {  	[sflag:s11] =	ssyncadd.s32 $0xFFFFC000  }
.LBB2_2:
0x48: {  	s7 =	sshll.u32 s2, $0x6  }
0x49: {  	v7 =	vld [tilespmem:s7+$0x20];
	_ =	sdelay $0x2  }
0x4a: {  	s0 =	sor.u32 $0x20, s7  }
0x4b: {  	s0 =	sadd.s32 s4, s0  }
0x4c: {  	v8 =	vor.u32 s0, v0;
	vm1 =	vgt.s32 v7, $0x1869F  }
0x4d: {  	v8 =	vmulhi.u32 $0x51EB851F, v8;
	v9 =	vsel vm1, $0x0, v7  }
0x4e: {  	vm2 =	vgt.s32 v7, $0x186A0;
	[tilespmem:$0x700] =	vst v9  }
0x4f: {  	v8 =	vshrl.u32 v8, $0x4;
	v7 =	vnsel vm2, $0x186A0, v7;
	v9 =	vld [tilespmem:$0x700]  }
0x50: {  	[tilespmem:$0x800] =	vst v8;
	v7 =	vadd.s32 $0xFFFE7960, v7  }
0x51: {  	[tilespmem:$0x900] =	vst v7;
	v7 =	vsel vm1, $0x1, v3  }
0x52: {  	[tilespmem:$0xA00] =	vst v7  }
0x53: {  	v7 =	vld [tilespmem:s7+$0x30]  }
0x54: {  	v8 =	vshll.u32 v9, $0x2  }
0x55: {  	s10 =	sor.u32 $0x30, s7;
	v9 =	vand.u32 $0x7, v9;
	v8 =	vand.u32 $0xFFFFFFE0, v8  }
0x56: {  	s10 =	sadd.s32 s4, s10;
	v8 =	vor.u32 v9, v8  }
0x57: {  	v63 =	vor.u32 s10, v0;
	v10 =	vperm.xlane v8, v4  }
0x58: {  	vm1 =	vgt.s32 v7, $0x1869F;
	v9 =	vmulhi.u32 $0x51EB851F, v63  }
0x59: {  	vm2 =	vgt.s32 v7, $0x186A0;
	v11 =	vsel vm1, $0x0, v7;
	v10 =	vadd.s32 v5, v10  }
0x5a: {  	v7 =	vnsel vm2, $0x186A0, v7;
	[tilespmem:$0x710] =	vst v11;
	v9 =	vshrl.u32 v9, $0x4  }
0x5b: {  	v8 =	vperm.xlane v8, v6;
	v7 =	vadd.s32 $0xFFFE7960, v7;
	[tilespmem:$0x810] =	vst v9  }
0x5c: {  	[tilespmem:$0x910] =	vst v7;
	v7 =	vsel vm1, $0x1, v3  }
0x5d: {  	s10 =	simm.s32 $0x0;
	[tilespmem:$0xA10] =	vst v7;
	v7 =	vadd.s32 v5, v8  }
0x5e: {  	[tilespmem:s20], [sflag:$0x2] =	stream.indirect_vreg.gather [hbm4b:s1+s10], $0x80, v10, vm0, $0xb8;
	[tilespmem:$0x8A80] =	vst v63  }
0x5f: {  	_ = 	snop  }
0x60: {  	[tilespmem:s21], [sflag:$0x2] =	stream.indirect_vreg.gather [hbm4b:s8+s10], $0x80, v10, vm0, $0xb8;
	[tilespmem:$0x8A80] =	vst v63  }
0x61: {  	_ = 	snop  }
0x62: {  	[tilespmem:s22], [sflag:$0x2] =	stream.indirect_vreg.gather [hbm4b:s1+s10], $0x80, v7, vm0, $0xb8;
	[tilespmem:$0x8A80] =	vst v63  }
0x63: {  	_ = 	snop  }
0x64: {  	[tilespmem:s23], [sflag:$0x2] =	stream.indirect_vreg.gather [hbm4b:s8+s10], $0x80, v7, vm0, $0xb8;
	[tilespmem:$0x8A80] =	vst v63  }
0x65: {  	v7 =	vld [tilespmem:$0x710];
	_ =	sdelay $0x4  }
0x66: {  	v8 =	vshll.u32 v7, $0x2  }
0x67: {  	v7 =	vand.u32 $0x7, v7;
	v8 =	vand.u32 $0xFFFFFFE0, v8  }
0x68: {  	v7 =	vor.u32 v7, v8  }
0x69: {  	v8 =	vperm.xlane v7, v4;
	_ =	sdelay $0x1  }
0x6a: {  	v8 =	vadd.s32 v5, v8;
	_ =	sdelay $0x1  }
0x6b: {  	v7 =	vperm.xlane v7, v6;
	_ =	sdelay $0x1  }
0x6c: {  	v7 =	vadd.s32 v5, v7  }
0x6d: {  	[tilespmem:s24], [sflag:$0x2] =	stream.indirect_vreg.gather [hbm4b:s1+s10], $0x80, v8, vm0, $0xb8;
	[tilespmem:$0x8A80] =	vst v63  }
0x6e: {  	_ = 	snop  }
0x6f: {  	[tilespmem:s25], [sflag:$0x2] =	stream.indirect_vreg.gather [hbm4b:s8+s10], $0x80, v8, vm0, $0xb8;
	[tilespmem:$0x8A80] =	vst v63  }
0x70: {  	_ = 	snop  }
0x71: {  	[tilespmem:s26], [sflag:$0x2] =	stream.indirect_vreg.gather [hbm4b:s1+s10], $0x80, v7, vm0, $0xb8;
	[tilespmem:$0x8A80] =	vst v63  }
0x72: {  	_ = 	snop  }
0x73: {  	[tilespmem:s28], [sflag:$0x2] =	stream.indirect_vreg.gather [hbm4b:s8+s10], $0x80, v7, vm0, $0xb8;
	[tilespmem:$0x8A80] =	vst v63  }
0x74: {  	v7 =	vld [tilespmem:$0x980]  }
0x75: {  	v8 =	vld [tilespmem:$0x990];
	_ =	sdelay $0x4  }
0x76: {  	v7 =	vor.u32 v7, v8  }
0x77: {  	(v2sf) =	vpush v7, $0x0  }
0x78: {  	(v2sf) =	vpush v7, $0x1  }
0x79: {  	(v2sf) =	vpush v7, $0x2  }
0x7a: {  	(v2sf) =	vpush v7, $0x3  }
0x7b: {  	(v2sf) =	vpush v7, $0x4  }
0x7c: {  	(v2sf) =	vpush v7, $0x5  }
0x7d: {  	(v2sf) =	vpush v7, $0x6  }
0x7e: {  	(v2sf) =	vpush v7, $0x7  }
0x7f: {  	(v2sf) =	vpush v7, $0x8  }
0x80: {  	(v2sf) =	vpush v7, $0x9  }
0x81: {  	(v2sf) =	vpush v7, $0xA  }
0x82: {  	(v2sf) =	vpush v7, $0xB  }
0x83: {  	(v2sf) =	vpush v7, $0xC  }
0x84: {  	(v2sf) =	vpush v7, $0xD  }
0x85: {  	(v2sf) =	vpush v7, $0xE  }
0x86: {  	s31 =	spop (v2sf);
	(v2sf) =	vpush v7, $0xF  }
0x87: {  	s13 =	spop (v2sf)  }
0x88: {  	s13 =	sor.u32 s13, s31;
	s15 =	spop (v2sf)  }
0x89: {  	s13 =	sor.u32 s15, s13;
	s16 =	spop (v2sf)  }
0x8a: {  	s13 =	sor.u32 s16, s13;
	s14 =	spop (v2sf)  }
0x8b: {  	s13 =	sor.u32 s14, s13;
	s15 =	spop (v2sf)  }
0x8c: {  	s13 =	sor.u32 s15, s13;
	s16 =	spop (v2sf)  }
0x8d: {  	s13 =	sor.u32 s16, s13;
	s14 =	spop (v2sf)  }
0x8e: {  	s13 =	sor.u32 s14, s13;
	s15 =	spop (v2sf)  }
0x8f: {  	s13 =	sor.u32 s15, s13;
	s16 =	spop (v2sf)  }
0x90: {  	s13 =	sor.u32 s16, s13;
	s14 =	spop (v2sf)  }
0x91: {  	s13 =	sor.u32 s14, s13;
	s15 =	spop (v2sf)  }
0x92: {  	s13 =	sor.u32 s15, s13;
	s16 =	spop (v2sf)  }
0x93: {  	s13 =	sor.u32 s16, s13;
	s14 =	spop (v2sf)  }
0x94: {  	s13 =	sor.u32 s14, s13;
	s15 =	spop (v2sf)  }
0x95: {  	s13 =	sor.u32 s15, s13;
	s16 =	spop (v2sf)  }
0x96: {  	s13 =	sor.u32 s16, s13  }
0x97: {  	p1 =	slt.s32 s13, $0x1  }
.Ltmp4:
0x98: {  	_ = 	snop;
	(pc) =	sbr.rel @p1 .LBB2_4-.Ltmp4, $4  }
0x99: {  	_ = 	snop  }
0x9a: {  	_ =	swait.ge [sflag:s29], $0x4000  }
0x9b: {  	[sflag:s29] =	ssyncset.done $0x0  }
0x9c: {  	p0 =	por $0x1, $0x1;
	[sflag:s29] =	ssyncadd.s32 $0xFFFFC000  }
.LBB2_3:
0x9d: {  	s13 =	sshll.u32 s10, $0x4  }
0x9e: {  	v9 =	vld [tilespmem:s13+$0x980];
	_ =	sdelay $0x4  }
0x9f: {  	(v2sf) =	vpush v9, $0x0;
	_ =	sdelay $0xb  }
0xa0: {  	v7 =	vld [tilespmem:s13+$0x780]  }
0xa1: {  	v8 =	vld [tilespmem:s13+$0x880];
	_ =	sdelay $0x1  }
0xa2: {  	s14 =	spop (v2sf)  }
0xa3: {  	p2 =	seq.s32 s14, $0x0  }
0xa4: {  	(v2sf) =	vpush @!p2 v7, $0x0  }
0xa5: {  	(v2sf) =	vpush @!p2 v8, $0x0;
	_ =	sdelay $0xd  }
0xa6: {  	s13 =	spop @!p2 (v2sf)  }
0xa7: {  	s31 =	spop @!p2 (v2sf)  }
0xa8: {  	s13 =	smul.u32 @!p2 $0x7000, s13;
	s14 =	sshll.u32 @!p2 s31, $0x9  }
0xa9: {  	s31 =	sshll.u32 @!p2 s31, $0x7;
	s14 =	sand.u32 @!p2 $0xFFFFF000, s14  }
0xaa: {  	s13 =	sadd.s32 @!p2 s13, s14;
	s14 =	sand.u32 @!p2 $0x380, s31  }
0xab: {  	s31 =	sshll.u32 @!p2 s10, $0xD;
	s13 =	sor.u32 @!p2 s14, s13  }
0xac: {  	s14 =	sand.u32 @!p2 $0x3FFFE000, s31;
	s13 =	sshrl.u32 @!p2 s13, $0x3  }
0xad: {  	s15 =	simm.s32 @!p2 $0x0;
	s31 =	sor.u32 @!p2 $0xA80, s14;
	s13 =	sadd.s32 @!p2 s6, s13  }
0xae: {  	[tilespmem:s31], [sflag:$0x4] =	stream.linear.gather @!p2 [hbm4b:s13+s15], $0x80, $0x38;
	[tilespmem:$0x8A80] =	vst v63  }
0xaf: {  	s16 =	sor.u32 @!p2 $0xE80, s14;
	s31 =	sadd.s32 @!p2 $0x80, s13  }
0xb0: {  	[tilespmem:s16], [sflag:$0x4] =	stream.linear.gather @!p2 [hbm4b:s31+s15], $0x80, $0x38;
	[tilespmem:$0x8A80] =	vst v63  }
0xb1: {  	s16 =	sadd.s32 @!p2 $0x100, s13;
	s31 =	sor.u32 @!p2 $0x1280, s14  }
0xb2: {  	[tilespmem:s31], [sflag:$0x4] =	stream.linear.gather @!p2 [hbm4b:s16+s15], $0x80, $0x38;
	[tilespmem:$0x8A80] =	vst v63  }
0xb3: {  	s13 =	sadd.s32 @!p2 $0x180, s13;
	s14 =	sor.u32 @!p2 $0x1680, s14  }
0xb4: {  	[tilespmem:s14], [sflag:$0x4] =	stream.linear.gather @!p2 [hbm4b:s13+s15], $0x80, $0x38;
	[tilespmem:$0x8A80] =	vst v63  }
0xb5: {  	s13 =	simm.s32 @!p2 $0x4  }
0xb6: {  	_ =	swait.ge @!p2 [sflag:s13], $0x200  }
0xb7: {  	(v2sf) =	vpush v9, $0x1;
	_ =	sdelay $0xe  }
0xb8: {  	s15 =	spop (v2sf)  }
0xb9: {  	p1 =	seq.s32 s15, $0x0  }
0xba: {  	(v2sf) =	vpush @!p1 v7, $0x1  }
0xbb: {  	(v2sf) =	vpush @!p1 v8, $0x1;
	_ =	sdelay $0xd  }
0xbc: {  	s14 =	spop @!p1 (v2sf)  }
0xbd: {  	s15 =	spop @!p1 (v2sf)  }
0xbe: {  	s14 =	smul.u32 @!p1 $0x7000, s14;
	s16 =	sshll.u32 @!p1 s15, $0x9  }
0xbf: {  	s15 =	sshll.u32 @!p1 s15, $0x7;
	s16 =	sand.u32 @!p1 $0xFFFFF000, s16  }
0xc0: {  	s15 =	sand.u32 @!p1 $0x380, s15;
	s14 =	sadd.s32 @!p1 s14, s16  }
0xc1: {  	[sflag:s13] =	ssyncset.done @!p2 $0x0;
	s16 =	sshll.u32 @!p1 s10, $0xD;
	s14 =	sor.u32 @!p1 s15, s14  }
0xc2: {  	[sflag:s13] =	ssyncadd.s32 @!p2 $0xFFFFFE00;
	s13 =	sand.u32 @!p1 $0x3FFFE000, s16;
	s14 =	sshrl.u32 @!p1 s14, $0x3  }
0xc3: {  	s16 =	simm.s32 @!p1 $0x0;
	s15 =	sor.u32 @!p1 $0xB00, s13;
	s14 =	sadd.s32 @!p1 s6, s14  }
0xc4: {  	[tilespmem:s15], [sflag:$0x4] =	stream.linear.gather @!p1 [hbm4b:s14+s16], $0x80, $0x38;
	[tilespmem:$0x8A80] =	vst v63  }
0xc5: {  	s31 =	sor.u32 @!p1 $0xF00, s13;
	s15 =	sadd.s32 @!p1 $0x80, s14  }
0xc6: {  	[tilespmem:s31], [sflag:$0x4] =	stream.linear.gather @!p1 [hbm4b:s15+s16], $0x80, $0x38;
	[tilespmem:$0x8A80] =	vst v63  }
0xc7: {  	s15 =	sadd.s32 @!p1 $0x100, s14;
	s31 =	sor.u32 @!p1 $0x1300, s13  }
0xc8: {  	[tilespmem:s31], [sflag:$0x4] =	stream.linear.gather @!p1 [hbm4b:s15+s16], $0x80, $0x38;
	[tilespmem:$0x8A80] =	vst v63  }
0xc9: {  	s14 =	sadd.s32 @!p1 $0x180, s14;
	s13 =	sor.u32 @!p1 $0x1700, s13  }
0xca: {  	[tilespmem:s13], [sflag:$0x4] =	stream.linear.gather @!p1 [hbm4b:s14+s16], $0x80, $0x38;
	[tilespmem:$0x8A80] =	vst v63  }
0xcb: {  	s13 =	simm.s32 @!p1 $0x4  }
0xcc: {  	_ =	swait.ge @!p1 [sflag:s13], $0x200  }
0xcd: {  	(v2sf) =	vpush v9, $0x2;
	_ =	sdelay $0xe  }
0xce: {  	s16 =	spop (v2sf)  }
0xcf: {  	p2 =	seq.s32 s16, $0x0  }
0xd0: {  	(v2sf) =	vpush @!p2 v7, $0x2  }
0xd1: {  	(v2sf) =	vpush @!p2 v8, $0x2;
	_ =	sdelay $0xd  }
0xd2: {  	s14 =	spop @!p2 (v2sf)  }
0xd3: {  	s15 =	spop @!p2 (v2sf)  }
0xd4: {  	s14 =	smul.u32 @!p2 $0x7000, s14;
	s16 =	sshll.u32 @!p2 s15, $0x9  }
0xd5: {  	s15 =	sshll.u32 @!p2 s15, $0x7;
	s16 =	sand.u32 @!p2 $0xFFFFF000, s16  }
0xd6: {  	s15 =	sand.u32 @!p2 $0x380, s15;
	s14 =	sadd.s32 @!p2 s14, s16  }
0xd7: {  	[sflag:s13] =	ssyncset.done @!p1 $0x0;
	s16 =	sshll.u32 @!p2 s10, $0xD;
	s14 =	sor.u32 @!p2 s15, s14  }
0xd8: {  	[sflag:s13] =	ssyncadd.s32 @!p1 $0xFFFFFE00;
	s13 =	sand.u32 @!p2 $0x3FFFE000, s16;
	s14 =	sshrl.u32 @!p2 s14, $0x3  }
0xd9: {  	s16 =	simm.s32 @!p2 $0x0;
	s15 =	sor.u32 @!p2 $0xB80, s13;
	s14 =	sadd.s32 @!p2 s6, s14  }
0xda: {  	[tilespmem:s15], [sflag:$0x4] =	stream.linear.gather @!p2 [hbm4b:s14+s16], $0x80, $0x38;
	[tilespmem:$0x8A80] =	vst v63  }
0xdb: {  	s31 =	sor.u32 @!p2 $0xF80, s13;
	s15 =	sadd.s32 @!p2 $0x80, s14  }
0xdc: {  	[tilespmem:s31], [sflag:$0x4] =	stream.linear.gather @!p2 [hbm4b:s15+s16], $0x80, $0x38;
	[tilespmem:$0x8A80] =	vst v63  }
0xdd: {  	s15 =	sadd.s32 @!p2 $0x100, s14;
	s31 =	sor.u32 @!p2 $0x1380, s13  }
0xde: {  	[tilespmem:s31], [sflag:$0x4] =	stream.linear.gather @!p2 [hbm4b:s15+s16], $0x80, $0x38;
	[tilespmem:$0x8A80] =	vst v63  }
0xdf: {  	s14 =	sadd.s32 @!p2 $0x180, s14;
	s13 =	sor.u32 @!p2 $0x1780, s13  }
0xe0: {  	[tilespmem:s13], [sflag:$0x4] =	stream.linear.gather @!p2 [hbm4b:s14+s16], $0x80, $0x38;
	[tilespmem:$0x8A80] =	vst v63  }
0xe1: {  	s13 =	simm.s32 @!p2 $0x4  }
0xe2: {  	_ =	swait.ge @!p2 [sflag:s13], $0x200  }
0xe3: {  	(v2sf) =	vpush v9, $0x3;
	_ =	sdelay $0xe  }
0xe4: {  	s31 =	spop (v2sf)  }
0xe5: {  	p1 =	seq.s32 s31, $0x0  }
0xe6: {  	(v2sf) =	vpush @!p1 v7, $0x3  }
0xe7: {  	(v2sf) =	vpush @!p1 v8, $0x3;
	_ =	sdelay $0xd  }
0xe8: {  	s14 =	spop @!p1 (v2sf)  }
0xe9: {  	s15 =	spop @!p1 (v2sf)  }
0xea: {  	s14 =	smul.u32 @!p1 $0x7000, s14;
	s16 =	sshll.u32 @!p1 s15, $0x9  }
0xeb: {  	s15 =	sshll.u32 @!p1 s15, $0x7;
	s16 =	sand.u32 @!p1 $0xFFFFF000, s16  }
0xec: {  	s15 =	sand.u32 @!p1 $0x380, s15;
	s14 =	sadd.s32 @!p1 s14, s16  }
0xed: {  	[sflag:s13] =	ssyncset.done @!p2 $0x0;
	s16 =	sshll.u32 @!p1 s10, $0xD;
	s14 =	sor.u32 @!p1 s15, s14  }
0xee: {  	[sflag:s13] =	ssyncadd.s32 @!p2 $0xFFFFFE00;
	s13 =	sand.u32 @!p1 $0x3FFFE000, s16;
	s14 =	sshrl.u32 @!p1 s14, $0x3  }
0xef: {  	s16 =	simm.s32 @!p1 $0x0;
	s15 =	sor.u32 @!p1 $0xC00, s13;
	s14 =	sadd.s32 @!p1 s6, s14  }
0xf0: {  	[tilespmem:s15], [sflag:$0x4] =	stream.linear.gather @!p1 [hbm4b:s14+s16], $0x80, $0x38;
	[tilespmem:$0x8A80] =	vst v63  }
0xf1: {  	s31 =	sor.u32 @!p1 $0x1000, s13;
	s15 =	sadd.s32 @!p1 $0x80, s14  }
0xf2: {  	[tilespmem:s31], [sflag:$0x4] =	stream.linear.gather @!p1 [hbm4b:s15+s16], $0x80, $0x38;
	[tilespmem:$0x8A80] =	vst v63  }
0xf3: {  	s15 =	sadd.s32 @!p1 $0x100, s14;
	s31 =	sor.u32 @!p1 $0x1400, s13  }
0xf4: {  	[tilespmem:s31], [sflag:$0x4] =	stream.linear.gather @!p1 [hbm4b:s15+s16], $0x80, $0x38;
	[tilespmem:$0x8A80] =	vst v63  }
0xf5: {  	s14 =	sadd.s32 @!p1 $0x180, s14;
	s13 =	sor.u32 @!p1 $0x1800, s13  }
0xf6: {  	[tilespmem:s13], [sflag:$0x4] =	stream.linear.gather @!p1 [hbm4b:s14+s16], $0x80, $0x38;
	[tilespmem:$0x8A80] =	vst v63  }
0xf7: {  	s13 =	simm.s32 @!p1 $0x4  }
0xf8: {  	_ =	swait.ge @!p1 [sflag:s13], $0x200  }
0xf9: {  	(v2sf) =	vpush v9, $0x4;
	_ =	sdelay $0xe  }
0xfa: {  	s15 =	spop (v2sf)  }
0xfb: {  	p2 =	seq.s32 s15, $0x0  }
0xfc: {  	(v2sf) =	vpush @!p2 v7, $0x4  }
0xfd: {  	(v2sf) =	vpush @!p2 v8, $0x4;
	_ =	sdelay $0xd  }
0xfe: {  	s14 =	spop @!p2 (v2sf)  }
0xff: {  	s15 =	spop @!p2 (v2sf)  }
0x100: {  	s14 =	smul.u32 @!p2 $0x7000, s14;
	s16 =	sshll.u32 @!p2 s15, $0x9  }
0x101: {  	s15 =	sshll.u32 @!p2 s15, $0x7;
	s16 =	sand.u32 @!p2 $0xFFFFF000, s16  }
0x102: {  	s15 =	sand.u32 @!p2 $0x380, s15;
	s14 =	sadd.s32 @!p2 s14, s16  }
0x103: {  	[sflag:s13] =	ssyncset.done @!p1 $0x0;
	s16 =	sshll.u32 @!p2 s10, $0xD;
	s14 =	sor.u32 @!p2 s15, s14  }
0x104: {  	[sflag:s13] =	ssyncadd.s32 @!p1 $0xFFFFFE00;
	s13 =	sand.u32 @!p2 $0x3FFFE000, s16;
	s14 =	sshrl.u32 @!p2 s14, $0x3  }
0x105: {  	s16 =	simm.s32 @!p2 $0x0;
	s15 =	sor.u32 @!p2 $0xC80, s13;
	s14 =	sadd.s32 @!p2 s6, s14  }
0x106: {  	[tilespmem:s15], [sflag:$0x4] =	stream.linear.gather @!p2 [hbm4b:s14+s16], $0x80, $0x38;
	[tilespmem:$0x8A80] =	vst v63  }
0x107: {  	s31 =	sor.u32 @!p2 $0x1080, s13;
	s15 =	sadd.s32 @!p2 $0x80, s14  }
0x108: {  	[tilespmem:s31], [sflag:$0x4] =	stream.linear.gather @!p2 [hbm4b:s15+s16], $0x80, $0x38;
	[tilespmem:$0x8A80] =	vst v63  }
0x109: {  	s15 =	sadd.s32 @!p2 $0x100, s14;
	s31 =	sor.u32 @!p2 $0x1480, s13  }
0x10a: {  	[tilespmem:s31], [sflag:$0x4] =	stream.linear.gather @!p2 [hbm4b:s15+s16], $0x80, $0x38;
	[tilespmem:$0x8A80] =	vst v63  }
0x10b: {  	s14 =	sadd.s32 @!p2 $0x180, s14;
	s13 =	sor.u32 @!p2 $0x1880, s13  }
0x10c: {  	[tilespmem:s13], [sflag:$0x4] =	stream.linear.gather @!p2 [hbm4b:s14+s16], $0x80, $0x38;
	[tilespmem:$0x8A80] =	vst v63  }
0x10d: {  	s13 =	simm.s32 @!p2 $0x4  }
0x10e: {  	_ =	swait.ge @!p2 [sflag:s13], $0x200  }
0x10f: {  	(v2sf) =	vpush v9, $0x5;
	_ =	sdelay $0xe  }
0x110: {  	s16 =	spop (v2sf)  }
0x111: {  	p1 =	seq.s32 s16, $0x0  }
0x112: {  	(v2sf) =	vpush @!p1 v7, $0x5  }
0x113: {  	(v2sf) =	vpush @!p1 v8, $0x5;
	_ =	sdelay $0xd  }
0x114: {  	s14 =	spop @!p1 (v2sf)  }
0x115: {  	s15 =	spop @!p1 (v2sf)  }
0x116: {  	s14 =	smul.u32 @!p1 $0x7000, s14;
	s16 =	sshll.u32 @!p1 s15, $0x9  }
0x117: {  	s15 =	sshll.u32 @!p1 s15, $0x7;
	s16 =	sand.u32 @!p1 $0xFFFFF000, s16  }
0x118: {  	s15 =	sand.u32 @!p1 $0x380, s15;
	s14 =	sadd.s32 @!p1 s14, s16  }
0x119: {  	[sflag:s13] =	ssyncset.done @!p2 $0x0;
	s16 =	sshll.u32 @!p1 s10, $0xD;
	s14 =	sor.u32 @!p1 s15, s14  }
0x11a: {  	[sflag:s13] =	ssyncadd.s32 @!p2 $0xFFFFFE00;
	s13 =	sand.u32 @!p1 $0x3FFFE000, s16;
	s14 =	sshrl.u32 @!p1 s14, $0x3  }
0x11b: {  	s16 =	simm.s32 @!p1 $0x0;
	s15 =	sor.u32 @!p1 $0xD00, s13;
	s14 =	sadd.s32 @!p1 s6, s14  }
0x11c: {  	[tilespmem:s15], [sflag:$0x4] =	stream.linear.gather @!p1 [hbm4b:s14+s16], $0x80, $0x38;
	[tilespmem:$0x8A80] =	vst v63  }
0x11d: {  	s31 =	sor.u32 @!p1 $0x1100, s13;
	s15 =	sadd.s32 @!p1 $0x80, s14  }
0x11e: {  	[tilespmem:s31], [sflag:$0x4] =	stream.linear.gather @!p1 [hbm4b:s15+s16], $0x80, $0x38;
	[tilespmem:$0x8A80] =	vst v63  }
0x11f: {  	s15 =	sadd.s32 @!p1 $0x100, s14;
	s31 =	sor.u32 @!p1 $0x1500, s13  }
0x120: {  	[tilespmem:s31], [sflag:$0x4] =	stream.linear.gather @!p1 [hbm4b:s15+s16], $0x80, $0x38;
	[tilespmem:$0x8A80] =	vst v63  }
0x121: {  	s14 =	sadd.s32 @!p1 $0x180, s14;
	s13 =	sor.u32 @!p1 $0x1900, s13  }
0x122: {  	[tilespmem:s13], [sflag:$0x4] =	stream.linear.gather @!p1 [hbm4b:s14+s16], $0x80, $0x38;
	[tilespmem:$0x8A80] =	vst v63  }
0x123: {  	s13 =	simm.s32 @!p1 $0x4  }
0x124: {  	_ =	swait.ge @!p1 [sflag:s13], $0x200  }
0x125: {  	(v2sf) =	vpush v9, $0x6;
	_ =	sdelay $0xe  }
0x126: {  	s31 =	spop (v2sf)  }
0x127: {  	p2 =	seq.s32 s31, $0x0  }
0x128: {  	(v2sf) =	vpush @!p2 v7, $0x6  }
0x129: {  	(v2sf) =	vpush @!p2 v8, $0x6;
	_ =	sdelay $0xd  }
0x12a: {  	s14 =	spop @!p2 (v2sf)  }
0x12b: {  	s15 =	spop @!p2 (v2sf)  }
0x12c: {  	s14 =	smul.u32 @!p2 $0x7000, s14;
	s16 =	sshll.u32 @!p2 s15, $0x9  }
0x12d: {  	s15 =	sshll.u32 @!p2 s15, $0x7;
	s16 =	sand.u32 @!p2 $0xFFFFF000, s16  }
0x12e: {  	s15 =	sand.u32 @!p2 $0x380, s15;
	s14 =	sadd.s32 @!p2 s14, s16  }
0x12f: {  	[sflag:s13] =	ssyncset.done @!p1 $0x0;
	s16 =	sshll.u32 @!p2 s10, $0xD;
	s14 =	sor.u32 @!p2 s15, s14  }
0x130: {  	[sflag:s13] =	ssyncadd.s32 @!p1 $0xFFFFFE00;
	s13 =	sand.u32 @!p2 $0x3FFFE000, s16;
	s14 =	sshrl.u32 @!p2 s14, $0x3  }
0x131: {  	s16 =	simm.s32 @!p2 $0x0;
	s15 =	sor.u32 @!p2 $0xD80, s13;
	s14 =	sadd.s32 @!p2 s6, s14  }
0x132: {  	[tilespmem:s15], [sflag:$0x4] =	stream.linear.gather @!p2 [hbm4b:s14+s16], $0x80, $0x38;
	[tilespmem:$0x8A80] =	vst v63  }
0x133: {  	s31 =	sor.u32 @!p2 $0x1180, s13;
	s15 =	sadd.s32 @!p2 $0x80, s14  }
0x134: {  	[tilespmem:s31], [sflag:$0x4] =	stream.linear.gather @!p2 [hbm4b:s15+s16], $0x80, $0x38;
	[tilespmem:$0x8A80] =	vst v63  }
0x135: {  	s15 =	sadd.s32 @!p2 $0x100, s14;
	s31 =	sor.u32 @!p2 $0x1580, s13  }
0x136: {  	[tilespmem:s31], [sflag:$0x4] =	stream.linear.gather @!p2 [hbm4b:s15+s16], $0x80, $0x38;
	[tilespmem:$0x8A80] =	vst v63  }
0x137: {  	s14 =	sadd.s32 @!p2 $0x180, s14;
	s13 =	sor.u32 @!p2 $0x1980, s13  }
0x138: {  	[tilespmem:s13], [sflag:$0x4] =	stream.linear.gather @!p2 [hbm4b:s14+s16], $0x80, $0x38;
	[tilespmem:$0x8A80] =	vst v63  }
0x139: {  	s13 =	simm.s32 @!p2 $0x4  }
0x13a: {  	_ =	swait.ge @!p2 [sflag:s13], $0x200  }
0x13b: {  	(v2sf) =	vpush v9, $0x7;
	_ =	sdelay $0xe  }
0x13c: {  	s15 =	spop (v2sf)  }
0x13d: {  	p1 =	seq.s32 s15, $0x0  }
0x13e: {  	(v2sf) =	vpush @!p1 v7, $0x7  }
0x13f: {  	(v2sf) =	vpush @!p1 v8, $0x7;
	_ =	sdelay $0xd  }
0x140: {  	s14 =	spop @!p1 (v2sf)  }
0x141: {  	s15 =	spop @!p1 (v2sf)  }
0x142: {  	s14 =	smul.u32 @!p1 $0x7000, s14;
	s16 =	sshll.u32 @!p1 s15, $0x9  }
0x143: {  	s15 =	sshll.u32 @!p1 s15, $0x7;
	s16 =	sand.u32 @!p1 $0xFFFFF000, s16  }
0x144: {  	s15 =	sand.u32 @!p1 $0x380, s15;
	s14 =	sadd.s32 @!p1 s14, s16  }
0x145: {  	[sflag:s13] =	ssyncset.done @!p2 $0x0;
	s16 =	sshll.u32 @!p1 s10, $0xD;
	s14 =	sor.u32 @!p1 s15, s14  }
0x146: {  	[sflag:s13] =	ssyncadd.s32 @!p2 $0xFFFFFE00;
	s13 =	sand.u32 @!p1 $0x3FFFE000, s16;
	s14 =	sshrl.u32 @!p1 s14, $0x3  }
0x147: {  	s16 =	simm.s32 @!p1 $0x0;
	s15 =	sor.u32 @!p1 $0xE00, s13;
	s14 =	sadd.s32 @!p1 s6, s14  }
0x148: {  	[tilespmem:s15], [sflag:$0x4] =	stream.linear.gather @!p1 [hbm4b:s14+s16], $0x80, $0x38;
	[tilespmem:$0x8A80] =	vst v63  }
0x149: {  	s31 =	sor.u32 @!p1 $0x1200, s13;
	s15 =	sadd.s32 @!p1 $0x80, s14  }
0x14a: {  	[tilespmem:s31], [sflag:$0x4] =	stream.linear.gather @!p1 [hbm4b:s15+s16], $0x80, $0x38;
	[tilespmem:$0x8A80] =	vst v63  }
0x14b: {  	s15 =	sadd.s32 @!p1 $0x100, s14;
	s31 =	sor.u32 @!p1 $0x1600, s13  }
0x14c: {  	[tilespmem:s31], [sflag:$0x4] =	stream.linear.gather @!p1 [hbm4b:s15+s16], $0x80, $0x38;
	[tilespmem:$0x8A80] =	vst v63  }
0x14d: {  	s14 =	sadd.s32 @!p1 $0x180, s14;
	s13 =	sor.u32 @!p1 $0x1A00, s13  }
0x14e: {  	[tilespmem:s13], [sflag:$0x4] =	stream.linear.gather @!p1 [hbm4b:s14+s16], $0x80, $0x38;
	[tilespmem:$0x8A80] =	vst v63  }
0x14f: {  	s13 =	simm.s32 @!p1 $0x4  }
0x150: {  	_ =	swait.ge @!p1 [sflag:s13], $0x200  }
0x151: {  	(v2sf) =	vpush v9, $0x8;
	_ =	sdelay $0xe  }
0x152: {  	s16 =	spop (v2sf)  }
0x153: {  	p2 =	seq.s32 s16, $0x0  }
0x154: {  	(v2sf) =	vpush @!p2 v7, $0x8  }
0x155: {  	(v2sf) =	vpush @!p2 v8, $0x8;
	_ =	sdelay $0xd  }
0x156: {  	s14 =	spop @!p2 (v2sf)  }
0x157: {  	s15 =	spop @!p2 (v2sf)  }
0x158: {  	s14 =	smul.u32 @!p2 $0x7000, s14;
	s16 =	sshll.u32 @!p2 s15, $0x9  }
0x159: {  	s15 =	sshll.u32 @!p2 s15, $0x7;
	s16 =	sand.u32 @!p2 $0xFFFFF000, s16  }
0x15a: {  	s15 =	sand.u32 @!p2 $0x380, s15;
	s14 =	sadd.s32 @!p2 s14, s16  }
0x15b: {  	[sflag:s13] =	ssyncset.done @!p1 $0x0;
	s16 =	sshll.u32 @!p2 s10, $0xD;
	s14 =	sor.u32 @!p2 s15, s14  }
0x15c: {  	[sflag:s13] =	ssyncadd.s32 @!p1 $0xFFFFFE00;
	s13 =	sand.u32 @!p2 $0x3FFFE000, s16;
	s14 =	sshrl.u32 @!p2 s14, $0x3  }
0x15d: {  	s16 =	simm.s32 @!p2 $0x0;
	s15 =	sor.u32 @!p2 $0x1A80, s13;
	s14 =	sadd.s32 @!p2 s6, s14  }
0x15e: {  	[tilespmem:s15], [sflag:$0x4] =	stream.linear.gather @!p2 [hbm4b:s14+s16], $0x80, $0x38;
	[tilespmem:$0x8A80] =	vst v63  }
0x15f: {  	s31 =	sor.u32 @!p2 $0x1E80, s13;
	s15 =	sadd.s32 @!p2 $0x80, s14  }
0x160: {  	[tilespmem:s31], [sflag:$0x4] =	stream.linear.gather @!p2 [hbm4b:s15+s16], $0x80, $0x38;
	[tilespmem:$0x8A80] =	vst v63  }
0x161: {  	s15 =	sadd.s32 @!p2 $0x100, s14;
	s31 =	sadd.s32 @!p2 $0x2280, s13  }
0x162: {  	[tilespmem:s31], [sflag:$0x4] =	stream.linear.gather @!p2 [hbm4b:s15+s16], $0x80, $0x38;
	[tilespmem:$0x8A80] =	vst v63  }
0x163: {  	s14 =	sadd.s32 @!p2 $0x180, s14;
	s13 =	sadd.s32 @!p2 $0x2680, s13  }
0x164: {  	[tilespmem:s13], [sflag:$0x4] =	stream.linear.gather @!p2 [hbm4b:s14+s16], $0x80, $0x38;
	[tilespmem:$0x8A80] =	vst v63  }
0x165: {  	s13 =	simm.s32 @!p2 $0x4  }
0x166: {  	_ =	swait.ge @!p2 [sflag:s13], $0x200  }
0x167: {  	(v2sf) =	vpush v9, $0x9;
	_ =	sdelay $0xe  }
0x168: {  	s31 =	spop (v2sf)  }
0x169: {  	p1 =	seq.s32 s31, $0x0  }
0x16a: {  	(v2sf) =	vpush @!p1 v7, $0x9  }
0x16b: {  	(v2sf) =	vpush @!p1 v8, $0x9;
	_ =	sdelay $0xd  }
0x16c: {  	s14 =	spop @!p1 (v2sf)  }
0x16d: {  	s15 =	spop @!p1 (v2sf)  }
0x16e: {  	s14 =	smul.u32 @!p1 $0x7000, s14;
	s16 =	sshll.u32 @!p1 s15, $0x9  }
0x16f: {  	s15 =	sshll.u32 @!p1 s15, $0x7;
	s16 =	sand.u32 @!p1 $0xFFFFF000, s16  }
0x170: {  	s15 =	sand.u32 @!p1 $0x380, s15;
	s14 =	sadd.s32 @!p1 s14, s16  }
0x171: {  	[sflag:s13] =	ssyncset.done @!p2 $0x0;
	s16 =	sshll.u32 @!p1 s10, $0xD;
	s14 =	sor.u32 @!p1 s15, s14  }
0x172: {  	[sflag:s13] =	ssyncadd.s32 @!p2 $0xFFFFFE00;
	s13 =	sand.u32 @!p1 $0x3FFFE000, s16;
	s14 =	sshrl.u32 @!p1 s14, $0x3  }
0x173: {  	s16 =	simm.s32 @!p1 $0x0;
	s15 =	sor.u32 @!p1 $0x1B00, s13;
	s14 =	sadd.s32 @!p1 s6, s14  }
0x174: {  	[tilespmem:s15], [sflag:$0x4] =	stream.linear.gather @!p1 [hbm4b:s14+s16], $0x80, $0x38;
	[tilespmem:$0x8A80] =	vst v63  }
0x175: {  	s31 =	sor.u32 @!p1 $0x1F00, s13;
	s15 =	sadd.s32 @!p1 $0x80, s14  }
0x176: {  	[tilespmem:s31], [sflag:$0x4] =	stream.linear.gather @!p1 [hbm4b:s15+s16], $0x80, $0x38;
	[tilespmem:$0x8A80] =	vst v63  }
0x177: {  	s15 =	sadd.s32 @!p1 $0x100, s14;
	s31 =	sadd.s32 @!p1 $0x2300, s13  }
0x178: {  	[tilespmem:s31], [sflag:$0x4] =	stream.linear.gather @!p1 [hbm4b:s15+s16], $0x80, $0x38;
	[tilespmem:$0x8A80] =	vst v63  }
0x179: {  	s14 =	sadd.s32 @!p1 $0x180, s14;
	s13 =	sadd.s32 @!p1 $0x2700, s13  }
0x17a: {  	[tilespmem:s13], [sflag:$0x4] =	stream.linear.gather @!p1 [hbm4b:s14+s16], $0x80, $0x38;
	[tilespmem:$0x8A80] =	vst v63  }
0x17b: {  	s13 =	simm.s32 @!p1 $0x4  }
0x17c: {  	_ =	swait.ge @!p1 [sflag:s13], $0x200  }
0x17d: {  	(v2sf) =	vpush v9, $0xA;
	_ =	sdelay $0xe  }
0x17e: {  	s15 =	spop (v2sf)  }
0x17f: {  	p2 =	seq.s32 s15, $0x0  }
0x180: {  	(v2sf) =	vpush @!p2 v7, $0xA  }
0x181: {  	(v2sf) =	vpush @!p2 v8, $0xA;
	_ =	sdelay $0xd  }
0x182: {  	s14 =	spop @!p2 (v2sf)  }
0x183: {  	s15 =	spop @!p2 (v2sf)  }
0x184: {  	s14 =	smul.u32 @!p2 $0x7000, s14;
	s16 =	sshll.u32 @!p2 s15, $0x9  }
0x185: {  	s15 =	sshll.u32 @!p2 s15, $0x7;
	s16 =	sand.u32 @!p2 $0xFFFFF000, s16  }
0x186: {  	s15 =	sand.u32 @!p2 $0x380, s15;
	s14 =	sadd.s32 @!p2 s14, s16  }
0x187: {  	[sflag:s13] =	ssyncset.done @!p1 $0x0;
	s16 =	sshll.u32 @!p2 s10, $0xD;
	s14 =	sor.u32 @!p2 s15, s14  }
0x188: {  	[sflag:s13] =	ssyncadd.s32 @!p1 $0xFFFFFE00;
	s13 =	sand.u32 @!p2 $0x3FFFE000, s16;
	s14 =	sshrl.u32 @!p2 s14, $0x3  }
0x189: {  	s16 =	simm.s32 @!p2 $0x0;
	s15 =	sor.u32 @!p2 $0x1B80, s13;
	s14 =	sadd.s32 @!p2 s6, s14  }
0x18a: {  	[tilespmem:s15], [sflag:$0x4] =	stream.linear.gather @!p2 [hbm4b:s14+s16], $0x80, $0x38;
	[tilespmem:$0x8A80] =	vst v63  }
0x18b: {  	s31 =	sor.u32 @!p2 $0x1F80, s13;
	s15 =	sadd.s32 @!p2 $0x80, s14  }
0x18c: {  	[tilespmem:s31], [sflag:$0x4] =	stream.linear.gather @!p2 [hbm4b:s15+s16], $0x80, $0x38;
	[tilespmem:$0x8A80] =	vst v63  }
0x18d: {  	s15 =	sadd.s32 @!p2 $0x100, s14;
	s31 =	sadd.s32 @!p2 $0x2380, s13  }
0x18e: {  	[tilespmem:s31], [sflag:$0x4] =	stream.linear.gather @!p2 [hbm4b:s15+s16], $0x80, $0x38;
	[tilespmem:$0x8A80] =	vst v63  }
0x18f: {  	s14 =	sadd.s32 @!p2 $0x180, s14;
	s13 =	sadd.s32 @!p2 $0x2780, s13  }
0x190: {  	[tilespmem:s13], [sflag:$0x4] =	stream.linear.gather @!p2 [hbm4b:s14+s16], $0x80, $0x38;
	[tilespmem:$0x8A80] =	vst v63  }
0x191: {  	s13 =	simm.s32 @!p2 $0x4  }
0x192: {  	_ =	swait.ge @!p2 [sflag:s13], $0x200  }
0x193: {  	(v2sf) =	vpush v9, $0xB;
	_ =	sdelay $0xe  }
0x194: {  	s16 =	spop (v2sf)  }
0x195: {  	p1 =	seq.s32 s16, $0x0  }
0x196: {  	(v2sf) =	vpush @!p1 v7, $0xB  }
0x197: {  	(v2sf) =	vpush @!p1 v8, $0xB;
	_ =	sdelay $0xd  }
0x198: {  	s14 =	spop @!p1 (v2sf)  }
0x199: {  	s15 =	spop @!p1 (v2sf)  }
0x19a: {  	s14 =	smul.u32 @!p1 $0x7000, s14;
	s16 =	sshll.u32 @!p1 s15, $0x9  }
0x19b: {  	s15 =	sshll.u32 @!p1 s15, $0x7;
	s16 =	sand.u32 @!p1 $0xFFFFF000, s16  }
0x19c: {  	s15 =	sand.u32 @!p1 $0x380, s15;
	s14 =	sadd.s32 @!p1 s14, s16  }
0x19d: {  	[sflag:s13] =	ssyncset.done @!p2 $0x0;
	s16 =	sshll.u32 @!p1 s10, $0xD;
	s14 =	sor.u32 @!p1 s15, s14  }
0x19e: {  	[sflag:s13] =	ssyncadd.s32 @!p2 $0xFFFFFE00;
	s13 =	sand.u32 @!p1 $0x3FFFE000, s16;
	s14 =	sshrl.u32 @!p1 s14, $0x3  }
0x19f: {  	s16 =	simm.s32 @!p1 $0x0;
	s15 =	sor.u32 @!p1 $0x1C00, s13;
	s14 =	sadd.s32 @!p1 s6, s14  }
0x1a0: {  	[tilespmem:s15], [sflag:$0x4] =	stream.linear.gather @!p1 [hbm4b:s14+s16], $0x80, $0x38;
	[tilespmem:$0x8A80] =	vst v63  }
0x1a1: {  	s31 =	sadd.s32 @!p1 $0x2000, s13;
	s15 =	sadd.s32 @!p1 $0x80, s14  }
0x1a2: {  	[tilespmem:s31], [sflag:$0x4] =	stream.linear.gather @!p1 [hbm4b:s15+s16], $0x80, $0x38;
	[tilespmem:$0x8A80] =	vst v63  }
0x1a3: {  	s15 =	sadd.s32 @!p1 $0x100, s14;
	s31 =	sadd.s32 @!p1 $0x2400, s13  }
0x1a4: {  	[tilespmem:s31], [sflag:$0x4] =	stream.linear.gather @!p1 [hbm4b:s15+s16], $0x80, $0x38;
	[tilespmem:$0x8A80] =	vst v63  }
0x1a5: {  	s14 =	sadd.s32 @!p1 $0x180, s14;
	s13 =	sadd.s32 @!p1 $0x2800, s13  }
0x1a6: {  	[tilespmem:s13], [sflag:$0x4] =	stream.linear.gather @!p1 [hbm4b:s14+s16], $0x80, $0x38;
	[tilespmem:$0x8A80] =	vst v63  }
0x1a7: {  	s13 =	simm.s32 @!p1 $0x4  }
0x1a8: {  	_ =	swait.ge @!p1 [sflag:s13], $0x200  }
0x1a9: {  	(v2sf) =	vpush v9, $0xC;
	_ =	sdelay $0xe  }
0x1aa: {  	s31 =	spop (v2sf)  }
0x1ab: {  	p2 =	seq.s32 s31, $0x0  }
0x1ac: {  	(v2sf) =	vpush @!p2 v7, $0xC  }
0x1ad: {  	(v2sf) =	vpush @!p2 v8, $0xC;
	_ =	sdelay $0xd  }
0x1ae: {  	s14 =	spop @!p2 (v2sf)  }
0x1af: {  	s15 =	spop @!p2 (v2sf)  }
0x1b0: {  	s14 =	smul.u32 @!p2 $0x7000, s14;
	s16 =	sshll.u32 @!p2 s15, $0x9  }
0x1b1: {  	s15 =	sshll.u32 @!p2 s15, $0x7;
	s16 =	sand.u32 @!p2 $0xFFFFF000, s16  }
0x1b2: {  	s15 =	sand.u32 @!p2 $0x380, s15;
	s14 =	sadd.s32 @!p2 s14, s16  }
0x1b3: {  	[sflag:s13] =	ssyncset.done @!p1 $0x0;
	s16 =	sshll.u32 @!p2 s10, $0xD;
	s14 =	sor.u32 @!p2 s15, s14  }
0x1b4: {  	[sflag:s13] =	ssyncadd.s32 @!p1 $0xFFFFFE00;
	s13 =	sand.u32 @!p2 $0x3FFFE000, s16;
	s14 =	sshrl.u32 @!p2 s14, $0x3  }
0x1b5: {  	s16 =	simm.s32 @!p2 $0x0;
	s15 =	sor.u32 @!p2 $0x1C80, s13;
	s14 =	sadd.s32 @!p2 s6, s14  }
0x1b6: {  	[tilespmem:s15], [sflag:$0x4] =	stream.linear.gather @!p2 [hbm4b:s14+s16], $0x80, $0x38;
	[tilespmem:$0x8A80] =	vst v63  }
0x1b7: {  	s31 =	sadd.s32 @!p2 $0x2080, s13;
	s15 =	sadd.s32 @!p2 $0x80, s14  }
0x1b8: {  	[tilespmem:s31], [sflag:$0x4] =	stream.linear.gather @!p2 [hbm4b:s15+s16], $0x80, $0x38;
	[tilespmem:$0x8A80] =	vst v63  }
0x1b9: {  	s15 =	sadd.s32 @!p2 $0x100, s14;
	s31 =	sadd.s32 @!p2 $0x2480, s13  }
0x1ba: {  	[tilespmem:s31], [sflag:$0x4] =	stream.linear.gather @!p2 [hbm4b:s15+s16], $0x80, $0x38;
	[tilespmem:$0x8A80] =	vst v63  }
0x1bb: {  	s14 =	sadd.s32 @!p2 $0x180, s14;
	s13 =	sadd.s32 @!p2 $0x2880, s13  }
0x1bc: {  	[tilespmem:s13], [sflag:$0x4] =	stream.linear.gather @!p2 [hbm4b:s14+s16], $0x80, $0x38;
	[tilespmem:$0x8A80] =	vst v63  }
0x1bd: {  	s13 =	simm.s32 @!p2 $0x4  }
0x1be: {  	_ =	swait.ge @!p2 [sflag:s13], $0x200  }
0x1bf: {  	(v2sf) =	vpush v9, $0xD;
	_ =	sdelay $0xe  }
0x1c0: {  	s15 =	spop (v2sf)  }
0x1c1: {  	p1 =	seq.s32 s15, $0x0  }
0x1c2: {  	(v2sf) =	vpush @!p1 v7, $0xD  }
0x1c3: {  	(v2sf) =	vpush @!p1 v8, $0xD;
	_ =	sdelay $0xd  }
0x1c4: {  	s14 =	spop @!p1 (v2sf)  }
0x1c5: {  	s15 =	spop @!p1 (v2sf)  }
0x1c6: {  	s14 =	smul.u32 @!p1 $0x7000, s14;
	s16 =	sshll.u32 @!p1 s15, $0x9  }
0x1c7: {  	s15 =	sshll.u32 @!p1 s15, $0x7;
	s16 =	sand.u32 @!p1 $0xFFFFF000, s16  }
0x1c8: {  	s15 =	sand.u32 @!p1 $0x380, s15;
	s14 =	sadd.s32 @!p1 s14, s16  }
0x1c9: {  	[sflag:s13] =	ssyncset.done @!p2 $0x0;
	s16 =	sshll.u32 @!p1 s10, $0xD;
	s14 =	sor.u32 @!p1 s15, s14  }
0x1ca: {  	[sflag:s13] =	ssyncadd.s32 @!p2 $0xFFFFFE00;
	s13 =	sand.u32 @!p1 $0x3FFFE000, s16;
	s14 =	sshrl.u32 @!p1 s14, $0x3  }
0x1cb: {  	s16 =	simm.s32 @!p1 $0x0;
	s15 =	sor.u32 @!p1 $0x1D00, s13;
	s14 =	sadd.s32 @!p1 s6, s14  }
0x1cc: {  	[tilespmem:s15], [sflag:$0x4] =	stream.linear.gather @!p1 [hbm4b:s14+s16], $0x80, $0x38;
	[tilespmem:$0x8A80] =	vst v63  }
0x1cd: {  	s31 =	sadd.s32 @!p1 $0x2100, s13;
	s15 =	sadd.s32 @!p1 $0x80, s14  }
0x1ce: {  	[tilespmem:s31], [sflag:$0x4] =	stream.linear.gather @!p1 [hbm4b:s15+s16], $0x80, $0x38;
	[tilespmem:$0x8A80] =	vst v63  }
0x1cf: {  	s15 =	sadd.s32 @!p1 $0x100, s14;
	s31 =	sadd.s32 @!p1 $0x2500, s13  }
0x1d0: {  	[tilespmem:s31], [sflag:$0x4] =	stream.linear.gather @!p1 [hbm4b:s15+s16], $0x80, $0x38;
	[tilespmem:$0x8A80] =	vst v63  }
0x1d1: {  	s14 =	sadd.s32 @!p1 $0x180, s14;
	s13 =	sadd.s32 @!p1 $0x2900, s13  }
0x1d2: {  	[tilespmem:s13], [sflag:$0x4] =	stream.linear.gather @!p1 [hbm4b:s14+s16], $0x80, $0x38;
	[tilespmem:$0x8A80] =	vst v63  }
0x1d3: {  	s13 =	simm.s32 @!p1 $0x4  }
0x1d4: {  	_ =	swait.ge @!p1 [sflag:s13], $0x200  }
0x1d5: {  	(v2sf) =	vpush v9, $0xE;
	_ =	sdelay $0xe  }
0x1d6: {  	s16 =	spop (v2sf)  }
0x1d7: {  	p2 =	seq.s32 s16, $0x0  }
0x1d8: {  	(v2sf) =	vpush @!p2 v7, $0xE  }
0x1d9: {  	(v2sf) =	vpush @!p2 v8, $0xE;
	_ =	sdelay $0xd  }
0x1da: {  	s14 =	spop @!p2 (v2sf)  }
0x1db: {  	s15 =	spop @!p2 (v2sf)  }
0x1dc: {  	s14 =	smul.u32 @!p2 $0x7000, s14;
	s16 =	sshll.u32 @!p2 s15, $0x9  }
0x1dd: {  	s15 =	sshll.u32 @!p2 s15, $0x7;
	s16 =	sand.u32 @!p2 $0xFFFFF000, s16  }
0x1de: {  	s15 =	sand.u32 @!p2 $0x380, s15;
	s14 =	sadd.s32 @!p2 s14, s16  }
0x1df: {  	[sflag:s13] =	ssyncset.done @!p1 $0x0;
	s16 =	sshll.u32 @!p2 s10, $0xD;
	s14 =	sor.u32 @!p2 s15, s14  }
0x1e0: {  	[sflag:s13] =	ssyncadd.s32 @!p1 $0xFFFFFE00;
	s13 =	sand.u32 @!p2 $0x3FFFE000, s16;
	s14 =	sshrl.u32 @!p2 s14, $0x3  }
0x1e1: {  	s16 =	simm.s32 @!p2 $0x0;
	s15 =	sor.u32 @!p2 $0x1D80, s13;
	s14 =	sadd.s32 @!p2 s6, s14  }
0x1e2: {  	[tilespmem:s15], [sflag:$0x4] =	stream.linear.gather @!p2 [hbm4b:s14+s16], $0x80, $0x38;
	[tilespmem:$0x8A80] =	vst v63  }
0x1e3: {  	s31 =	sadd.s32 @!p2 $0x2180, s13;
	s15 =	sadd.s32 @!p2 $0x80, s14  }
0x1e4: {  	[tilespmem:s31], [sflag:$0x4] =	stream.linear.gather @!p2 [hbm4b:s15+s16], $0x80, $0x38;
	[tilespmem:$0x8A80] =	vst v63  }
0x1e5: {  	s15 =	sadd.s32 @!p2 $0x100, s14;
	s31 =	sadd.s32 @!p2 $0x2580, s13  }
0x1e6: {  	[tilespmem:s31], [sflag:$0x4] =	stream.linear.gather @!p2 [hbm4b:s15+s16], $0x80, $0x38;
	[tilespmem:$0x8A80] =	vst v63  }
0x1e7: {  	s14 =	sadd.s32 @!p2 $0x180, s14;
	s13 =	sadd.s32 @!p2 $0x2980, s13  }
0x1e8: {  	[tilespmem:s13], [sflag:$0x4] =	stream.linear.gather @!p2 [hbm4b:s14+s16], $0x80, $0x38;
	[tilespmem:$0x8A80] =	vst v63  }
0x1e9: {  	s13 =	simm.s32 @!p2 $0x4  }
0x1ea: {  	_ =	swait.ge @!p2 [sflag:s13], $0x200  }
0x1eb: {  	(v2sf) =	vpush v9, $0xF;
	_ =	sdelay $0xe  }
0x1ec: {  	s31 =	spop (v2sf)  }
0x1ed: {  	p1 =	seq.s32 s31, $0x0  }
0x1ee: {  	(v2sf) =	vpush @!p1 v7, $0xF  }
0x1ef: {  	(v2sf) =	vpush @!p1 v8, $0xF;
	_ =	sdelay $0xd  }
0x1f0: {  	s14 =	spop @!p1 (v2sf)  }
0x1f1: {  	s15 =	spop @!p1 (v2sf)  }
0x1f2: {  	s14 =	smul.u32 @!p1 $0x7000, s14;
	s16 =	sshll.u32 @!p1 s15, $0x9  }
0x1f3: {  	s15 =	sshll.u32 @!p1 s15, $0x7;
	s16 =	sand.u32 @!p1 $0xFFFFF000, s16  }
0x1f4: {  	s15 =	sand.u32 @!p1 $0x380, s15;
	s14 =	sadd.s32 @!p1 s14, s16  }
0x1f5: {  	[sflag:s13] =	ssyncset.done @!p2 $0x0;
	s10 =	sshll.u32 @!p1 s10, $0xD;
	s14 =	sor.u32 @!p1 s15, s14  }
0x1f6: {  	[sflag:s13] =	ssyncadd.s32 @!p2 $0xFFFFFE00;
	s10 =	sand.u32 @!p1 $0x3FFFE000, s10;
	s13 =	sshrl.u32 @!p1 s14, $0x3  }
0x1f7: {  	s15 =	simm.s32 @!p1 $0x0;
	s14 =	sor.u32 @!p1 $0x1E00, s10;
	s13 =	sadd.s32 @!p1 s6, s13  }
0x1f8: {  	[tilespmem:s14], [sflag:$0x3] =	stream.linear.gather @!p1 [hbm4b:s13+s15], $0x80, $0x38;
	[tilespmem:$0x8A80] =	vst v63  }
0x1f9: {  	s16 =	sadd.s32 @!p1 $0x2200, s10;
	s14 =	sadd.s32 @!p1 $0x80, s13  }
0x1fa: {  	[tilespmem:s16], [sflag:$0x3] =	stream.linear.gather @!p1 [hbm4b:s14+s15], $0x80, $0x38;
	[tilespmem:$0x8A80] =	vst v63  }
0x1fb: {  	s14 =	sadd.s32 @!p1 $0x100, s13;
	s16 =	sadd.s32 @!p1 $0x2600, s10  }
0x1fc: {  	[tilespmem:s16], [sflag:$0x3] =	stream.linear.gather @!p1 [hbm4b:s14+s15], $0x80, $0x38;
	[tilespmem:$0x8A80] =	vst v63  }
0x1fd: {  	p2 =	por p0, p0;
	s13 =	sadd.s32 @!p1 $0x180, s13;
	s10 =	sadd.s32 @!p1 $0x2A00, s10  }
0x1fe: {  	[tilespmem:s10], [sflag:$0x3] =	stream.linear.gather @!p1 [hbm4b:s13+s15], $0x80, $0x38;
	[tilespmem:$0x8A80] =	vst v63  }
.Ltmp5:
0x1ff: {  	_ = 	snop;
	(pc) =	sbr.rel @p2 .LBB2_3-.Ltmp5, $4  }
0x200: {  	s10 =	simm.s32 @!p1 $0x3  }
0x201: {  	_ =	swait.ge @!p1 [sflag:s10], $0x200  }
0x202: {  	[sflag:s10] =	ssyncset.done @!p1 $0x0  }
0x203: {  	p0 =	por $0x0, $0x0;
	[sflag:s10] =	ssyncadd.s32 @!p1 $0xFFFFFE00;
	s10 =	simm.s32 $0x1  }
.LBB2_4:
0x204: {  	s10 =	sshll.u32 s2, $0xF  }
0x205: {  	s10 =	sadd.s32 s9, s10  }
0x206: {  	p0 =	seq.s32 s2, $0x18;
	s10 =	sshrl.u32 s10, $0x3  }
.Ltmp6:
0x207: {  	s10 =	sadd.s32 s3, s10;
	(pc) =	sbr.rel @p0 .LBB2_6-.Ltmp6, $4  }
0x208: {  	[hbm4b:s10+s5] =	stream.linear.scatter [tilespmem:s12], [sflag:$0x3], $0x4000, $0x38;
	[tilespmem:$0x8A80] =	vst v63  }
0x209: {  	_ =	swait.ge [sflag:s11], $0x4000  }
0x20a: {  	[sflag:s11] =	ssyncset.done $0x0  }
0x20b: {  	[sflag:s11] =	ssyncadd.s32 $0xFFFFC000  }
0x20c: {  	v7 =	vld [tilespmem:s7+$0x40];
	_ =	sdelay $0x2  }
0x20d: {  	s10 =	sadd.s32 $0x40, s7  }
0x20e: {  	s10 =	sadd.s32 s4, s10  }
0x20f: {  	v8 =	vor.u32 s10, v0;
	vm1 =	vgt.s32 v7, $0x1869F  }
0x210: {  	v8 =	vmulhi.u32 $0x51EB851F, v8;
	v9 =	vsel vm1, $0x0, v7  }
0x211: {  	vm2 =	vgt.s32 v7, $0x186A0;
	[tilespmem:$0x680] =	vst v9  }
0x212: {  	v8 =	vshrl.u32 v8, $0x4;
	v7 =	vnsel vm2, $0x186A0, v7;
	v9 =	vld [tilespmem:$0x680]  }
0x213: {  	[tilespmem:$0x780] =	vst v8;
	v7 =	vadd.s32 $0xFFFE7960, v7  }
0x214: {  	[tilespmem:$0x880] =	vst v7;
	v7 =	vsel vm1, $0x1, v3  }
0x215: {  	[tilespmem:$0x980] =	vst v7  }
0x216: {  	v7 =	vld [tilespmem:s7+$0x50]  }
0x217: {  	v8 =	vshll.u32 v9, $0x2  }
0x218: {  	s13 =	sadd.s32 $0x50, s7;
	v9 =	vand.u32 $0x7, v9;
	v8 =	vand.u32 $0xFFFFFFE0, v8  }
0x219: {  	s7 =	sadd.s32 s4, s13;
	v8 =	vor.u32 v9, v8  }
0x21a: {  	v63 =	vor.u32 s7, v0;
	v10 =	vperm.xlane v8, v4  }
0x21b: {  	vm1 =	vgt.s32 v7, $0x1869F;
	v9 =	vmulhi.u32 $0x51EB851F, v63  }
0x21c: {  	vm2 =	vgt.s32 v7, $0x186A0;
	v11 =	vsel vm1, $0x0, v7;
	v10 =	vadd.s32 v5, v10  }
0x21d: {  	v7 =	vnsel vm2, $0x186A0, v7;
	[tilespmem:$0x690] =	vst v11;
	v9 =	vshrl.u32 v9, $0x4  }
0x21e: {  	v8 =	vperm.xlane v8, v6;
	v7 =	vadd.s32 $0xFFFE7960, v7;
	[tilespmem:$0x790] =	vst v9  }
0x21f: {  	[tilespmem:$0x890] =	vst v7;
	v7 =	vsel vm1, $0x1, v3  }
0x220: {  	[tilespmem:$0x990] =	vst v7;
	v7 =	vadd.s32 v5, v8  }
0x221: {  	[tilespmem:s12], [sflag:$0x1] =	stream.indirect_vreg.gather [hbm4b:s1+s5], $0x80, v10, vm0, $0xb8;
	[tilespmem:$0x8A80] =	vst v63  }
0x222: {  	s14 =	simm.s32 $0x1280  }
0x223: {  	[tilespmem:s14], [sflag:$0x1] =	stream.indirect_vreg.gather [hbm4b:s8+s5], $0x80, v10, vm0, $0xb8;
	[tilespmem:$0x8A80] =	vst v63  }
0x224: {  	s15 =	simm.s32 $0x1A80  }
0x225: {  	[tilespmem:s15], [sflag:$0x1] =	stream.indirect_vreg.gather [hbm4b:s1+s5], $0x80, v7, vm0, $0xb8;
	[tilespmem:$0x8A80] =	vst v63  }
0x226: {  	s16 =	simm.s32 $0x2280  }
0x227: {  	[tilespmem:s16], [sflag:$0x1] =	stream.indirect_vreg.gather [hbm4b:s8+s5], $0x80, v7, vm0, $0xb8;
	[tilespmem:$0x8A80] =	vst v63  }
0x228: {  	v7 =	vld [tilespmem:$0x690];
	_ =	sdelay $0x4  }
0x229: {  	v8 =	vshll.u32 v7, $0x2  }
0x22a: {  	v7 =	vand.u32 $0x7, v7;
	v8 =	vand.u32 $0xFFFFFFE0, v8  }
0x22b: {  	v7 =	vor.u32 v7, v8  }
0x22c: {  	v8 =	vperm.xlane v7, v4;
	_ =	sdelay $0x1  }
0x22d: {  	v8 =	vadd.s32 v5, v8;
	_ =	sdelay $0x1  }
0x22e: {  	v7 =	vperm.xlane v7, v6;
	_ =	sdelay $0x1  }
0x22f: {  	s31 =	simm.s32 $0x2A80;
	v7 =	vadd.s32 v5, v7  }
0x230: {  	[tilespmem:s31], [sflag:$0x1] =	stream.indirect_vreg.gather [hbm4b:s1+s5], $0x80, v8, vm0, $0xb8;
	[tilespmem:$0x8A80] =	vst v63  }
0x231: {  	_ = 	snop  }
0x232: {  	[tilespmem:s17], [sflag:$0x1] =	stream.indirect_vreg.gather [hbm4b:s8+s5], $0x80, v8, vm0, $0xb8;
	[tilespmem:$0x8A80] =	vst v63  }
0x233: {  	_ = 	snop  }
0x234: {  	[tilespmem:s18], [sflag:$0x1] =	stream.indirect_vreg.gather [hbm4b:s1+s5], $0x80, v7, vm0, $0xb8;
	[tilespmem:$0x8A80] =	vst v63  }
0x235: {  	_ = 	snop  }
0x236: {  	[tilespmem:s19], [sflag:$0x1] =	stream.indirect_vreg.gather [hbm4b:s8+s5], $0x80, v7, vm0, $0xb8;
	[tilespmem:$0x8A80] =	vst v63  }
.LBB2_6:
0x237: {  	v7 =	vld [tilespmem:$0xA00]  }
0x238: {  	v8 =	vld [tilespmem:$0xA10];
	_ =	sdelay $0x4  }
0x239: {  	v7 =	vor.u32 v7, v8  }
0x23a: {  	(v2sf) =	vpush v7, $0x0  }
0x23b: {  	(v2sf) =	vpush v7, $0x1  }
0x23c: {  	(v2sf) =	vpush v7, $0x2  }
0x23d: {  	(v2sf) =	vpush v7, $0x3  }
0x23e: {  	(v2sf) =	vpush v7, $0x4  }
0x23f: {  	(v2sf) =	vpush v7, $0x5  }
0x240: {  	(v2sf) =	vpush v7, $0x6  }
0x241: {  	(v2sf) =	vpush v7, $0x7  }
0x242: {  	(v2sf) =	vpush v7, $0x8  }
0x243: {  	(v2sf) =	vpush v7, $0x9  }
0x244: {  	(v2sf) =	vpush v7, $0xA  }
0x245: {  	(v2sf) =	vpush v7, $0xB  }
0x246: {  	(v2sf) =	vpush v7, $0xC  }
0x247: {  	(v2sf) =	vpush v7, $0xD  }
0x248: {  	(v2sf) =	vpush v7, $0xE  }
0x249: {  	s7 =	spop (v2sf);
	(v2sf) =	vpush v7, $0xF  }
0x24a: {  	s10 =	spop (v2sf)  }
0x24b: {  	s7 =	sor.u32 s10, s7;
	s14 =	spop (v2sf)  }
0x24c: {  	s7 =	sor.u32 s14, s7;
	s15 =	spop (v2sf)  }
0x24d: {  	s7 =	sor.u32 s15, s7;
	s16 =	spop (v2sf)  }
0x24e: {  	s7 =	sor.u32 s16, s7;
	s31 =	spop (v2sf)  }
0x24f: {  	s7 =	sor.u32 s31, s7;
	s13 =	spop (v2sf)  }
0x250: {  	s7 =	sor.u32 s13, s7;
	s14 =	spop (v2sf)  }
0x251: {  	s7 =	sor.u32 s14, s7;
	s15 =	spop (v2sf)  }
0x252: {  	s7 =	sor.u32 s15, s7;
	s16 =	spop (v2sf)  }
0x253: {  	s7 =	sor.u32 s16, s7;
	s31 =	spop (v2sf)  }
0x254: {  	s7 =	sor.u32 s31, s7;
	s13 =	spop (v2sf)  }
0x255: {  	s7 =	sor.u32 s13, s7;
	s14 =	spop (v2sf)  }
0x256: {  	s7 =	sor.u32 s14, s7;
	s15 =	spop (v2sf)  }
0x257: {  	s7 =	sor.u32 s15, s7;
	s16 =	spop (v2sf)  }
0x258: {  	s7 =	sor.u32 s16, s7;
	s31 =	spop (v2sf)  }
0x259: {  	s7 =	sor.u32 s31, s7  }
0x25a: {  	p0 =	slt.s32 s7, $0x1  }
.Ltmp7:
0x25b: {  	_ = 	snop;
	(pc) =	sbr.rel @p0 .LBB2_9-.Ltmp7, $4  }
0x25c: {  	_ = 	snop  }
0x25d: {  	_ =	swait.ge [sflag:s30], $0x4000  }
0x25e: {  	[sflag:s30] =	ssyncset.done $0x0  }
0x25f: {  	[sflag:s30] =	ssyncadd.s32 $0xFFFFC000  }
0x260: {  	s7 =	simm.s32 $0x0;
	p0 =	por $0x1, $0x1  }
.LBB2_8:
0x261: {  	s10 =	sshll.u32 s7, $0x4  }
0x262: {  	v9 =	vld [tilespmem:s10+$0xA00];
	_ =	sdelay $0x4  }
0x263: {  	(v2sf) =	vpush v9, $0x0;
	_ =	sdelay $0xb  }
0x264: {  	v7 =	vld [tilespmem:s10+$0x800]  }
0x265: {  	v8 =	vld [tilespmem:s10+$0x900];
	_ =	sdelay $0x1  }
0x266: {  	s14 =	spop (v2sf)  }
0x267: {  	p2 =	seq.s32 s14, $0x0  }
0x268: {  	(v2sf) =	vpush @!p2 v7, $0x0  }
0x269: {  	(v2sf) =	vpush @!p2 v8, $0x0;
	_ =	sdelay $0xd  }
0x26a: {  	s10 =	spop @!p2 (v2sf)  }
0x26b: {  	s13 =	spop @!p2 (v2sf)  }
0x26c: {  	s10 =	smul.u32 @!p2 $0x7000, s10;
	s14 =	sshll.u32 @!p2 s13, $0x9  }
0x26d: {  	s13 =	sshll.u32 @!p2 s13, $0x7;
	s14 =	sand.u32 @!p2 $0xFFFFF000, s14  }
0x26e: {  	s13 =	sand.u32 @!p2 $0x380, s13;
	s10 =	sadd.s32 @!p2 s10, s14  }
0x26f: {  	s14 =	sshll.u32 @!p2 s7, $0xD;
	s10 =	sor.u32 @!p2 s13, s10  }
0x270: {  	s13 =	sand.u32 @!p2 $0x3FFFE000, s14;
	s10 =	sshrl.u32 @!p2 s10, $0x3  }
0x271: {  	s15 =	simm.s32 @!p2 $0x0;
	s14 =	sadd.s32 @!p2 $0x4A80, s13;
	s10 =	sadd.s32 @!p2 s6, s10  }
0x272: {  	[tilespmem:s14], [sflag:$0x4] =	stream.linear.gather @!p2 [hbm4b:s10+s15], $0x80, $0x38;
	[tilespmem:$0x8A80] =	vst v63  }
0x273: {  	s16 =	sadd.s32 @!p2 $0x4E80, s13;
	s14 =	sadd.s32 @!p2 $0x80, s10  }
0x274: {  	[tilespmem:s16], [sflag:$0x4] =	stream.linear.gather @!p2 [hbm4b:s14+s15], $0x80, $0x38;
	[tilespmem:$0x8A80] =	vst v63  }
0x275: {  	s14 =	sadd.s32 @!p2 $0x100, s10;
	s16 =	sadd.s32 @!p2 $0x5280, s13  }
0x276: {  	[tilespmem:s16], [sflag:$0x4] =	stream.linear.gather @!p2 [hbm4b:s14+s15], $0x80, $0x38;
	[tilespmem:$0x8A80] =	vst v63  }
0x277: {  	s10 =	sadd.s32 @!p2 $0x180, s10;
	s13 =	sadd.s32 @!p2 $0x5680, s13  }
0x278: {  	[tilespmem:s13], [sflag:$0x4] =	stream.linear.gather @!p2 [hbm4b:s10+s15], $0x80, $0x38;
	[tilespmem:$0x8A80] =	vst v63  }
0x279: {  	s10 =	simm.s32 @!p2 $0x4  }
0x27a: {  	_ =	swait.ge @!p2 [sflag:s10], $0x200  }
0x27b: {  	(v2sf) =	vpush v9, $0x1;
	_ =	sdelay $0xe  }
0x27c: {  	s15 =	spop (v2sf)  }
0x27d: {  	p1 =	seq.s32 s15, $0x0  }
0x27e: {  	(v2sf) =	vpush @!p1 v7, $0x1  }
0x27f: {  	(v2sf) =	vpush @!p1 v8, $0x1;
	_ =	sdelay $0xd  }
0x280: {  	s13 =	spop @!p1 (v2sf)  }
0x281: {  	s14 =	spop @!p1 (v2sf)  }
0x282: {  	s13 =	smul.u32 @!p1 $0x7000, s13;
	s15 =	sshll.u32 @!p1 s14, $0x9  }
0x283: {  	s14 =	sshll.u32 @!p1 s14, $0x7;
	s15 =	sand.u32 @!p1 $0xFFFFF000, s15  }
0x284: {  	s14 =	sand.u32 @!p1 $0x380, s14;
	s13 =	sadd.s32 @!p1 s13, s15  }
0x285: {  	[sflag:s10] =	ssyncset.done @!p2 $0x0;
	s15 =	sshll.u32 @!p1 s7, $0xD;
	s13 =	sor.u32 @!p1 s14, s13  }
0x286: {  	[sflag:s10] =	ssyncadd.s32 @!p2 $0xFFFFFE00;
	s10 =	sand.u32 @!p1 $0x3FFFE000, s15;
	s13 =	sshrl.u32 @!p1 s13, $0x3  }
0x287: {  	s15 =	simm.s32 @!p1 $0x0;
	s14 =	sadd.s32 @!p1 $0x4B00, s10;
	s13 =	sadd.s32 @!p1 s6, s13  }
0x288: {  	[tilespmem:s14], [sflag:$0x4] =	stream.linear.gather @!p1 [hbm4b:s13+s15], $0x80, $0x38;
	[tilespmem:$0x8A80] =	vst v63  }
0x289: {  	s16 =	sadd.s32 @!p1 $0x4F00, s10;
	s14 =	sadd.s32 @!p1 $0x80, s13  }
0x28a: {  	[tilespmem:s16], [sflag:$0x4] =	stream.linear.gather @!p1 [hbm4b:s14+s15], $0x80, $0x38;
	[tilespmem:$0x8A80] =	vst v63  }
0x28b: {  	s14 =	sadd.s32 @!p1 $0x100, s13;
	s16 =	sadd.s32 @!p1 $0x5300, s10  }
0x28c: {  	[tilespmem:s16], [sflag:$0x4] =	stream.linear.gather @!p1 [hbm4b:s14+s15], $0x80, $0x38;
	[tilespmem:$0x8A80] =	vst v63  }
0x28d: {  	s13 =	sadd.s32 @!p1 $0x180, s13;
	s10 =	sadd.s32 @!p1 $0x5700, s10  }
0x28e: {  	[tilespmem:s10], [sflag:$0x4] =	stream.linear.gather @!p1 [hbm4b:s13+s15], $0x80, $0x38;
	[tilespmem:$0x8A80] =	vst v63  }
0x28f: {  	s10 =	simm.s32 @!p1 $0x4  }
0x290: {  	_ =	swait.ge @!p1 [sflag:s10], $0x200  }
0x291: {  	(v2sf) =	vpush v9, $0x2;
	_ =	sdelay $0xe  }
0x292: {  	s16 =	spop (v2sf)  }
0x293: {  	p2 =	seq.s32 s16, $0x0  }
0x294: {  	(v2sf) =	vpush @!p2 v7, $0x2  }
0x295: {  	(v2sf) =	vpush @!p2 v8, $0x2;
	_ =	sdelay $0xd  }
0x296: {  	s13 =	spop @!p2 (v2sf)  }
0x297: {  	s14 =	spop @!p2 (v2sf)  }
0x298: {  	s13 =	smul.u32 @!p2 $0x7000, s13;
	s15 =	sshll.u32 @!p2 s14, $0x9  }
0x299: {  	s14 =	sshll.u32 @!p2 s14, $0x7;
	s15 =	sand.u32 @!p2 $0xFFFFF000, s15  }
0x29a: {  	s14 =	sand.u32 @!p2 $0x380, s14;
	s13 =	sadd.s32 @!p2 s13, s15  }
0x29b: {  	[sflag:s10] =	ssyncset.done @!p1 $0x0;
	s15 =	sshll.u32 @!p2 s7, $0xD;
	s13 =	sor.u32 @!p2 s14, s13  }
0x29c: {  	[sflag:s10] =	ssyncadd.s32 @!p1 $0xFFFFFE00;
	s10 =	sand.u32 @!p2 $0x3FFFE000, s15;
	s13 =	sshrl.u32 @!p2 s13, $0x3  }
0x29d: {  	s15 =	simm.s32 @!p2 $0x0;
	s14 =	sadd.s32 @!p2 $0x4B80, s10;
	s13 =	sadd.s32 @!p2 s6, s13  }
0x29e: {  	[tilespmem:s14], [sflag:$0x4] =	stream.linear.gather @!p2 [hbm4b:s13+s15], $0x80, $0x38;
	[tilespmem:$0x8A80] =	vst v63  }
0x29f: {  	s16 =	sadd.s32 @!p2 $0x4F80, s10;
	s14 =	sadd.s32 @!p2 $0x80, s13  }
0x2a0: {  	[tilespmem:s16], [sflag:$0x4] =	stream.linear.gather @!p2 [hbm4b:s14+s15], $0x80, $0x38;
	[tilespmem:$0x8A80] =	vst v63  }
0x2a1: {  	s14 =	sadd.s32 @!p2 $0x100, s13;
	s16 =	sadd.s32 @!p2 $0x5380, s10  }
0x2a2: {  	[tilespmem:s16], [sflag:$0x4] =	stream.linear.gather @!p2 [hbm4b:s14+s15], $0x80, $0x38;
	[tilespmem:$0x8A80] =	vst v63  }
0x2a3: {  	s13 =	sadd.s32 @!p2 $0x180, s13;
	s10 =	sadd.s32 @!p2 $0x5780, s10  }
0x2a4: {  	[tilespmem:s10], [sflag:$0x4] =	stream.linear.gather @!p2 [hbm4b:s13+s15], $0x80, $0x38;
	[tilespmem:$0x8A80] =	vst v63  }
0x2a5: {  	s10 =	simm.s32 @!p2 $0x4  }
0x2a6: {  	_ =	swait.ge @!p2 [sflag:s10], $0x200  }
0x2a7: {  	(v2sf) =	vpush v9, $0x3;
	_ =	sdelay $0xe  }
0x2a8: {  	s31 =	spop (v2sf)  }
0x2a9: {  	p1 =	seq.s32 s31, $0x0  }
0x2aa: {  	(v2sf) =	vpush @!p1 v7, $0x3  }
0x2ab: {  	(v2sf) =	vpush @!p1 v8, $0x3;
	_ =	sdelay $0xd  }
0x2ac: {  	s13 =	spop @!p1 (v2sf)  }
0x2ad: {  	s14 =	spop @!p1 (v2sf)  }
0x2ae: {  	s13 =	smul.u32 @!p1 $0x7000, s13;
	s15 =	sshll.u32 @!p1 s14, $0x9  }
0x2af: {  	s14 =	sshll.u32 @!p1 s14, $0x7;
	s15 =	sand.u32 @!p1 $0xFFFFF000, s15  }
0x2b0: {  	s14 =	sand.u32 @!p1 $0x380, s14;
	s13 =	sadd.s32 @!p1 s13, s15  }
0x2b1: {  	[sflag:s10] =	ssyncset.done @!p2 $0x0;
	s15 =	sshll.u32 @!p1 s7, $0xD;
	s13 =	sor.u32 @!p1 s14, s13  }
0x2b2: {  	[sflag:s10] =	ssyncadd.s32 @!p2 $0xFFFFFE00;
	s10 =	sand.u32 @!p1 $0x3FFFE000, s15;
	s13 =	sshrl.u32 @!p1 s13, $0x3  }
0x2b3: {  	s15 =	simm.s32 @!p1 $0x0;
	s14 =	sadd.s32 @!p1 $0x4C00, s10;
	s13 =	sadd.s32 @!p1 s6, s13  }
0x2b4: {  	[tilespmem:s14], [sflag:$0x4] =	stream.linear.gather @!p1 [hbm4b:s13+s15], $0x80, $0x38;
	[tilespmem:$0x8A80] =	vst v63  }
0x2b5: {  	s16 =	sadd.s32 @!p1 $0x5000, s10;
	s14 =	sadd.s32 @!p1 $0x80, s13  }
0x2b6: {  	[tilespmem:s16], [sflag:$0x4] =	stream.linear.gather @!p1 [hbm4b:s14+s15], $0x80, $0x38;
	[tilespmem:$0x8A80] =	vst v63  }
0x2b7: {  	s14 =	sadd.s32 @!p1 $0x100, s13;
	s16 =	sadd.s32 @!p1 $0x5400, s10  }
0x2b8: {  	[tilespmem:s16], [sflag:$0x4] =	stream.linear.gather @!p1 [hbm4b:s14+s15], $0x80, $0x38;
	[tilespmem:$0x8A80] =	vst v63  }
0x2b9: {  	s13 =	sadd.s32 @!p1 $0x180, s13;
	s10 =	sadd.s32 @!p1 $0x5800, s10  }
0x2ba: {  	[tilespmem:s10], [sflag:$0x4] =	stream.linear.gather @!p1 [hbm4b:s13+s15], $0x80, $0x38;
	[tilespmem:$0x8A80] =	vst v63  }
0x2bb: {  	s10 =	simm.s32 @!p1 $0x4  }
0x2bc: {  	_ =	swait.ge @!p1 [sflag:s10], $0x200  }
0x2bd: {  	(v2sf) =	vpush v9, $0x4;
	_ =	sdelay $0xe  }
0x2be: {  	s14 =	spop (v2sf)  }
0x2bf: {  	p2 =	seq.s32 s14, $0x0  }
0x2c0: {  	(v2sf) =	vpush @!p2 v7, $0x4  }
0x2c1: {  	(v2sf) =	vpush @!p2 v8, $0x4;
	_ =	sdelay $0xd  }
0x2c2: {  	s13 =	spop @!p2 (v2sf)  }
0x2c3: {  	s14 =	spop @!p2 (v2sf)  }
0x2c4: {  	s13 =	smul.u32 @!p2 $0x7000, s13;
	s15 =	sshll.u32 @!p2 s14, $0x9  }
0x2c5: {  	s14 =	sshll.u32 @!p2 s14, $0x7;
	s15 =	sand.u32 @!p2 $0xFFFFF000, s15  }
0x2c6: {  	s14 =	sand.u32 @!p2 $0x380, s14;
	s13 =	sadd.s32 @!p2 s13, s15  }
0x2c7: {  	[sflag:s10] =	ssyncset.done @!p1 $0x0;
	s15 =	sshll.u32 @!p2 s7, $0xD;
	s13 =	sor.u32 @!p2 s14, s13  }
0x2c8: {  	[sflag:s10] =	ssyncadd.s32 @!p1 $0xFFFFFE00;
	s10 =	sand.u32 @!p2 $0x3FFFE000, s15;
	s13 =	sshrl.u32 @!p2 s13, $0x3  }
0x2c9: {  	s15 =	simm.s32 @!p2 $0x0;
	s14 =	sadd.s32 @!p2 $0x4C80, s10;
	s13 =	sadd.s32 @!p2 s6, s13  }
0x2ca: {  	[tilespmem:s14], [sflag:$0x4] =	stream.linear.gather @!p2 [hbm4b:s13+s15], $0x80, $0x38;
	[tilespmem:$0x8A80] =	vst v63  }
0x2cb: {  	s16 =	sadd.s32 @!p2 $0x5080, s10;
	s14 =	sadd.s32 @!p2 $0x80, s13  }
0x2cc: {  	[tilespmem:s16], [sflag:$0x4] =	stream.linear.gather @!p2 [hbm4b:s14+s15], $0x80, $0x38;
	[tilespmem:$0x8A80] =	vst v63  }
0x2cd: {  	s14 =	sadd.s32 @!p2 $0x100, s13;
	s16 =	sadd.s32 @!p2 $0x5480, s10  }
0x2ce: {  	[tilespmem:s16], [sflag:$0x4] =	stream.linear.gather @!p2 [hbm4b:s14+s15], $0x80, $0x38;
	[tilespmem:$0x8A80] =	vst v63  }
0x2cf: {  	s13 =	sadd.s32 @!p2 $0x180, s13;
	s10 =	sadd.s32 @!p2 $0x5880, s10  }
0x2d0: {  	[tilespmem:s10], [sflag:$0x4] =	stream.linear.gather @!p2 [hbm4b:s13+s15], $0x80, $0x38;
	[tilespmem:$0x8A80] =	vst v63  }
0x2d1: {  	s10 =	simm.s32 @!p2 $0x4  }
0x2d2: {  	_ =	swait.ge @!p2 [sflag:s10], $0x200  }
0x2d3: {  	(v2sf) =	vpush v9, $0x5;
	_ =	sdelay $0xe  }
0x2d4: {  	s15 =	spop (v2sf)  }
0x2d5: {  	p1 =	seq.s32 s15, $0x0  }
0x2d6: {  	(v2sf) =	vpush @!p1 v7, $0x5  }
0x2d7: {  	(v2sf) =	vpush @!p1 v8, $0x5;
	_ =	sdelay $0xd  }
0x2d8: {  	s13 =	spop @!p1 (v2sf)  }
0x2d9: {  	s14 =	spop @!p1 (v2sf)  }
0x2da: {  	s13 =	smul.u32 @!p1 $0x7000, s13;
	s15 =	sshll.u32 @!p1 s14, $0x9  }
0x2db: {  	s14 =	sshll.u32 @!p1 s14, $0x7;
	s15 =	sand.u32 @!p1 $0xFFFFF000, s15  }
0x2dc: {  	s14 =	sand.u32 @!p1 $0x380, s14;
	s13 =	sadd.s32 @!p1 s13, s15  }
0x2dd: {  	[sflag:s10] =	ssyncset.done @!p2 $0x0;
	s15 =	sshll.u32 @!p1 s7, $0xD;
	s13 =	sor.u32 @!p1 s14, s13  }
0x2de: {  	[sflag:s10] =	ssyncadd.s32 @!p2 $0xFFFFFE00;
	s10 =	sand.u32 @!p1 $0x3FFFE000, s15;
	s13 =	sshrl.u32 @!p1 s13, $0x3  }
0x2df: {  	s15 =	simm.s32 @!p1 $0x0;
	s14 =	sadd.s32 @!p1 $0x4D00, s10;
	s13 =	sadd.s32 @!p1 s6, s13  }
0x2e0: {  	[tilespmem:s14], [sflag:$0x4] =	stream.linear.gather @!p1 [hbm4b:s13+s15], $0x80, $0x38;
	[tilespmem:$0x8A80] =	vst v63  }
0x2e1: {  	s16 =	sadd.s32 @!p1 $0x5100, s10;
	s14 =	sadd.s32 @!p1 $0x80, s13  }
0x2e2: {  	[tilespmem:s16], [sflag:$0x4] =	stream.linear.gather @!p1 [hbm4b:s14+s15], $0x80, $0x38;
	[tilespmem:$0x8A80] =	vst v63  }
0x2e3: {  	s14 =	sadd.s32 @!p1 $0x100, s13;
	s16 =	sadd.s32 @!p1 $0x5500, s10  }
0x2e4: {  	[tilespmem:s16], [sflag:$0x4] =	stream.linear.gather @!p1 [hbm4b:s14+s15], $0x80, $0x38;
	[tilespmem:$0x8A80] =	vst v63  }
0x2e5: {  	s13 =	sadd.s32 @!p1 $0x180, s13;
	s10 =	sadd.s32 @!p1 $0x5900, s10  }
0x2e6: {  	[tilespmem:s10], [sflag:$0x4] =	stream.linear.gather @!p1 [hbm4b:s13+s15], $0x80, $0x38;
	[tilespmem:$0x8A80] =	vst v63  }
0x2e7: {  	s10 =	simm.s32 @!p1 $0x4  }
0x2e8: {  	_ =	swait.ge @!p1 [sflag:s10], $0x200  }
0x2e9: {  	(v2sf) =	vpush v9, $0x6;
	_ =	sdelay $0xe  }
0x2ea: {  	s16 =	spop (v2sf)  }
0x2eb: {  	p2 =	seq.s32 s16, $0x0  }
0x2ec: {  	(v2sf) =	vpush @!p2 v7, $0x6  }
0x2ed: {  	(v2sf) =	vpush @!p2 v8, $0x6;
	_ =	sdelay $0xd  }
0x2ee: {  	s13 =	spop @!p2 (v2sf)  }
0x2ef: {  	s14 =	spop @!p2 (v2sf)  }
0x2f0: {  	s13 =	smul.u32 @!p2 $0x7000, s13;
	s15 =	sshll.u32 @!p2 s14, $0x9  }
0x2f1: {  	s14 =	sshll.u32 @!p2 s14, $0x7;
	s15 =	sand.u32 @!p2 $0xFFFFF000, s15  }
0x2f2: {  	s14 =	sand.u32 @!p2 $0x380, s14;
	s13 =	sadd.s32 @!p2 s13, s15  }
0x2f3: {  	[sflag:s10] =	ssyncset.done @!p1 $0x0;
	s15 =	sshll.u32 @!p2 s7, $0xD;
	s13 =	sor.u32 @!p2 s14, s13  }
0x2f4: {  	[sflag:s10] =	ssyncadd.s32 @!p1 $0xFFFFFE00;
	s10 =	sand.u32 @!p2 $0x3FFFE000, s15;
	s13 =	sshrl.u32 @!p2 s13, $0x3  }
0x2f5: {  	s15 =	simm.s32 @!p2 $0x0;
	s14 =	sadd.s32 @!p2 $0x4D80, s10;
	s13 =	sadd.s32 @!p2 s6, s13  }
0x2f6: {  	[tilespmem:s14], [sflag:$0x4] =	stream.linear.gather @!p2 [hbm4b:s13+s15], $0x80, $0x38;
	[tilespmem:$0x8A80] =	vst v63  }
0x2f7: {  	s16 =	sadd.s32 @!p2 $0x5180, s10;
	s14 =	sadd.s32 @!p2 $0x80, s13  }
0x2f8: {  	[tilespmem:s16], [sflag:$0x4] =	stream.linear.gather @!p2 [hbm4b:s14+s15], $0x80, $0x38;
	[tilespmem:$0x8A80] =	vst v63  }
0x2f9: {  	s14 =	sadd.s32 @!p2 $0x100, s13;
	s16 =	sadd.s32 @!p2 $0x5580, s10  }
0x2fa: {  	[tilespmem:s16], [sflag:$0x4] =	stream.linear.gather @!p2 [hbm4b:s14+s15], $0x80, $0x38;
	[tilespmem:$0x8A80] =	vst v63  }
0x2fb: {  	s13 =	sadd.s32 @!p2 $0x180, s13;
	s10 =	sadd.s32 @!p2 $0x5980, s10  }
0x2fc: {  	[tilespmem:s10], [sflag:$0x4] =	stream.linear.gather @!p2 [hbm4b:s13+s15], $0x80, $0x38;
	[tilespmem:$0x8A80] =	vst v63  }
0x2fd: {  	s10 =	simm.s32 @!p2 $0x4  }
0x2fe: {  	_ =	swait.ge @!p2 [sflag:s10], $0x200  }
0x2ff: {  	(v2sf) =	vpush v9, $0x7;
	_ =	sdelay $0xe  }
0x300: {  	s31 =	spop (v2sf)  }
0x301: {  	p1 =	seq.s32 s31, $0x0  }
0x302: {  	(v2sf) =	vpush @!p1 v7, $0x7  }
0x303: {  	(v2sf) =	vpush @!p1 v8, $0x7;
	_ =	sdelay $0xd  }
0x304: {  	s13 =	spop @!p1 (v2sf)  }
0x305: {  	s14 =	spop @!p1 (v2sf)  }
0x306: {  	s13 =	smul.u32 @!p1 $0x7000, s13;
	s15 =	sshll.u32 @!p1 s14, $0x9  }
0x307: {  	s14 =	sshll.u32 @!p1 s14, $0x7;
	s15 =	sand.u32 @!p1 $0xFFFFF000, s15  }
0x308: {  	s14 =	sand.u32 @!p1 $0x380, s14;
	s13 =	sadd.s32 @!p1 s13, s15  }
0x309: {  	[sflag:s10] =	ssyncset.done @!p2 $0x0;
	s15 =	sshll.u32 @!p1 s7, $0xD;
	s13 =	sor.u32 @!p1 s14, s13  }
0x30a: {  	[sflag:s10] =	ssyncadd.s32 @!p2 $0xFFFFFE00;
	s10 =	sand.u32 @!p1 $0x3FFFE000, s15;
	s13 =	sshrl.u32 @!p1 s13, $0x3  }
0x30b: {  	s15 =	simm.s32 @!p1 $0x0;
	s14 =	sadd.s32 @!p1 $0x4E00, s10;
	s13 =	sadd.s32 @!p1 s6, s13  }
0x30c: {  	[tilespmem:s14], [sflag:$0x4] =	stream.linear.gather @!p1 [hbm4b:s13+s15], $0x80, $0x38;
	[tilespmem:$0x8A80] =	vst v63  }
0x30d: {  	s16 =	sadd.s32 @!p1 $0x5200, s10;
	s14 =	sadd.s32 @!p1 $0x80, s13  }
0x30e: {  	[tilespmem:s16], [sflag:$0x4] =	stream.linear.gather @!p1 [hbm4b:s14+s15], $0x80, $0x38;
	[tilespmem:$0x8A80] =	vst v63  }
0x30f: {  	s14 =	sadd.s32 @!p1 $0x100, s13;
	s16 =	sadd.s32 @!p1 $0x5600, s10  }
0x310: {  	[tilespmem:s16], [sflag:$0x4] =	stream.linear.gather @!p1 [hbm4b:s14+s15], $0x80, $0x38;
	[tilespmem:$0x8A80] =	vst v63  }
0x311: {  	s13 =	sadd.s32 @!p1 $0x180, s13;
	s10 =	sadd.s32 @!p1 $0x5A00, s10  }
0x312: {  	[tilespmem:s10], [sflag:$0x4] =	stream.linear.gather @!p1 [hbm4b:s13+s15], $0x80, $0x38;
	[tilespmem:$0x8A80] =	vst v63  }
0x313: {  	s10 =	simm.s32 @!p1 $0x4  }
0x314: {  	_ =	swait.ge @!p1 [sflag:s10], $0x200  }
0x315: {  	(v2sf) =	vpush v9, $0x8;
	_ =	sdelay $0xe  }
0x316: {  	s14 =	spop (v2sf)  }
0x317: {  	p2 =	seq.s32 s14, $0x0  }
0x318: {  	(v2sf) =	vpush @!p2 v7, $0x8  }
0x319: {  	(v2sf) =	vpush @!p2 v8, $0x8;
	_ =	sdelay $0xd  }
0x31a: {  	s13 =	spop @!p2 (v2sf)  }
0x31b: {  	s14 =	spop @!p2 (v2sf)  }
0x31c: {  	s13 =	smul.u32 @!p2 $0x7000, s13;
	s15 =	sshll.u32 @!p2 s14, $0x9  }
0x31d: {  	s14 =	sshll.u32 @!p2 s14, $0x7;
	s15 =	sand.u32 @!p2 $0xFFFFF000, s15  }
0x31e: {  	s14 =	sand.u32 @!p2 $0x380, s14;
	s13 =	sadd.s32 @!p2 s13, s15  }
0x31f: {  	[sflag:s10] =	ssyncset.done @!p1 $0x0;
	s15 =	sshll.u32 @!p2 s7, $0xD;
	s13 =	sor.u32 @!p2 s14, s13  }
0x320: {  	[sflag:s10] =	ssyncadd.s32 @!p1 $0xFFFFFE00;
	s10 =	sand.u32 @!p2 $0x3FFFE000, s15;
	s13 =	sshrl.u32 @!p2 s13, $0x3  }
0x321: {  	s15 =	simm.s32 @!p2 $0x0;
	s14 =	sadd.s32 @!p2 $0x5A80, s10;
	s13 =	sadd.s32 @!p2 s6, s13  }
0x322: {  	[tilespmem:s14], [sflag:$0x4] =	stream.linear.gather @!p2 [hbm4b:s13+s15], $0x80, $0x38;
	[tilespmem:$0x8A80] =	vst v63  }
0x323: {  	s16 =	sadd.s32 @!p2 $0x5E80, s10;
	s14 =	sadd.s32 @!p2 $0x80, s13  }
0x324: {  	[tilespmem:s16], [sflag:$0x4] =	stream.linear.gather @!p2 [hbm4b:s14+s15], $0x80, $0x38;
	[tilespmem:$0x8A80] =	vst v63  }
0x325: {  	s14 =	sadd.s32 @!p2 $0x100, s13;
	s16 =	sadd.s32 @!p2 $0x6280, s10  }
0x326: {  	[tilespmem:s16], [sflag:$0x4] =	stream.linear.gather @!p2 [hbm4b:s14+s15], $0x80, $0x38;
	[tilespmem:$0x8A80] =	vst v63  }
0x327: {  	s13 =	sadd.s32 @!p2 $0x180, s13;
	s10 =	sadd.s32 @!p2 $0x6680, s10  }
0x328: {  	[tilespmem:s10], [sflag:$0x4] =	stream.linear.gather @!p2 [hbm4b:s13+s15], $0x80, $0x38;
	[tilespmem:$0x8A80] =	vst v63  }
0x329: {  	s10 =	simm.s32 @!p2 $0x4  }
0x32a: {  	_ =	swait.ge @!p2 [sflag:s10], $0x200  }
0x32b: {  	(v2sf) =	vpush v9, $0x9;
	_ =	sdelay $0xe  }
0x32c: {  	s15 =	spop (v2sf)  }
0x32d: {  	p1 =	seq.s32 s15, $0x0  }
0x32e: {  	(v2sf) =	vpush @!p1 v7, $0x9  }
0x32f: {  	(v2sf) =	vpush @!p1 v8, $0x9;
	_ =	sdelay $0xd  }
0x330: {  	s13 =	spop @!p1 (v2sf)  }
0x331: {  	s14 =	spop @!p1 (v2sf)  }
0x332: {  	s13 =	smul.u32 @!p1 $0x7000, s13;
	s15 =	sshll.u32 @!p1 s14, $0x9  }
0x333: {  	s14 =	sshll.u32 @!p1 s14, $0x7;
	s15 =	sand.u32 @!p1 $0xFFFFF000, s15  }
0x334: {  	s14 =	sand.u32 @!p1 $0x380, s14;
	s13 =	sadd.s32 @!p1 s13, s15  }
0x335: {  	[sflag:s10] =	ssyncset.done @!p2 $0x0;
	s15 =	sshll.u32 @!p1 s7, $0xD;
	s13 =	sor.u32 @!p1 s14, s13  }
0x336: {  	[sflag:s10] =	ssyncadd.s32 @!p2 $0xFFFFFE00;
	s10 =	sand.u32 @!p1 $0x3FFFE000, s15;
	s13 =	sshrl.u32 @!p1 s13, $0x3  }
0x337: {  	s15 =	simm.s32 @!p1 $0x0;
	s14 =	sadd.s32 @!p1 $0x5B00, s10;
	s13 =	sadd.s32 @!p1 s6, s13  }
0x338: {  	[tilespmem:s14], [sflag:$0x4] =	stream.linear.gather @!p1 [hbm4b:s13+s15], $0x80, $0x38;
	[tilespmem:$0x8A80] =	vst v63  }
0x339: {  	s16 =	sadd.s32 @!p1 $0x5F00, s10;
	s14 =	sadd.s32 @!p1 $0x80, s13  }
0x33a: {  	[tilespmem:s16], [sflag:$0x4] =	stream.linear.gather @!p1 [hbm4b:s14+s15], $0x80, $0x38;
	[tilespmem:$0x8A80] =	vst v63  }
0x33b: {  	s14 =	sadd.s32 @!p1 $0x100, s13;
	s16 =	sadd.s32 @!p1 $0x6300, s10  }
0x33c: {  	[tilespmem:s16], [sflag:$0x4] =	stream.linear.gather @!p1 [hbm4b:s14+s15], $0x80, $0x38;
	[tilespmem:$0x8A80] =	vst v63  }
0x33d: {  	s13 =	sadd.s32 @!p1 $0x180, s13;
	s10 =	sadd.s32 @!p1 $0x6700, s10  }
0x33e: {  	[tilespmem:s10], [sflag:$0x4] =	stream.linear.gather @!p1 [hbm4b:s13+s15], $0x80, $0x38;
	[tilespmem:$0x8A80] =	vst v63  }
0x33f: {  	s10 =	simm.s32 @!p1 $0x4  }
0x340: {  	_ =	swait.ge @!p1 [sflag:s10], $0x200  }
0x341: {  	(v2sf) =	vpush v9, $0xA;
	_ =	sdelay $0xe  }
0x342: {  	s16 =	spop (v2sf)  }
0x343: {  	p2 =	seq.s32 s16, $0x0  }
0x344: {  	(v2sf) =	vpush @!p2 v7, $0xA  }
0x345: {  	(v2sf) =	vpush @!p2 v8, $0xA;
	_ =	sdelay $0xd  }
0x346: {  	s13 =	spop @!p2 (v2sf)  }
0x347: {  	s14 =	spop @!p2 (v2sf)  }
0x348: {  	s13 =	smul.u32 @!p2 $0x7000, s13;
	s15 =	sshll.u32 @!p2 s14, $0x9  }
0x349: {  	s14 =	sshll.u32 @!p2 s14, $0x7;
	s15 =	sand.u32 @!p2 $0xFFFFF000, s15  }
0x34a: {  	s14 =	sand.u32 @!p2 $0x380, s14;
	s13 =	sadd.s32 @!p2 s13, s15  }
0x34b: {  	[sflag:s10] =	ssyncset.done @!p1 $0x0;
	s15 =	sshll.u32 @!p2 s7, $0xD;
	s13 =	sor.u32 @!p2 s14, s13  }
0x34c: {  	[sflag:s10] =	ssyncadd.s32 @!p1 $0xFFFFFE00;
	s10 =	sand.u32 @!p2 $0x3FFFE000, s15;
	s13 =	sshrl.u32 @!p2 s13, $0x3  }
0x34d: {  	s15 =	simm.s32 @!p2 $0x0;
	s14 =	sadd.s32 @!p2 $0x5B80, s10;
	s13 =	sadd.s32 @!p2 s6, s13  }
0x34e: {  	[tilespmem:s14], [sflag:$0x4] =	stream.linear.gather @!p2 [hbm4b:s13+s15], $0x80, $0x38;
	[tilespmem:$0x8A80] =	vst v63  }
0x34f: {  	s16 =	sadd.s32 @!p2 $0x5F80, s10;
	s14 =	sadd.s32 @!p2 $0x80, s13  }
0x350: {  	[tilespmem:s16], [sflag:$0x4] =	stream.linear.gather @!p2 [hbm4b:s14+s15], $0x80, $0x38;
	[tilespmem:$0x8A80] =	vst v63  }
0x351: {  	s14 =	sadd.s32 @!p2 $0x100, s13;
	s16 =	sadd.s32 @!p2 $0x6380, s10  }
0x352: {  	[tilespmem:s16], [sflag:$0x4] =	stream.linear.gather @!p2 [hbm4b:s14+s15], $0x80, $0x38;
	[tilespmem:$0x8A80] =	vst v63  }
0x353: {  	s13 =	sadd.s32 @!p2 $0x180, s13;
	s10 =	sadd.s32 @!p2 $0x6780, s10  }
0x354: {  	[tilespmem:s10], [sflag:$0x4] =	stream.linear.gather @!p2 [hbm4b:s13+s15], $0x80, $0x38;
	[tilespmem:$0x8A80] =	vst v63  }
0x355: {  	s10 =	simm.s32 @!p2 $0x4  }
0x356: {  	_ =	swait.ge @!p2 [sflag:s10], $0x200  }
0x357: {  	(v2sf) =	vpush v9, $0xB;
	_ =	sdelay $0xe  }
0x358: {  	s31 =	spop (v2sf)  }
0x359: {  	p1 =	seq.s32 s31, $0x0  }
0x35a: {  	(v2sf) =	vpush @!p1 v7, $0xB  }
0x35b: {  	(v2sf) =	vpush @!p1 v8, $0xB;
	_ =	sdelay $0xd  }
0x35c: {  	s13 =	spop @!p1 (v2sf)  }
0x35d: {  	s14 =	spop @!p1 (v2sf)  }
0x35e: {  	s13 =	smul.u32 @!p1 $0x7000, s13;
	s15 =	sshll.u32 @!p1 s14, $0x9  }
0x35f: {  	s14 =	sshll.u32 @!p1 s14, $0x7;
	s15 =	sand.u32 @!p1 $0xFFFFF000, s15  }
0x360: {  	s14 =	sand.u32 @!p1 $0x380, s14;
	s13 =	sadd.s32 @!p1 s13, s15  }
0x361: {  	[sflag:s10] =	ssyncset.done @!p2 $0x0;
	s15 =	sshll.u32 @!p1 s7, $0xD;
	s13 =	sor.u32 @!p1 s14, s13  }
0x362: {  	[sflag:s10] =	ssyncadd.s32 @!p2 $0xFFFFFE00;
	s10 =	sand.u32 @!p1 $0x3FFFE000, s15;
	s13 =	sshrl.u32 @!p1 s13, $0x3  }
0x363: {  	s15 =	simm.s32 @!p1 $0x0;
	s14 =	sadd.s32 @!p1 $0x5C00, s10;
	s13 =	sadd.s32 @!p1 s6, s13  }
0x364: {  	[tilespmem:s14], [sflag:$0x4] =	stream.linear.gather @!p1 [hbm4b:s13+s15], $0x80, $0x38;
	[tilespmem:$0x8A80] =	vst v63  }
0x365: {  	s16 =	sadd.s32 @!p1 $0x6000, s10;
	s14 =	sadd.s32 @!p1 $0x80, s13  }
0x366: {  	[tilespmem:s16], [sflag:$0x4] =	stream.linear.gather @!p1 [hbm4b:s14+s15], $0x80, $0x38;
	[tilespmem:$0x8A80] =	vst v63  }
0x367: {  	s14 =	sadd.s32 @!p1 $0x100, s13;
	s16 =	sadd.s32 @!p1 $0x6400, s10  }
0x368: {  	[tilespmem:s16], [sflag:$0x4] =	stream.linear.gather @!p1 [hbm4b:s14+s15], $0x80, $0x38;
	[tilespmem:$0x8A80] =	vst v63  }
0x369: {  	s13 =	sadd.s32 @!p1 $0x180, s13;
	s10 =	sadd.s32 @!p1 $0x6800, s10  }
0x36a: {  	[tilespmem:s10], [sflag:$0x4] =	stream.linear.gather @!p1 [hbm4b:s13+s15], $0x80, $0x38;
	[tilespmem:$0x8A80] =	vst v63  }
0x36b: {  	s10 =	simm.s32 @!p1 $0x4  }
0x36c: {  	_ =	swait.ge @!p1 [sflag:s10], $0x200  }
0x36d: {  	(v2sf) =	vpush v9, $0xC;
	_ =	sdelay $0xe  }
0x36e: {  	s14 =	spop (v2sf)  }
0x36f: {  	p2 =	seq.s32 s14, $0x0  }
0x370: {  	(v2sf) =	vpush @!p2 v7, $0xC  }
0x371: {  	(v2sf) =	vpush @!p2 v8, $0xC;
	_ =	sdelay $0xd  }
0x372: {  	s13 =	spop @!p2 (v2sf)  }
0x373: {  	s14 =	spop @!p2 (v2sf)  }
0x374: {  	s13 =	smul.u32 @!p2 $0x7000, s13;
	s15 =	sshll.u32 @!p2 s14, $0x9  }
0x375: {  	s14 =	sshll.u32 @!p2 s14, $0x7;
	s15 =	sand.u32 @!p2 $0xFFFFF000, s15  }
0x376: {  	s14 =	sand.u32 @!p2 $0x380, s14;
	s13 =	sadd.s32 @!p2 s13, s15  }
0x377: {  	[sflag:s10] =	ssyncset.done @!p1 $0x0;
	s15 =	sshll.u32 @!p2 s7, $0xD;
	s13 =	sor.u32 @!p2 s14, s13  }
0x378: {  	[sflag:s10] =	ssyncadd.s32 @!p1 $0xFFFFFE00;
	s10 =	sand.u32 @!p2 $0x3FFFE000, s15;
	s13 =	sshrl.u32 @!p2 s13, $0x3  }
0x379: {  	s15 =	simm.s32 @!p2 $0x0;
	s14 =	sadd.s32 @!p2 $0x5C80, s10;
	s13 =	sadd.s32 @!p2 s6, s13  }
0x37a: {  	[tilespmem:s14], [sflag:$0x4] =	stream.linear.gather @!p2 [hbm4b:s13+s15], $0x80, $0x38;
	[tilespmem:$0x8A80] =	vst v63  }
0x37b: {  	s16 =	sadd.s32 @!p2 $0x6080, s10;
	s14 =	sadd.s32 @!p2 $0x80, s13  }
0x37c: {  	[tilespmem:s16], [sflag:$0x4] =	stream.linear.gather @!p2 [hbm4b:s14+s15], $0x80, $0x38;
	[tilespmem:$0x8A80] =	vst v63  }
0x37d: {  	s14 =	sadd.s32 @!p2 $0x100, s13;
	s16 =	sadd.s32 @!p2 $0x6480, s10  }
0x37e: {  	[tilespmem:s16], [sflag:$0x4] =	stream.linear.gather @!p2 [hbm4b:s14+s15], $0x80, $0x38;
	[tilespmem:$0x8A80] =	vst v63  }
0x37f: {  	s13 =	sadd.s32 @!p2 $0x180, s13;
	s10 =	sadd.s32 @!p2 $0x6880, s10  }
0x380: {  	[tilespmem:s10], [sflag:$0x4] =	stream.linear.gather @!p2 [hbm4b:s13+s15], $0x80, $0x38;
	[tilespmem:$0x8A80] =	vst v63  }
0x381: {  	s10 =	simm.s32 @!p2 $0x4  }
0x382: {  	_ =	swait.ge @!p2 [sflag:s10], $0x200  }
0x383: {  	(v2sf) =	vpush v9, $0xD;
	_ =	sdelay $0xe  }
0x384: {  	s15 =	spop (v2sf)  }
0x385: {  	p1 =	seq.s32 s15, $0x0  }
0x386: {  	(v2sf) =	vpush @!p1 v7, $0xD  }
0x387: {  	(v2sf) =	vpush @!p1 v8, $0xD;
	_ =	sdelay $0xd  }
0x388: {  	s13 =	spop @!p1 (v2sf)  }
0x389: {  	s14 =	spop @!p1 (v2sf)  }
0x38a: {  	s13 =	smul.u32 @!p1 $0x7000, s13;
	s15 =	sshll.u32 @!p1 s14, $0x9  }
0x38b: {  	s14 =	sshll.u32 @!p1 s14, $0x7;
	s15 =	sand.u32 @!p1 $0xFFFFF000, s15  }
0x38c: {  	s14 =	sand.u32 @!p1 $0x380, s14;
	s13 =	sadd.s32 @!p1 s13, s15  }
0x38d: {  	[sflag:s10] =	ssyncset.done @!p2 $0x0;
	s15 =	sshll.u32 @!p1 s7, $0xD;
	s13 =	sor.u32 @!p1 s14, s13  }
0x38e: {  	[sflag:s10] =	ssyncadd.s32 @!p2 $0xFFFFFE00;
	s10 =	sand.u32 @!p1 $0x3FFFE000, s15;
	s13 =	sshrl.u32 @!p1 s13, $0x3  }
0x38f: {  	s15 =	simm.s32 @!p1 $0x0;
	s14 =	sadd.s32 @!p1 $0x5D00, s10;
	s13 =	sadd.s32 @!p1 s6, s13  }
0x390: {  	[tilespmem:s14], [sflag:$0x4] =	stream.linear.gather @!p1 [hbm4b:s13+s15], $0x80, $0x38;
	[tilespmem:$0x8A80] =	vst v63  }
0x391: {  	s16 =	sadd.s32 @!p1 $0x6100, s10;
	s14 =	sadd.s32 @!p1 $0x80, s13  }
0x392: {  	[tilespmem:s16], [sflag:$0x4] =	stream.linear.gather @!p1 [hbm4b:s14+s15], $0x80, $0x38;
	[tilespmem:$0x8A80] =	vst v63  }
0x393: {  	s14 =	sadd.s32 @!p1 $0x100, s13;
	s16 =	sadd.s32 @!p1 $0x6500, s10  }
0x394: {  	[tilespmem:s16], [sflag:$0x4] =	stream.linear.gather @!p1 [hbm4b:s14+s15], $0x80, $0x38;
	[tilespmem:$0x8A80] =	vst v63  }
0x395: {  	s13 =	sadd.s32 @!p1 $0x180, s13;
	s10 =	sadd.s32 @!p1 $0x6900, s10  }
0x396: {  	[tilespmem:s10], [sflag:$0x4] =	stream.linear.gather @!p1 [hbm4b:s13+s15], $0x80, $0x38;
	[tilespmem:$0x8A80] =	vst v63  }
0x397: {  	s10 =	simm.s32 @!p1 $0x4  }
0x398: {  	_ =	swait.ge @!p1 [sflag:s10], $0x200  }
0x399: {  	(v2sf) =	vpush v9, $0xE;
	_ =	sdelay $0xe  }
0x39a: {  	s16 =	spop (v2sf)  }
0x39b: {  	p2 =	seq.s32 s16, $0x0  }
0x39c: {  	(v2sf) =	vpush @!p2 v7, $0xE  }
0x39d: {  	(v2sf) =	vpush @!p2 v8, $0xE;
	_ =	sdelay $0xd  }
0x39e: {  	s13 =	spop @!p2 (v2sf)  }
0x39f: {  	s14 =	spop @!p2 (v2sf)  }
0x3a0: {  	s13 =	smul.u32 @!p2 $0x7000, s13;
	s15 =	sshll.u32 @!p2 s14, $0x9  }
0x3a1: {  	s14 =	sshll.u32 @!p2 s14, $0x7;
	s15 =	sand.u32 @!p2 $0xFFFFF000, s15  }
0x3a2: {  	s14 =	sand.u32 @!p2 $0x380, s14;
	s13 =	sadd.s32 @!p2 s13, s15  }
0x3a3: {  	[sflag:s10] =	ssyncset.done @!p1 $0x0;
	s15 =	sshll.u32 @!p2 s7, $0xD;
	s13 =	sor.u32 @!p2 s14, s13  }
0x3a4: {  	[sflag:s10] =	ssyncadd.s32 @!p1 $0xFFFFFE00;
	s10 =	sand.u32 @!p2 $0x3FFFE000, s15;
	s13 =	sshrl.u32 @!p2 s13, $0x3  }
0x3a5: {  	s15 =	simm.s32 @!p2 $0x0;
	s14 =	sadd.s32 @!p2 $0x5D80, s10;
	s13 =	sadd.s32 @!p2 s6, s13  }
0x3a6: {  	[tilespmem:s14], [sflag:$0x4] =	stream.linear.gather @!p2 [hbm4b:s13+s15], $0x80, $0x38;
	[tilespmem:$0x8A80] =	vst v63  }
0x3a7: {  	s16 =	sadd.s32 @!p2 $0x6180, s10;
	s14 =	sadd.s32 @!p2 $0x80, s13  }
0x3a8: {  	[tilespmem:s16], [sflag:$0x4] =	stream.linear.gather @!p2 [hbm4b:s14+s15], $0x80, $0x38;
	[tilespmem:$0x8A80] =	vst v63  }
0x3a9: {  	s14 =	sadd.s32 @!p2 $0x100, s13;
	s16 =	sadd.s32 @!p2 $0x6580, s10  }
0x3aa: {  	[tilespmem:s16], [sflag:$0x4] =	stream.linear.gather @!p2 [hbm4b:s14+s15], $0x80, $0x38;
	[tilespmem:$0x8A80] =	vst v63  }
0x3ab: {  	s13 =	sadd.s32 @!p2 $0x180, s13;
	s10 =	sadd.s32 @!p2 $0x6980, s10  }
0x3ac: {  	[tilespmem:s10], [sflag:$0x4] =	stream.linear.gather @!p2 [hbm4b:s13+s15], $0x80, $0x38;
	[tilespmem:$0x8A80] =	vst v63  }
0x3ad: {  	s10 =	simm.s32 @!p2 $0x4  }
0x3ae: {  	_ =	swait.ge @!p2 [sflag:s10], $0x200  }
0x3af: {  	(v2sf) =	vpush v9, $0xF;
	_ =	sdelay $0xe  }
0x3b0: {  	s31 =	spop (v2sf)  }
0x3b1: {  	p1 =	seq.s32 s31, $0x0  }
0x3b2: {  	(v2sf) =	vpush @!p1 v7, $0xF  }
0x3b3: {  	(v2sf) =	vpush @!p1 v8, $0xF;
	_ =	sdelay $0xd  }
0x3b4: {  	s13 =	spop @!p1 (v2sf)  }
0x3b5: {  	s14 =	spop @!p1 (v2sf)  }
0x3b6: {  	s13 =	smul.u32 @!p1 $0x7000, s13;
	s15 =	sshll.u32 @!p1 s14, $0x9  }
0x3b7: {  	s14 =	sshll.u32 @!p1 s14, $0x7;
	s15 =	sand.u32 @!p1 $0xFFFFF000, s15  }
0x3b8: {  	s14 =	sand.u32 @!p1 $0x380, s14;
	s13 =	sadd.s32 @!p1 s13, s15  }
0x3b9: {  	[sflag:s10] =	ssyncset.done @!p2 $0x0;
	s7 =	sshll.u32 @!p1 s7, $0xD;
	s13 =	sor.u32 @!p1 s14, s13  }
0x3ba: {  	[sflag:s10] =	ssyncadd.s32 @!p2 $0xFFFFFE00;
	s7 =	sand.u32 @!p1 $0x3FFFE000, s7;
	s10 =	sshrl.u32 @!p1 s13, $0x3  }
0x3bb: {  	s14 =	simm.s32 @!p1 $0x0;
	s13 =	sadd.s32 @!p1 $0x5E00, s7;
	s10 =	sadd.s32 @!p1 s6, s10  }
0x3bc: {  	[tilespmem:s13], [sflag:$0x3] =	stream.linear.gather @!p1 [hbm4b:s10+s14], $0x80, $0x38;
	[tilespmem:$0x8A80] =	vst v63  }
0x3bd: {  	s15 =	sadd.s32 @!p1 $0x6200, s7;
	s13 =	sadd.s32 @!p1 $0x80, s10  }
0x3be: {  	[tilespmem:s15], [sflag:$0x3] =	stream.linear.gather @!p1 [hbm4b:s13+s14], $0x80, $0x38;
	[tilespmem:$0x8A80] =	vst v63  }
0x3bf: {  	s13 =	sadd.s32 @!p1 $0x100, s10;
	s15 =	sadd.s32 @!p1 $0x6600, s7  }
0x3c0: {  	[tilespmem:s15], [sflag:$0x3] =	stream.linear.gather @!p1 [hbm4b:s13+s14], $0x80, $0x38;
	[tilespmem:$0x8A80] =	vst v63  }
0x3c1: {  	p2 =	por p0, p0;
	s10 =	sadd.s32 @!p1 $0x180, s10;
	s7 =	sadd.s32 @!p1 $0x6A00, s7  }
0x3c2: {  	[tilespmem:s7], [sflag:$0x3] =	stream.linear.gather @!p1 [hbm4b:s10+s14], $0x80, $0x38;
	[tilespmem:$0x8A80] =	vst v63  }
.Ltmp8:
0x3c3: {  	_ = 	snop;
	(pc) =	sbr.rel @p2 .LBB2_8-.Ltmp8, $4  }
0x3c4: {  	s7 =	simm.s32 @!p1 $0x3  }
0x3c5: {  	_ =	swait.ge @!p1 [sflag:s7], $0x200  }
0x3c6: {  	[sflag:s7] =	ssyncset.done @!p1 $0x0  }
0x3c7: {  	p0 =	por $0x0, $0x0;
	[sflag:s7] =	ssyncadd.s32 @!p1 $0xFFFFFE00;
	s7 =	simm.s32 $0x1  }
.Ltmp9:
0x3c8: {  	_ = 	snop;
	(pc) =	sbr.rel .LBB2_9-.Ltmp9, $1  }
0x3c9: {  	_ =	sdelay $0x3  }
.LBB2_11:
0x3ca: {  	_ =	sfence.sel $0x180000  }
0x3cb: {  	[bflag:$0x0] =	sbarrier.arrive $0xFFFF  }
0x3cc: {  	_ =	strace $0x90000047  }
0x3cd: {  	s0 =	stileid.u32;
	[bflag:$0x2] =	sbarrier.arrive $0xFFFF  }
0x3ce: {  	p0 =	sne.s32 s0, $0x0;
	s0 =	rddreg [dreg:$0x3]  }
0x3cf: {  	s0 =	sadd.s32 @!p0 $0x100000, s0  }
0x3d0: {  	[sflag:s0] =	ssyncadd.tile.s32 @!p0 $0x1;
	_ =	shalt  }
.Lfunc_end2:
_tile_overlayer_lowered:
.L_overlay_start_2:
0x3d1: {  	(tag) =	ssettag $0x2  }
0x3d2: {  	s0 =	rddreg [dreg:$0x0];
	s2 =	stileid.u32  }
0x3d3: {  	s1 =	rddreg [dreg:$0x1];
	p0 =	sne.s32 s2, $0x0  }
0x3d4: {  	s3 =	rddreg [dreg:$0x2];
	[bflag:$0x3] =	sbarrier.arrive $0xFFFF;
	s2 =	simm.s32 @!p0 $0x1C03  }
0x3d5: {  	[timem:s3], [sflag:s2] =	dma.local @!p0 [hbm:s0], s1  }
0x3d6: {  	s0 =	simm.s32 @!p0 $0x3  }
0x3d7: {  	_ =	swait.ge @!p0 [sflag:s0], s1  }
0x3d8: {  	s1 =	ssub.s32 @!p0 $0x0, s1;
	[sflag:s0] =	ssyncset.done @!p0 $0x0  }
0x3d9: {  	[sflag:s0] =	ssyncadd.s32 @!p0 s1  }
0x3da: {  	[bflag:$0x3] =	sbarrier.arrive $0xFFFF  }
0x3db: {  	_ =	shalt  }

</sc_bundles>
